<compile_context>
chip_gen: v7x
topology: tpu7x:2x2x1
jax: 0.10.2.dev20260603
libtpu: 0.0.44.dev20260713+nightly
codegen_flags: <defaults>
</compile_context>

<pallas_src>
import functools

import numpy as _np

import jax
import jax.numpy as jnp
from jax import lax
from jax.experimental import pallas as pl
from jax.experimental.pallas import tpu as pltpu
from jax.experimental.pallas import tpu_sc as plsc

NEG_SLOPE = 0.2

NC = 2
NS = 16
NW = NC * NS

F32 = jnp.float32


def _proj_body(x_ref, w_ref, hs_ref, hd_ref, hv_ref):
    p = lax.dot_general(
        x_ref[...], w_ref[...], (((1,), (1,)), ((), ())),
        preferred_element_type=F32, precision=lax.Precision.HIGHEST)
    hs_ref[...] = p[:, 0:128]
    hd_ref[...] = p[:, 128:256]
    hv_ref[...] = p[:, 256:384]


def _projections(x, wcat, n_blk):
    n = x.shape[0]
    grid = n // n_blk
    out = jax.ShapeDtypeStruct((n, 128), F32)
    return pl.pallas_call(
        _proj_body,
        grid=(grid,),
        in_specs=[
            pl.BlockSpec((n_blk, 128), lambda i: (i, 0)),
            pl.BlockSpec((384, 128), lambda i: (0, 0)),
        ],
        out_specs=[
            pl.BlockSpec((n_blk, 128), lambda i: (i, 0)),
            pl.BlockSpec((n_blk, 128), lambda i: (i, 0)),
            pl.BlockSpec((n_blk, 128), lambda i: (i, 0)),
        ],
        out_shape=[out, out, out],
    )(x, wcat)


def _make_edge_sum(E):
    chunk = 128
    nblk = E // chunk
    nfull = nblk // NW
    tail = nblk % NW
    mesh = plsc.VectorSubcoreMesh(core_axis_name="c", subcore_axis_name="s")

    @functools.partial(
        pl.kernel,
        out_type=jax.ShapeDtypeStruct((E, 128), F32),
        mesh=mesh,
        scratch_types=[
            pltpu.VMEM((chunk,), jnp.int32),
            pltpu.VMEM((chunk,), jnp.int32),
            pltpu.VMEM((chunk, 128), F32),
            pltpu.VMEM((chunk, 128), F32),
            pltpu.SemaphoreType.DMA,
            pltpu.SemaphoreType.DMA,
        ],
    )
    def edge_sum(hs_hbm, hd_hbm, src_hbm, dst_hbm, ssum_hbm,
                 sidx, didx, hi, hj, sem1, sem2):
        wid = lax.axis_index("s") * NC + lax.axis_index("c")

        def process(eb):
            pltpu.sync_copy(src_hbm.at[pl.ds(eb, chunk)], sidx)
            pltpu.sync_copy(dst_hbm.at[pl.ds(eb, chunk)], didx)
            cp1 = pltpu.async_copy(hs_hbm.at[sidx], hi, sem1)
            cp2 = pltpu.async_copy(hd_hbm.at[didx], hj, sem2)
            cp1.wait()
            cp2.wait()

            def row_body(ci, c2):
                for t in range(8):
                    sl = pl.ds(t * 16, 16)
                    hi[ci, sl] = hi[ci, sl] + hj[ci, sl]
                return c2

            lax.fori_loop(0, chunk, row_body, 0)
            pltpu.sync_copy(hi, ssum_hbm.at[pl.ds(eb, chunk)])

        def chunk_body(j, carry):
            process((j * NW + wid) * chunk)
            return carry

        lax.fori_loop(0, nfull, chunk_body, 0)
        if tail:
            @pl.when(wid < tail)
            def _():
                process((nfull * NW + wid) * chunk)

    return edge_sum


def _logits_body(s_ref, a_ref, lg_ref, gm_ref):
    i = pl.program_id(0)
    s = s_ref[...]
    t = jnp.where(s >= 0.0, s, NEG_SLOPE * s)
    lg = lax.dot_general(
        a_ref[...], t, (((0,), (1,)), ((), ())), preferred_element_type=F32,
        precision=lax.Precision.HIGHEST)
    lg_ref[...] = lg
    bm = jnp.broadcast_to(jnp.max(lg, axis=1, keepdims=True), (8, 128))

    @pl.when(i == 0)
    def _():
        gm_ref[...] = bm

    @pl.when(i > 0)
    def _():
        gm_ref[...] = jnp.maximum(gm_ref[...], bm)


def _logits(ssum, att8, e_blk):
    E = ssum.shape[0]
    grid = E // e_blk
    return pl.pallas_call(
        _logits_body,
        grid=(grid,),
        in_specs=[
            pl.BlockSpec((e_blk, 128), lambda i: (i, 0)),
            pl.BlockSpec((128, 8), lambda i: (0, 0)),
        ],
        out_specs=[
            pl.BlockSpec((8, e_blk), lambda i: (0, i)),
            pl.BlockSpec((8, 128), lambda i: (0, 0)),
        ],
        out_shape=[
            jax.ShapeDtypeStruct((8, E), F32),
            jax.ShapeDtypeStruct((8, 128), F32),
        ],
    )(ssum, att8)


def _make_edge_accum(N, E):
    chunk = 128
    nblk = E // chunk
    nfull = nblk // NW
    tail = nblk % NW
    rows_per_tile = 640
    n_pad = rows_per_tile * NS
    assert n_pad >= N
    mesh = plsc.VectorSubcoreMesh(core_axis_name="c", subcore_axis_name="s")

    @functools.partial(
        pl.kernel,
        out_type=(
            jax.ShapeDtypeStruct((NC, 4 * n_pad), F32),
            jax.ShapeDtypeStruct((NC, n_pad, 128), F32),
        ),
        mesh=mesh,
        scratch_types=[
            pltpu.VMEM((chunk,), jnp.int32),
            pltpu.VMEM((chunk,), jnp.int32),
            pltpu.VMEM((chunk,), jnp.int32),
            pltpu.VMEM((8, chunk), F32),
            pltpu.VMEM((8 * chunk,), F32),
            pltpu.VMEM((chunk, 128), F32),
            pltpu.VMEM((8, 128), F32),
            pltpu.VMEM_SHARED((4 * n_pad,), F32),
            pltpu.VMEM_SHARED((n_pad, 128), F32),
            pltpu.SemaphoreType.DMA,
        ],
    )
    def edge_accum(src_hbm, dst_hbm, lg_hbm, gm_hbm, val_hbm,
                   den_hbm, out_hbm,
                   sidx, didx, didxh, lv, exh, vals, gmv, den_sp, acc_sp, sem):
        cc = lax.axis_index("c")
        ss = lax.axis_index("s")
        wid = ss * NC + cc
        rb = ss * rows_per_tile

        z16 = jnp.zeros((16,), F32)

        def zero_body(ci, carry):
            for t in range(8):
                vals[ci, pl.ds(t * 16, 16)] = z16
            return carry

        lax.fori_loop(0, chunk, zero_body, 0)
        for k in range(8 * chunk // 16):
            exh[pl.ds(k * 16, 16)] = z16

        for h in range(4):
            pltpu.sync_copy(exh.at[pl.ds(0, rows_per_tile)],
                            den_sp.at[pl.ds(h * n_pad + rb, rows_per_tile)])
        for j in range(rows_per_tile // chunk):
            pltpu.sync_copy(vals, acc_sp.at[pl.ds(rb + j * chunk, chunk)])
        plsc.subcore_barrier()

        pltpu.sync_copy(gm_hbm, gmv)
        kvec = chunk // 16

        def process(eb):
            pltpu.sync_copy(src_hbm.at[pl.ds(eb, chunk)], sidx)
            pltpu.sync_copy(dst_hbm.at[pl.ds(eb, chunk)], didx)
            cp = pltpu.async_copy(val_hbm.at[sidx], vals, sem)
            pltpu.sync_copy(lg_hbm.at[pl.ds(0, 8), pl.ds(eb, chunk)], lv)
            for h in range(4):
                g = gmv[h, pl.ds(0, 16)][0]
                for k in range(kvec):
                    exh[pl.ds(h * chunk + k * 16, 16)] = jnp.exp(
                        lv[h, pl.ds(k * 16, 16)] - g)
            for h in range(4):
                for k in range(kvec):
                    sl = pl.ds(k * 16, 16)
                    didxh[sl] = didx[sl] + (h * n_pad)
                pltpu.sync_copy(exh.at[pl.ds(h * chunk, chunk)],
                                den_sp.at[didxh], add=True)
            cp.wait()

            def scale_body(ci, c2):
                for h in range(4):
                    w = exh[pl.ds(h * chunk + ci, 16)][0]
                    for t in range(2):
                        sl = pl.ds(h * 32 + t * 16, 16)
                        vals[ci, sl] = vals[ci, sl] * w
                return c2

            lax.fori_loop(0, chunk, scale_body, 0)
            pltpu.sync_copy(vals, acc_sp.at[didx], add=True)

        def chunk_body(j, carry):
            process((j * NW + wid) * chunk)
            return carry

        lax.fori_loop(0, nfull, chunk_body, 0)
        if tail:
            @pl.when(wid < tail)
            def _():
                process((nfull * NW + wid) * chunk)

        plsc.subcore_barrier()

        for h in range(4):
            dsl = pl.ds(h * n_pad + rb, rows_per_tile)
            pltpu.sync_copy(den_sp.at[dsl], den_hbm.at[cc, dsl])
        for j in range(rows_per_tile // chunk):
            sl = pl.ds(rb + j * chunk, chunk)
            pltpu.sync_copy(acc_sp.at[sl], out_hbm.at[cc, sl])

    return edge_accum


def _final_body(den_ref, acc_ref, r_ref, b_ref, o_ref):
    den = den_ref[0] + den_ref[1]
    acc = acc_ref[0] + acc_ref[1]
    den = jnp.where(den == 0.0, 1.0, den)
    recip = 1.0 / den
    rexp = lax.dot_general(
        recip, r_ref[...], (((0,), (0,)), ((), ())),
        preferred_element_type=F32,
        precision=lax.Precision.HIGHEST)
    o_ref[...] = acc * rexp + b_ref[...]


def _finalize(den_part, acc_part, rmat4, bias2d, n_pad, n_blk):
    grid = n_pad // n_blk
    return pl.pallas_call(
        _final_body,
        grid=(grid,),
        in_specs=[
            pl.BlockSpec((2, 4, n_blk), lambda i: (0, 0, i)),
            pl.BlockSpec((2, n_blk, 128), lambda i: (0, i, 0)),
            pl.BlockSpec((4, 128), lambda i: (0, 0)),
            pl.BlockSpec((1, 128), lambda i: (0, 0)),
        ],
        out_specs=pl.BlockSpec((n_blk, 128), lambda i: (i, 0)),
        out_shape=jax.ShapeDtypeStruct((n_pad, 128), F32),
    )(den_part, acc_part, rmat4, bias2d)


def kernel(x, edge_index, W, W1, W2, att, bias):
    n, in_f = x.shape
    E = edge_index.shape[1]
    heads, out_f = att.shape[1], att.shape[2]
    hf = heads * out_f

    src = edge_index[0]
    dst = edge_index[1]
    wcat = jnp.concatenate([W1, W2, W], axis=0)

    eye8 = jnp.asarray(_np.eye(heads, 8, dtype=_np.float32))
    att8 = (att.reshape(heads, out_f, 1).astype(F32)
            * eye8[:, None, :]).reshape(hf, 8)
    rmat4 = jnp.asarray(_np.repeat(
        _np.eye(heads, dtype=_np.float32), out_f, axis=1))
    bias2d = bias.reshape(1, hf).astype(F32)

    h_src, h_dst, values = _projections(x, wcat, 1000)
    ssum = _make_edge_sum(E)(h_src, h_dst, src, dst)
    lgT8, gmax8 = _logits(ssum, att8, 640)
    den_part, acc_part = _make_edge_accum(n, E)(
        src, dst, lgT8, gmax8, values)
    n_pad = acc_part.shape[1]
    den_part = den_part.reshape(2, heads, n_pad)
    out = _finalize(den_part, acc_part, rmat4, bias2d, n_pad, 640)
    return out[:n]

# --- scband reference (transcript-rebuilt; emitter-appended) ---
"""Pipeline reference for scband-gatv2-layer-46411416600713 (READ-ONLY COPY).

The authoritative reference and input builder live on the scoring server;
editing this copy changes nothing except your own understanding.
"""

import jax, jax.numpy as jnp
import numpy as np
import math

N = 10000
E = 320000
IN_F = 128
HEADS = 4
OUT_F = 32
NEG_SLOPE = 0.2


def setup_inputs(seed: int = 0) -> dict:
    key = jax.random.key(seed)
    ks = jax.random.split(key, 8)
    x = jax.random.normal(ks[0], (N, IN_F), dtype=jnp.float32)
    edge_index = jax.random.randint(ks[1], (2, E), 0, N, dtype=jnp.int32)
    lim = math.sqrt(6.0 / (IN_F + HEADS * OUT_F))
    W = jax.random.uniform(ks[2], (HEADS * OUT_F, IN_F), minval=-lim, maxval=lim, dtype=jnp.float32)
    W1 = jax.random.uniform(ks[3], (HEADS * OUT_F, IN_F), minval=-lim, maxval=lim, dtype=jnp.float32)
    W2 = jax.random.uniform(ks[4], (HEADS * OUT_F, IN_F), minval=-lim, maxval=lim, dtype=jnp.float32)
    lim_a = math.sqrt(6.0 / (1 * HEADS + OUT_F))
    att = jax.random.uniform(ks[5], (1, HEADS, OUT_F), minval=-lim_a, maxval=lim_a, dtype=jnp.float32)
    bias = jnp.zeros((HEADS * OUT_F,), dtype=jnp.float32)
    return {"x": x, "edge_index": edge_index, "W": W, "W1": W1, "W2": W2, "att": att, "bias": bias}


def reference(x, edge_index, W, W1, W2, att, bias):
    # GATv2: e_ij = a^T LeakyReLU(W1 h_i + W2 h_j); softmax over incoming edges of each dst node.
    src = edge_index[0]
    dst = edge_index[1]
    h_src = (x @ W1.T).reshape(N, HEADS, OUT_F)
    h_dst = (x @ W2.T).reshape(N, HEADS, OUT_F)
    values = (x @ W.T).reshape(N, HEADS, OUT_F)
    h_i = h_src[src]  # [E, H, F] gather
    h_j = h_dst[dst]  # [E, H, F] gather
    att_input = jax.nn.leaky_relu(h_i + h_j, negative_slope=NEG_SLOPE)
    logits = jnp.sum(att_input * att.reshape(1, HEADS, OUT_F), axis=-1)  # [E, H]
    # segment softmax over dst (numerically stable, matches torch.softmax per dst node)
    seg_max = jax.ops.segment_max(logits, dst, num_segments=N)
    seg_max = jnp.where(jnp.isfinite(seg_max), seg_max, 0.0)
    ex = jnp.exp(logits - seg_max[dst])
    denom = jax.ops.segment_sum(ex, dst, num_segments=N)
    att_weights = ex / denom[dst]  # [E, H]
    weighted = att_weights[:, :, None] * values[src]  # [E, H, F]
    out = jax.ops.segment_sum(weighted, dst, num_segments=N)  # [N, H, F] scatter-add
    out = out.reshape(N, HEADS * OUT_F) + bias  # concat=True
    return out

if __name__ == "__main__":
    import jax
    _d = setup_inputs()
    print(jax.jit(kernel)(*tuple(_d.values())))

</pallas_src>

<mosaic_0001>
#map = affine_map<(d0, d1) -> (0, 0)>
#map1 = affine_map<(d0, d1) -> (0)>
module attributes {stable_mosaic.version = 14 : i64} {
  func.func @edge_sum(%arg0: i32, %arg1: i32, %arg2: memref<10000x128xf32, #tpu.memory_space<hbm>>, %arg3: memref<10000x128xf32, #tpu.memory_space<hbm>>, %arg4: memref<320000xi32, #tpu.memory_space<hbm>>, %arg5: memref<320000xi32, #tpu.memory_space<hbm>>, %arg6: memref<320000x128xf32, #tpu.memory_space<hbm>>, %arg7: memref<128xi32, #tpu.memory_space<vmem>>, %arg8: memref<128xi32, #tpu.memory_space<vmem>>, %arg9: memref<128x128xf32, #tpu.memory_space<vmem>>, %arg10: memref<128x128xf32, #tpu.memory_space<vmem>>, %arg11: memref<!tpu.dma_semaphore, #tpu.memory_space<semaphore_mem>>, %arg12: memref<!tpu.dma_semaphore, #tpu.memory_space<semaphore_mem>>) attributes {dimension_semantics = [#tpu.dimension_semantics<core_parallel>, #tpu.dimension_semantics<subcore_parallel>], iteration_bounds = array<i64: 2, 16>, scalar_prefetch = 0 : i64, scratch_operands = 6 : i64, tpu.core_type = #tpu.core_type<sc_vector_subcore>, window_params = [{transform_indices = #map}, {transform_indices = #map}, {transform_indices = #map1}, {transform_indices = #map1}, {transform_indices = #map}]} {
    %mul3A = arith.constant 2 : i32
    %mul3A_0 = arith.muli %arg1, %mul3A : i32
    %add3A = arith.addi %mul3A_0, %arg0 : i32
    %scan3A = arith.constant 0 : i32
    %scan3A_1 = arith.constant 0 : i32
    %scan3A_2 = arith.constant 78 : i32
    %scan3A_3 = arith.addi %scan3A_1, %scan3A_2 : i32
    %scan3A_4 = arith.constant 1 : i32
    scf.for %scan3A_8 = %scan3A_1 to %scan3A_3 step %scan3A_4  : i32 {
      %mul3A_9 = arith.constant 32 : i32
      %mul3A_10 = arith.muli %scan3A_8, %mul3A_9 : i32
      %add3A_11 = arith.addi %mul3A_10, %add3A : i32
      %mul3A_12 = arith.constant 128 : i32
      %mul3A_13 = arith.muli %add3A_11, %mul3A_12 : i32
      "tpu.region"() ({
        %run_scoped3A = tpu.sem_alloc : memref<!tpu.dma_semaphore, #tpu.memory_space<semaphore_mem>>
        %dma_start3A_30 = tpu.memref_slice %arg4[%mul3A_13] : memref<320000xi32, #tpu.memory_space<hbm>> -> memref<128xi32, #tpu.memory_space<hbm>>
        %dma_start3A_31 = tpu.memref_slice %arg4[%mul3A_13] : memref<320000xi32, #tpu.memory_space<hbm>> -> memref<128xi32, #tpu.memory_space<hbm>>
        tpu.enqueue_dma source(%dma_start3A_31 : memref<128xi32, #tpu.memory_space<hbm>>) target(%arg7 : memref<128xi32, #tpu.memory_space<vmem>>) target_semaphore(%run_scoped3A : memref<!tpu.dma_semaphore, #tpu.memory_space<semaphore_mem>>)
        %dma_wait3A_32 = tpu.memref_slice %arg4[%mul3A_13] : memref<320000xi32, #tpu.memory_space<hbm>> -> memref<128xi32, #tpu.memory_space<hbm>>
        %dma_wait3A_33 = tpu.memref_slice %arg4[%mul3A_13] : memref<320000xi32, #tpu.memory_space<hbm>> -> memref<128xi32, #tpu.memory_space<hbm>>
        tpu.wait_dma2 semaphore(%run_scoped3A : memref<!tpu.dma_semaphore, #tpu.memory_space<semaphore_mem>>) src(%dma_wait3A_33 : memref<128xi32, #tpu.memory_space<hbm>>) dst(%arg7 : memref<128xi32, #tpu.memory_space<vmem>>)
        tpu.yield
      }) : () -> ()
      "tpu.region"() ({
        %run_scoped3A = tpu.sem_alloc : memref<!tpu.dma_semaphore, #tpu.memory_space<semaphore_mem>>
        %dma_start3A_30 = tpu.memref_slice %arg5[%mul3A_13] : memref<320000xi32, #tpu.memory_space<hbm>> -> memref<128xi32, #tpu.memory_space<hbm>>
        %dma_start3A_31 = tpu.memref_slice %arg5[%mul3A_13] : memref<320000xi32, #tpu.memory_space<hbm>> -> memref<128xi32, #tpu.memory_space<hbm>>
        tpu.enqueue_dma source(%dma_start3A_31 : memref<128xi32, #tpu.memory_space<hbm>>) target(%arg8 : memref<128xi32, #tpu.memory_space<vmem>>) target_semaphore(%run_scoped3A : memref<!tpu.dma_semaphore, #tpu.memory_space<semaphore_mem>>)
        %dma_wait3A_32 = tpu.memref_slice %arg5[%mul3A_13] : memref<320000xi32, #tpu.memory_space<hbm>> -> memref<128xi32, #tpu.memory_space<hbm>>
        %dma_wait3A_33 = tpu.memref_slice %arg5[%mul3A_13] : memref<320000xi32, #tpu.memory_space<hbm>> -> memref<128xi32, #tpu.memory_space<hbm>>
        tpu.wait_dma2 semaphore(%run_scoped3A : memref<!tpu.dma_semaphore, #tpu.memory_space<semaphore_mem>>) src(%dma_wait3A_33 : memref<128xi32, #tpu.memory_space<hbm>>) dst(%arg8 : memref<128xi32, #tpu.memory_space<vmem>>)
        tpu.yield
      }) : () -> ()
      %dma_start3A = arith.constant 0 : i32
      %dma_start3A_14 = arith.constant 0 : i32
      %dma_start3A_15 = tpu.memref_slice %arg2[%dma_start3A, %dma_start3A_14] : memref<10000x128xf32, #tpu.memory_space<hbm>> -> memref<10000x128xf32, #tpu.memory_space<hbm>>
      tpu.enqueue_indirect_dma source(%dma_start3A_15 : memref<10000x128xf32, #tpu.memory_space<hbm>>) target(%arg9 : memref<128x128xf32, #tpu.memory_space<vmem>>) offsets(%arg7 : memref<128xi32, #tpu.memory_space<vmem>>) semaphore(%arg11 : memref<!tpu.dma_semaphore, #tpu.memory_space<semaphore_mem>>)
      %dma_start3A_16 = arith.constant 0 : i32
      %dma_start3A_17 = arith.constant 0 : i32
      %dma_start3A_18 = tpu.memref_slice %arg3[%dma_start3A_16, %dma_start3A_17] : memref<10000x128xf32, #tpu.memory_space<hbm>> -> memref<10000x128xf32, #tpu.memory_space<hbm>>
      tpu.enqueue_indirect_dma source(%dma_start3A_18 : memref<10000x128xf32, #tpu.memory_space<hbm>>) target(%arg10 : memref<128x128xf32, #tpu.memory_space<vmem>>) offsets(%arg8 : memref<128xi32, #tpu.memory_space<vmem>>) semaphore(%arg12 : memref<!tpu.dma_semaphore, #tpu.memory_space<semaphore_mem>>)
      %dma_wait3A = arith.constant 0 : i32
      %dma_wait3A_19 = arith.constant 0 : i32
      %dma_wait3A_20 = tpu.memref_slice %arg2[%dma_wait3A, %dma_wait3A_19] : memref<10000x128xf32, #tpu.memory_space<hbm>> -> memref<10000x128xf32, #tpu.memory_space<hbm>>
      tpu.wait_indirect_dma semaphore(%arg11 : memref<!tpu.dma_semaphore, #tpu.memory_space<semaphore_mem>>) src(%dma_wait3A_20 : memref<10000x128xf32, #tpu.memory_space<hbm>>) dst(%arg9 : memref<128x128xf32, #tpu.memory_space<vmem>>)
      %dma_wait3A_21 = arith.constant 0 : i32
      %dma_wait3A_22 = arith.constant 0 : i32
      %dma_wait3A_23 = tpu.memref_slice %arg3[%dma_wait3A_21, %dma_wait3A_22] : memref<10000x128xf32, #tpu.memory_space<hbm>> -> memref<10000x128xf32, #tpu.memory_space<hbm>>
      tpu.wait_indirect_dma semaphore(%arg12 : memref<!tpu.dma_semaphore, #tpu.memory_space<semaphore_mem>>) src(%dma_wait3A_23 : memref<10000x128xf32, #tpu.memory_space<hbm>>) dst(%arg10 : memref<128x128xf32, #tpu.memory_space<vmem>>)
      %scan3A_24 = arith.constant 0 : i32
      %scan3A_25 = arith.constant 0 : i32
      %scan3A_26 = arith.constant 128 : i32
      %scan3A_27 = arith.addi %scan3A_25, %scan3A_26 : i32
      %scan3A_28 = arith.constant 1 : i32
      scf.for %scan3A_30 = %scan3A_25 to %scan3A_27 step %scan3A_28  : i32 {
        %get3A = arith.index_cast %scan3A_30 : i32 to index
        %get3A_31 = arith.constant 0 : index
        %get3A_32 = tpu.vector_load %arg9[%get3A, %get3A_31] {strides = array<i32>} : memref<128x128xf32, #tpu.memory_space<vmem>>, vector<1x16xf32>,
        %get3A_33 = vector.shape_cast %get3A_32 : vector<1x16xf32> to vector<16xf32>
        %get3A_34 = arith.index_cast %scan3A_30 : i32 to index
        %get3A_35 = arith.constant 0 : index
        %get3A_36 = tpu.vector_load %arg10[%get3A_34, %get3A_35] {strides = array<i32>} : memref<128x128xf32, #tpu.memory_space<vmem>>, vector<1x16xf32>,
        %get3A_37 = vector.shape_cast %get3A_36 : vector<1x16xf32> to vector<16xf32>
        %add3A_38 = arith.addf %get3A_33, %get3A_37 : vector<16xf32>
        %swap3A = arith.index_cast %scan3A_30 : i32 to index
        %swap3A_39 = arith.constant 0 : index
        %swap3A_40 = tpu.vector_load %arg9[%swap3A, %swap3A_39] {strides = array<i32>} : memref<128x128xf32, #tpu.memory_space<vmem>>, vector<1x16xf32>,
        %swap3A_41 = vector.shape_cast %swap3A_40 : vector<1x16xf32> to vector<16xf32>
        %swap3A_42 = vector.shape_cast %add3A_38 : vector<16xf32> to vector<1x16xf32>
        tpu.vector_store %arg9[%swap3A, %swap3A_39], %swap3A_42 {strides = array<i32>} : memref<128x128xf32, #tpu.memory_space<vmem>>, vector<1x16xf32>,
        %get3A_43 = arith.index_cast %scan3A_30 : i32 to index
        %get3A_44 = arith.constant 16 : index
        %get3A_45 = tpu.vector_load %arg9[%get3A_43, %get3A_44] {strides = array<i32>} : memref<128x128xf32, #tpu.memory_space<vmem>>, vector<1x16xf32>,
        %get3A_46 = vector.shape_cast %get3A_45 : vector<1x16xf32> to vector<16xf32>
        %get3A_47 = arith.index_cast %scan3A_30 : i32 to index
        %get3A_48 = arith.constant 16 : index
        %get3A_49 = tpu.vector_load %arg10[%get3A_47, %get3A_48] {strides = array<i32>} : memref<128x128xf32, #tpu.memory_space<vmem>>, vector<1x16xf32>,
        %get3A_50 = vector.shape_cast %get3A_49 : vector<1x16xf32> to vector<16xf32>
        %add3A_51 = arith.addf %get3A_46, %get3A_50 : vector<16xf32>
        %swap3A_52 = arith.index_cast %scan3A_30 : i32 to index
        %swap3A_53 = arith.constant 16 : index
        %swap3A_54 = tpu.vector_load %arg9[%swap3A_52, %swap3A_53] {strides = array<i32>} : memref<128x128xf32, #tpu.memory_space<vmem>>, vector<1x16xf32>,
        %swap3A_55 = vector.shape_cast %swap3A_54 : vector<1x16xf32> to vector<16xf32>
        %swap3A_56 = vector.shape_cast %add3A_51 : vector<16xf32> to vector<1x16xf32>
        tpu.vector_store %arg9[%swap3A_52, %swap3A_53], %swap3A_56 {strides = array<i32>} : memref<128x128xf32, #tpu.memory_space<vmem>>, vector<1x16xf32>,
        %get3A_57 = arith.index_cast %scan3A_30 : i32 to index
        %get3A_58 = arith.constant 32 : index
        %get3A_59 = tpu.vector_load %arg9[%get3A_57, %get3A_58] {strides = array<i32>} : memref<128x128xf32, #tpu.memory_space<vmem>>, vector<1x16xf32>,
        %get3A_60 = vector.shape_cast %get3A_59 : vector<1x16xf32> to vector<16xf32>
        %get3A_61 = arith.index_cast %scan3A_30 : i32 to index
        %get3A_62 = arith.constant 32 : index
        %get3A_63 = tpu.vector_load %arg10[%get3A_61, %get3A_62] {strides = array<i32>} : memref<128x128xf32, #tpu.memory_space<vmem>>, vector<1x16xf32>,
        %get3A_64 = vector.shape_cast %get3A_63 : vector<1x16xf32> to vector<16xf32>
        %add3A_65 = arith.addf %get3A_60, %get3A_64 : vector<16xf32>
        %swap3A_66 = arith.index_cast %scan3A_30 : i32 to index
        %swap3A_67 = arith.constant 32 : index
        %swap3A_68 = tpu.vector_load %arg9[%swap3A_66, %swap3A_67] {strides = array<i32>} : memref<128x128xf32, #tpu.memory_space<vmem>>, vector<1x16xf32>,
        %swap3A_69 = vector.shape_cast %swap3A_68 : vector<1x16xf32> to vector<16xf32>
        %swap3A_70 = vector.shape_cast %add3A_65 : vector<16xf32> to vector<1x16xf32>
        tpu.vector_store %arg9[%swap3A_66, %swap3A_67], %swap3A_70 {strides = array<i32>} : memref<128x128xf32, #tpu.memory_space<vmem>>, vector<1x16xf32>,
        %get3A_71 = arith.index_cast %scan3A_30 : i32 to index
        %get3A_72 = arith.constant 48 : index
        %get3A_73 = tpu.vector_load %arg9[%get3A_71, %get3A_72] {strides = array<i32>} : memref<128x128xf32, #tpu.memory_space<vmem>>, vector<1x16xf32>,
        %get3A_74 = vector.shape_cast %get3A_73 : vector<1x16xf32> to vector<16xf32>
        %get3A_75 = arith.index_cast %scan3A_30 : i32 to index
        %get3A_76 = arith.constant 48 : index
        %get3A_77 = tpu.vector_load %arg10[%get3A_75, %get3A_76] {strides = array<i32>} : memref<128x128xf32, #tpu.memory_space<vmem>>, vector<1x16xf32>,
        %get3A_78 = vector.shape_cast %get3A_77 : vector<1x16xf32> to vector<16xf32>
        %add3A_79 = arith.addf %get3A_74, %get3A_78 : vector<16xf32>
        %swap3A_80 = arith.index_cast %scan3A_30 : i32 to index
        %swap3A_81 = arith.constant 48 : index
        %swap3A_82 = tpu.vector_load %arg9[%swap3A_80, %swap3A_81] {strides = array<i32>} : memref<128x128xf32, #tpu.memory_space<vmem>>, vector<1x16xf32>,
        %swap3A_83 = vector.shape_cast %swap3A_82 : vector<1x16xf32> to vector<16xf32>
        %swap3A_84 = vector.shape_cast %add3A_79 : vector<16xf32> to vector<1x16xf32>
        tpu.vector_store %arg9[%swap3A_80, %swap3A_81], %swap3A_84 {strides = array<i32>} : memref<128x128xf32, #tpu.memory_space<vmem>>, vector<1x16xf32>,
        %get3A_85 = arith.index_cast %scan3A_30 : i32 to index
        %get3A_86 = arith.constant 64 : index
        %get3A_87 = tpu.vector_load %arg9[%get3A_85, %get3A_86] {strides = array<i32>} : memref<128x128xf32, #tpu.memory_space<vmem>>, vector<1x16xf32>,
        %get3A_88 = vector.shape_cast %get3A_87 : vector<1x16xf32> to vector<16xf32>
        %get3A_89 = arith.index_cast %scan3A_30 : i32 to index
        %get3A_90 = arith.constant 64 : index
        %get3A_91 = tpu.vector_load %arg10[%get3A_89, %get3A_90] {strides = array<i32>} : memref<128x128xf32, #tpu.memory_space<vmem>>, vector<1x16xf32>,
        %get3A_92 = vector.shape_cast %get3A_91 : vector<1x16xf32> to vector<16xf32>
        %add3A_93 = arith.addf %get3A_88, %get3A_92 : vector<16xf32>
        %swap3A_94 = arith.index_cast %scan3A_30 : i32 to index
        %swap3A_95 = arith.constant 64 : index
        %swap3A_96 = tpu.vector_load %arg9[%swap3A_94, %swap3A_95] {strides = array<i32>} : memref<128x128xf32, #tpu.memory_space<vmem>>, vector<1x16xf32>,
        %swap3A_97 = vector.shape_cast %swap3A_96 : vector<1x16xf32> to vector<16xf32>
        %swap3A_98 = vector.shape_cast %add3A_93 : vector<16xf32> to vector<1x16xf32>
        tpu.vector_store %arg9[%swap3A_94, %swap3A_95], %swap3A_98 {strides = array<i32>} : memref<128x128xf32, #tpu.memory_space<vmem>>, vector<1x16xf32>,
        %get3A_99 = arith.index_cast %scan3A_30 : i32 to index
        %get3A_100 = arith.constant 80 : index
        %get3A_101 = tpu.vector_load %arg9[%get3A_99, %get3A_100] {strides = array<i32>} : memref<128x128xf32, #tpu.memory_space<vmem>>, vector<1x16xf32>,
        %get3A_102 = vector.shape_cast %get3A_101 : vector<1x16xf32> to vector<16xf32>
        %get3A_103 = arith.index_cast %scan3A_30 : i32 to index
        %get3A_104 = arith.constant 80 : index
        %get3A_105 = tpu.vector_load %arg10[%get3A_103, %get3A_104] {strides = array<i32>} : memref<128x128xf32, #tpu.memory_space<vmem>>, vector<1x16xf32>,
        %get3A_106 = vector.shape_cast %get3A_105 : vector<1x16xf32> to vector<16xf32>
        %add3A_107 = arith.addf %get3A_102, %get3A_106 : vector<16xf32>
        %swap3A_108 = arith.index_cast %scan3A_30 : i32 to index
        %swap3A_109 = arith.constant 80 : index
        %swap3A_110 = tpu.vector_load %arg9[%swap3A_108, %swap3A_109] {strides = array<i32>} : memref<128x128xf32, #tpu.memory_space<vmem>>, vector<1x16xf32>,
        %swap3A_111 = vector.shape_cast %swap3A_110 : vector<1x16xf32> to vector<16xf32>
        %swap3A_112 = vector.shape_cast %add3A_107 : vector<16xf32> to vector<1x16xf32>
        tpu.vector_store %arg9[%swap3A_108, %swap3A_109], %swap3A_112 {strides = array<i32>} : memref<128x128xf32, #tpu.memory_space<vmem>>, vector<1x16xf32>,
        %get3A_113 = arith.index_cast %scan3A_30 : i32 to index
        %get3A_114 = arith.constant 96 : index
        %get3A_115 = tpu.vector_load %arg9[%get3A_113, %get3A_114] {strides = array<i32>} : memref<128x128xf32, #tpu.memory_space<vmem>>, vector<1x16xf32>,
        %get3A_116 = vector.shape_cast %get3A_115 : vector<1x16xf32> to vector<16xf32>
        %get3A_117 = arith.index_cast %scan3A_30 : i32 to index
        %get3A_118 = arith.constant 96 : index
        %get3A_119 = tpu.vector_load %arg10[%get3A_117, %get3A_118] {strides = array<i32>} : memref<128x128xf32, #tpu.memory_space<vmem>>, vector<1x16xf32>,
        %get3A_120 = vector.shape_cast %get3A_119 : vector<1x16xf32> to vector<16xf32>
        %add3A_121 = arith.addf %get3A_116, %get3A_120 : vector<16xf32>
        %swap3A_122 = arith.index_cast %scan3A_30 : i32 to index
        %swap3A_123 = arith.constant 96 : index
        %swap3A_124 = tpu.vector_load %arg9[%swap3A_122, %swap3A_123] {strides = array<i32>} : memref<128x128xf32, #tpu.memory_space<vmem>>, vector<1x16xf32>,
        %swap3A_125 = vector.shape_cast %swap3A_124 : vector<1x16xf32> to vector<16xf32>
        %swap3A_126 = vector.shape_cast %add3A_121 : vector<16xf32> to vector<1x16xf32>
        tpu.vector_store %arg9[%swap3A_122, %swap3A_123], %swap3A_126 {strides = array<i32>} : memref<128x128xf32, #tpu.memory_space<vmem>>, vector<1x16xf32>,
        %get3A_127 = arith.index_cast %scan3A_30 : i32 to index
        %get3A_128 = arith.constant 112 : index
        %get3A_129 = tpu.vector_load %arg9[%get3A_127, %get3A_128] {strides = array<i32>} : memref<128x128xf32, #tpu.memory_space<vmem>>, vector<1x16xf32>,
        %get3A_130 = vector.shape_cast %get3A_129 : vector<1x16xf32> to vector<16xf32>
        %get3A_131 = arith.index_cast %scan3A_30 : i32 to index
        %get3A_132 = arith.constant 112 : index
        %get3A_133 = tpu.vector_load %arg10[%get3A_131, %get3A_132] {strides = array<i32>} : memref<128x128xf32, #tpu.memory_space<vmem>>, vector<1x16xf32>,
        %get3A_134 = vector.shape_cast %get3A_133 : vector<1x16xf32> to vector<16xf32>
        %add3A_135 = arith.addf %get3A_130, %get3A_134 : vector<16xf32>
        %swap3A_136 = arith.index_cast %scan3A_30 : i32 to index
        %swap3A_137 = arith.constant 112 : index
        %swap3A_138 = tpu.vector_load %arg9[%swap3A_136, %swap3A_137] {strides = array<i32>} : memref<128x128xf32, #tpu.memory_space<vmem>>, vector<1x16xf32>,
        %swap3A_139 = vector.shape_cast %swap3A_138 : vector<1x16xf32> to vector<16xf32>
        %swap3A_140 = vector.shape_cast %add3A_135 : vector<16xf32> to vector<1x16xf32>
        tpu.vector_store %arg9[%swap3A_136, %swap3A_137], %swap3A_140 {strides = array<i32>} : memref<128x128xf32, #tpu.memory_space<vmem>>, vector<1x16xf32>,
      }
      %scan3A_29 = arith.constant 128 : i32
      "tpu.region"() ({
        %run_scoped3A = tpu.sem_alloc : memref<!tpu.dma_semaphore, #tpu.memory_space<semaphore_mem>>
        %dma_start3A_30 = arith.constant 0 : i32
        %dma_start3A_31 = tpu.memref_slice %arg6[%mul3A_13, %dma_start3A_30] : memref<320000x128xf32, #tpu.memory_space<hbm>> -> memref<128x128xf32, #tpu.memory_space<hbm>>
        %dma_start3A_32 = arith.constant 0 : i32
        %dma_start3A_33 = tpu.memref_slice %arg6[%mul3A_13, %dma_start3A_32] : memref<320000x128xf32, #tpu.memory_space<hbm>> -> memref<128x128xf32, #tpu.memory_space<hbm>>
        tpu.enqueue_dma source(%arg9 : memref<128x128xf32, #tpu.memory_space<vmem>>) target(%dma_start3A_33 : memref<128x128xf32, #tpu.memory_space<hbm>>) target_semaphore(%run_scoped3A : memref<!tpu.dma_semaphore, #tpu.memory_space<semaphore_mem>>)
        %dma_wait3A_34 = arith.constant 0 : i32
        %dma_wait3A_35 = tpu.memref_slice %arg6[%mul3A_13, %dma_wait3A_34] : memref<320000x128xf32, #tpu.memory_space<hbm>> -> memref<128x128xf32, #tpu.memory_space<hbm>>
        %dma_wait3A_36 = arith.constant 0 : i32
        %dma_wait3A_37 = tpu.memref_slice %arg6[%mul3A_13, %dma_wait3A_36] : memref<320000x128xf32, #tpu.memory_space<hbm>> -> memref<128x128xf32, #tpu.memory_space<hbm>>
        tpu.wait_dma2 semaphore(%run_scoped3A : memref<!tpu.dma_semaphore, #tpu.memory_space<semaphore_mem>>) src(%arg9 : memref<128x128xf32, #tpu.memory_space<vmem>>) dst(%dma_wait3A_37 : memref<128x128xf32, #tpu.memory_space<hbm>>)
        tpu.yield
      }) : () -> ()
    }
    %scan3A_5 = arith.constant 78 : i32
    %lt3A = arith.constant 4 : i32
    %lt3A_6 = arith.cmpi slt, %add3A, %lt3A : i32
    %convert_element_type3A = arith.extui %lt3A_6 : i1 to i32
    %cond3A = arith.constant 0 : i32
    %cond3A_7 = arith.cmpi ne, %convert_element_type3A, %cond3A : i32
    scf.if %cond3A_7 {
      %add3A_8 = arith.constant 2496 : i32
      %add3A_9 = arith.addi %add3A_8, %add3A : i32
      %mul3A_10 = arith.constant 128 : i32
      %mul3A_11 = arith.muli %add3A_9, %mul3A_10 : i32
      "tpu.region"() ({
        %run_scoped3A = tpu.sem_alloc : memref<!tpu.dma_semaphore, #tpu.memory_space<semaphore_mem>>
        %dma_start3A_28 = tpu.memref_slice %arg4[%mul3A_11] : memref<320000xi32, #tpu.memory_space<hbm>> -> memref<128xi32, #tpu.memory_space<hbm>>
        %dma_start3A_29 = tpu.memref_slice %arg4[%mul3A_11] : memref<320000xi32, #tpu.memory_space<hbm>> -> memref<128xi32, #tpu.memory_space<hbm>>
        tpu.enqueue_dma source(%dma_start3A_29 : memref<128xi32, #tpu.memory_space<hbm>>) target(%arg7 : memref<128xi32, #tpu.memory_space<vmem>>) target_semaphore(%run_scoped3A : memref<!tpu.dma_semaphore, #tpu.memory_space<semaphore_mem>>)
        %dma_wait3A_30 = tpu.memref_slice %arg4[%mul3A_11] : memref<320000xi32, #tpu.memory_space<hbm>> -> memref<128xi32, #tpu.memory_space<hbm>>
        %dma_wait3A_31 = tpu.memref_slice %arg4[%mul3A_11] : memref<320000xi32, #tpu.memory_space<hbm>> -> memref<128xi32, #tpu.memory_space<hbm>>
        tpu.wait_dma2 semaphore(%run_scoped3A : memref<!tpu.dma_semaphore, #tpu.memory_space<semaphore_mem>>) src(%dma_wait3A_31 : memref<128xi32, #tpu.memory_space<hbm>>) dst(%arg7 : memref<128xi32, #tpu.memory_space<vmem>>)
        tpu.yield
      }) : () -> ()
      "tpu.region"() ({
        %run_scoped3A = tpu.sem_alloc : memref<!tpu.dma_semaphore, #tpu.memory_space<semaphore_mem>>
        %dma_start3A_28 = tpu.memref_slice %arg5[%mul3A_11] : memref<320000xi32, #tpu.memory_space<hbm>> -> memref<128xi32, #tpu.memory_space<hbm>>
        %dma_start3A_29 = tpu.memref_slice %arg5[%mul3A_11] : memref<320000xi32, #tpu.memory_space<hbm>> -> memref<128xi32, #tpu.memory_space<hbm>>
        tpu.enqueue_dma source(%dma_start3A_29 : memref<128xi32, #tpu.memory_space<hbm>>) target(%arg8 : memref<128xi32, #tpu.memory_space<vmem>>) target_semaphore(%run_scoped3A : memref<!tpu.dma_semaphore, #tpu.memory_space<semaphore_mem>>)
        %dma_wait3A_30 = tpu.memref_slice %arg5[%mul3A_11] : memref<320000xi32, #tpu.memory_space<hbm>> -> memref<128xi32, #tpu.memory_space<hbm>>
        %dma_wait3A_31 = tpu.memref_slice %arg5[%mul3A_11] : memref<320000xi32, #tpu.memory_space<hbm>> -> memref<128xi32, #tpu.memory_space<hbm>>
        tpu.wait_dma2 semaphore(%run_scoped3A : memref<!tpu.dma_semaphore, #tpu.memory_space<semaphore_mem>>) src(%dma_wait3A_31 : memref<128xi32, #tpu.memory_space<hbm>>) dst(%arg8 : memref<128xi32, #tpu.memory_space<vmem>>)
        tpu.yield
      }) : () -> ()
      %dma_start3A = arith.constant 0 : i32
      %dma_start3A_12 = arith.constant 0 : i32
      %dma_start3A_13 = tpu.memref_slice %arg2[%dma_start3A, %dma_start3A_12] : memref<10000x128xf32, #tpu.memory_space<hbm>> -> memref<10000x128xf32, #tpu.memory_space<hbm>>
      tpu.enqueue_indirect_dma source(%dma_start3A_13 : memref<10000x128xf32, #tpu.memory_space<hbm>>) target(%arg9 : memref<128x128xf32, #tpu.memory_space<vmem>>) offsets(%arg7 : memref<128xi32, #tpu.memory_space<vmem>>) semaphore(%arg11 : memref<!tpu.dma_semaphore, #tpu.memory_space<semaphore_mem>>)
      %dma_start3A_14 = arith.constant 0 : i32
      %dma_start3A_15 = arith.constant 0 : i32
      %dma_start3A_16 = tpu.memref_slice %arg3[%dma_start3A_14, %dma_start3A_15] : memref<10000x128xf32, #tpu.memory_space<hbm>> -> memref<10000x128xf32, #tpu.memory_space<hbm>>
      tpu.enqueue_indirect_dma source(%dma_start3A_16 : memref<10000x128xf32, #tpu.memory_space<hbm>>) target(%arg10 : memref<128x128xf32, #tpu.memory_space<vmem>>) offsets(%arg8 : memref<128xi32, #tpu.memory_space<vmem>>) semaphore(%arg12 : memref<!tpu.dma_semaphore, #tpu.memory_space<semaphore_mem>>)
      %dma_wait3A = arith.constant 0 : i32
      %dma_wait3A_17 = arith.constant 0 : i32
      %dma_wait3A_18 = tpu.memref_slice %arg2[%dma_wait3A, %dma_wait3A_17] : memref<10000x128xf32, #tpu.memory_space<hbm>> -> memref<10000x128xf32, #tpu.memory_space<hbm>>
      tpu.wait_indirect_dma semaphore(%arg11 : memref<!tpu.dma_semaphore, #tpu.memory_space<semaphore_mem>>) src(%dma_wait3A_18 : memref<10000x128xf32, #tpu.memory_space<hbm>>) dst(%arg9 : memref<128x128xf32, #tpu.memory_space<vmem>>)
      %dma_wait3A_19 = arith.constant 0 : i32
      %dma_wait3A_20 = arith.constant 0 : i32
      %dma_wait3A_21 = tpu.memref_slice %arg3[%dma_wait3A_19, %dma_wait3A_20] : memref<10000x128xf32, #tpu.memory_space<hbm>> -> memref<10000x128xf32, #tpu.memory_space<hbm>>
      tpu.wait_indirect_dma semaphore(%arg12 : memref<!tpu.dma_semaphore, #tpu.memory_space<semaphore_mem>>) src(%dma_wait3A_21 : memref<10000x128xf32, #tpu.memory_space<hbm>>) dst(%arg10 : memref<128x128xf32, #tpu.memory_space<vmem>>)
      %scan3A_22 = arith.constant 0 : i32
      %scan3A_23 = arith.constant 0 : i32
      %scan3A_24 = arith.constant 128 : i32
      %scan3A_25 = arith.addi %scan3A_23, %scan3A_24 : i32
      %scan3A_26 = arith.constant 1 : i32
      scf.for %scan3A_28 = %scan3A_23 to %scan3A_25 step %scan3A_26  : i32 {
        %get3A = arith.index_cast %scan3A_28 : i32 to index
        %get3A_29 = arith.constant 0 : index
        %get3A_30 = tpu.vector_load %arg9[%get3A, %get3A_29] {strides = array<i32>} : memref<128x128xf32, #tpu.memory_space<vmem>>, vector<1x16xf32>,
        %get3A_31 = vector.shape_cast %get3A_30 : vector<1x16xf32> to vector<16xf32>
        %get3A_32 = arith.index_cast %scan3A_28 : i32 to index
        %get3A_33 = arith.constant 0 : index
        %get3A_34 = tpu.vector_load %arg10[%get3A_32, %get3A_33] {strides = array<i32>} : memref<128x128xf32, #tpu.memory_space<vmem>>, vector<1x16xf32>,
        %get3A_35 = vector.shape_cast %get3A_34 : vector<1x16xf32> to vector<16xf32>
        %add3A_36 = arith.addf %get3A_31, %get3A_35 : vector<16xf32>
        %swap3A = arith.index_cast %scan3A_28 : i32 to index
        %swap3A_37 = arith.constant 0 : index
        %swap3A_38 = tpu.vector_load %arg9[%swap3A, %swap3A_37] {strides = array<i32>} : memref<128x128xf32, #tpu.memory_space<vmem>>, vector<1x16xf32>,
        %swap3A_39 = vector.shape_cast %swap3A_38 : vector<1x16xf32> to vector<16xf32>
        %swap3A_40 = vector.shape_cast %add3A_36 : vector<16xf32> to vector<1x16xf32>
        tpu.vector_store %arg9[%swap3A, %swap3A_37], %swap3A_40 {strides = array<i32>} : memref<128x128xf32, #tpu.memory_space<vmem>>, vector<1x16xf32>,
        %get3A_41 = arith.index_cast %scan3A_28 : i32 to index
        %get3A_42 = arith.constant 16 : index
        %get3A_43 = tpu.vector_load %arg9[%get3A_41, %get3A_42] {strides = array<i32>} : memref<128x128xf32, #tpu.memory_space<vmem>>, vector<1x16xf32>,
        %get3A_44 = vector.shape_cast %get3A_43 : vector<1x16xf32> to vector<16xf32>
        %get3A_45 = arith.index_cast %scan3A_28 : i32 to index
        %get3A_46 = arith.constant 16 : index
        %get3A_47 = tpu.vector_load %arg10[%get3A_45, %get3A_46] {strides = array<i32>} : memref<128x128xf32, #tpu.memory_space<vmem>>, vector<1x16xf32>,
        %get3A_48 = vector.shape_cast %get3A_47 : vector<1x16xf32> to vector<16xf32>
        %add3A_49 = arith.addf %get3A_44, %get3A_48 : vector<16xf32>
        %swap3A_50 = arith.index_cast %scan3A_28 : i32 to index
        %swap3A_51 = arith.constant 16 : index
        %swap3A_52 = tpu.vector_load %arg9[%swap3A_50, %swap3A_51] {strides = array<i32>} : memref<128x128xf32, #tpu.memory_space<vmem>>, vector<1x16xf32>,
        %swap3A_53 = vector.shape_cast %swap3A_52 : vector<1x16xf32> to vector<16xf32>
        %swap3A_54 = vector.shape_cast %add3A_49 : vector<16xf32> to vector<1x16xf32>
        tpu.vector_store %arg9[%swap3A_50, %swap3A_51], %swap3A_54 {strides = array<i32>} : memref<128x128xf32, #tpu.memory_space<vmem>>, vector<1x16xf32>,
        %get3A_55 = arith.index_cast %scan3A_28 : i32 to index
        %get3A_56 = arith.constant 32 : index
        %get3A_57 = tpu.vector_load %arg9[%get3A_55, %get3A_56] {strides = array<i32>} : memref<128x128xf32, #tpu.memory_space<vmem>>, vector<1x16xf32>,
        %get3A_58 = vector.shape_cast %get3A_57 : vector<1x16xf32> to vector<16xf32>
        %get3A_59 = arith.index_cast %scan3A_28 : i32 to index
        %get3A_60 = arith.constant 32 : index
        %get3A_61 = tpu.vector_load %arg10[%get3A_59, %get3A_60] {strides = array<i32>} : memref<128x128xf32, #tpu.memory_space<vmem>>, vector<1x16xf32>,
        %get3A_62 = vector.shape_cast %get3A_61 : vector<1x16xf32> to vector<16xf32>
        %add3A_63 = arith.addf %get3A_58, %get3A_62 : vector<16xf32>
        %swap3A_64 = arith.index_cast %scan3A_28 : i32 to index
        %swap3A_65 = arith.constant 32 : index
        %swap3A_66 = tpu.vector_load %arg9[%swap3A_64, %swap3A_65] {strides = array<i32>} : memref<128x128xf32, #tpu.memory_space<vmem>>, vector<1x16xf32>,
        %swap3A_67 = vector.shape_cast %swap3A_66 : vector<1x16xf32> to vector<16xf32>
        %swap3A_68 = vector.shape_cast %add3A_63 : vector<16xf32> to vector<1x16xf32>
        tpu.vector_store %arg9[%swap3A_64, %swap3A_65], %swap3A_68 {strides = array<i32>} : memref<128x128xf32, #tpu.memory_space<vmem>>, vector<1x16xf32>,
        %get3A_69 = arith.index_cast %scan3A_28 : i32 to index
        %get3A_70 = arith.constant 48 : index
        %get3A_71 = tpu.vector_load %arg9[%get3A_69, %get3A_70] {strides = array<i32>} : memref<128x128xf32, #tpu.memory_space<vmem>>, vector<1x16xf32>,
        %get3A_72 = vector.shape_cast %get3A_71 : vector<1x16xf32> to vector<16xf32>
        %get3A_73 = arith.index_cast %scan3A_28 : i32 to index
        %get3A_74 = arith.constant 48 : index
        %get3A_75 = tpu.vector_load %arg10[%get3A_73, %get3A_74] {strides = array<i32>} : memref<128x128xf32, #tpu.memory_space<vmem>>, vector<1x16xf32>,
        %get3A_76 = vector.shape_cast %get3A_75 : vector<1x16xf32> to vector<16xf32>
        %add3A_77 = arith.addf %get3A_72, %get3A_76 : vector<16xf32>
        %swap3A_78 = arith.index_cast %scan3A_28 : i32 to index
        %swap3A_79 = arith.constant 48 : index
        %swap3A_80 = tpu.vector_load %arg9[%swap3A_78, %swap3A_79] {strides = array<i32>} : memref<128x128xf32, #tpu.memory_space<vmem>>, vector<1x16xf32>,
        %swap3A_81 = vector.shape_cast %swap3A_80 : vector<1x16xf32> to vector<16xf32>
        %swap3A_82 = vector.shape_cast %add3A_77 : vector<16xf32> to vector<1x16xf32>
        tpu.vector_store %arg9[%swap3A_78, %swap3A_79], %swap3A_82 {strides = array<i32>} : memref<128x128xf32, #tpu.memory_space<vmem>>, vector<1x16xf32>,
        %get3A_83 = arith.index_cast %scan3A_28 : i32 to index
        %get3A_84 = arith.constant 64 : index
        %get3A_85 = tpu.vector_load %arg9[%get3A_83, %get3A_84] {strides = array<i32>} : memref<128x128xf32, #tpu.memory_space<vmem>>, vector<1x16xf32>,
        %get3A_86 = vector.shape_cast %get3A_85 : vector<1x16xf32> to vector<16xf32>
        %get3A_87 = arith.index_cast %scan3A_28 : i32 to index
        %get3A_88 = arith.constant 64 : index
        %get3A_89 = tpu.vector_load %arg10[%get3A_87, %get3A_88] {strides = array<i32>} : memref<128x128xf32, #tpu.memory_space<vmem>>, vector<1x16xf32>,
        %get3A_90 = vector.shape_cast %get3A_89 : vector<1x16xf32> to vector<16xf32>
        %add3A_91 = arith.addf %get3A_86, %get3A_90 : vector<16xf32>
        %swap3A_92 = arith.index_cast %scan3A_28 : i32 to index
        %swap3A_93 = arith.constant 64 : index
        %swap3A_94 = tpu.vector_load %arg9[%swap3A_92, %swap3A_93] {strides = array<i32>} : memref<128x128xf32, #tpu.memory_space<vmem>>, vector<1x16xf32>,
        %swap3A_95 = vector.shape_cast %swap3A_94 : vector<1x16xf32> to vector<16xf32>
        %swap3A_96 = vector.shape_cast %add3A_91 : vector<16xf32> to vector<1x16xf32>
        tpu.vector_store %arg9[%swap3A_92, %swap3A_93], %swap3A_96 {strides = array<i32>} : memref<128x128xf32, #tpu.memory_space<vmem>>, vector<1x16xf32>,
        %get3A_97 = arith.index_cast %scan3A_28 : i32 to index
        %get3A_98 = arith.constant 80 : index
        %get3A_99 = tpu.vector_load %arg9[%get3A_97, %get3A_98] {strides = array<i32>} : memref<128x128xf32, #tpu.memory_space<vmem>>, vector<1x16xf32>,
        %get3A_100 = vector.shape_cast %get3A_99 : vector<1x16xf32> to vector<16xf32>
        %get3A_101 = arith.index_cast %scan3A_28 : i32 to index
        %get3A_102 = arith.constant 80 : index
        %get3A_103 = tpu.vector_load %arg10[%get3A_101, %get3A_102] {strides = array<i32>} : memref<128x128xf32, #tpu.memory_space<vmem>>, vector<1x16xf32>,
        %get3A_104 = vector.shape_cast %get3A_103 : vector<1x16xf32> to vector<16xf32>
        %add3A_105 = arith.addf %get3A_100, %get3A_104 : vector<16xf32>
        %swap3A_106 = arith.index_cast %scan3A_28 : i32 to index
        %swap3A_107 = arith.constant 80 : index
        %swap3A_108 = tpu.vector_load %arg9[%swap3A_106, %swap3A_107] {strides = array<i32>} : memref<128x128xf32, #tpu.memory_space<vmem>>, vector<1x16xf32>,
        %swap3A_109 = vector.shape_cast %swap3A_108 : vector<1x16xf32> to vector<16xf32>
        %swap3A_110 = vector.shape_cast %add3A_105 : vector<16xf32> to vector<1x16xf32>
        tpu.vector_store %arg9[%swap3A_106, %swap3A_107], %swap3A_110 {strides = array<i32>} : memref<128x128xf32, #tpu.memory_space<vmem>>, vector<1x16xf32>,
        %get3A_111 = arith.index_cast %scan3A_28 : i32 to index
        %get3A_112 = arith.constant 96 : index
        %get3A_113 = tpu.vector_load %arg9[%get3A_111, %get3A_112] {strides = array<i32>} : memref<128x128xf32, #tpu.memory_space<vmem>>, vector<1x16xf32>,
        %get3A_114 = vector.shape_cast %get3A_113 : vector<1x16xf32> to vector<16xf32>
        %get3A_115 = arith.index_cast %scan3A_28 : i32 to index
        %get3A_116 = arith.constant 96 : index
        %get3A_117 = tpu.vector_load %arg10[%get3A_115, %get3A_116] {strides = array<i32>} : memref<128x128xf32, #tpu.memory_space<vmem>>, vector<1x16xf32>,
        %get3A_118 = vector.shape_cast %get3A_117 : vector<1x16xf32> to vector<16xf32>
        %add3A_119 = arith.addf %get3A_114, %get3A_118 : vector<16xf32>
        %swap3A_120 = arith.index_cast %scan3A_28 : i32 to index
        %swap3A_121 = arith.constant 96 : index
        %swap3A_122 = tpu.vector_load %arg9[%swap3A_120, %swap3A_121] {strides = array<i32>} : memref<128x128xf32, #tpu.memory_space<vmem>>, vector<1x16xf32>,
        %swap3A_123 = vector.shape_cast %swap3A_122 : vector<1x16xf32> to vector<16xf32>
        %swap3A_124 = vector.shape_cast %add3A_119 : vector<16xf32> to vector<1x16xf32>
        tpu.vector_store %arg9[%swap3A_120, %swap3A_121], %swap3A_124 {strides = array<i32>} : memref<128x128xf32, #tpu.memory_space<vmem>>, vector<1x16xf32>,
        %get3A_125 = arith.index_cast %scan3A_28 : i32 to index
        %get3A_126 = arith.constant 112 : index
        %get3A_127 = tpu.vector_load %arg9[%get3A_125, %get3A_126] {strides = array<i32>} : memref<128x128xf32, #tpu.memory_space<vmem>>, vector<1x16xf32>,
        %get3A_128 = vector.shape_cast %get3A_127 : vector<1x16xf32> to vector<16xf32>
        %get3A_129 = arith.index_cast %scan3A_28 : i32 to index
        %get3A_130 = arith.constant 112 : index
        %get3A_131 = tpu.vector_load %arg10[%get3A_129, %get3A_130] {strides = array<i32>} : memref<128x128xf32, #tpu.memory_space<vmem>>, vector<1x16xf32>,
        %get3A_132 = vector.shape_cast %get3A_131 : vector<1x16xf32> to vector<16xf32>
        %add3A_133 = arith.addf %get3A_128, %get3A_132 : vector<16xf32>
        %swap3A_134 = arith.index_cast %scan3A_28 : i32 to index
        %swap3A_135 = arith.constant 112 : index
        %swap3A_136 = tpu.vector_load %arg9[%swap3A_134, %swap3A_135] {strides = array<i32>} : memref<128x128xf32, #tpu.memory_space<vmem>>, vector<1x16xf32>,
        %swap3A_137 = vector.shape_cast %swap3A_136 : vector<1x16xf32> to vector<16xf32>
        %swap3A_138 = vector.shape_cast %add3A_133 : vector<16xf32> to vector<1x16xf32>
        tpu.vector_store %arg9[%swap3A_134, %swap3A_135], %swap3A_138 {strides = array<i32>} : memref<128x128xf32, #tpu.memory_space<vmem>>, vector<1x16xf32>,
      }
      %scan3A_27 = arith.constant 128 : i32
      "tpu.region"() ({
        %run_scoped3A = tpu.sem_alloc : memref<!tpu.dma_semaphore, #tpu.memory_space<semaphore_mem>>
        %dma_start3A_28 = arith.constant 0 : i32
        %dma_start3A_29 = tpu.memref_slice %arg6[%mul3A_11, %dma_start3A_28] : memref<320000x128xf32, #tpu.memory_space<hbm>> -> memref<128x128xf32, #tpu.memory_space<hbm>>
        %dma_start3A_30 = arith.constant 0 : i32
        %dma_start3A_31 = tpu.memref_slice %arg6[%mul3A_11, %dma_start3A_30] : memref<320000x128xf32, #tpu.memory_space<hbm>> -> memref<128x128xf32, #tpu.memory_space<hbm>>
        tpu.enqueue_dma source(%arg9 : memref<128x128xf32, #tpu.memory_space<vmem>>) target(%dma_start3A_31 : memref<128x128xf32, #tpu.memory_space<hbm>>) target_semaphore(%run_scoped3A : memref<!tpu.dma_semaphore, #tpu.memory_space<semaphore_mem>>)
        %dma_wait3A_32 = arith.constant 0 : i32
        %dma_wait3A_33 = tpu.memref_slice %arg6[%mul3A_11, %dma_wait3A_32] : memref<320000x128xf32, #tpu.memory_space<hbm>> -> memref<128x128xf32, #tpu.memory_space<hbm>>
        %dma_wait3A_34 = arith.constant 0 : i32
        %dma_wait3A_35 = tpu.memref_slice %arg6[%mul3A_11, %dma_wait3A_34] : memref<320000x128xf32, #tpu.memory_space<hbm>> -> memref<128x128xf32, #tpu.memory_space<hbm>>
        tpu.wait_dma2 semaphore(%run_scoped3A : memref<!tpu.dma_semaphore, #tpu.memory_space<semaphore_mem>>) src(%arg9 : memref<128x128xf32, #tpu.memory_space<vmem>>) dst(%dma_wait3A_35 : memref<128x128xf32, #tpu.memory_space<hbm>>)
        tpu.yield
      }) : () -> ()
    } else {
    }
    return
  }
}

#map = affine_map<(d0, d1) -> (0)>
#map1 = affine_map<(d0, d1) -> (0, 0)>
#map2 = affine_map<(d0, d1) -> (0, 0, 0)>
module attributes {stable_mosaic.version = 14 : i64} {
  func.func @edge_accum(%arg0: i32, %arg1: i32, %arg2: memref<320000xi32, #tpu.memory_space<hbm>>, %arg3: memref<320000xi32, #tpu.memory_space<hbm>>, %arg4: memref<8x320000xf32, #tpu.memory_space<hbm>>, %arg5: memref<8x128xf32, #tpu.memory_space<hbm>>, %arg6: memref<10000x128xf32, #tpu.memory_space<hbm>>, %arg7: memref<2x40960xf32, #tpu.memory_space<hbm>>, %arg8: memref<2x10240x128xf32, #tpu.memory_space<hbm>>, %arg9: memref<128xi32, #tpu.memory_space<vmem>>, %arg10: memref<128xi32, #tpu.memory_space<vmem>>, %arg11: memref<128xi32, #tpu.memory_space<vmem>>, %arg12: memref<8x128xf32, #tpu.memory_space<vmem>>, %arg13: memref<1024xf32, #tpu.memory_space<vmem>>, %arg14: memref<128x128xf32, #tpu.memory_space<vmem>>, %arg15: memref<8x128xf32, #tpu.memory_space<vmem>>, %arg16: memref<40960xf32, #tpu.memory_space<vmem_shared>>, %arg17: memref<10240x128xf32, #tpu.memory_space<vmem_shared>>, %arg18: memref<!tpu.dma_semaphore, #tpu.memory_space<semaphore_mem>>) attributes {dimension_semantics = [#tpu.dimension_semantics<core_parallel>, #tpu.dimension_semantics<subcore_parallel>], iteration_bounds = array<i64: 2, 16>, scalar_prefetch = 0 : i64, scratch_operands = 10 : i64, tpu.core_type = #tpu.core_type<sc_vector_subcore>, window_params = [{transform_indices = #map}, {transform_indices = #map}, {transform_indices = #map1}, {transform_indices = #map1}, {transform_indices = #map1}, {transform_indices = #map1}, {transform_indices = #map2}]} {
    %mul3A = arith.constant 2 : i32
    %mul3A_0 = arith.muli %arg1, %mul3A : i32
    %add3A = arith.addi %mul3A_0, %arg0 : i32
    %mul3A_1 = arith.constant 640 : i32
    %mul3A_2 = arith.muli %arg1, %mul3A_1 : i32
    %broadcast_in_dim3A = arith.constant 0.000000e+00 : f32
    %broadcast_in_dim3A_3 = vector.broadcast %broadcast_in_dim3A : f32 to vector<16xf32>
    %scan3A = arith.constant 0 : i32
    %scan3A_4 = arith.constant 0 : i32
    %scan3A_5 = arith.constant 128 : i32
    %scan3A_6 = arith.addi %scan3A_4, %scan3A_5 : i32
    %scan3A_7 = arith.constant 1 : i32
    scf.for %scan3A_309 = %scan3A_4 to %scan3A_6 step %scan3A_7  : i32 {
      %swap3A_310 = arith.index_cast %scan3A_309 : i32 to index
      %swap3A_311 = arith.constant 0 : index
      %swap3A_312 = tpu.vector_load %arg14[%swap3A_310, %swap3A_311] {strides = array<i32>} : memref<128x128xf32, #tpu.memory_space<vmem>>, vector<1x16xf32>,
      %swap3A_313 = vector.shape_cast %swap3A_312 : vector<1x16xf32> to vector<16xf32>
      %swap3A_314 = vector.shape_cast %broadcast_in_dim3A_3 : vector<16xf32> to vector<1x16xf32>
      tpu.vector_store %arg14[%swap3A_310, %swap3A_311], %swap3A_314 {strides = array<i32>} : memref<128x128xf32, #tpu.memory_space<vmem>>, vector<1x16xf32>,
      %swap3A_315 = arith.index_cast %scan3A_309 : i32 to index
      %swap3A_316 = arith.constant 16 : index
      %swap3A_317 = tpu.vector_load %arg14[%swap3A_315, %swap3A_316] {strides = array<i32>} : memref<128x128xf32, #tpu.memory_space<vmem>>, vector<1x16xf32>,
      %swap3A_318 = vector.shape_cast %swap3A_317 : vector<1x16xf32> to vector<16xf32>
      %swap3A_319 = vector.shape_cast %broadcast_in_dim3A_3 : vector<16xf32> to vector<1x16xf32>
      tpu.vector_store %arg14[%swap3A_315, %swap3A_316], %swap3A_319 {strides = array<i32>} : memref<128x128xf32, #tpu.memory_space<vmem>>, vector<1x16xf32>,
      %swap3A_320 = arith.index_cast %scan3A_309 : i32 to index
      %swap3A_321 = arith.constant 32 : index
      %swap3A_322 = tpu.vector_load %arg14[%swap3A_320, %swap3A_321] {strides = array<i32>} : memref<128x128xf32, #tpu.memory_space<vmem>>, vector<1x16xf32>,
      %swap3A_323 = vector.shape_cast %swap3A_322 : vector<1x16xf32> to vector<16xf32>
      %swap3A_324 = vector.shape_cast %broadcast_in_dim3A_3 : vector<16xf32> to vector<1x16xf32>
      tpu.vector_store %arg14[%swap3A_320, %swap3A_321], %swap3A_324 {strides = array<i32>} : memref<128x128xf32, #tpu.memory_space<vmem>>, vector<1x16xf32>,
      %swap3A_325 = arith.index_cast %scan3A_309 : i32 to index
      %swap3A_326 = arith.constant 48 : index
      %swap3A_327 = tpu.vector_load %arg14[%swap3A_325, %swap3A_326] {strides = array<i32>} : memref<128x128xf32, #tpu.memory_space<vmem>>, vector<1x16xf32>,
      %swap3A_328 = vector.shape_cast %swap3A_327 : vector<1x16xf32> to vector<16xf32>
      %swap3A_329 = vector.shape_cast %broadcast_in_dim3A_3 : vector<16xf32> to vector<1x16xf32>
      tpu.vector_store %arg14[%swap3A_325, %swap3A_326], %swap3A_329 {strides = array<i32>} : memref<128x128xf32, #tpu.memory_space<vmem>>, vector<1x16xf32>,
      %swap3A_330 = arith.index_cast %scan3A_309 : i32 to index
      %swap3A_331 = arith.constant 64 : index
      %swap3A_332 = tpu.vector_load %arg14[%swap3A_330, %swap3A_331] {strides = array<i32>} : memref<128x128xf32, #tpu.memory_space<vmem>>, vector<1x16xf32>,
      %swap3A_333 = vector.shape_cast %swap3A_332 : vector<1x16xf32> to vector<16xf32>
      %swap3A_334 = vector.shape_cast %broadcast_in_dim3A_3 : vector<16xf32> to vector<1x16xf32>
      tpu.vector_store %arg14[%swap3A_330, %swap3A_331], %swap3A_334 {strides = array<i32>} : memref<128x128xf32, #tpu.memory_space<vmem>>, vector<1x16xf32>,
      %swap3A_335 = arith.index_cast %scan3A_309 : i32 to index
      %swap3A_336 = arith.constant 80 : index
      %swap3A_337 = tpu.vector_load %arg14[%swap3A_335, %swap3A_336] {strides = array<i32>} : memref<128x128xf32, #tpu.memory_space<vmem>>, vector<1x16xf32>,
      %swap3A_338 = vector.shape_cast %swap3A_337 : vector<1x16xf32> to vector<16xf32>
      %swap3A_339 = vector.shape_cast %broadcast_in_dim3A_3 : vector<16xf32> to vector<1x16xf32>
      tpu.vector_store %arg14[%swap3A_335, %swap3A_336], %swap3A_339 {strides = array<i32>} : memref<128x128xf32, #tpu.memory_space<vmem>>, vector<1x16xf32>,
      %swap3A_340 = arith.index_cast %scan3A_309 : i32 to index
      %swap3A_341 = arith.constant 96 : index
      %swap3A_342 = tpu.vector_load %arg14[%swap3A_340, %swap3A_341] {strides = array<i32>} : memref<128x128xf32, #tpu.memory_space<vmem>>, vector<1x16xf32>,
      %swap3A_343 = vector.shape_cast %swap3A_342 : vector<1x16xf32> to vector<16xf32>
      %swap3A_344 = vector.shape_cast %broadcast_in_dim3A_3 : vector<16xf32> to vector<1x16xf32>
      tpu.vector_store %arg14[%swap3A_340, %swap3A_341], %swap3A_344 {strides = array<i32>} : memref<128x128xf32, #tpu.memory_space<vmem>>, vector<1x16xf32>,
      %swap3A_345 = arith.index_cast %scan3A_309 : i32 to index
      %swap3A_346 = arith.constant 112 : index
      %swap3A_347 = tpu.vector_load %arg14[%swap3A_345, %swap3A_346] {strides = array<i32>} : memref<128x128xf32, #tpu.memory_space<vmem>>, vector<1x16xf32>,
      %swap3A_348 = vector.shape_cast %swap3A_347 : vector<1x16xf32> to vector<16xf32>
      %swap3A_349 = vector.shape_cast %broadcast_in_dim3A_3 : vector<16xf32> to vector<1x16xf32>
      tpu.vector_store %arg14[%swap3A_345, %swap3A_346], %swap3A_349 {strides = array<i32>} : memref<128x128xf32, #tpu.memory_space<vmem>>, vector<1x16xf32>,
    }
    %scan3A_8 = arith.constant 128 : i32
    %swap3A = arith.constant 0 : index
    %swap3A_9 = tpu.vector_load %arg13[%swap3A] {strides = array<i32>} : memref<1024xf32, #tpu.memory_space<vmem>>, vector<16xf32>,
    %swap3A_10 = vector.shape_cast %swap3A_9 : vector<16xf32> to vector<16xf32>
    %swap3A_11 = vector.shape_cast %broadcast_in_dim3A_3 : vector<16xf32> to vector<16xf32>
    tpu.vector_store %arg13[%swap3A], %swap3A_11 {strides = array<i32>} : memref<1024xf32, #tpu.memory_space<vmem>>, vector<16xf32>,
    %swap3A_12 = arith.constant 16 : index
    %swap3A_13 = tpu.vector_load %arg13[%swap3A_12] {strides = array<i32>} : memref<1024xf32, #tpu.memory_space<vmem>>, vector<16xf32>,
    %swap3A_14 = vector.shape_cast %swap3A_13 : vector<16xf32> to vector<16xf32>
    %swap3A_15 = vector.shape_cast %broadcast_in_dim3A_3 : vector<16xf32> to vector<16xf32>
    tpu.vector_store %arg13[%swap3A_12], %swap3A_15 {strides = array<i32>} : memref<1024xf32, #tpu.memory_space<vmem>>, vector<16xf32>,
    %swap3A_16 = arith.constant 32 : index
    %swap3A_17 = tpu.vector_load %arg13[%swap3A_16] {strides = array<i32>} : memref<1024xf32, #tpu.memory_space<vmem>>, vector<16xf32>,
    %swap3A_18 = vector.shape_cast %swap3A_17 : vector<16xf32> to vector<16xf32>
    %swap3A_19 = vector.shape_cast %broadcast_in_dim3A_3 : vector<16xf32> to vector<16xf32>
    tpu.vector_store %arg13[%swap3A_16], %swap3A_19 {strides = array<i32>} : memref<1024xf32, #tpu.memory_space<vmem>>, vector<16xf32>,
    %swap3A_20 = arith.constant 48 : index
    %swap3A_21 = tpu.vector_load %arg13[%swap3A_20] {strides = array<i32>} : memref<1024xf32, #tpu.memory_space<vmem>>, vector<16xf32>,
    %swap3A_22 = vector.shape_cast %swap3A_21 : vector<16xf32> to vector<16xf32>
    %swap3A_23 = vector.shape_cast %broadcast_in_dim3A_3 : vector<16xf32> to vector<16xf32>
    tpu.vector_store %arg13[%swap3A_20], %swap3A_23 {strides = array<i32>} : memref<1024xf32, #tpu.memory_space<vmem>>, vector<16xf32>,
    %swap3A_24 = arith.constant 64 : index
    %swap3A_25 = tpu.vector_load %arg13[%swap3A_24] {strides = array<i32>} : memref<1024xf32, #tpu.memory_space<vmem>>, vector<16xf32>,
    %swap3A_26 = vector.shape_cast %swap3A_25 : vector<16xf32> to vector<16xf32>
    %swap3A_27 = vector.shape_cast %broadcast_in_dim3A_3 : vector<16xf32> to vector<16xf32>
    tpu.vector_store %arg13[%swap3A_24], %swap3A_27 {strides = array<i32>} : memref<1024xf32, #tpu.memory_space<vmem>>, vector<16xf32>,
    %swap3A_28 = arith.constant 80 : index
    %swap3A_29 = tpu.vector_load %arg13[%swap3A_28] {strides = array<i32>} : memref<1024xf32, #tpu.memory_space<vmem>>, vector<16xf32>,
    %swap3A_30 = vector.shape_cast %swap3A_29 : vector<16xf32> to vector<16xf32>
    %swap3A_31 = vector.shape_cast %broadcast_in_dim3A_3 : vector<16xf32> to vector<16xf32>
    tpu.vector_store %arg13[%swap3A_28], %swap3A_31 {strides = array<i32>} : memref<1024xf32, #tpu.memory_space<vmem>>, vector<16xf32>,
    %swap3A_32 = arith.constant 96 : index
    %swap3A_33 = tpu.vector_load %arg13[%swap3A_32] {strides = array<i32>} : memref<1024xf32, #tpu.memory_space<vmem>>, vector<16xf32>,
    %swap3A_34 = vector.shape_cast %swap3A_33 : vector<16xf32> to vector<16xf32>
    %swap3A_35 = vector.shape_cast %broadcast_in_dim3A_3 : vector<16xf32> to vector<16xf32>
    tpu.vector_store %arg13[%swap3A_32], %swap3A_35 {strides = array<i32>} : memref<1024xf32, #tpu.memory_space<vmem>>, vector<16xf32>,
    %swap3A_36 = arith.constant 112 : index
    %swap3A_37 = tpu.vector_load %arg13[%swap3A_36] {strides = array<i32>} : memref<1024xf32, #tpu.memory_space<vmem>>, vector<16xf32>,
    %swap3A_38 = vector.shape_cast %swap3A_37 : vector<16xf32> to vector<16xf32>
    %swap3A_39 = vector.shape_cast %broadcast_in_dim3A_3 : vector<16xf32> to vector<16xf32>
    tpu.vector_store %arg13[%swap3A_36], %swap3A_39 {strides = array<i32>} : memref<1024xf32, #tpu.memory_space<vmem>>, vector<16xf32>,
    %swap3A_40 = arith.constant 128 : index
    %swap3A_41 = tpu.vector_load %arg13[%swap3A_40] {strides = array<i32>} : memref<1024xf32, #tpu.memory_space<vmem>>, vector<16xf32>,
    %swap3A_42 = vector.shape_cast %swap3A_41 : vector<16xf32> to vector<16xf32>
    %swap3A_43 = vector.shape_cast %broadcast_in_dim3A_3 : vector<16xf32> to vector<16xf32>
    tpu.vector_store %arg13[%swap3A_40], %swap3A_43 {strides = array<i32>} : memref<1024xf32, #tpu.memory_space<vmem>>, vector<16xf32>,
    %swap3A_44 = arith.constant 144 : index
    %swap3A_45 = tpu.vector_load %arg13[%swap3A_44] {strides = array<i32>} : memref<1024xf32, #tpu.memory_space<vmem>>, vector<16xf32>,
    %swap3A_46 = vector.shape_cast %swap3A_45 : vector<16xf32> to vector<16xf32>
    %swap3A_47 = vector.shape_cast %broadcast_in_dim3A_3 : vector<16xf32> to vector<16xf32>
    tpu.vector_store %arg13[%swap3A_44], %swap3A_47 {strides = array<i32>} : memref<1024xf32, #tpu.memory_space<vmem>>, vector<16xf32>,
    %swap3A_48 = arith.constant 160 : index
    %swap3A_49 = tpu.vector_load %arg13[%swap3A_48] {strides = array<i32>} : memref<1024xf32, #tpu.memory_space<vmem>>, vector<16xf32>,
    %swap3A_50 = vector.shape_cast %swap3A_49 : vector<16xf32> to vector<16xf32>
    %swap3A_51 = vector.shape_cast %broadcast_in_dim3A_3 : vector<16xf32> to vector<16xf32>
    tpu.vector_store %arg13[%swap3A_48], %swap3A_51 {strides = array<i32>} : memref<1024xf32, #tpu.memory_space<vmem>>, vector<16xf32>,
    %swap3A_52 = arith.constant 176 : index
    %swap3A_53 = tpu.vector_load %arg13[%swap3A_52] {strides = array<i32>} : memref<1024xf32, #tpu.memory_space<vmem>>, vector<16xf32>,
    %swap3A_54 = vector.shape_cast %swap3A_53 : vector<16xf32> to vector<16xf32>
    %swap3A_55 = vector.shape_cast %broadcast_in_dim3A_3 : vector<16xf32> to vector<16xf32>
    tpu.vector_store %arg13[%swap3A_52], %swap3A_55 {strides = array<i32>} : memref<1024xf32, #tpu.memory_space<vmem>>, vector<16xf32>,
    %swap3A_56 = arith.constant 192 : index
    %swap3A_57 = tpu.vector_load %arg13[%swap3A_56] {strides = array<i32>} : memref<1024xf32, #tpu.memory_space<vmem>>, vector<16xf32>,
    %swap3A_58 = vector.shape_cast %swap3A_57 : vector<16xf32> to vector<16xf32>
    %swap3A_59 = vector.shape_cast %broadcast_in_dim3A_3 : vector<16xf32> to vector<16xf32>
    tpu.vector_store %arg13[%swap3A_56], %swap3A_59 {strides = array<i32>} : memref<1024xf32, #tpu.memory_space<vmem>>, vector<16xf32>,
    %swap3A_60 = arith.constant 208 : index
    %swap3A_61 = tpu.vector_load %arg13[%swap3A_60] {strides = array<i32>} : memref<1024xf32, #tpu.memory_space<vmem>>, vector<16xf32>,
    %swap3A_62 = vector.shape_cast %swap3A_61 : vector<16xf32> to vector<16xf32>
    %swap3A_63 = vector.shape_cast %broadcast_in_dim3A_3 : vector<16xf32> to vector<16xf32>
    tpu.vector_store %arg13[%swap3A_60], %swap3A_63 {strides = array<i32>} : memref<1024xf32, #tpu.memory_space<vmem>>, vector<16xf32>,
    %swap3A_64 = arith.constant 224 : index
    %swap3A_65 = tpu.vector_load %arg13[%swap3A_64] {strides = array<i32>} : memref<1024xf32, #tpu.memory_space<vmem>>, vector<16xf32>,
    %swap3A_66 = vector.shape_cast %swap3A_65 : vector<16xf32> to vector<16xf32>
    %swap3A_67 = vector.shape_cast %broadcast_in_dim3A_3 : vector<16xf32> to vector<16xf32>
    tpu.vector_store %arg13[%swap3A_64], %swap3A_67 {strides = array<i32>} : memref<1024xf32, #tpu.memory_space<vmem>>, vector<16xf32>,
    %swap3A_68 = arith.constant 240 : index
    %swap3A_69 = tpu.vector_load %arg13[%swap3A_68] {strides = array<i32>} : memref<1024xf32, #tpu.memory_space<vmem>>, vector<16xf32>,
    %swap3A_70 = vector.shape_cast %swap3A_69 : vector<16xf32> to vector<16xf32>
    %swap3A_71 = vector.shape_cast %broadcast_in_dim3A_3 : vector<16xf32> to vector<16xf32>
    tpu.vector_store %arg13[%swap3A_68], %swap3A_71 {strides = array<i32>} : memref<1024xf32, #tpu.memory_space<vmem>>, vector<16xf32>,
    %swap3A_72 = arith.constant 256 : index
    %swap3A_73 = tpu.vector_load %arg13[%swap3A_72] {strides = array<i32>} : memref<1024xf32, #tpu.memory_space<vmem>>, vector<16xf32>,
    %swap3A_74 = vector.shape_cast %swap3A_73 : vector<16xf32> to vector<16xf32>
    %swap3A_75 = vector.shape_cast %broadcast_in_dim3A_3 : vector<16xf32> to vector<16xf32>
    tpu.vector_store %arg13[%swap3A_72], %swap3A_75 {strides = array<i32>} : memref<1024xf32, #tpu.memory_space<vmem>>, vector<16xf32>,
    %swap3A_76 = arith.constant 272 : index
    %swap3A_77 = tpu.vector_load %arg13[%swap3A_76] {strides = array<i32>} : memref<1024xf32, #tpu.memory_space<vmem>>, vector<16xf32>,
    %swap3A_78 = vector.shape_cast %swap3A_77 : vector<16xf32> to vector<16xf32>
    %swap3A_79 = vector.shape_cast %broadcast_in_dim3A_3 : vector<16xf32> to vector<16xf32>
    tpu.vector_store %arg13[%swap3A_76], %swap3A_79 {strides = array<i32>} : memref<1024xf32, #tpu.memory_space<vmem>>, vector<16xf32>,
    %swap3A_80 = arith.constant 288 : index
    %swap3A_81 = tpu.vector_load %arg13[%swap3A_80] {strides = array<i32>} : memref<1024xf32, #tpu.memory_space<vmem>>, vector<16xf32>,
    %swap3A_82 = vector.shape_cast %swap3A_81 : vector<16xf32> to vector<16xf32>
    %swap3A_83 = vector.shape_cast %broadcast_in_dim3A_3 : vector<16xf32> to vector<16xf32>
    tpu.vector_store %arg13[%swap3A_80], %swap3A_83 {strides = array<i32>} : memref<1024xf32, #tpu.memory_space<vmem>>, vector<16xf32>,
    %swap3A_84 = arith.constant 304 : index
    %swap3A_85 = tpu.vector_load %arg13[%swap3A_84] {strides = array<i32>} : memref<1024xf32, #tpu.memory_space<vmem>>, vector<16xf32>,
    %swap3A_86 = vector.shape_cast %swap3A_85 : vector<16xf32> to vector<16xf32>
    %swap3A_87 = vector.shape_cast %broadcast_in_dim3A_3 : vector<16xf32> to vector<16xf32>
    tpu.vector_store %arg13[%swap3A_84], %swap3A_87 {strides = array<i32>} : memref<1024xf32, #tpu.memory_space<vmem>>, vector<16xf32>,
    %swap3A_88 = arith.constant 320 : index
    %swap3A_89 = tpu.vector_load %arg13[%swap3A_88] {strides = array<i32>} : memref<1024xf32, #tpu.memory_space<vmem>>, vector<16xf32>,
    %swap3A_90 = vector.shape_cast %swap3A_89 : vector<16xf32> to vector<16xf32>
    %swap3A_91 = vector.shape_cast %broadcast_in_dim3A_3 : vector<16xf32> to vector<16xf32>
    tpu.vector_store %arg13[%swap3A_88], %swap3A_91 {strides = array<i32>} : memref<1024xf32, #tpu.memory_space<vmem>>, vector<16xf32>,
    %swap3A_92 = arith.constant 336 : index
    %swap3A_93 = tpu.vector_load %arg13[%swap3A_92] {strides = array<i32>} : memref<1024xf32, #tpu.memory_space<vmem>>, vector<16xf32>,
    %swap3A_94 = vector.shape_cast %swap3A_93 : vector<16xf32> to vector<16xf32>
    %swap3A_95 = vector.shape_cast %broadcast_in_dim3A_3 : vector<16xf32> to vector<16xf32>
    tpu.vector_store %arg13[%swap3A_92], %swap3A_95 {strides = array<i32>} : memref<1024xf32, #tpu.memory_space<vmem>>, vector<16xf32>,
    %swap3A_96 = arith.constant 352 : index
    %swap3A_97 = tpu.vector_load %arg13[%swap3A_96] {strides = array<i32>} : memref<1024xf32, #tpu.memory_space<vmem>>, vector<16xf32>,
    %swap3A_98 = vector.shape_cast %swap3A_97 : vector<16xf32> to vector<16xf32>
    %swap3A_99 = vector.shape_cast %broadcast_in_dim3A_3 : vector<16xf32> to vector<16xf32>
    tpu.vector_store %arg13[%swap3A_96], %swap3A_99 {strides = array<i32>} : memref<1024xf32, #tpu.memory_space<vmem>>, vector<16xf32>,
    %swap3A_100 = arith.constant 368 : index
    %swap3A_101 = tpu.vector_load %arg13[%swap3A_100] {strides = array<i32>} : memref<1024xf32, #tpu.memory_space<vmem>>, vector<16xf32>,
    %swap3A_102 = vector.shape_cast %swap3A_101 : vector<16xf32> to vector<16xf32>
    %swap3A_103 = vector.shape_cast %broadcast_in_dim3A_3 : vector<16xf32> to vector<16xf32>
    tpu.vector_store %arg13[%swap3A_100], %swap3A_103 {strides = array<i32>} : memref<1024xf32, #tpu.memory_space<vmem>>, vector<16xf32>,
    %swap3A_104 = arith.constant 384 : index
    %swap3A_105 = tpu.vector_load %arg13[%swap3A_104] {strides = array<i32>} : memref<1024xf32, #tpu.memory_space<vmem>>, vector<16xf32>,
    %swap3A_106 = vector.shape_cast %swap3A_105 : vector<16xf32> to vector<16xf32>
    %swap3A_107 = vector.shape_cast %broadcast_in_dim3A_3 : vector<16xf32> to vector<16xf32>
    tpu.vector_store %arg13[%swap3A_104], %swap3A_107 {strides = array<i32>} : memref<1024xf32, #tpu.memory_space<vmem>>, vector<16xf32>,
    %swap3A_108 = arith.constant 400 : index
    %swap3A_109 = tpu.vector_load %arg13[%swap3A_108] {strides = array<i32>} : memref<1024xf32, #tpu.memory_space<vmem>>, vector<16xf32>,
    %swap3A_110 = vector.shape_cast %swap3A_109 : vector<16xf32> to vector<16xf32>
    %swap3A_111 = vector.shape_cast %broadcast_in_dim3A_3 : vector<16xf32> to vector<16xf32>
    tpu.vector_store %arg13[%swap3A_108], %swap3A_111 {strides = array<i32>} : memref<1024xf32, #tpu.memory_space<vmem>>, vector<16xf32>,
    %swap3A_112 = arith.constant 416 : index
    %swap3A_113 = tpu.vector_load %arg13[%swap3A_112] {strides = array<i32>} : memref<1024xf32, #tpu.memory_space<vmem>>, vector<16xf32>,
    %swap3A_114 = vector.shape_cast %swap3A_113 : vector<16xf32> to vector<16xf32>
    %swap3A_115 = vector.shape_cast %broadcast_in_dim3A_3 : vector<16xf32> to vector<16xf32>
    tpu.vector_store %arg13[%swap3A_112], %swap3A_115 {strides = array<i32>} : memref<1024xf32, #tpu.memory_space<vmem>>, vector<16xf32>,
    %swap3A_116 = arith.constant 432 : index
    %swap3A_117 = tpu.vector_load %arg13[%swap3A_116] {strides = array<i32>} : memref<1024xf32, #tpu.memory_space<vmem>>, vector<16xf32>,
    %swap3A_118 = vector.shape_cast %swap3A_117 : vector<16xf32> to vector<16xf32>
    %swap3A_119 = vector.shape_cast %broadcast_in_dim3A_3 : vector<16xf32> to vector<16xf32>
    tpu.vector_store %arg13[%swap3A_116], %swap3A_119 {strides = array<i32>} : memref<1024xf32, #tpu.memory_space<vmem>>, vector<16xf32>,
    %swap3A_120 = arith.constant 448 : index
    %swap3A_121 = tpu.vector_load %arg13[%swap3A_120] {strides = array<i32>} : memref<1024xf32, #tpu.memory_space<vmem>>, vector<16xf32>,
    %swap3A_122 = vector.shape_cast %swap3A_121 : vector<16xf32> to vector<16xf32>
    %swap3A_123 = vector.shape_cast %broadcast_in_dim3A_3 : vector<16xf32> to vector<16xf32>
    tpu.vector_store %arg13[%swap3A_120], %swap3A_123 {strides = array<i32>} : memref<1024xf32, #tpu.memory_space<vmem>>, vector<16xf32>,
    %swap3A_124 = arith.constant 464 : index
    %swap3A_125 = tpu.vector_load %arg13[%swap3A_124] {strides = array<i32>} : memref<1024xf32, #tpu.memory_space<vmem>>, vector<16xf32>,
    %swap3A_126 = vector.shape_cast %swap3A_125 : vector<16xf32> to vector<16xf32>
    %swap3A_127 = vector.shape_cast %broadcast_in_dim3A_3 : vector<16xf32> to vector<16xf32>
    tpu.vector_store %arg13[%swap3A_124], %swap3A_127 {strides = array<i32>} : memref<1024xf32, #tpu.memory_space<vmem>>, vector<16xf32>,
    %swap3A_128 = arith.constant 480 : index
    %swap3A_129 = tpu.vector_load %arg13[%swap3A_128] {strides = array<i32>} : memref<1024xf32, #tpu.memory_space<vmem>>, vector<16xf32>,
    %swap3A_130 = vector.shape_cast %swap3A_129 : vector<16xf32> to vector<16xf32>
    %swap3A_131 = vector.shape_cast %broadcast_in_dim3A_3 : vector<16xf32> to vector<16xf32>
    tpu.vector_store %arg13[%swap3A_128], %swap3A_131 {strides = array<i32>} : memref<1024xf32, #tpu.memory_space<vmem>>, vector<16xf32>,
    %swap3A_132 = arith.constant 496 : index
    %swap3A_133 = tpu.vector_load %arg13[%swap3A_132] {strides = array<i32>} : memref<1024xf32, #tpu.memory_space<vmem>>, vector<16xf32>,
    %swap3A_134 = vector.shape_cast %swap3A_133 : vector<16xf32> to vector<16xf32>
    %swap3A_135 = vector.shape_cast %broadcast_in_dim3A_3 : vector<16xf32> to vector<16xf32>
    tpu.vector_store %arg13[%swap3A_132], %swap3A_135 {strides = array<i32>} : memref<1024xf32, #tpu.memory_space<vmem>>, vector<16xf32>,
    %swap3A_136 = arith.constant 512 : index
    %swap3A_137 = tpu.vector_load %arg13[%swap3A_136] {strides = array<i32>} : memref<1024xf32, #tpu.memory_space<vmem>>, vector<16xf32>,
    %swap3A_138 = vector.shape_cast %swap3A_137 : vector<16xf32> to vector<16xf32>
    %swap3A_139 = vector.shape_cast %broadcast_in_dim3A_3 : vector<16xf32> to vector<16xf32>
    tpu.vector_store %arg13[%swap3A_136], %swap3A_139 {strides = array<i32>} : memref<1024xf32, #tpu.memory_space<vmem>>, vector<16xf32>,
    %swap3A_140 = arith.constant 528 : index
    %swap3A_141 = tpu.vector_load %arg13[%swap3A_140] {strides = array<i32>} : memref<1024xf32, #tpu.memory_space<vmem>>, vector<16xf32>,
    %swap3A_142 = vector.shape_cast %swap3A_141 : vector<16xf32> to vector<16xf32>
    %swap3A_143 = vector.shape_cast %broadcast_in_dim3A_3 : vector<16xf32> to vector<16xf32>
    tpu.vector_store %arg13[%swap3A_140], %swap3A_143 {strides = array<i32>} : memref<1024xf32, #tpu.memory_space<vmem>>, vector<16xf32>,
    %swap3A_144 = arith.constant 544 : index
    %swap3A_145 = tpu.vector_load %arg13[%swap3A_144] {strides = array<i32>} : memref<1024xf32, #tpu.memory_space<vmem>>, vector<16xf32>,
    %swap3A_146 = vector.shape_cast %swap3A_145 : vector<16xf32> to vector<16xf32>
    %swap3A_147 = vector.shape_cast %broadcast_in_dim3A_3 : vector<16xf32> to vector<16xf32>
    tpu.vector_store %arg13[%swap3A_144], %swap3A_147 {strides = array<i32>} : memref<1024xf32, #tpu.memory_space<vmem>>, vector<16xf32>,
    %swap3A_148 = arith.constant 560 : index
    %swap3A_149 = tpu.vector_load %arg13[%swap3A_148] {strides = array<i32>} : memref<1024xf32, #tpu.memory_space<vmem>>, vector<16xf32>,
    %swap3A_150 = vector.shape_cast %swap3A_149 : vector<16xf32> to vector<16xf32>
    %swap3A_151 = vector.shape_cast %broadcast_in_dim3A_3 : vector<16xf32> to vector<16xf32>
    tpu.vector_store %arg13[%swap3A_148], %swap3A_151 {strides = array<i32>} : memref<1024xf32, #tpu.memory_space<vmem>>, vector<16xf32>,
    %swap3A_152 = arith.constant 576 : index
    %swap3A_153 = tpu.vector_load %arg13[%swap3A_152] {strides = array<i32>} : memref<1024xf32, #tpu.memory_space<vmem>>, vector<16xf32>,
    %swap3A_154 = vector.shape_cast %swap3A_153 : vector<16xf32> to vector<16xf32>
    %swap3A_155 = vector.shape_cast %broadcast_in_dim3A_3 : vector<16xf32> to vector<16xf32>
    tpu.vector_store %arg13[%swap3A_152], %swap3A_155 {strides = array<i32>} : memref<1024xf32, #tpu.memory_space<vmem>>, vector<16xf32>,
    %swap3A_156 = arith.constant 592 : index
    %swap3A_157 = tpu.vector_load %arg13[%swap3A_156] {strides = array<i32>} : memref<1024xf32, #tpu.memory_space<vmem>>, vector<16xf32>,
    %swap3A_158 = vector.shape_cast %swap3A_157 : vector<16xf32> to vector<16xf32>
    %swap3A_159 = vector.shape_cast %broadcast_in_dim3A_3 : vector<16xf32> to vector<16xf32>
    tpu.vector_store %arg13[%swap3A_156], %swap3A_159 {strides = array<i32>} : memref<1024xf32, #tpu.memory_space<vmem>>, vector<16xf32>,
    %swap3A_160 = arith.constant 608 : index
    %swap3A_161 = tpu.vector_load %arg13[%swap3A_160] {strides = array<i32>} : memref<1024xf32, #tpu.memory_space<vmem>>, vector<16xf32>,
    %swap3A_162 = vector.shape_cast %swap3A_161 : vector<16xf32> to vector<16xf32>
    %swap3A_163 = vector.shape_cast %broadcast_in_dim3A_3 : vector<16xf32> to vector<16xf32>
    tpu.vector_store %arg13[%swap3A_160], %swap3A_163 {strides = array<i32>} : memref<1024xf32, #tpu.memory_space<vmem>>, vector<16xf32>,
    %swap3A_164 = arith.constant 624 : index
    %swap3A_165 = tpu.vector_load %arg13[%swap3A_164] {strides = array<i32>} : memref<1024xf32, #tpu.memory_space<vmem>>, vector<16xf32>,
    %swap3A_166 = vector.shape_cast %swap3A_165 : vector<16xf32> to vector<16xf32>
    %swap3A_167 = vector.shape_cast %broadcast_in_dim3A_3 : vector<16xf32> to vector<16xf32>
    tpu.vector_store %arg13[%swap3A_164], %swap3A_167 {strides = array<i32>} : memref<1024xf32, #tpu.memory_space<vmem>>, vector<16xf32>,
    %swap3A_168 = arith.constant 640 : index
    %swap3A_169 = tpu.vector_load %arg13[%swap3A_168] {strides = array<i32>} : memref<1024xf32, #tpu.memory_space<vmem>>, vector<16xf32>,
    %swap3A_170 = vector.shape_cast %swap3A_169 : vector<16xf32> to vector<16xf32>
    %swap3A_171 = vector.shape_cast %broadcast_in_dim3A_3 : vector<16xf32> to vector<16xf32>
    tpu.vector_store %arg13[%swap3A_168], %swap3A_171 {strides = array<i32>} : memref<1024xf32, #tpu.memory_space<vmem>>, vector<16xf32>,
    %swap3A_172 = arith.constant 656 : index
    %swap3A_173 = tpu.vector_load %arg13[%swap3A_172] {strides = array<i32>} : memref<1024xf32, #tpu.memory_space<vmem>>, vector<16xf32>,
    %swap3A_174 = vector.shape_cast %swap3A_173 : vector<16xf32> to vector<16xf32>
    %swap3A_175 = vector.shape_cast %broadcast_in_dim3A_3 : vector<16xf32> to vector<16xf32>
    tpu.vector_store %arg13[%swap3A_172], %swap3A_175 {strides = array<i32>} : memref<1024xf32, #tpu.memory_space<vmem>>, vector<16xf32>,
    %swap3A_176 = arith.constant 672 : index
    %swap3A_177 = tpu.vector_load %arg13[%swap3A_176] {strides = array<i32>} : memref<1024xf32, #tpu.memory_space<vmem>>, vector<16xf32>,
    %swap3A_178 = vector.shape_cast %swap3A_177 : vector<16xf32> to vector<16xf32>
    %swap3A_179 = vector.shape_cast %broadcast_in_dim3A_3 : vector<16xf32> to vector<16xf32>
    tpu.vector_store %arg13[%swap3A_176], %swap3A_179 {strides = array<i32>} : memref<1024xf32, #tpu.memory_space<vmem>>, vector<16xf32>,
    %swap3A_180 = arith.constant 688 : index
    %swap3A_181 = tpu.vector_load %arg13[%swap3A_180] {strides = array<i32>} : memref<1024xf32, #tpu.memory_space<vmem>>, vector<16xf32>,
    %swap3A_182 = vector.shape_cast %swap3A_181 : vector<16xf32> to vector<16xf32>
    %swap3A_183 = vector.shape_cast %broadcast_in_dim3A_3 : vector<16xf32> to vector<16xf32>
    tpu.vector_store %arg13[%swap3A_180], %swap3A_183 {strides = array<i32>} : memref<1024xf32, #tpu.memory_space<vmem>>, vector<16xf32>,
    %swap3A_184 = arith.constant 704 : index
    %swap3A_185 = tpu.vector_load %arg13[%swap3A_184] {strides = array<i32>} : memref<1024xf32, #tpu.memory_space<vmem>>, vector<16xf32>,
    %swap3A_186 = vector.shape_cast %swap3A_185 : vector<16xf32> to vector<16xf32>
    %swap3A_187 = vector.shape_cast %broadcast_in_dim3A_3 : vector<16xf32> to vector<16xf32>
    tpu.vector_store %arg13[%swap3A_184], %swap3A_187 {strides = array<i32>} : memref<1024xf32, #tpu.memory_space<vmem>>, vector<16xf32>,
    %swap3A_188 = arith.constant 720 : index
    %swap3A_189 = tpu.vector_load %arg13[%swap3A_188] {strides = array<i32>} : memref<1024xf32, #tpu.memory_space<vmem>>, vector<16xf32>,
    %swap3A_190 = vector.shape_cast %swap3A_189 : vector<16xf32> to vector<16xf32>
    %swap3A_191 = vector.shape_cast %broadcast_in_dim3A_3 : vector<16xf32> to vector<16xf32>
    tpu.vector_store %arg13[%swap3A_188], %swap3A_191 {strides = array<i32>} : memref<1024xf32, #tpu.memory_space<vmem>>, vector<16xf32>,
    %swap3A_192 = arith.constant 736 : index
    %swap3A_193 = tpu.vector_load %arg13[%swap3A_192] {strides = array<i32>} : memref<1024xf32, #tpu.memory_space<vmem>>, vector<16xf32>,
    %swap3A_194 = vector.shape_cast %swap3A_193 : vector<16xf32> to vector<16xf32>
    %swap3A_195 = vector.shape_cast %broadcast_in_dim3A_3 : vector<16xf32> to vector<16xf32>
    tpu.vector_store %arg13[%swap3A_192], %swap3A_195 {strides = array<i32>} : memref<1024xf32, #tpu.memory_space<vmem>>, vector<16xf32>,
    %swap3A_196 = arith.constant 752 : index
    %swap3A_197 = tpu.vector_load %arg13[%swap3A_196] {strides = array<i32>} : memref<1024xf32, #tpu.memory_space<vmem>>, vector<16xf32>,
    %swap3A_198 = vector.shape_cast %swap3A_197 : vector<16xf32> to vector<16xf32>
    %swap3A_199 = vector.shape_cast %broadcast_in_dim3A_3 : vector<16xf32> to vector<16xf32>
    tpu.vector_store %arg13[%swap3A_196], %swap3A_199 {strides = array<i32>} : memref<1024xf32, #tpu.memory_space<vmem>>, vector<16xf32>,
    %swap3A_200 = arith.constant 768 : index
    %swap3A_201 = tpu.vector_load %arg13[%swap3A_200] {strides = array<i32>} : memref<1024xf32, #tpu.memory_space<vmem>>, vector<16xf32>,
    %swap3A_202 = vector.shape_cast %swap3A_201 : vector<16xf32> to vector<16xf32>
    %swap3A_203 = vector.shape_cast %broadcast_in_dim3A_3 : vector<16xf32> to vector<16xf32>
    tpu.vector_store %arg13[%swap3A_200], %swap3A_203 {strides = array<i32>} : memref<1024xf32, #tpu.memory_space<vmem>>, vector<16xf32>,
    %swap3A_204 = arith.constant 784 : index
    %swap3A_205 = tpu.vector_load %arg13[%swap3A_204] {strides = array<i32>} : memref<1024xf32, #tpu.memory_space<vmem>>, vector<16xf32>,
    %swap3A_206 = vector.shape_cast %swap3A_205 : vector<16xf32> to vector<16xf32>
    %swap3A_207 = vector.shape_cast %broadcast_in_dim3A_3 : vector<16xf32> to vector<16xf32>
    tpu.vector_store %arg13[%swap3A_204], %swap3A_207 {strides = array<i32>} : memref<1024xf32, #tpu.memory_space<vmem>>, vector<16xf32>,
    %swap3A_208 = arith.constant 800 : index
    %swap3A_209 = tpu.vector_load %arg13[%swap3A_208] {strides = array<i32>} : memref<1024xf32, #tpu.memory_space<vmem>>, vector<16xf32>,
    %swap3A_210 = vector.shape_cast %swap3A_209 : vector<16xf32> to vector<16xf32>
    %swap3A_211 = vector.shape_cast %broadcast_in_dim3A_3 : vector<16xf32> to vector<16xf32>
    tpu.vector_store %arg13[%swap3A_208], %swap3A_211 {strides = array<i32>} : memref<1024xf32, #tpu.memory_space<vmem>>, vector<16xf32>,
    %swap3A_212 = arith.constant 816 : index
    %swap3A_213 = tpu.vector_load %arg13[%swap3A_212] {strides = array<i32>} : memref<1024xf32, #tpu.memory_space<vmem>>, vector<16xf32>,
    %swap3A_214 = vector.shape_cast %swap3A_213 : vector<16xf32> to vector<16xf32>
    %swap3A_215 = vector.shape_cast %broadcast_in_dim3A_3 : vector<16xf32> to vector<16xf32>
    tpu.vector_store %arg13[%swap3A_212], %swap3A_215 {strides = array<i32>} : memref<1024xf32, #tpu.memory_space<vmem>>, vector<16xf32>,
    %swap3A_216 = arith.constant 832 : index
    %swap3A_217 = tpu.vector_load %arg13[%swap3A_216] {strides = array<i32>} : memref<1024xf32, #tpu.memory_space<vmem>>, vector<16xf32>,
    %swap3A_218 = vector.shape_cast %swap3A_217 : vector<16xf32> to vector<16xf32>
    %swap3A_219 = vector.shape_cast %broadcast_in_dim3A_3 : vector<16xf32> to vector<16xf32>
    tpu.vector_store %arg13[%swap3A_216], %swap3A_219 {strides = array<i32>} : memref<1024xf32, #tpu.memory_space<vmem>>, vector<16xf32>,
    %swap3A_220 = arith.constant 848 : index
    %swap3A_221 = tpu.vector_load %arg13[%swap3A_220] {strides = array<i32>} : memref<1024xf32, #tpu.memory_space<vmem>>, vector<16xf32>,
    %swap3A_222 = vector.shape_cast %swap3A_221 : vector<16xf32> to vector<16xf32>
    %swap3A_223 = vector.shape_cast %broadcast_in_dim3A_3 : vector<16xf32> to vector<16xf32>
    tpu.vector_store %arg13[%swap3A_220], %swap3A_223 {strides = array<i32>} : memref<1024xf32, #tpu.memory_space<vmem>>, vector<16xf32>,
    %swap3A_224 = arith.constant 864 : index
    %swap3A_225 = tpu.vector_load %arg13[%swap3A_224] {strides = array<i32>} : memref<1024xf32, #tpu.memory_space<vmem>>, vector<16xf32>,
    %swap3A_226 = vector.shape_cast %swap3A_225 : vector<16xf32> to vector<16xf32>
    %swap3A_227 = vector.shape_cast %broadcast_in_dim3A_3 : vector<16xf32> to vector<16xf32>
    tpu.vector_store %arg13[%swap3A_224], %swap3A_227 {strides = array<i32>} : memref<1024xf32, #tpu.memory_space<vmem>>, vector<16xf32>,
    %swap3A_228 = arith.constant 880 : index
    %swap3A_229 = tpu.vector_load %arg13[%swap3A_228] {strides = array<i32>} : memref<1024xf32, #tpu.memory_space<vmem>>, vector<16xf32>,
    %swap3A_230 = vector.shape_cast %swap3A_229 : vector<16xf32> to vector<16xf32>
    %swap3A_231 = vector.shape_cast %broadcast_in_dim3A_3 : vector<16xf32> to vector<16xf32>
    tpu.vector_store %arg13[%swap3A_228], %swap3A_231 {strides = array<i32>} : memref<1024xf32, #tpu.memory_space<vmem>>, vector<16xf32>,
    %swap3A_232 = arith.constant 896 : index
    %swap3A_233 = tpu.vector_load %arg13[%swap3A_232] {strides = array<i32>} : memref<1024xf32, #tpu.memory_space<vmem>>, vector<16xf32>,
    %swap3A_234 = vector.shape_cast %swap3A_233 : vector<16xf32> to vector<16xf32>
    %swap3A_235 = vector.shape_cast %broadcast_in_dim3A_3 : vector<16xf32> to vector<16xf32>
    tpu.vector_store %arg13[%swap3A_232], %swap3A_235 {strides = array<i32>} : memref<1024xf32, #tpu.memory_space<vmem>>, vector<16xf32>,
    %swap3A_236 = arith.constant 912 : index
    %swap3A_237 = tpu.vector_load %arg13[%swap3A_236] {strides = array<i32>} : memref<1024xf32, #tpu.memory_space<vmem>>, vector<16xf32>,
    %swap3A_238 = vector.shape_cast %swap3A_237 : vector<16xf32> to vector<16xf32>
    %swap3A_239 = vector.shape_cast %broadcast_in_dim3A_3 : vector<16xf32> to vector<16xf32>
    tpu.vector_store %arg13[%swap3A_236], %swap3A_239 {strides = array<i32>} : memref<1024xf32, #tpu.memory_space<vmem>>, vector<16xf32>,
    %swap3A_240 = arith.constant 928 : index
    %swap3A_241 = tpu.vector_load %arg13[%swap3A_240] {strides = array<i32>} : memref<1024xf32, #tpu.memory_space<vmem>>, vector<16xf32>,
    %swap3A_242 = vector.shape_cast %swap3A_241 : vector<16xf32> to vector<16xf32>
    %swap3A_243 = vector.shape_cast %broadcast_in_dim3A_3 : vector<16xf32> to vector<16xf32>
    tpu.vector_store %arg13[%swap3A_240], %swap3A_243 {strides = array<i32>} : memref<1024xf32, #tpu.memory_space<vmem>>, vector<16xf32>,
    %swap3A_244 = arith.constant 944 : index
    %swap3A_245 = tpu.vector_load %arg13[%swap3A_244] {strides = array<i32>} : memref<1024xf32, #tpu.memory_space<vmem>>, vector<16xf32>,
    %swap3A_246 = vector.shape_cast %swap3A_245 : vector<16xf32> to vector<16xf32>
    %swap3A_247 = vector.shape_cast %broadcast_in_dim3A_3 : vector<16xf32> to vector<16xf32>
    tpu.vector_store %arg13[%swap3A_244], %swap3A_247 {strides = array<i32>} : memref<1024xf32, #tpu.memory_space<vmem>>, vector<16xf32>,
    %swap3A_248 = arith.constant 960 : index
    %swap3A_249 = tpu.vector_load %arg13[%swap3A_248] {strides = array<i32>} : memref<1024xf32, #tpu.memory_space<vmem>>, vector<16xf32>,
    %swap3A_250 = vector.shape_cast %swap3A_249 : vector<16xf32> to vector<16xf32>
    %swap3A_251 = vector.shape_cast %broadcast_in_dim3A_3 : vector<16xf32> to vector<16xf32>
    tpu.vector_store %arg13[%swap3A_248], %swap3A_251 {strides = array<i32>} : memref<1024xf32, #tpu.memory_space<vmem>>, vector<16xf32>,
    %swap3A_252 = arith.constant 976 : index
    %swap3A_253 = tpu.vector_load %arg13[%swap3A_252] {strides = array<i32>} : memref<1024xf32, #tpu.memory_space<vmem>>, vector<16xf32>,
    %swap3A_254 = vector.shape_cast %swap3A_253 : vector<16xf32> to vector<16xf32>
    %swap3A_255 = vector.shape_cast %broadcast_in_dim3A_3 : vector<16xf32> to vector<16xf32>
    tpu.vector_store %arg13[%swap3A_252], %swap3A_255 {strides = array<i32>} : memref<1024xf32, #tpu.memory_space<vmem>>, vector<16xf32>,
    %swap3A_256 = arith.constant 992 : index
    %swap3A_257 = tpu.vector_load %arg13[%swap3A_256] {strides = array<i32>} : memref<1024xf32, #tpu.memory_space<vmem>>, vector<16xf32>,
    %swap3A_258 = vector.shape_cast %swap3A_257 : vector<16xf32> to vector<16xf32>
    %swap3A_259 = vector.shape_cast %broadcast_in_dim3A_3 : vector<16xf32> to vector<16xf32>
    tpu.vector_store %arg13[%swap3A_256], %swap3A_259 {strides = array<i32>} : memref<1024xf32, #tpu.memory_space<vmem>>, vector<16xf32>,
    %swap3A_260 = arith.constant 1008 : index
    %swap3A_261 = tpu.vector_load %arg13[%swap3A_260] {strides = array<i32>} : memref<1024xf32, #tpu.memory_space<vmem>>, vector<16xf32>,
    %swap3A_262 = vector.shape_cast %swap3A_261 : vector<16xf32> to vector<16xf32>
    %swap3A_263 = vector.shape_cast %broadcast_in_dim3A_3 : vector<16xf32> to vector<16xf32>
    tpu.vector_store %arg13[%swap3A_260], %swap3A_263 {strides = array<i32>} : memref<1024xf32, #tpu.memory_space<vmem>>, vector<16xf32>,
    %add3A_264 = arith.constant 0 : i32
    %add3A_265 = arith.addi %add3A_264, %mul3A_2 : i32
    "tpu.region"() ({
      %run_scoped3A = tpu.sem_alloc : memref<!tpu.dma_semaphore, #tpu.memory_space<semaphore_mem>>
      %dma_start3A = arith.constant 0 : i32
      %dma_start3A_309 = tpu.memref_slice %arg13[%dma_start3A] : memref<1024xf32, #tpu.memory_space<vmem>> -> memref<640xf32, #tpu.memory_space<vmem>>
      %dma_start3A_310 = tpu.memref_slice %arg16[%add3A_265] : memref<40960xf32, #tpu.memory_space<vmem_shared>> -> memref<640xf32, #tpu.memory_space<vmem_shared>>
      %dma_start3A_311 = tpu.memref_slice %arg16[%add3A_265] : memref<40960xf32, #tpu.memory_space<vmem_shared>> -> memref<640xf32, #tpu.memory_space<vmem_shared>>
      %dma_start3A_312 = arith.constant 0 : i32
      %dma_start3A_313 = tpu.memref_slice %arg13[%dma_start3A_312] : memref<1024xf32, #tpu.memory_space<vmem>> -> memref<640xf32, #tpu.memory_space<vmem>>
      tpu.enqueue_dma source(%dma_start3A_313 : memref<640xf32, #tpu.memory_space<vmem>>) target(%dma_start3A_311 : memref<640xf32, #tpu.memory_space<vmem_shared>>) target_semaphore(%run_scoped3A : memref<!tpu.dma_semaphore, #tpu.memory_space<semaphore_mem>>)
      %dma_wait3A = arith.constant 0 : i32
      %dma_wait3A_314 = tpu.memref_slice %arg13[%dma_wait3A] : memref<1024xf32, #tpu.memory_space<vmem>> -> memref<640xf32, #tpu.memory_space<vmem>>
      %dma_wait3A_315 = tpu.memref_slice %arg16[%add3A_265] : memref<40960xf32, #tpu.memory_space<vmem_shared>> -> memref<640xf32, #tpu.memory_space<vmem_shared>>
      %dma_wait3A_316 = tpu.memref_slice %arg16[%add3A_265] : memref<40960xf32, #tpu.memory_space<vmem_shared>> -> memref<640xf32, #tpu.memory_space<vmem_shared>>
      %dma_wait3A_317 = arith.constant 0 : i32
      %dma_wait3A_318 = tpu.memref_slice %arg13[%dma_wait3A_317] : memref<1024xf32, #tpu.memory_space<vmem>> -> memref<640xf32, #tpu.memory_space<vmem>>
      tpu.wait_dma2 semaphore(%run_scoped3A : memref<!tpu.dma_semaphore, #tpu.memory_space<semaphore_mem>>) src(%dma_wait3A_318 : memref<640xf32, #tpu.memory_space<vmem>>) dst(%dma_wait3A_316 : memref<640xf32, #tpu.memory_space<vmem_shared>>)
      tpu.yield
    }) : () -> ()
    %add3A_266 = arith.constant 10240 : i32
    %add3A_267 = arith.addi %add3A_266, %mul3A_2 : i32
    "tpu.region"() ({
      %run_scoped3A = tpu.sem_alloc : memref<!tpu.dma_semaphore, #tpu.memory_space<semaphore_mem>>
      %dma_start3A = arith.constant 0 : i32
      %dma_start3A_309 = tpu.memref_slice %arg13[%dma_start3A] : memref<1024xf32, #tpu.memory_space<vmem>> -> memref<640xf32, #tpu.memory_space<vmem>>
      %dma_start3A_310 = tpu.memref_slice %arg16[%add3A_267] : memref<40960xf32, #tpu.memory_space<vmem_shared>> -> memref<640xf32, #tpu.memory_space<vmem_shared>>
      %dma_start3A_311 = tpu.memref_slice %arg16[%add3A_267] : memref<40960xf32, #tpu.memory_space<vmem_shared>> -> memref<640xf32, #tpu.memory_space<vmem_shared>>
      %dma_start3A_312 = arith.constant 0 : i32
      %dma_start3A_313 = tpu.memref_slice %arg13[%dma_start3A_312] : memref<1024xf32, #tpu.memory_space<vmem>> -> memref<640xf32, #tpu.memory_space<vmem>>
      tpu.enqueue_dma source(%dma_start3A_313 : memref<640xf32, #tpu.memory_space<vmem>>) target(%dma_start3A_311 : memref<640xf32, #tpu.memory_space<vmem_shared>>) target_semaphore(%run_scoped3A : memref<!tpu.dma_semaphore, #tpu.memory_space<semaphore_mem>>)
      %dma_wait3A = arith.constant 0 : i32
      %dma_wait3A_314 = tpu.memref_slice %arg13[%dma_wait3A] : memref<1024xf32, #tpu.memory_space<vmem>> -> memref<640xf32, #tpu.memory_space<vmem>>
      %dma_wait3A_315 = tpu.memref_slice %arg16[%add3A_267] : memref<40960xf32, #tpu.memory_space<vmem_shared>> -> memref<640xf32, #tpu.memory_space<vmem_shared>>
      %dma_wait3A_316 = tpu.memref_slice %arg16[%add3A_267] : memref<40960xf32, #tpu.memory_space<vmem_shared>> -> memref<640xf32, #tpu.memory_space<vmem_shared>>
      %dma_wait3A_317 = arith.constant 0 : i32
      %dma_wait3A_318 = tpu.memref_slice %arg13[%dma_wait3A_317] : memref<1024xf32, #tpu.memory_space<vmem>> -> memref<640xf32, #tpu.memory_space<vmem>>
      tpu.wait_dma2 semaphore(%run_scoped3A : memref<!tpu.dma_semaphore, #tpu.memory_space<semaphore_mem>>) src(%dma_wait3A_318 : memref<640xf32, #tpu.memory_space<vmem>>) dst(%dma_wait3A_316 : memref<640xf32, #tpu.memory_space<vmem_shared>>)
      tpu.yield
    }) : () -> ()
    %add3A_268 = arith.constant 20480 : i32
    %add3A_269 = arith.addi %add3A_268, %mul3A_2 : i32
    "tpu.region"() ({
      %run_scoped3A = tpu.sem_alloc : memref<!tpu.dma_semaphore, #tpu.memory_space<semaphore_mem>>
      %dma_start3A = arith.constant 0 : i32
      %dma_start3A_309 = tpu.memref_slice %arg13[%dma_start3A] : memref<1024xf32, #tpu.memory_space<vmem>> -> memref<640xf32, #tpu.memory_space<vmem>>
      %dma_start3A_310 = tpu.memref_slice %arg16[%add3A_269] : memref<40960xf32, #tpu.memory_space<vmem_shared>> -> memref<640xf32, #tpu.memory_space<vmem_shared>>
      %dma_start3A_311 = tpu.memref_slice %arg16[%add3A_269] : memref<40960xf32, #tpu.memory_space<vmem_shared>> -> memref<640xf32, #tpu.memory_space<vmem_shared>>
      %dma_start3A_312 = arith.constant 0 : i32
      %dma_start3A_313 = tpu.memref_slice %arg13[%dma_start3A_312] : memref<1024xf32, #tpu.memory_space<vmem>> -> memref<640xf32, #tpu.memory_space<vmem>>
      tpu.enqueue_dma source(%dma_start3A_313 : memref<640xf32, #tpu.memory_space<vmem>>) target(%dma_start3A_311 : memref<640xf32, #tpu.memory_space<vmem_shared>>) target_semaphore(%run_scoped3A : memref<!tpu.dma_semaphore, #tpu.memory_space<semaphore_mem>>)
      %dma_wait3A = arith.constant 0 : i32
      %dma_wait3A_314 = tpu.memref_slice %arg13[%dma_wait3A] : memref<1024xf32, #tpu.memory_space<vmem>> -> memref<640xf32, #tpu.memory_space<vmem>>
      %dma_wait3A_315 = tpu.memref_slice %arg16[%add3A_269] : memref<40960xf32, #tpu.memory_space<vmem_shared>> -> memref<640xf32, #tpu.memory_space<vmem_shared>>
      %dma_wait3A_316 = tpu.memref_slice %arg16[%add3A_269] : memref<40960xf32, #tpu.memory_space<vmem_shared>> -> memref<640xf32, #tpu.memory_space<vmem_shared>>
      %dma_wait3A_317 = arith.constant 0 : i32
      %dma_wait3A_318 = tpu.memref_slice %arg13[%dma_wait3A_317] : memref<1024xf32, #tpu.memory_space<vmem>> -> memref<640xf32, #tpu.memory_space<vmem>>
      tpu.wait_dma2 semaphore(%run_scoped3A : memref<!tpu.dma_semaphore, #tpu.memory_space<semaphore_mem>>) src(%dma_wait3A_318 : memref<640xf32, #tpu.memory_space<vmem>>) dst(%dma_wait3A_316 : memref<640xf32, #tpu.memory_space<vmem_shared>>)
      tpu.yield
    }) : () -> ()
    %add3A_270 = arith.constant 30720 : i32
    %add3A_271 = arith.addi %add3A_270, %mul3A_2 : i32
    "tpu.region"() ({
      %run_scoped3A = tpu.sem_alloc : memref<!tpu.dma_semaphore, #tpu.memory_space<semaphore_mem>>
      %dma_start3A = arith.constant 0 : i32
      %dma_start3A_309 = tpu.memref_slice %arg13[%dma_start3A] : memref<1024xf32, #tpu.memory_space<vmem>> -> memref<640xf32, #tpu.memory_space<vmem>>
      %dma_start3A_310 = tpu.memref_slice %arg16[%add3A_271] : memref<40960xf32, #tpu.memory_space<vmem_shared>> -> memref<640xf32, #tpu.memory_space<vmem_shared>>
      %dma_start3A_311 = tpu.memref_slice %arg16[%add3A_271] : memref<40960xf32, #tpu.memory_space<vmem_shared>> -> memref<640xf32, #tpu.memory_space<vmem_shared>>
      %dma_start3A_312 = arith.constant 0 : i32
      %dma_start3A_313 = tpu.memref_slice %arg13[%dma_start3A_312] : memref<1024xf32, #tpu.memory_space<vmem>> -> memref<640xf32, #tpu.memory_space<vmem>>
      tpu.enqueue_dma source(%dma_start3A_313 : memref<640xf32, #tpu.memory_space<vmem>>) target(%dma_start3A_311 : memref<640xf32, #tpu.memory_space<vmem_shared>>) target_semaphore(%run_scoped3A : memref<!tpu.dma_semaphore, #tpu.memory_space<semaphore_mem>>)
      %dma_wait3A = arith.constant 0 : i32
      %dma_wait3A_314 = tpu.memref_slice %arg13[%dma_wait3A] : memref<1024xf32, #tpu.memory_space<vmem>> -> memref<640xf32, #tpu.memory_space<vmem>>
      %dma_wait3A_315 = tpu.memref_slice %arg16[%add3A_271] : memref<40960xf32, #tpu.memory_space<vmem_shared>> -> memref<640xf32, #tpu.memory_space<vmem_shared>>
      %dma_wait3A_316 = tpu.memref_slice %arg16[%add3A_271] : memref<40960xf32, #tpu.memory_space<vmem_shared>> -> memref<640xf32, #tpu.memory_space<vmem_shared>>
      %dma_wait3A_317 = arith.constant 0 : i32
      %dma_wait3A_318 = tpu.memref_slice %arg13[%dma_wait3A_317] : memref<1024xf32, #tpu.memory_space<vmem>> -> memref<640xf32, #tpu.memory_space<vmem>>
      tpu.wait_dma2 semaphore(%run_scoped3A : memref<!tpu.dma_semaphore, #tpu.memory_space<semaphore_mem>>) src(%dma_wait3A_318 : memref<640xf32, #tpu.memory_space<vmem>>) dst(%dma_wait3A_316 : memref<640xf32, #tpu.memory_space<vmem_shared>>)
      tpu.yield
    }) : () -> ()
    %add3A_272 = arith.constant 0 : i32
    %add3A_273 = arith.addi %mul3A_2, %add3A_272 : i32
    "tpu.region"() ({
      %run_scoped3A = tpu.sem_alloc : memref<!tpu.dma_semaphore, #tpu.memory_space<semaphore_mem>>
      %dma_start3A = arith.constant 0 : i32
      %dma_start3A_309 = tpu.memref_slice %arg17[%add3A_273, %dma_start3A] : memref<10240x128xf32, #tpu.memory_space<vmem_shared>> -> memref<128x128xf32, #tpu.memory_space<vmem_shared>>
      %dma_start3A_310 = arith.constant 0 : i32
      %dma_start3A_311 = tpu.memref_slice %arg17[%add3A_273, %dma_start3A_310] : memref<10240x128xf32, #tpu.memory_space<vmem_shared>> -> memref<128x128xf32, #tpu.memory_space<vmem_shared>>
      tpu.enqueue_dma source(%arg14 : memref<128x128xf32, #tpu.memory_space<vmem>>) target(%dma_start3A_311 : memref<128x128xf32, #tpu.memory_space<vmem_shared>>) target_semaphore(%run_scoped3A : memref<!tpu.dma_semaphore, #tpu.memory_space<semaphore_mem>>)
      %dma_wait3A = arith.constant 0 : i32
      %dma_wait3A_312 = tpu.memref_slice %arg17[%add3A_273, %dma_wait3A] : memref<10240x128xf32, #tpu.memory_space<vmem_shared>> -> memref<128x128xf32, #tpu.memory_space<vmem_shared>>
      %dma_wait3A_313 = arith.constant 0 : i32
      %dma_wait3A_314 = tpu.memref_slice %arg17[%add3A_273, %dma_wait3A_313] : memref<10240x128xf32, #tpu.memory_space<vmem_shared>> -> memref<128x128xf32, #tpu.memory_space<vmem_shared>>
      tpu.wait_dma2 semaphore(%run_scoped3A : memref<!tpu.dma_semaphore, #tpu.memory_space<semaphore_mem>>) src(%arg14 : memref<128x128xf32, #tpu.memory_space<vmem>>) dst(%dma_wait3A_314 : memref<128x128xf32, #tpu.memory_space<vmem_shared>>)
      tpu.yield
    }) : () -> ()
    %add3A_274 = arith.constant 128 : i32
    %add3A_275 = arith.addi %mul3A_2, %add3A_274 : i32
    "tpu.region"() ({
      %run_scoped3A = tpu.sem_alloc : memref<!tpu.dma_semaphore, #tpu.memory_space<semaphore_mem>>
      %dma_start3A = arith.constant 0 : i32
      %dma_start3A_309 = tpu.memref_slice %arg17[%add3A_275, %dma_start3A] : memref<10240x128xf32, #tpu.memory_space<vmem_shared>> -> memref<128x128xf32, #tpu.memory_space<vmem_shared>>
      %dma_start3A_310 = arith.constant 0 : i32
      %dma_start3A_311 = tpu.memref_slice %arg17[%add3A_275, %dma_start3A_310] : memref<10240x128xf32, #tpu.memory_space<vmem_shared>> -> memref<128x128xf32, #tpu.memory_space<vmem_shared>>
      tpu.enqueue_dma source(%arg14 : memref<128x128xf32, #tpu.memory_space<vmem>>) target(%dma_start3A_311 : memref<128x128xf32, #tpu.memory_space<vmem_shared>>) target_semaphore(%run_scoped3A : memref<!tpu.dma_semaphore, #tpu.memory_space<semaphore_mem>>)
      %dma_wait3A = arith.constant 0 : i32
      %dma_wait3A_312 = tpu.memref_slice %arg17[%add3A_275, %dma_wait3A] : memref<10240x128xf32, #tpu.memory_space<vmem_shared>> -> memref<128x128xf32, #tpu.memory_space<vmem_shared>>
      %dma_wait3A_313 = arith.constant 0 : i32
      %dma_wait3A_314 = tpu.memref_slice %arg17[%add3A_275, %dma_wait3A_313] : memref<10240x128xf32, #tpu.memory_space<vmem_shared>> -> memref<128x128xf32, #tpu.memory_space<vmem_shared>>
      tpu.wait_dma2 semaphore(%run_scoped3A : memref<!tpu.dma_semaphore, #tpu.memory_space<semaphore_mem>>) src(%arg14 : memref<128x128xf32, #tpu.memory_space<vmem>>) dst(%dma_wait3A_314 : memref<128x128xf32, #tpu.memory_space<vmem_shared>>)
      tpu.yield
    }) : () -> ()
    %add3A_276 = arith.constant 256 : i32
    %add3A_277 = arith.addi %mul3A_2, %add3A_276 : i32
    "tpu.region"() ({
      %run_scoped3A = tpu.sem_alloc : memref<!tpu.dma_semaphore, #tpu.memory_space<semaphore_mem>>
      %dma_start3A = arith.constant 0 : i32
      %dma_start3A_309 = tpu.memref_slice %arg17[%add3A_277, %dma_start3A] : memref<10240x128xf32, #tpu.memory_space<vmem_shared>> -> memref<128x128xf32, #tpu.memory_space<vmem_shared>>
      %dma_start3A_310 = arith.constant 0 : i32
      %dma_start3A_311 = tpu.memref_slice %arg17[%add3A_277, %dma_start3A_310] : memref<10240x128xf32, #tpu.memory_space<vmem_shared>> -> memref<128x128xf32, #tpu.memory_space<vmem_shared>>
      tpu.enqueue_dma source(%arg14 : memref<128x128xf32, #tpu.memory_space<vmem>>) target(%dma_start3A_311 : memref<128x128xf32, #tpu.memory_space<vmem_shared>>) target_semaphore(%run_scoped3A : memref<!tpu.dma_semaphore, #tpu.memory_space<semaphore_mem>>)
      %dma_wait3A = arith.constant 0 : i32
      %dma_wait3A_312 = tpu.memref_slice %arg17[%add3A_277, %dma_wait3A] : memref<10240x128xf32, #tpu.memory_space<vmem_shared>> -> memref<128x128xf32, #tpu.memory_space<vmem_shared>>
      %dma_wait3A_313 = arith.constant 0 : i32
      %dma_wait3A_314 = tpu.memref_slice %arg17[%add3A_277, %dma_wait3A_313] : memref<10240x128xf32, #tpu.memory_space<vmem_shared>> -> memref<128x128xf32, #tpu.memory_space<vmem_shared>>
      tpu.wait_dma2 semaphore(%run_scoped3A : memref<!tpu.dma_semaphore, #tpu.memory_space<semaphore_mem>>) src(%arg14 : memref<128x128xf32, #tpu.memory_space<vmem>>) dst(%dma_wait3A_314 : memref<128x128xf32, #tpu.memory_space<vmem_shared>>)
      tpu.yield
    }) : () -> ()
    %add3A_278 = arith.constant 384 : i32
    %add3A_279 = arith.addi %mul3A_2, %add3A_278 : i32
    "tpu.region"() ({
      %run_scoped3A = tpu.sem_alloc : memref<!tpu.dma_semaphore, #tpu.memory_space<semaphore_mem>>
      %dma_start3A = arith.constant 0 : i32
      %dma_start3A_309 = tpu.memref_slice %arg17[%add3A_279, %dma_start3A] : memref<10240x128xf32, #tpu.memory_space<vmem_shared>> -> memref<128x128xf32, #tpu.memory_space<vmem_shared>>
      %dma_start3A_310 = arith.constant 0 : i32
      %dma_start3A_311 = tpu.memref_slice %arg17[%add3A_279, %dma_start3A_310] : memref<10240x128xf32, #tpu.memory_space<vmem_shared>> -> memref<128x128xf32, #tpu.memory_space<vmem_shared>>
      tpu.enqueue_dma source(%arg14 : memref<128x128xf32, #tpu.memory_space<vmem>>) target(%dma_start3A_311 : memref<128x128xf32, #tpu.memory_space<vmem_shared>>) target_semaphore(%run_scoped3A : memref<!tpu.dma_semaphore, #tpu.memory_space<semaphore_mem>>)
      %dma_wait3A = arith.constant 0 : i32
      %dma_wait3A_312 = tpu.memref_slice %arg17[%add3A_279, %dma_wait3A] : memref<10240x128xf32, #tpu.memory_space<vmem_shared>> -> memref<128x128xf32, #tpu.memory_space<vmem_shared>>
      %dma_wait3A_313 = arith.constant 0 : i32
      %dma_wait3A_314 = tpu.memref_slice %arg17[%add3A_279, %dma_wait3A_313] : memref<10240x128xf32, #tpu.memory_space<vmem_shared>> -> memref<128x128xf32, #tpu.memory_space<vmem_shared>>
      tpu.wait_dma2 semaphore(%run_scoped3A : memref<!tpu.dma_semaphore, #tpu.memory_space<semaphore_mem>>) src(%arg14 : memref<128x128xf32, #tpu.memory_space<vmem>>) dst(%dma_wait3A_314 : memref<128x128xf32, #tpu.memory_space<vmem_shared>>)
      tpu.yield
    }) : () -> ()
    %add3A_280 = arith.constant 512 : i32
    %add3A_281 = arith.addi %mul3A_2, %add3A_280 : i32
    "tpu.region"() ({
      %run_scoped3A = tpu.sem_alloc : memref<!tpu.dma_semaphore, #tpu.memory_space<semaphore_mem>>
      %dma_start3A = arith.constant 0 : i32
      %dma_start3A_309 = tpu.memref_slice %arg17[%add3A_281, %dma_start3A] : memref<10240x128xf32, #tpu.memory_space<vmem_shared>> -> memref<128x128xf32, #tpu.memory_space<vmem_shared>>
      %dma_start3A_310 = arith.constant 0 : i32
      %dma_start3A_311 = tpu.memref_slice %arg17[%add3A_281, %dma_start3A_310] : memref<10240x128xf32, #tpu.memory_space<vmem_shared>> -> memref<128x128xf32, #tpu.memory_space<vmem_shared>>
      tpu.enqueue_dma source(%arg14 : memref<128x128xf32, #tpu.memory_space<vmem>>) target(%dma_start3A_311 : memref<128x128xf32, #tpu.memory_space<vmem_shared>>) target_semaphore(%run_scoped3A : memref<!tpu.dma_semaphore, #tpu.memory_space<semaphore_mem>>)
      %dma_wait3A = arith.constant 0 : i32
      %dma_wait3A_312 = tpu.memref_slice %arg17[%add3A_281, %dma_wait3A] : memref<10240x128xf32, #tpu.memory_space<vmem_shared>> -> memref<128x128xf32, #tpu.memory_space<vmem_shared>>
      %dma_wait3A_313 = arith.constant 0 : i32
      %dma_wait3A_314 = tpu.memref_slice %arg17[%add3A_281, %dma_wait3A_313] : memref<10240x128xf32, #tpu.memory_space<vmem_shared>> -> memref<128x128xf32, #tpu.memory_space<vmem_shared>>
      tpu.wait_dma2 semaphore(%run_scoped3A : memref<!tpu.dma_semaphore, #tpu.memory_space<semaphore_mem>>) src(%arg14 : memref<128x128xf32, #tpu.memory_space<vmem>>) dst(%dma_wait3A_314 : memref<128x128xf32, #tpu.memory_space<vmem_shared>>)
      tpu.yield
    }) : () -> ()
    %barrier3A = arith.constant 0 : index
    tpu.barrier barrier_id(%barrier3A)
    "tpu.region"() ({
      %run_scoped3A = tpu.sem_alloc : memref<!tpu.dma_semaphore, #tpu.memory_space<semaphore_mem>>
      tpu.enqueue_dma source(%arg5 : memref<8x128xf32, #tpu.memory_space<hbm>>) target(%arg15 : memref<8x128xf32, #tpu.memory_space<vmem>>) target_semaphore(%run_scoped3A : memref<!tpu.dma_semaphore, #tpu.memory_space<semaphore_mem>>)
      tpu.wait_dma2 semaphore(%run_scoped3A : memref<!tpu.dma_semaphore, #tpu.memory_space<semaphore_mem>>) src(%arg5 : memref<8x128xf32, #tpu.memory_space<hbm>>) dst(%arg15 : memref<8x128xf32, #tpu.memory_space<vmem>>)
      tpu.yield
    }) : () -> ()
    %scan3A_282 = arith.constant 0 : i32
    %scan3A_283 = arith.constant 0 : i32
    %scan3A_284 = arith.constant 78 : i32
    %scan3A_285 = arith.addi %scan3A_283, %scan3A_284 : i32
    %scan3A_286 = arith.constant 1 : i32
    scf.for %scan3A_309 = %scan3A_283 to %scan3A_285 step %scan3A_286  : i32 {
      %mul3A_310 = arith.constant 32 : i32
      %mul3A_311 = arith.muli %scan3A_309, %mul3A_310 : i32
      %add3A_312 = arith.addi %mul3A_311, %add3A : i32
      %mul3A_313 = arith.constant 128 : i32
      %mul3A_314 = arith.muli %add3A_312, %mul3A_313 : i32
      "tpu.region"() ({
        %run_scoped3A = tpu.sem_alloc : memref<!tpu.dma_semaphore, #tpu.memory_space<semaphore_mem>>
        %dma_start3A_1052 = tpu.memref_slice %arg2[%mul3A_314] : memref<320000xi32, #tpu.memory_space<hbm>> -> memref<128xi32, #tpu.memory_space<hbm>>
        %dma_start3A_1053 = tpu.memref_slice %arg2[%mul3A_314] : memref<320000xi32, #tpu.memory_space<hbm>> -> memref<128xi32, #tpu.memory_space<hbm>>
        tpu.enqueue_dma source(%dma_start3A_1053 : memref<128xi32, #tpu.memory_space<hbm>>) target(%arg9 : memref<128xi32, #tpu.memory_space<vmem>>) target_semaphore(%run_scoped3A : memref<!tpu.dma_semaphore, #tpu.memory_space<semaphore_mem>>)
        %dma_wait3A_1054 = tpu.memref_slice %arg2[%mul3A_314] : memref<320000xi32, #tpu.memory_space<hbm>> -> memref<128xi32, #tpu.memory_space<hbm>>
        %dma_wait3A_1055 = tpu.memref_slice %arg2[%mul3A_314] : memref<320000xi32, #tpu.memory_space<hbm>> -> memref<128xi32, #tpu.memory_space<hbm>>
        tpu.wait_dma2 semaphore(%run_scoped3A : memref<!tpu.dma_semaphore, #tpu.memory_space<semaphore_mem>>) src(%dma_wait3A_1055 : memref<128xi32, #tpu.memory_space<hbm>>) dst(%arg9 : memref<128xi32, #tpu.memory_space<vmem>>)
        tpu.yield
      }) : () -> ()
      "tpu.region"() ({
        %run_scoped3A = tpu.sem_alloc : memref<!tpu.dma_semaphore, #tpu.memory_space<semaphore_mem>>
        %dma_start3A_1052 = tpu.memref_slice %arg3[%mul3A_314] : memref<320000xi32, #tpu.memory_space<hbm>> -> memref<128xi32, #tpu.memory_space<hbm>>
        %dma_start3A_1053 = tpu.memref_slice %arg3[%mul3A_314] : memref<320000xi32, #tpu.memory_space<hbm>> -> memref<128xi32, #tpu.memory_space<hbm>>
        tpu.enqueue_dma source(%dma_start3A_1053 : memref<128xi32, #tpu.memory_space<hbm>>) target(%arg10 : memref<128xi32, #tpu.memory_space<vmem>>) target_semaphore(%run_scoped3A : memref<!tpu.dma_semaphore, #tpu.memory_space<semaphore_mem>>)
        %dma_wait3A_1054 = tpu.memref_slice %arg3[%mul3A_314] : memref<320000xi32, #tpu.memory_space<hbm>> -> memref<128xi32, #tpu.memory_space<hbm>>
        %dma_wait3A_1055 = tpu.memref_slice %arg3[%mul3A_314] : memref<320000xi32, #tpu.memory_space<hbm>> -> memref<128xi32, #tpu.memory_space<hbm>>
        tpu.wait_dma2 semaphore(%run_scoped3A : memref<!tpu.dma_semaphore, #tpu.memory_space<semaphore_mem>>) src(%dma_wait3A_1055 : memref<128xi32, #tpu.memory_space<hbm>>) dst(%arg10 : memref<128xi32, #tpu.memory_space<vmem>>)
        tpu.yield
      }) : () -> ()
      %dma_start3A = arith.constant 0 : i32
      %dma_start3A_315 = arith.constant 0 : i32
      %dma_start3A_316 = tpu.memref_slice %arg6[%dma_start3A, %dma_start3A_315] : memref<10000x128xf32, #tpu.memory_space<hbm>> -> memref<10000x128xf32, #tpu.memory_space<hbm>>
      tpu.enqueue_indirect_dma source(%dma_start3A_316 : memref<10000x128xf32, #tpu.memory_space<hbm>>) target(%arg14 : memref<128x128xf32, #tpu.memory_space<vmem>>) offsets(%arg9 : memref<128xi32, #tpu.memory_space<vmem>>) semaphore(%arg18 : memref<!tpu.dma_semaphore, #tpu.memory_space<semaphore_mem>>)
      "tpu.region"() ({
        %run_scoped3A = tpu.sem_alloc : memref<!tpu.dma_semaphore, #tpu.memory_space<semaphore_mem>>
        %dma_start3A_1052 = arith.constant 0 : i32
        %dma_start3A_1053 = tpu.memref_slice %arg4[%dma_start3A_1052, %mul3A_314] : memref<8x320000xf32, #tpu.memory_space<hbm>> -> memref<8x128xf32, #tpu.memory_space<hbm>>
        %dma_start3A_1054 = arith.constant 0 : i32
        %dma_start3A_1055 = tpu.memref_slice %arg4[%dma_start3A_1054, %mul3A_314] : memref<8x320000xf32, #tpu.memory_space<hbm>> -> memref<8x128xf32, #tpu.memory_space<hbm>>
        tpu.enqueue_dma source(%dma_start3A_1055 : memref<8x128xf32, #tpu.memory_space<hbm>>) target(%arg12 : memref<8x128xf32, #tpu.memory_space<vmem>>) target_semaphore(%run_scoped3A : memref<!tpu.dma_semaphore, #tpu.memory_space<semaphore_mem>>)
        %dma_wait3A_1056 = arith.constant 0 : i32
        %dma_wait3A_1057 = tpu.memref_slice %arg4[%dma_wait3A_1056, %mul3A_314] : memref<8x320000xf32, #tpu.memory_space<hbm>> -> memref<8x128xf32, #tpu.memory_space<hbm>>
        %dma_wait3A_1058 = arith.constant 0 : i32
        %dma_wait3A_1059 = tpu.memref_slice %arg4[%dma_wait3A_1058, %mul3A_314] : memref<8x320000xf32, #tpu.memory_space<hbm>> -> memref<8x128xf32, #tpu.memory_space<hbm>>
        tpu.wait_dma2 semaphore(%run_scoped3A : memref<!tpu.dma_semaphore, #tpu.memory_space<semaphore_mem>>) src(%dma_wait3A_1059 : memref<8x128xf32, #tpu.memory_space<hbm>>) dst(%arg12 : memref<8x128xf32, #tpu.memory_space<vmem>>)
        tpu.yield
      }) : () -> ()
      %get3A = arith.constant 0 : i32
      %get3A_317 = arith.index_cast %get3A : i32 to index
      %get3A_318 = arith.constant 0 : index
      %get3A_319 = tpu.vector_load %arg15[%get3A_317, %get3A_318] {strides = array<i32>} : memref<8x128xf32, #tpu.memory_space<vmem>>, vector<1x16xf32>,
      %get3A_320 = vector.shape_cast %get3A_319 : vector<1x16xf32> to vector<16xf32>
      %slice3A = vector.extract_strided_slice %get3A_320 {offsets = [0], sizes = [1], strides = [1]} : vector<16xf32> to vector<1xf32>
      %squeeze3A = vector.extract %slice3A[0] : f32 from vector<1xf32>
      %get3A_321 = arith.constant 0 : i32
      %get3A_322 = arith.index_cast %get3A_321 : i32 to index
      %get3A_323 = arith.constant 0 : index
      %get3A_324 = tpu.vector_load %arg12[%get3A_322, %get3A_323] {strides = array<i32>} : memref<8x128xf32, #tpu.memory_space<vmem>>, vector<1x16xf32>,
      %get3A_325 = vector.shape_cast %get3A_324 : vector<1x16xf32> to vector<16xf32>
      %sub3A = vector.broadcast %squeeze3A : f32 to vector<16xf32>
      %sub3A_326 = arith.subf %get3A_325, %sub3A : vector<16xf32>
      %exp3A = math.exp %sub3A_326 : vector<16xf32>
      %swap3A_327 = arith.constant 0 : index
      %swap3A_328 = tpu.vector_load %arg13[%swap3A_327] {strides = array<i32>} : memref<1024xf32, #tpu.memory_space<vmem>>, vector<16xf32>,
      %swap3A_329 = vector.shape_cast %swap3A_328 : vector<16xf32> to vector<16xf32>
      %swap3A_330 = vector.shape_cast %exp3A : vector<16xf32> to vector<16xf32>
      tpu.vector_store %arg13[%swap3A_327], %swap3A_330 {strides = array<i32>} : memref<1024xf32, #tpu.memory_space<vmem>>, vector<16xf32>,
      %get3A_331 = arith.constant 0 : i32
      %get3A_332 = arith.index_cast %get3A_331 : i32 to index
      %get3A_333 = arith.constant 16 : index
      %get3A_334 = tpu.vector_load %arg12[%get3A_332, %get3A_333] {strides = array<i32>} : memref<8x128xf32, #tpu.memory_space<vmem>>, vector<1x16xf32>,
      %get3A_335 = vector.shape_cast %get3A_334 : vector<1x16xf32> to vector<16xf32>
      %sub3A_336 = vector.broadcast %squeeze3A : f32 to vector<16xf32>
      %sub3A_337 = arith.subf %get3A_335, %sub3A_336 : vector<16xf32>
      %exp3A_338 = math.exp %sub3A_337 : vector<16xf32>
      %swap3A_339 = arith.constant 16 : index
      %swap3A_340 = tpu.vector_load %arg13[%swap3A_339] {strides = array<i32>} : memref<1024xf32, #tpu.memory_space<vmem>>, vector<16xf32>,
      %swap3A_341 = vector.shape_cast %swap3A_340 : vector<16xf32> to vector<16xf32>
      %swap3A_342 = vector.shape_cast %exp3A_338 : vector<16xf32> to vector<16xf32>
      tpu.vector_store %arg13[%swap3A_339], %swap3A_342 {strides = array<i32>} : memref<1024xf32, #tpu.memory_space<vmem>>, vector<16xf32>,
      %get3A_343 = arith.constant 0 : i32
      %get3A_344 = arith.index_cast %get3A_343 : i32 to index
      %get3A_345 = arith.constant 32 : index
      %get3A_346 = tpu.vector_load %arg12[%get3A_344, %get3A_345] {strides = array<i32>} : memref<8x128xf32, #tpu.memory_space<vmem>>, vector<1x16xf32>,
      %get3A_347 = vector.shape_cast %get3A_346 : vector<1x16xf32> to vector<16xf32>
      %sub3A_348 = vector.broadcast %squeeze3A : f32 to vector<16xf32>
      %sub3A_349 = arith.subf %get3A_347, %sub3A_348 : vector<16xf32>
      %exp3A_350 = math.exp %sub3A_349 : vector<16xf32>
      %swap3A_351 = arith.constant 32 : index
      %swap3A_352 = tpu.vector_load %arg13[%swap3A_351] {strides = array<i32>} : memref<1024xf32, #tpu.memory_space<vmem>>, vector<16xf32>,
      %swap3A_353 = vector.shape_cast %swap3A_352 : vector<16xf32> to vector<16xf32>
      %swap3A_354 = vector.shape_cast %exp3A_350 : vector<16xf32> to vector<16xf32>
      tpu.vector_store %arg13[%swap3A_351], %swap3A_354 {strides = array<i32>} : memref<1024xf32, #tpu.memory_space<vmem>>, vector<16xf32>,
      %get3A_355 = arith.constant 0 : i32
      %get3A_356 = arith.index_cast %get3A_355 : i32 to index
      %get3A_357 = arith.constant 48 : index
      %get3A_358 = tpu.vector_load %arg12[%get3A_356, %get3A_357] {strides = array<i32>} : memref<8x128xf32, #tpu.memory_space<vmem>>, vector<1x16xf32>,
      %get3A_359 = vector.shape_cast %get3A_358 : vector<1x16xf32> to vector<16xf32>
      %sub3A_360 = vector.broadcast %squeeze3A : f32 to vector<16xf32>
      %sub3A_361 = arith.subf %get3A_359, %sub3A_360 : vector<16xf32>
      %exp3A_362 = math.exp %sub3A_361 : vector<16xf32>
      %swap3A_363 = arith.constant 48 : index
      %swap3A_364 = tpu.vector_load %arg13[%swap3A_363] {strides = array<i32>} : memref<1024xf32, #tpu.memory_space<vmem>>, vector<16xf32>,
      %swap3A_365 = vector.shape_cast %swap3A_364 : vector<16xf32> to vector<16xf32>
      %swap3A_366 = vector.shape_cast %exp3A_362 : vector<16xf32> to vector<16xf32>
      tpu.vector_store %arg13[%swap3A_363], %swap3A_366 {strides = array<i32>} : memref<1024xf32, #tpu.memory_space<vmem>>, vector<16xf32>,
      %get3A_367 = arith.constant 0 : i32
      %get3A_368 = arith.index_cast %get3A_367 : i32 to index
      %get3A_369 = arith.constant 64 : index
      %get3A_370 = tpu.vector_load %arg12[%get3A_368, %get3A_369] {strides = array<i32>} : memref<8x128xf32, #tpu.memory_space<vmem>>, vector<1x16xf32>,
      %get3A_371 = vector.shape_cast %get3A_370 : vector<1x16xf32> to vector<16xf32>
      %sub3A_372 = vector.broadcast %squeeze3A : f32 to vector<16xf32>
      %sub3A_373 = arith.subf %get3A_371, %sub3A_372 : vector<16xf32>
      %exp3A_374 = math.exp %sub3A_373 : vector<16xf32>
      %swap3A_375 = arith.constant 64 : index
      %swap3A_376 = tpu.vector_load %arg13[%swap3A_375] {strides = array<i32>} : memref<1024xf32, #tpu.memory_space<vmem>>, vector<16xf32>,
      %swap3A_377 = vector.shape_cast %swap3A_376 : vector<16xf32> to vector<16xf32>
      %swap3A_378 = vector.shape_cast %exp3A_374 : vector<16xf32> to vector<16xf32>
      tpu.vector_store %arg13[%swap3A_375], %swap3A_378 {strides = array<i32>} : memref<1024xf32, #tpu.memory_space<vmem>>, vector<16xf32>,
      %get3A_379 = arith.constant 0 : i32
      %get3A_380 = arith.index_cast %get3A_379 : i32 to index
      %get3A_381 = arith.constant 80 : index
      %get3A_382 = tpu.vector_load %arg12[%get3A_380, %get3A_381] {strides = array<i32>} : memref<8x128xf32, #tpu.memory_space<vmem>>, vector<1x16xf32>,
      %get3A_383 = vector.shape_cast %get3A_382 : vector<1x16xf32> to vector<16xf32>
      %sub3A_384 = vector.broadcast %squeeze3A : f32 to vector<16xf32>
      %sub3A_385 = arith.subf %get3A_383, %sub3A_384 : vector<16xf32>
      %exp3A_386 = math.exp %sub3A_385 : vector<16xf32>
      %swap3A_387 = arith.constant 80 : index
      %swap3A_388 = tpu.vector_load %arg13[%swap3A_387] {strides = array<i32>} : memref<1024xf32, #tpu.memory_space<vmem>>, vector<16xf32>,
      %swap3A_389 = vector.shape_cast %swap3A_388 : vector<16xf32> to vector<16xf32>
      %swap3A_390 = vector.shape_cast %exp3A_386 : vector<16xf32> to vector<16xf32>
      tpu.vector_store %arg13[%swap3A_387], %swap3A_390 {strides = array<i32>} : memref<1024xf32, #tpu.memory_space<vmem>>, vector<16xf32>,
      %get3A_391 = arith.constant 0 : i32
      %get3A_392 = arith.index_cast %get3A_391 : i32 to index
      %get3A_393 = arith.constant 96 : index
      %get3A_394 = tpu.vector_load %arg12[%get3A_392, %get3A_393] {strides = array<i32>} : memref<8x128xf32, #tpu.memory_space<vmem>>, vector<1x16xf32>,
      %get3A_395 = vector.shape_cast %get3A_394 : vector<1x16xf32> to vector<16xf32>
      %sub3A_396 = vector.broadcast %squeeze3A : f32 to vector<16xf32>
      %sub3A_397 = arith.subf %get3A_395, %sub3A_396 : vector<16xf32>
      %exp3A_398 = math.exp %sub3A_397 : vector<16xf32>
      %swap3A_399 = arith.constant 96 : index
      %swap3A_400 = tpu.vector_load %arg13[%swap3A_399] {strides = array<i32>} : memref<1024xf32, #tpu.memory_space<vmem>>, vector<16xf32>,
      %swap3A_401 = vector.shape_cast %swap3A_400 : vector<16xf32> to vector<16xf32>
      %swap3A_402 = vector.shape_cast %exp3A_398 : vector<16xf32> to vector<16xf32>
      tpu.vector_store %arg13[%swap3A_399], %swap3A_402 {strides = array<i32>} : memref<1024xf32, #tpu.memory_space<vmem>>, vector<16xf32>,
      %get3A_403 = arith.constant 0 : i32
      %get3A_404 = arith.index_cast %get3A_403 : i32 to index
      %get3A_405 = arith.constant 112 : index
      %get3A_406 = tpu.vector_load %arg12[%get3A_404, %get3A_405] {strides = array<i32>} : memref<8x128xf32, #tpu.memory_space<vmem>>, vector<1x16xf32>,
      %get3A_407 = vector.shape_cast %get3A_406 : vector<1x16xf32> to vector<16xf32>
      %sub3A_408 = vector.broadcast %squeeze3A : f32 to vector<16xf32>
      %sub3A_409 = arith.subf %get3A_407, %sub3A_408 : vector<16xf32>
      %exp3A_410 = math.exp %sub3A_409 : vector<16xf32>
      %swap3A_411 = arith.constant 112 : index
      %swap3A_412 = tpu.vector_load %arg13[%swap3A_411] {strides = array<i32>} : memref<1024xf32, #tpu.memory_space<vmem>>, vector<16xf32>,
      %swap3A_413 = vector.shape_cast %swap3A_412 : vector<16xf32> to vector<16xf32>
      %swap3A_414 = vector.shape_cast %exp3A_410 : vector<16xf32> to vector<16xf32>
      tpu.vector_store %arg13[%swap3A_411], %swap3A_414 {strides = array<i32>} : memref<1024xf32, #tpu.memory_space<vmem>>, vector<16xf32>,
      %get3A_415 = arith.constant 1 : i32
      %get3A_416 = arith.index_cast %get3A_415 : i32 to index
      %get3A_417 = arith.constant 0 : index
      %get3A_418 = tpu.vector_load %arg15[%get3A_416, %get3A_417] {strides = array<i32>} : memref<8x128xf32, #tpu.memory_space<vmem>>, vector<1x16xf32>,
      %get3A_419 = vector.shape_cast %get3A_418 : vector<1x16xf32> to vector<16xf32>
      %slice3A_420 = vector.extract_strided_slice %get3A_419 {offsets = [0], sizes = [1], strides = [1]} : vector<16xf32> to vector<1xf32>
      %squeeze3A_421 = vector.extract %slice3A_420[0] : f32 from vector<1xf32>
      %get3A_422 = arith.constant 1 : i32
      %get3A_423 = arith.index_cast %get3A_422 : i32 to index
      %get3A_424 = arith.constant 0 : index
      %get3A_425 = tpu.vector_load %arg12[%get3A_423, %get3A_424] {strides = array<i32>} : memref<8x128xf32, #tpu.memory_space<vmem>>, vector<1x16xf32>,
      %get3A_426 = vector.shape_cast %get3A_425 : vector<1x16xf32> to vector<16xf32>
      %sub3A_427 = vector.broadcast %squeeze3A_421 : f32 to vector<16xf32>
      %sub3A_428 = arith.subf %get3A_426, %sub3A_427 : vector<16xf32>
      %exp3A_429 = math.exp %sub3A_428 : vector<16xf32>
      %swap3A_430 = arith.constant 128 : index
      %swap3A_431 = tpu.vector_load %arg13[%swap3A_430] {strides = array<i32>} : memref<1024xf32, #tpu.memory_space<vmem>>, vector<16xf32>,
      %swap3A_432 = vector.shape_cast %swap3A_431 : vector<16xf32> to vector<16xf32>
      %swap3A_433 = vector.shape_cast %exp3A_429 : vector<16xf32> to vector<16xf32>
      tpu.vector_store %arg13[%swap3A_430], %swap3A_433 {strides = array<i32>} : memref<1024xf32, #tpu.memory_space<vmem>>, vector<16xf32>,
      %get3A_434 = arith.constant 1 : i32
      %get3A_435 = arith.index_cast %get3A_434 : i32 to index
      %get3A_436 = arith.constant 16 : index
      %get3A_437 = tpu.vector_load %arg12[%get3A_435, %get3A_436] {strides = array<i32>} : memref<8x128xf32, #tpu.memory_space<vmem>>, vector<1x16xf32>,
      %get3A_438 = vector.shape_cast %get3A_437 : vector<1x16xf32> to vector<16xf32>
      %sub3A_439 = vector.broadcast %squeeze3A_421 : f32 to vector<16xf32>
      %sub3A_440 = arith.subf %get3A_438, %sub3A_439 : vector<16xf32>
      %exp3A_441 = math.exp %sub3A_440 : vector<16xf32>
      %swap3A_442 = arith.constant 144 : index
      %swap3A_443 = tpu.vector_load %arg13[%swap3A_442] {strides = array<i32>} : memref<1024xf32, #tpu.memory_space<vmem>>, vector<16xf32>,
      %swap3A_444 = vector.shape_cast %swap3A_443 : vector<16xf32> to vector<16xf32>
      %swap3A_445 = vector.shape_cast %exp3A_441 : vector<16xf32> to vector<16xf32>
      tpu.vector_store %arg13[%swap3A_442], %swap3A_445 {strides = array<i32>} : memref<1024xf32, #tpu.memory_space<vmem>>, vector<16xf32>,
      %get3A_446 = arith.constant 1 : i32
      %get3A_447 = arith.index_cast %get3A_446 : i32 to index
      %get3A_448 = arith.constant 32 : index
      %get3A_449 = tpu.vector_load %arg12[%get3A_447, %get3A_448] {strides = array<i32>} : memref<8x128xf32, #tpu.memory_space<vmem>>, vector<1x16xf32>,
      %get3A_450 = vector.shape_cast %get3A_449 : vector<1x16xf32> to vector<16xf32>
      %sub3A_451 = vector.broadcast %squeeze3A_421 : f32 to vector<16xf32>
      %sub3A_452 = arith.subf %get3A_450, %sub3A_451 : vector<16xf32>
      %exp3A_453 = math.exp %sub3A_452 : vector<16xf32>
      %swap3A_454 = arith.constant 160 : index
      %swap3A_455 = tpu.vector_load %arg13[%swap3A_454] {strides = array<i32>} : memref<1024xf32, #tpu.memory_space<vmem>>, vector<16xf32>,
      %swap3A_456 = vector.shape_cast %swap3A_455 : vector<16xf32> to vector<16xf32>
      %swap3A_457 = vector.shape_cast %exp3A_453 : vector<16xf32> to vector<16xf32>
      tpu.vector_store %arg13[%swap3A_454], %swap3A_457 {strides = array<i32>} : memref<1024xf32, #tpu.memory_space<vmem>>, vector<16xf32>,
      %get3A_458 = arith.constant 1 : i32
      %get3A_459 = arith.index_cast %get3A_458 : i32 to index
      %get3A_460 = arith.constant 48 : index
      %get3A_461 = tpu.vector_load %arg12[%get3A_459, %get3A_460] {strides = array<i32>} : memref<8x128xf32, #tpu.memory_space<vmem>>, vector<1x16xf32>,
      %get3A_462 = vector.shape_cast %get3A_461 : vector<1x16xf32> to vector<16xf32>
      %sub3A_463 = vector.broadcast %squeeze3A_421 : f32 to vector<16xf32>
      %sub3A_464 = arith.subf %get3A_462, %sub3A_463 : vector<16xf32>
      %exp3A_465 = math.exp %sub3A_464 : vector<16xf32>
      %swap3A_466 = arith.constant 176 : index
      %swap3A_467 = tpu.vector_load %arg13[%swap3A_466] {strides = array<i32>} : memref<1024xf32, #tpu.memory_space<vmem>>, vector<16xf32>,
      %swap3A_468 = vector.shape_cast %swap3A_467 : vector<16xf32> to vector<16xf32>
      %swap3A_469 = vector.shape_cast %exp3A_465 : vector<16xf32> to vector<16xf32>
      tpu.vector_store %arg13[%swap3A_466], %swap3A_469 {strides = array<i32>} : memref<1024xf32, #tpu.memory_space<vmem>>, vector<16xf32>,
      %get3A_470 = arith.constant 1 : i32
      %get3A_471 = arith.index_cast %get3A_470 : i32 to index
      %get3A_472 = arith.constant 64 : index
      %get3A_473 = tpu.vector_load %arg12[%get3A_471, %get3A_472] {strides = array<i32>} : memref<8x128xf32, #tpu.memory_space<vmem>>, vector<1x16xf32>,
      %get3A_474 = vector.shape_cast %get3A_473 : vector<1x16xf32> to vector<16xf32>
      %sub3A_475 = vector.broadcast %squeeze3A_421 : f32 to vector<16xf32>
      %sub3A_476 = arith.subf %get3A_474, %sub3A_475 : vector<16xf32>
      %exp3A_477 = math.exp %sub3A_476 : vector<16xf32>
      %swap3A_478 = arith.constant 192 : index
      %swap3A_479 = tpu.vector_load %arg13[%swap3A_478] {strides = array<i32>} : memref<1024xf32, #tpu.memory_space<vmem>>, vector<16xf32>,
      %swap3A_480 = vector.shape_cast %swap3A_479 : vector<16xf32> to vector<16xf32>
      %swap3A_481 = vector.shape_cast %exp3A_477 : vector<16xf32> to vector<16xf32>
      tpu.vector_store %arg13[%swap3A_478], %swap3A_481 {strides = array<i32>} : memref<1024xf32, #tpu.memory_space<vmem>>, vector<16xf32>,
      %get3A_482 = arith.constant 1 : i32
      %get3A_483 = arith.index_cast %get3A_482 : i32 to index
      %get3A_484 = arith.constant 80 : index
      %get3A_485 = tpu.vector_load %arg12[%get3A_483, %get3A_484] {strides = array<i32>} : memref<8x128xf32, #tpu.memory_space<vmem>>, vector<1x16xf32>,
      %get3A_486 = vector.shape_cast %get3A_485 : vector<1x16xf32> to vector<16xf32>
      %sub3A_487 = vector.broadcast %squeeze3A_421 : f32 to vector<16xf32>
      %sub3A_488 = arith.subf %get3A_486, %sub3A_487 : vector<16xf32>
      %exp3A_489 = math.exp %sub3A_488 : vector<16xf32>
      %swap3A_490 = arith.constant 208 : index
      %swap3A_491 = tpu.vector_load %arg13[%swap3A_490] {strides = array<i32>} : memref<1024xf32, #tpu.memory_space<vmem>>, vector<16xf32>,
      %swap3A_492 = vector.shape_cast %swap3A_491 : vector<16xf32> to vector<16xf32>
      %swap3A_493 = vector.shape_cast %exp3A_489 : vector<16xf32> to vector<16xf32>
      tpu.vector_store %arg13[%swap3A_490], %swap3A_493 {strides = array<i32>} : memref<1024xf32, #tpu.memory_space<vmem>>, vector<16xf32>,
      %get3A_494 = arith.constant 1 : i32
      %get3A_495 = arith.index_cast %get3A_494 : i32 to index
      %get3A_496 = arith.constant 96 : index
      %get3A_497 = tpu.vector_load %arg12[%get3A_495, %get3A_496] {strides = array<i32>} : memref<8x128xf32, #tpu.memory_space<vmem>>, vector<1x16xf32>,
      %get3A_498 = vector.shape_cast %get3A_497 : vector<1x16xf32> to vector<16xf32>
      %sub3A_499 = vector.broadcast %squeeze3A_421 : f32 to vector<16xf32>
      %sub3A_500 = arith.subf %get3A_498, %sub3A_499 : vector<16xf32>
      %exp3A_501 = math.exp %sub3A_500 : vector<16xf32>
      %swap3A_502 = arith.constant 224 : index
      %swap3A_503 = tpu.vector_load %arg13[%swap3A_502] {strides = array<i32>} : memref<1024xf32, #tpu.memory_space<vmem>>, vector<16xf32>,
      %swap3A_504 = vector.shape_cast %swap3A_503 : vector<16xf32> to vector<16xf32>
      %swap3A_505 = vector.shape_cast %exp3A_501 : vector<16xf32> to vector<16xf32>
      tpu.vector_store %arg13[%swap3A_502], %swap3A_505 {strides = array<i32>} : memref<1024xf32, #tpu.memory_space<vmem>>, vector<16xf32>,
      %get3A_506 = arith.constant 1 : i32
      %get3A_507 = arith.index_cast %get3A_506 : i32 to index
      %get3A_508 = arith.constant 112 : index
      %get3A_509 = tpu.vector_load %arg12[%get3A_507, %get3A_508] {strides = array<i32>} : memref<8x128xf32, #tpu.memory_space<vmem>>, vector<1x16xf32>,
      %get3A_510 = vector.shape_cast %get3A_509 : vector<1x16xf32> to vector<16xf32>
      %sub3A_511 = vector.broadcast %squeeze3A_421 : f32 to vector<16xf32>
      %sub3A_512 = arith.subf %get3A_510, %sub3A_511 : vector<16xf32>
      %exp3A_513 = math.exp %sub3A_512 : vector<16xf32>
      %swap3A_514 = arith.constant 240 : index
      %swap3A_515 = tpu.vector_load %arg13[%swap3A_514] {strides = array<i32>} : memref<1024xf32, #tpu.memory_space<vmem>>, vector<16xf32>,
      %swap3A_516 = vector.shape_cast %swap3A_515 : vector<16xf32> to vector<16xf32>
      %swap3A_517 = vector.shape_cast %exp3A_513 : vector<16xf32> to vector<16xf32>
      tpu.vector_store %arg13[%swap3A_514], %swap3A_517 {strides = array<i32>} : memref<1024xf32, #tpu.memory_space<vmem>>, vector<16xf32>,
      %get3A_518 = arith.constant 2 : i32
      %get3A_519 = arith.index_cast %get3A_518 : i32 to index
      %get3A_520 = arith.constant 0 : index
      %get3A_521 = tpu.vector_load %arg15[%get3A_519, %get3A_520] {strides = array<i32>} : memref<8x128xf32, #tpu.memory_space<vmem>>, vector<1x16xf32>,
      %get3A_522 = vector.shape_cast %get3A_521 : vector<1x16xf32> to vector<16xf32>
      %slice3A_523 = vector.extract_strided_slice %get3A_522 {offsets = [0], sizes = [1], strides = [1]} : vector<16xf32> to vector<1xf32>
      %squeeze3A_524 = vector.extract %slice3A_523[0] : f32 from vector<1xf32>
      %get3A_525 = arith.constant 2 : i32
      %get3A_526 = arith.index_cast %get3A_525 : i32 to index
      %get3A_527 = arith.constant 0 : index
      %get3A_528 = tpu.vector_load %arg12[%get3A_526, %get3A_527] {strides = array<i32>} : memref<8x128xf32, #tpu.memory_space<vmem>>, vector<1x16xf32>,
      %get3A_529 = vector.shape_cast %get3A_528 : vector<1x16xf32> to vector<16xf32>
      %sub3A_530 = vector.broadcast %squeeze3A_524 : f32 to vector<16xf32>
      %sub3A_531 = arith.subf %get3A_529, %sub3A_530 : vector<16xf32>
      %exp3A_532 = math.exp %sub3A_531 : vector<16xf32>
      %swap3A_533 = arith.constant 256 : index
      %swap3A_534 = tpu.vector_load %arg13[%swap3A_533] {strides = array<i32>} : memref<1024xf32, #tpu.memory_space<vmem>>, vector<16xf32>,
      %swap3A_535 = vector.shape_cast %swap3A_534 : vector<16xf32> to vector<16xf32>
      %swap3A_536 = vector.shape_cast %exp3A_532 : vector<16xf32> to vector<16xf32>
      tpu.vector_store %arg13[%swap3A_533], %swap3A_536 {strides = array<i32>} : memref<1024xf32, #tpu.memory_space<vmem>>, vector<16xf32>,
      %get3A_537 = arith.constant 2 : i32
      %get3A_538 = arith.index_cast %get3A_537 : i32 to index
      %get3A_539 = arith.constant 16 : index
      %get3A_540 = tpu.vector_load %arg12[%get3A_538, %get3A_539] {strides = array<i32>} : memref<8x128xf32, #tpu.memory_space<vmem>>, vector<1x16xf32>,
      %get3A_541 = vector.shape_cast %get3A_540 : vector<1x16xf32> to vector<16xf32>
      %sub3A_542 = vector.broadcast %squeeze3A_524 : f32 to vector<16xf32>
      %sub3A_543 = arith.subf %get3A_541, %sub3A_542 : vector<16xf32>
      %exp3A_544 = math.exp %sub3A_543 : vector<16xf32>
      %swap3A_545 = arith.constant 272 : index
      %swap3A_546 = tpu.vector_load %arg13[%swap3A_545] {strides = array<i32>} : memref<1024xf32, #tpu.memory_space<vmem>>, vector<16xf32>,
      %swap3A_547 = vector.shape_cast %swap3A_546 : vector<16xf32> to vector<16xf32>
      %swap3A_548 = vector.shape_cast %exp3A_544 : vector<16xf32> to vector<16xf32>
      tpu.vector_store %arg13[%swap3A_545], %swap3A_548 {strides = array<i32>} : memref<1024xf32, #tpu.memory_space<vmem>>, vector<16xf32>,
      %get3A_549 = arith.constant 2 : i32
      %get3A_550 = arith.index_cast %get3A_549 : i32 to index
      %get3A_551 = arith.constant 32 : index
      %get3A_552 = tpu.vector_load %arg12[%get3A_550, %get3A_551] {strides = array<i32>} : memref<8x128xf32, #tpu.memory_space<vmem>>, vector<1x16xf32>,
      %get3A_553 = vector.shape_cast %get3A_552 : vector<1x16xf32> to vector<16xf32>
      %sub3A_554 = vector.broadcast %squeeze3A_524 : f32 to vector<16xf32>
      %sub3A_555 = arith.subf %get3A_553, %sub3A_554 : vector<16xf32>
      %exp3A_556 = math.exp %sub3A_555 : vector<16xf32>
      %swap3A_557 = arith.constant 288 : index
      %swap3A_558 = tpu.vector_load %arg13[%swap3A_557] {strides = array<i32>} : memref<1024xf32, #tpu.memory_space<vmem>>, vector<16xf32>,
      %swap3A_559 = vector.shape_cast %swap3A_558 : vector<16xf32> to vector<16xf32>
      %swap3A_560 = vector.shape_cast %exp3A_556 : vector<16xf32> to vector<16xf32>
      tpu.vector_store %arg13[%swap3A_557], %swap3A_560 {strides = array<i32>} : memref<1024xf32, #tpu.memory_space<vmem>>, vector<16xf32>,
      %get3A_561 = arith.constant 2 : i32
      %get3A_562 = arith.index_cast %get3A_561 : i32 to index
      %get3A_563 = arith.constant 48 : index
      %get3A_564 = tpu.vector_load %arg12[%get3A_562, %get3A_563] {strides = array<i32>} : memref<8x128xf32, #tpu.memory_space<vmem>>, vector<1x16xf32>,
      %get3A_565 = vector.shape_cast %get3A_564 : vector<1x16xf32> to vector<16xf32>
      %sub3A_566 = vector.broadcast %squeeze3A_524 : f32 to vector<16xf32>
      %sub3A_567 = arith.subf %get3A_565, %sub3A_566 : vector<16xf32>
      %exp3A_568 = math.exp %sub3A_567 : vector<16xf32>
      %swap3A_569 = arith.constant 304 : index
      %swap3A_570 = tpu.vector_load %arg13[%swap3A_569] {strides = array<i32>} : memref<1024xf32, #tpu.memory_space<vmem>>, vector<16xf32>,
      %swap3A_571 = vector.shape_cast %swap3A_570 : vector<16xf32> to vector<16xf32>
      %swap3A_572 = vector.shape_cast %exp3A_568 : vector<16xf32> to vector<16xf32>
      tpu.vector_store %arg13[%swap3A_569], %swap3A_572 {strides = array<i32>} : memref<1024xf32, #tpu.memory_space<vmem>>, vector<16xf32>,
      %get3A_573 = arith.constant 2 : i32
      %get3A_574 = arith.index_cast %get3A_573 : i32 to index
      %get3A_575 = arith.constant 64 : index
      %get3A_576 = tpu.vector_load %arg12[%get3A_574, %get3A_575] {strides = array<i32>} : memref<8x128xf32, #tpu.memory_space<vmem>>, vector<1x16xf32>,
      %get3A_577 = vector.shape_cast %get3A_576 : vector<1x16xf32> to vector<16xf32>
      %sub3A_578 = vector.broadcast %squeeze3A_524 : f32 to vector<16xf32>
      %sub3A_579 = arith.subf %get3A_577, %sub3A_578 : vector<16xf32>
      %exp3A_580 = math.exp %sub3A_579 : vector<16xf32>
      %swap3A_581 = arith.constant 320 : index
      %swap3A_582 = tpu.vector_load %arg13[%swap3A_581] {strides = array<i32>} : memref<1024xf32, #tpu.memory_space<vmem>>, vector<16xf32>,
      %swap3A_583 = vector.shape_cast %swap3A_582 : vector<16xf32> to vector<16xf32>
      %swap3A_584 = vector.shape_cast %exp3A_580 : vector<16xf32> to vector<16xf32>
      tpu.vector_store %arg13[%swap3A_581], %swap3A_584 {strides = array<i32>} : memref<1024xf32, #tpu.memory_space<vmem>>, vector<16xf32>,
      %get3A_585 = arith.constant 2 : i32
      %get3A_586 = arith.index_cast %get3A_585 : i32 to index
      %get3A_587 = arith.constant 80 : index
      %get3A_588 = tpu.vector_load %arg12[%get3A_586, %get3A_587] {strides = array<i32>} : memref<8x128xf32, #tpu.memory_space<vmem>>, vector<1x16xf32>,
      %get3A_589 = vector.shape_cast %get3A_588 : vector<1x16xf32> to vector<16xf32>
      %sub3A_590 = vector.broadcast %squeeze3A_524 : f32 to vector<16xf32>
      %sub3A_591 = arith.subf %get3A_589, %sub3A_590 : vector<16xf32>
      %exp3A_592 = math.exp %sub3A_591 : vector<16xf32>
      %swap3A_593 = arith.constant 336 : index
      %swap3A_594 = tpu.vector_load %arg13[%swap3A_593] {strides = array<i32>} : memref<1024xf32, #tpu.memory_space<vmem>>, vector<16xf32>,
      %swap3A_595 = vector.shape_cast %swap3A_594 : vector<16xf32> to vector<16xf32>
      %swap3A_596 = vector.shape_cast %exp3A_592 : vector<16xf32> to vector<16xf32>
      tpu.vector_store %arg13[%swap3A_593], %swap3A_596 {strides = array<i32>} : memref<1024xf32, #tpu.memory_space<vmem>>, vector<16xf32>,
      %get3A_597 = arith.constant 2 : i32
      %get3A_598 = arith.index_cast %get3A_597 : i32 to index
      %get3A_599 = arith.constant 96 : index
      %get3A_600 = tpu.vector_load %arg12[%get3A_598, %get3A_599] {strides = array<i32>} : memref<8x128xf32, #tpu.memory_space<vmem>>, vector<1x16xf32>,
      %get3A_601 = vector.shape_cast %get3A_600 : vector<1x16xf32> to vector<16xf32>
      %sub3A_602 = vector.broadcast %squeeze3A_524 : f32 to vector<16xf32>
      %sub3A_603 = arith.subf %get3A_601, %sub3A_602 : vector<16xf32>
      %exp3A_604 = math.exp %sub3A_603 : vector<16xf32>
      %swap3A_605 = arith.constant 352 : index
      %swap3A_606 = tpu.vector_load %arg13[%swap3A_605] {strides = array<i32>} : memref<1024xf32, #tpu.memory_space<vmem>>, vector<16xf32>,
      %swap3A_607 = vector.shape_cast %swap3A_606 : vector<16xf32> to vector<16xf32>
      %swap3A_608 = vector.shape_cast %exp3A_604 : vector<16xf32> to vector<16xf32>
      tpu.vector_store %arg13[%swap3A_605], %swap3A_608 {strides = array<i32>} : memref<1024xf32, #tpu.memory_space<vmem>>, vector<16xf32>,
      %get3A_609 = arith.constant 2 : i32
      %get3A_610 = arith.index_cast %get3A_609 : i32 to index
      %get3A_611 = arith.constant 112 : index
      %get3A_612 = tpu.vector_load %arg12[%get3A_610, %get3A_611] {strides = array<i32>} : memref<8x128xf32, #tpu.memory_space<vmem>>, vector<1x16xf32>,
      %get3A_613 = vector.shape_cast %get3A_612 : vector<1x16xf32> to vector<16xf32>
      %sub3A_614 = vector.broadcast %squeeze3A_524 : f32 to vector<16xf32>
      %sub3A_615 = arith.subf %get3A_613, %sub3A_614 : vector<16xf32>
      %exp3A_616 = math.exp %sub3A_615 : vector<16xf32>
      %swap3A_617 = arith.constant 368 : index
      %swap3A_618 = tpu.vector_load %arg13[%swap3A_617] {strides = array<i32>} : memref<1024xf32, #tpu.memory_space<vmem>>, vector<16xf32>,
      %swap3A_619 = vector.shape_cast %swap3A_618 : vector<16xf32> to vector<16xf32>
      %swap3A_620 = vector.shape_cast %exp3A_616 : vector<16xf32> to vector<16xf32>
      tpu.vector_store %arg13[%swap3A_617], %swap3A_620 {strides = array<i32>} : memref<1024xf32, #tpu.memory_space<vmem>>, vector<16xf32>,
      %get3A_621 = arith.constant 3 : i32
      %get3A_622 = arith.index_cast %get3A_621 : i32 to index
      %get3A_623 = arith.constant 0 : index
      %get3A_624 = tpu.vector_load %arg15[%get3A_622, %get3A_623] {strides = array<i32>} : memref<8x128xf32, #tpu.memory_space<vmem>>, vector<1x16xf32>,
      %get3A_625 = vector.shape_cast %get3A_624 : vector<1x16xf32> to vector<16xf32>
      %slice3A_626 = vector.extract_strided_slice %get3A_625 {offsets = [0], sizes = [1], strides = [1]} : vector<16xf32> to vector<1xf32>
      %squeeze3A_627 = vector.extract %slice3A_626[0] : f32 from vector<1xf32>
      %get3A_628 = arith.constant 3 : i32
      %get3A_629 = arith.index_cast %get3A_628 : i32 to index
      %get3A_630 = arith.constant 0 : index
      %get3A_631 = tpu.vector_load %arg12[%get3A_629, %get3A_630] {strides = array<i32>} : memref<8x128xf32, #tpu.memory_space<vmem>>, vector<1x16xf32>,
      %get3A_632 = vector.shape_cast %get3A_631 : vector<1x16xf32> to vector<16xf32>
      %sub3A_633 = vector.broadcast %squeeze3A_627 : f32 to vector<16xf32>
      %sub3A_634 = arith.subf %get3A_632, %sub3A_633 : vector<16xf32>
      %exp3A_635 = math.exp %sub3A_634 : vector<16xf32>
      %swap3A_636 = arith.constant 384 : index
      %swap3A_637 = tpu.vector_load %arg13[%swap3A_636] {strides = array<i32>} : memref<1024xf32, #tpu.memory_space<vmem>>, vector<16xf32>,
      %swap3A_638 = vector.shape_cast %swap3A_637 : vector<16xf32> to vector<16xf32>
      %swap3A_639 = vector.shape_cast %exp3A_635 : vector<16xf32> to vector<16xf32>
      tpu.vector_store %arg13[%swap3A_636], %swap3A_639 {strides = array<i32>} : memref<1024xf32, #tpu.memory_space<vmem>>, vector<16xf32>,
      %get3A_640 = arith.constant 3 : i32
      %get3A_641 = arith.index_cast %get3A_640 : i32 to index
      %get3A_642 = arith.constant 16 : index
      %get3A_643 = tpu.vector_load %arg12[%get3A_641, %get3A_642] {strides = array<i32>} : memref<8x128xf32, #tpu.memory_space<vmem>>, vector<1x16xf32>,
      %get3A_644 = vector.shape_cast %get3A_643 : vector<1x16xf32> to vector<16xf32>
      %sub3A_645 = vector.broadcast %squeeze3A_627 : f32 to vector<16xf32>
      %sub3A_646 = arith.subf %get3A_644, %sub3A_645 : vector<16xf32>
      %exp3A_647 = math.exp %sub3A_646 : vector<16xf32>
      %swap3A_648 = arith.constant 400 : index
      %swap3A_649 = tpu.vector_load %arg13[%swap3A_648] {strides = array<i32>} : memref<1024xf32, #tpu.memory_space<vmem>>, vector<16xf32>,
      %swap3A_650 = vector.shape_cast %swap3A_649 : vector<16xf32> to vector<16xf32>
      %swap3A_651 = vector.shape_cast %exp3A_647 : vector<16xf32> to vector<16xf32>
      tpu.vector_store %arg13[%swap3A_648], %swap3A_651 {strides = array<i32>} : memref<1024xf32, #tpu.memory_space<vmem>>, vector<16xf32>,
      %get3A_652 = arith.constant 3 : i32
      %get3A_653 = arith.index_cast %get3A_652 : i32 to index
      %get3A_654 = arith.constant 32 : index
      %get3A_655 = tpu.vector_load %arg12[%get3A_653, %get3A_654] {strides = array<i32>} : memref<8x128xf32, #tpu.memory_space<vmem>>, vector<1x16xf32>,
      %get3A_656 = vector.shape_cast %get3A_655 : vector<1x16xf32> to vector<16xf32>
      %sub3A_657 = vector.broadcast %squeeze3A_627 : f32 to vector<16xf32>
      %sub3A_658 = arith.subf %get3A_656, %sub3A_657 : vector<16xf32>
      %exp3A_659 = math.exp %sub3A_658 : vector<16xf32>
      %swap3A_660 = arith.constant 416 : index
      %swap3A_661 = tpu.vector_load %arg13[%swap3A_660] {strides = array<i32>} : memref<1024xf32, #tpu.memory_space<vmem>>, vector<16xf32>,
      %swap3A_662 = vector.shape_cast %swap3A_661 : vector<16xf32> to vector<16xf32>
      %swap3A_663 = vector.shape_cast %exp3A_659 : vector<16xf32> to vector<16xf32>
      tpu.vector_store %arg13[%swap3A_660], %swap3A_663 {strides = array<i32>} : memref<1024xf32, #tpu.memory_space<vmem>>, vector<16xf32>,
      %get3A_664 = arith.constant 3 : i32
      %get3A_665 = arith.index_cast %get3A_664 : i32 to index
      %get3A_666 = arith.constant 48 : index
      %get3A_667 = tpu.vector_load %arg12[%get3A_665, %get3A_666] {strides = array<i32>} : memref<8x128xf32, #tpu.memory_space<vmem>>, vector<1x16xf32>,
      %get3A_668 = vector.shape_cast %get3A_667 : vector<1x16xf32> to vector<16xf32>
      %sub3A_669 = vector.broadcast %squeeze3A_627 : f32 to vector<16xf32>
      %sub3A_670 = arith.subf %get3A_668, %sub3A_669 : vector<16xf32>
      %exp3A_671 = math.exp %sub3A_670 : vector<16xf32>
      %swap3A_672 = arith.constant 432 : index
      %swap3A_673 = tpu.vector_load %arg13[%swap3A_672] {strides = array<i32>} : memref<1024xf32, #tpu.memory_space<vmem>>, vector<16xf32>,
      %swap3A_674 = vector.shape_cast %swap3A_673 : vector<16xf32> to vector<16xf32>
      %swap3A_675 = vector.shape_cast %exp3A_671 : vector<16xf32> to vector<16xf32>
      tpu.vector_store %arg13[%swap3A_672], %swap3A_675 {strides = array<i32>} : memref<1024xf32, #tpu.memory_space<vmem>>, vector<16xf32>,
      %get3A_676 = arith.constant 3 : i32
      %get3A_677 = arith.index_cast %get3A_676 : i32 to index
      %get3A_678 = arith.constant 64 : index
      %get3A_679 = tpu.vector_load %arg12[%get3A_677, %get3A_678] {strides = array<i32>} : memref<8x128xf32, #tpu.memory_space<vmem>>, vector<1x16xf32>,
      %get3A_680 = vector.shape_cast %get3A_679 : vector<1x16xf32> to vector<16xf32>
      %sub3A_681 = vector.broadcast %squeeze3A_627 : f32 to vector<16xf32>
      %sub3A_682 = arith.subf %get3A_680, %sub3A_681 : vector<16xf32>
      %exp3A_683 = math.exp %sub3A_682 : vector<16xf32>
      %swap3A_684 = arith.constant 448 : index
      %swap3A_685 = tpu.vector_load %arg13[%swap3A_684] {strides = array<i32>} : memref<1024xf32, #tpu.memory_space<vmem>>, vector<16xf32>,
      %swap3A_686 = vector.shape_cast %swap3A_685 : vector<16xf32> to vector<16xf32>
      %swap3A_687 = vector.shape_cast %exp3A_683 : vector<16xf32> to vector<16xf32>
      tpu.vector_store %arg13[%swap3A_684], %swap3A_687 {strides = array<i32>} : memref<1024xf32, #tpu.memory_space<vmem>>, vector<16xf32>,
      %get3A_688 = arith.constant 3 : i32
      %get3A_689 = arith.index_cast %get3A_688 : i32 to index
      %get3A_690 = arith.constant 80 : index
      %get3A_691 = tpu.vector_load %arg12[%get3A_689, %get3A_690] {strides = array<i32>} : memref<8x128xf32, #tpu.memory_space<vmem>>, vector<1x16xf32>,
      %get3A_692 = vector.shape_cast %get3A_691 : vector<1x16xf32> to vector<16xf32>
      %sub3A_693 = vector.broadcast %squeeze3A_627 : f32 to vector<16xf32>
      %sub3A_694 = arith.subf %get3A_692, %sub3A_693 : vector<16xf32>
      %exp3A_695 = math.exp %sub3A_694 : vector<16xf32>
      %swap3A_696 = arith.constant 464 : index
      %swap3A_697 = tpu.vector_load %arg13[%swap3A_696] {strides = array<i32>} : memref<1024xf32, #tpu.memory_space<vmem>>, vector<16xf32>,
      %swap3A_698 = vector.shape_cast %swap3A_697 : vector<16xf32> to vector<16xf32>
      %swap3A_699 = vector.shape_cast %exp3A_695 : vector<16xf32> to vector<16xf32>
      tpu.vector_store %arg13[%swap3A_696], %swap3A_699 {strides = array<i32>} : memref<1024xf32, #tpu.memory_space<vmem>>, vector<16xf32>,
      %get3A_700 = arith.constant 3 : i32
      %get3A_701 = arith.index_cast %get3A_700 : i32 to index
      %get3A_702 = arith.constant 96 : index
      %get3A_703 = tpu.vector_load %arg12[%get3A_701, %get3A_702] {strides = array<i32>} : memref<8x128xf32, #tpu.memory_space<vmem>>, vector<1x16xf32>,
      %get3A_704 = vector.shape_cast %get3A_703 : vector<1x16xf32> to vector<16xf32>
      %sub3A_705 = vector.broadcast %squeeze3A_627 : f32 to vector<16xf32>
      %sub3A_706 = arith.subf %get3A_704, %sub3A_705 : vector<16xf32>
      %exp3A_707 = math.exp %sub3A_706 : vector<16xf32>
      %swap3A_708 = arith.constant 480 : index
      %swap3A_709 = tpu.vector_load %arg13[%swap3A_708] {strides = array<i32>} : memref<1024xf32, #tpu.memory_space<vmem>>, vector<16xf32>,
      %swap3A_710 = vector.shape_cast %swap3A_709 : vector<16xf32> to vector<16xf32>
      %swap3A_711 = vector.shape_cast %exp3A_707 : vector<16xf32> to vector<16xf32>
      tpu.vector_store %arg13[%swap3A_708], %swap3A_711 {strides = array<i32>} : memref<1024xf32, #tpu.memory_space<vmem>>, vector<16xf32>,
      %get3A_712 = arith.constant 3 : i32
      %get3A_713 = arith.index_cast %get3A_712 : i32 to index
      %get3A_714 = arith.constant 112 : index
      %get3A_715 = tpu.vector_load %arg12[%get3A_713, %get3A_714] {strides = array<i32>} : memref<8x128xf32, #tpu.memory_space<vmem>>, vector<1x16xf32>,
      %get3A_716 = vector.shape_cast %get3A_715 : vector<1x16xf32> to vector<16xf32>
      %sub3A_717 = vector.broadcast %squeeze3A_627 : f32 to vector<16xf32>
      %sub3A_718 = arith.subf %get3A_716, %sub3A_717 : vector<16xf32>
      %exp3A_719 = math.exp %sub3A_718 : vector<16xf32>
      %swap3A_720 = arith.constant 496 : index
      %swap3A_721 = tpu.vector_load %arg13[%swap3A_720] {strides = array<i32>} : memref<1024xf32, #tpu.memory_space<vmem>>, vector<16xf32>,
      %swap3A_722 = vector.shape_cast %swap3A_721 : vector<16xf32> to vector<16xf32>
      %swap3A_723 = vector.shape_cast %exp3A_719 : vector<16xf32> to vector<16xf32>
      tpu.vector_store %arg13[%swap3A_720], %swap3A_723 {strides = array<i32>} : memref<1024xf32, #tpu.memory_space<vmem>>, vector<16xf32>,
      %get3A_724 = arith.constant 0 : index
      %get3A_725 = tpu.vector_load %arg10[%get3A_724] {strides = array<i32>} : memref<128xi32, #tpu.memory_space<vmem>>, vector<16xi32>,
      %get3A_726 = vector.shape_cast %get3A_725 : vector<16xi32> to vector<16xi32>
      %add3A_727 = arith.constant 0 : i32
      %add3A_728 = vector.broadcast %add3A_727 : i32 to vector<16xi32>
      %add3A_729 = arith.addi %get3A_726, %add3A_728 : vector<16xi32>
      %swap3A_730 = arith.constant 0 : index
      %swap3A_731 = tpu.vector_load %arg11[%swap3A_730] {strides = array<i32>} : memref<128xi32, #tpu.memory_space<vmem>>, vector<16xi32>,
      %swap3A_732 = vector.shape_cast %swap3A_731 : vector<16xi32> to vector<16xi32>
      %swap3A_733 = vector.shape_cast %add3A_729 : vector<16xi32> to vector<16xi32>
      tpu.vector_store %arg11[%swap3A_730], %swap3A_733 {strides = array<i32>} : memref<128xi32, #tpu.memory_space<vmem>>, vector<16xi32>,
      %get3A_734 = arith.constant 16 : index
      %get3A_735 = tpu.vector_load %arg10[%get3A_734] {strides = array<i32>} : memref<128xi32, #tpu.memory_space<vmem>>, vector<16xi32>,
      %get3A_736 = vector.shape_cast %get3A_735 : vector<16xi32> to vector<16xi32>
      %add3A_737 = arith.constant 0 : i32
      %add3A_738 = vector.broadcast %add3A_737 : i32 to vector<16xi32>
      %add3A_739 = arith.addi %get3A_736, %add3A_738 : vector<16xi32>
      %swap3A_740 = arith.constant 16 : index
      %swap3A_741 = tpu.vector_load %arg11[%swap3A_740] {strides = array<i32>} : memref<128xi32, #tpu.memory_space<vmem>>, vector<16xi32>,
      %swap3A_742 = vector.shape_cast %swap3A_741 : vector<16xi32> to vector<16xi32>
      %swap3A_743 = vector.shape_cast %add3A_739 : vector<16xi32> to vector<16xi32>
      tpu.vector_store %arg11[%swap3A_740], %swap3A_743 {strides = array<i32>} : memref<128xi32, #tpu.memory_space<vmem>>, vector<16xi32>,
      %get3A_744 = arith.constant 32 : index
      %get3A_745 = tpu.vector_load %arg10[%get3A_744] {strides = array<i32>} : memref<128xi32, #tpu.memory_space<vmem>>, vector<16xi32>,
      %get3A_746 = vector.shape_cast %get3A_745 : vector<16xi32> to vector<16xi32>
      %add3A_747 = arith.constant 0 : i32
      %add3A_748 = vector.broadcast %add3A_747 : i32 to vector<16xi32>
      %add3A_749 = arith.addi %get3A_746, %add3A_748 : vector<16xi32>
      %swap3A_750 = arith.constant 32 : index
      %swap3A_751 = tpu.vector_load %arg11[%swap3A_750] {strides = array<i32>} : memref<128xi32, #tpu.memory_space<vmem>>, vector<16xi32>,
      %swap3A_752 = vector.shape_cast %swap3A_751 : vector<16xi32> to vector<16xi32>
      %swap3A_753 = vector.shape_cast %add3A_749 : vector<16xi32> to vector<16xi32>
      tpu.vector_store %arg11[%swap3A_750], %swap3A_753 {strides = array<i32>} : memref<128xi32, #tpu.memory_space<vmem>>, vector<16xi32>,
      %get3A_754 = arith.constant 48 : index
      %get3A_755 = tpu.vector_load %arg10[%get3A_754] {strides = array<i32>} : memref<128xi32, #tpu.memory_space<vmem>>, vector<16xi32>,
      %get3A_756 = vector.shape_cast %get3A_755 : vector<16xi32> to vector<16xi32>
      %add3A_757 = arith.constant 0 : i32
      %add3A_758 = vector.broadcast %add3A_757 : i32 to vector<16xi32>
      %add3A_759 = arith.addi %get3A_756, %add3A_758 : vector<16xi32>
      %swap3A_760 = arith.constant 48 : index
      %swap3A_761 = tpu.vector_load %arg11[%swap3A_760] {strides = array<i32>} : memref<128xi32, #tpu.memory_space<vmem>>, vector<16xi32>,
      %swap3A_762 = vector.shape_cast %swap3A_761 : vector<16xi32> to vector<16xi32>
      %swap3A_763 = vector.shape_cast %add3A_759 : vector<16xi32> to vector<16xi32>
      tpu.vector_store %arg11[%swap3A_760], %swap3A_763 {strides = array<i32>} : memref<128xi32, #tpu.memory_space<vmem>>, vector<16xi32>,
      %get3A_764 = arith.constant 64 : index
      %get3A_765 = tpu.vector_load %arg10[%get3A_764] {strides = array<i32>} : memref<128xi32, #tpu.memory_space<vmem>>, vector<16xi32>,
      %get3A_766 = vector.shape_cast %get3A_765 : vector<16xi32> to vector<16xi32>
      %add3A_767 = arith.constant 0 : i32
      %add3A_768 = vector.broadcast %add3A_767 : i32 to vector<16xi32>
      %add3A_769 = arith.addi %get3A_766, %add3A_768 : vector<16xi32>
      %swap3A_770 = arith.constant 64 : index
      %swap3A_771 = tpu.vector_load %arg11[%swap3A_770] {strides = array<i32>} : memref<128xi32, #tpu.memory_space<vmem>>, vector<16xi32>,
      %swap3A_772 = vector.shape_cast %swap3A_771 : vector<16xi32> to vector<16xi32>
      %swap3A_773 = vector.shape_cast %add3A_769 : vector<16xi32> to vector<16xi32>
      tpu.vector_store %arg11[%swap3A_770], %swap3A_773 {strides = array<i32>} : memref<128xi32, #tpu.memory_space<vmem>>, vector<16xi32>,
      %get3A_774 = arith.constant 80 : index
      %get3A_775 = tpu.vector_load %arg10[%get3A_774] {strides = array<i32>} : memref<128xi32, #tpu.memory_space<vmem>>, vector<16xi32>,
      %get3A_776 = vector.shape_cast %get3A_775 : vector<16xi32> to vector<16xi32>
      %add3A_777 = arith.constant 0 : i32
      %add3A_778 = vector.broadcast %add3A_777 : i32 to vector<16xi32>
      %add3A_779 = arith.addi %get3A_776, %add3A_778 : vector<16xi32>
      %swap3A_780 = arith.constant 80 : index
      %swap3A_781 = tpu.vector_load %arg11[%swap3A_780] {strides = array<i32>} : memref<128xi32, #tpu.memory_space<vmem>>, vector<16xi32>,
      %swap3A_782 = vector.shape_cast %swap3A_781 : vector<16xi32> to vector<16xi32>
      %swap3A_783 = vector.shape_cast %add3A_779 : vector<16xi32> to vector<16xi32>
      tpu.vector_store %arg11[%swap3A_780], %swap3A_783 {strides = array<i32>} : memref<128xi32, #tpu.memory_space<vmem>>, vector<16xi32>,
      %get3A_784 = arith.constant 96 : index
      %get3A_785 = tpu.vector_load %arg10[%get3A_784] {strides = array<i32>} : memref<128xi32, #tpu.memory_space<vmem>>, vector<16xi32>,
      %get3A_786 = vector.shape_cast %get3A_785 : vector<16xi32> to vector<16xi32>
      %add3A_787 = arith.constant 0 : i32
      %add3A_788 = vector.broadcast %add3A_787 : i32 to vector<16xi32>
      %add3A_789 = arith.addi %get3A_786, %add3A_788 : vector<16xi32>
      %swap3A_790 = arith.constant 96 : index
      %swap3A_791 = tpu.vector_load %arg11[%swap3A_790] {strides = array<i32>} : memref<128xi32, #tpu.memory_space<vmem>>, vector<16xi32>,
      %swap3A_792 = vector.shape_cast %swap3A_791 : vector<16xi32> to vector<16xi32>
      %swap3A_793 = vector.shape_cast %add3A_789 : vector<16xi32> to vector<16xi32>
      tpu.vector_store %arg11[%swap3A_790], %swap3A_793 {strides = array<i32>} : memref<128xi32, #tpu.memory_space<vmem>>, vector<16xi32>,
      %get3A_794 = arith.constant 112 : index
      %get3A_795 = tpu.vector_load %arg10[%get3A_794] {strides = array<i32>} : memref<128xi32, #tpu.memory_space<vmem>>, vector<16xi32>,
      %get3A_796 = vector.shape_cast %get3A_795 : vector<16xi32> to vector<16xi32>
      %add3A_797 = arith.constant 0 : i32
      %add3A_798 = vector.broadcast %add3A_797 : i32 to vector<16xi32>
      %add3A_799 = arith.addi %get3A_796, %add3A_798 : vector<16xi32>
      %swap3A_800 = arith.constant 112 : index
      %swap3A_801 = tpu.vector_load %arg11[%swap3A_800] {strides = array<i32>} : memref<128xi32, #tpu.memory_space<vmem>>, vector<16xi32>,
      %swap3A_802 = vector.shape_cast %swap3A_801 : vector<16xi32> to vector<16xi32>
      %swap3A_803 = vector.shape_cast %add3A_799 : vector<16xi32> to vector<16xi32>
      tpu.vector_store %arg11[%swap3A_800], %swap3A_803 {strides = array<i32>} : memref<128xi32, #tpu.memory_space<vmem>>, vector<16xi32>,
      "tpu.region"() ({
        %run_scoped3A = tpu.sem_alloc : memref<!tpu.dma_semaphore, #tpu.memory_space<semaphore_mem>>
        %dma_start3A_1052 = arith.constant 0 : i32
        %dma_start3A_1053 = tpu.memref_slice %arg13[%dma_start3A_1052] : memref<1024xf32, #tpu.memory_space<vmem>> -> memref<128xf32, #tpu.memory_space<vmem>>
        %dma_start3A_1054 = arith.constant 0 : i32
        %dma_start3A_1055 = tpu.memref_slice %arg16[%dma_start3A_1054] : memref<40960xf32, #tpu.memory_space<vmem_shared>> -> memref<40960xf32, #tpu.memory_space<vmem_shared>>
        tpu.enqueue_indirect_dma source(%dma_start3A_1053 : memref<128xf32, #tpu.memory_space<vmem>>) target(%dma_start3A_1055 : memref<40960xf32, #tpu.memory_space<vmem_shared>>) offsets(%arg11 : memref<128xi32, #tpu.memory_space<vmem>>) semaphore(%run_scoped3A : memref<!tpu.dma_semaphore, #tpu.memory_space<semaphore_mem>>) {add = true}
        %dma_wait3A_1056 = arith.constant 0 : i32
        %dma_wait3A_1057 = tpu.memref_slice %arg13[%dma_wait3A_1056] : memref<1024xf32, #tpu.memory_space<vmem>> -> memref<128xf32, #tpu.memory_space<vmem>>
        %dma_wait3A_1058 = arith.constant 0 : i32
        %dma_wait3A_1059 = tpu.memref_slice %arg16[%dma_wait3A_1058] : memref<40960xf32, #tpu.memory_space<vmem_shared>> -> memref<40960xf32, #tpu.memory_space<vmem_shared>>
        tpu.wait_indirect_dma semaphore(%run_scoped3A : memref<!tpu.dma_semaphore, #tpu.memory_space<semaphore_mem>>) src(%dma_wait3A_1057 : memref<128xf32, #tpu.memory_space<vmem>>) dst(%dma_wait3A_1059 : memref<40960xf32, #tpu.memory_space<vmem_shared>>)
        tpu.yield
      }) : () -> ()
      %get3A_804 = arith.constant 0 : index
      %get3A_805 = tpu.vector_load %arg10[%get3A_804] {strides = array<i32>} : memref<128xi32, #tpu.memory_space<vmem>>, vector<16xi32>,
      %get3A_806 = vector.shape_cast %get3A_805 : vector<16xi32> to vector<16xi32>
      %add3A_807 = arith.constant 10240 : i32
      %add3A_808 = vector.broadcast %add3A_807 : i32 to vector<16xi32>
      %add3A_809 = arith.addi %get3A_806, %add3A_808 : vector<16xi32>
      %swap3A_810 = arith.constant 0 : index
      %swap3A_811 = tpu.vector_load %arg11[%swap3A_810] {strides = array<i32>} : memref<128xi32, #tpu.memory_space<vmem>>, vector<16xi32>,
      %swap3A_812 = vector.shape_cast %swap3A_811 : vector<16xi32> to vector<16xi32>
      %swap3A_813 = vector.shape_cast %add3A_809 : vector<16xi32> to vector<16xi32>
      tpu.vector_store %arg11[%swap3A_810], %swap3A_813 {strides = array<i32>} : memref<128xi32, #tpu.memory_space<vmem>>, vector<16xi32>,
      %get3A_814 = arith.constant 16 : index
      %get3A_815 = tpu.vector_load %arg10[%get3A_814] {strides = array<i32>} : memref<128xi32, #tpu.memory_space<vmem>>, vector<16xi32>,
      %get3A_816 = vector.shape_cast %get3A_815 : vector<16xi32> to vector<16xi32>
      %add3A_817 = arith.constant 10240 : i32
      %add3A_818 = vector.broadcast %add3A_817 : i32 to vector<16xi32>
      %add3A_819 = arith.addi %get3A_816, %add3A_818 : vector<16xi32>
      %swap3A_820 = arith.constant 16 : index
      %swap3A_821 = tpu.vector_load %arg11[%swap3A_820] {strides = array<i32>} : memref<128xi32, #tpu.memory_space<vmem>>, vector<16xi32>,
      %swap3A_822 = vector.shape_cast %swap3A_821 : vector<16xi32> to vector<16xi32>
      %swap3A_823 = vector.shape_cast %add3A_819 : vector<16xi32> to vector<16xi32>
      tpu.vector_store %arg11[%swap3A_820], %swap3A_823 {strides = array<i32>} : memref<128xi32, #tpu.memory_space<vmem>>, vector<16xi32>,
      %get3A_824 = arith.constant 32 : index
      %get3A_825 = tpu.vector_load %arg10[%get3A_824] {strides = array<i32>} : memref<128xi32, #tpu.memory_space<vmem>>, vector<16xi32>,
      %get3A_826 = vector.shape_cast %get3A_825 : vector<16xi32> to vector<16xi32>
      %add3A_827 = arith.constant 10240 : i32
      %add3A_828 = vector.broadcast %add3A_827 : i32 to vector<16xi32>
      %add3A_829 = arith.addi %get3A_826, %add3A_828 : vector<16xi32>
      %swap3A_830 = arith.constant 32 : index
      %swap3A_831 = tpu.vector_load %arg11[%swap3A_830] {strides = array<i32>} : memref<128xi32, #tpu.memory_space<vmem>>, vector<16xi32>,
      %swap3A_832 = vector.shape_cast %swap3A_831 : vector<16xi32> to vector<16xi32>
      %swap3A_833 = vector.shape_cast %add3A_829 : vector<16xi32> to vector<16xi32>
      tpu.vector_store %arg11[%swap3A_830], %swap3A_833 {strides = array<i32>} : memref<128xi32, #tpu.memory_space<vmem>>, vector<16xi32>,
      %get3A_834 = arith.constant 48 : index
      %get3A_835 = tpu.vector_load %arg10[%get3A_834] {strides = array<i32>} : memref<128xi32, #tpu.memory_space<vmem>>, vector<16xi32>,
      %get3A_836 = vector.shape_cast %get3A_835 : vector<16xi32> to vector<16xi32>
      %add3A_837 = arith.constant 10240 : i32
      %add3A_838 = vector.broadcast %add3A_837 : i32 to vector<16xi32>
      %add3A_839 = arith.addi %get3A_836, %add3A_838 : vector<16xi32>
      %swap3A_840 = arith.constant 48 : index
      %swap3A_841 = tpu.vector_load %arg11[%swap3A_840] {strides = array<i32>} : memref<128xi32, #tpu.memory_space<vmem>>, vector<16xi32>,
      %swap3A_842 = vector.shape_cast %swap3A_841 : vector<16xi32> to vector<16xi32>
      %swap3A_843 = vector.shape_cast %add3A_839 : vector<16xi32> to vector<16xi32>
      tpu.vector_store %arg11[%swap3A_840], %swap3A_843 {strides = array<i32>} : memref<128xi32, #tpu.memory_space<vmem>>, vector<16xi32>,
      %get3A_844 = arith.constant 64 : index
      %get3A_845 = tpu.vector_load %arg10[%get3A_844] {strides = array<i32>} : memref<128xi32, #tpu.memory_space<vmem>>, vector<16xi32>,
      %get3A_846 = vector.shape_cast %get3A_845 : vector<16xi32> to vector<16xi32>
      %add3A_847 = arith.constant 10240 : i32
      %add3A_848 = vector.broadcast %add3A_847 : i32 to vector<16xi32>
      %add3A_849 = arith.addi %get3A_846, %add3A_848 : vector<16xi32>
      %swap3A_850 = arith.constant 64 : index
      %swap3A_851 = tpu.vector_load %arg11[%swap3A_850] {strides = array<i32>} : memref<128xi32, #tpu.memory_space<vmem>>, vector<16xi32>,
      %swap3A_852 = vector.shape_cast %swap3A_851 : vector<16xi32> to vector<16xi32>
      %swap3A_853 = vector.shape_cast %add3A_849 : vector<16xi32> to vector<16xi32>
      tpu.vector_store %arg11[%swap3A_850], %swap3A_853 {strides = array<i32>} : memref<128xi32, #tpu.memory_space<vmem>>, vector<16xi32>,
      %get3A_854 = arith.constant 80 : index
      %get3A_855 = tpu.vector_load %arg10[%get3A_854] {strides = array<i32>} : memref<128xi32, #tpu.memory_space<vmem>>, vector<16xi32>,
      %get3A_856 = vector.shape_cast %get3A_855 : vector<16xi32> to vector<16xi32>
      %add3A_857 = arith.constant 10240 : i32
      %add3A_858 = vector.broadcast %add3A_857 : i32 to vector<16xi32>
      %add3A_859 = arith.addi %get3A_856, %add3A_858 : vector<16xi32>
      %swap3A_860 = arith.constant 80 : index
      %swap3A_861 = tpu.vector_load %arg11[%swap3A_860] {strides = array<i32>} : memref<128xi32, #tpu.memory_space<vmem>>, vector<16xi32>,
      %swap3A_862 = vector.shape_cast %swap3A_861 : vector<16xi32> to vector<16xi32>
      %swap3A_863 = vector.shape_cast %add3A_859 : vector<16xi32> to vector<16xi32>
      tpu.vector_store %arg11[%swap3A_860], %swap3A_863 {strides = array<i32>} : memref<128xi32, #tpu.memory_space<vmem>>, vector<16xi32>,
      %get3A_864 = arith.constant 96 : index
      %get3A_865 = tpu.vector_load %arg10[%get3A_864] {strides = array<i32>} : memref<128xi32, #tpu.memory_space<vmem>>, vector<16xi32>,
      %get3A_866 = vector.shape_cast %get3A_865 : vector<16xi32> to vector<16xi32>
      %add3A_867 = arith.constant 10240 : i32
      %add3A_868 = vector.broadcast %add3A_867 : i32 to vector<16xi32>
      %add3A_869 = arith.addi %get3A_866, %add3A_868 : vector<16xi32>
      %swap3A_870 = arith.constant 96 : index
      %swap3A_871 = tpu.vector_load %arg11[%swap3A_870] {strides = array<i32>} : memref<128xi32, #tpu.memory_space<vmem>>, vector<16xi32>,
      %swap3A_872 = vector.shape_cast %swap3A_871 : vector<16xi32> to vector<16xi32>
      %swap3A_873 = vector.shape_cast %add3A_869 : vector<16xi32> to vector<16xi32>
      tpu.vector_store %arg11[%swap3A_870], %swap3A_873 {strides = array<i32>} : memref<128xi32, #tpu.memory_space<vmem>>, vector<16xi32>,
      %get3A_874 = arith.constant 112 : index
      %get3A_875 = tpu.vector_load %arg10[%get3A_874] {strides = array<i32>} : memref<128xi32, #tpu.memory_space<vmem>>, vector<16xi32>,
      %get3A_876 = vector.shape_cast %get3A_875 : vector<16xi32> to vector<16xi32>
      %add3A_877 = arith.constant 10240 : i32
      %add3A_878 = vector.broadcast %add3A_877 : i32 to vector<16xi32>
      %add3A_879 = arith.addi %get3A_876, %add3A_878 : vector<16xi32>
      %swap3A_880 = arith.constant 112 : index
      %swap3A_881 = tpu.vector_load %arg11[%swap3A_880] {strides = array<i32>} : memref<128xi32, #tpu.memory_space<vmem>>, vector<16xi32>,
      %swap3A_882 = vector.shape_cast %swap3A_881 : vector<16xi32> to vector<16xi32>
      %swap3A_883 = vector.shape_cast %add3A_879 : vector<16xi32> to vector<16xi32>
      tpu.vector_store %arg11[%swap3A_880], %swap3A_883 {strides = array<i32>} : memref<128xi32, #tpu.memory_space<vmem>>, vector<16xi32>,
      "tpu.region"() ({
        %run_scoped3A = tpu.sem_alloc : memref<!tpu.dma_semaphore, #tpu.memory_space<semaphore_mem>>
        %dma_start3A_1052 = arith.constant 128 : i32
        %dma_start3A_1053 = tpu.memref_slice %arg13[%dma_start3A_1052] : memref<1024xf32, #tpu.memory_space<vmem>> -> memref<128xf32, #tpu.memory_space<vmem>>
        %dma_start3A_1054 = arith.constant 0 : i32
        %dma_start3A_1055 = tpu.memref_slice %arg16[%dma_start3A_1054] : memref<40960xf32, #tpu.memory_space<vmem_shared>> -> memref<40960xf32, #tpu.memory_space<vmem_shared>>
        tpu.enqueue_indirect_dma source(%dma_start3A_1053 : memref<128xf32, #tpu.memory_space<vmem>>) target(%dma_start3A_1055 : memref<40960xf32, #tpu.memory_space<vmem_shared>>) offsets(%arg11 : memref<128xi32, #tpu.memory_space<vmem>>) semaphore(%run_scoped3A : memref<!tpu.dma_semaphore, #tpu.memory_space<semaphore_mem>>) {add = true}
        %dma_wait3A_1056 = arith.constant 128 : i32
        %dma_wait3A_1057 = tpu.memref_slice %arg13[%dma_wait3A_1056] : memref<1024xf32, #tpu.memory_space<vmem>> -> memref<128xf32, #tpu.memory_space<vmem>>
        %dma_wait3A_1058 = arith.constant 0 : i32
        %dma_wait3A_1059 = tpu.memref_slice %arg16[%dma_wait3A_1058] : memref<40960xf32, #tpu.memory_space<vmem_shared>> -> memref<40960xf32, #tpu.memory_space<vmem_shared>>
        tpu.wait_indirect_dma semaphore(%run_scoped3A : memref<!tpu.dma_semaphore, #tpu.memory_space<semaphore_mem>>) src(%dma_wait3A_1057 : memref<128xf32, #tpu.memory_space<vmem>>) dst(%dma_wait3A_1059 : memref<40960xf32, #tpu.memory_space<vmem_shared>>)
        tpu.yield
      }) : () -> ()
      %get3A_884 = arith.constant 0 : index
      %get3A_885 = tpu.vector_load %arg10[%get3A_884] {strides = array<i32>} : memref<128xi32, #tpu.memory_space<vmem>>, vector<16xi32>,
      %get3A_886 = vector.shape_cast %get3A_885 : vector<16xi32> to vector<16xi32>
      %add3A_887 = arith.constant 20480 : i32
      %add3A_888 = vector.broadcast %add3A_887 : i32 to vector<16xi32>
      %add3A_889 = arith.addi %get3A_886, %add3A_888 : vector<16xi32>
      %swap3A_890 = arith.constant 0 : index
      %swap3A_891 = tpu.vector_load %arg11[%swap3A_890] {strides = array<i32>} : memref<128xi32, #tpu.memory_space<vmem>>, vector<16xi32>,
      %swap3A_892 = vector.shape_cast %swap3A_891 : vector<16xi32> to vector<16xi32>
      %swap3A_893 = vector.shape_cast %add3A_889 : vector<16xi32> to vector<16xi32>
      tpu.vector_store %arg11[%swap3A_890], %swap3A_893 {strides = array<i32>} : memref<128xi32, #tpu.memory_space<vmem>>, vector<16xi32>,
      %get3A_894 = arith.constant 16 : index
      %get3A_895 = tpu.vector_load %arg10[%get3A_894] {strides = array<i32>} : memref<128xi32, #tpu.memory_space<vmem>>, vector<16xi32>,
      %get3A_896 = vector.shape_cast %get3A_895 : vector<16xi32> to vector<16xi32>
      %add3A_897 = arith.constant 20480 : i32
      %add3A_898 = vector.broadcast %add3A_897 : i32 to vector<16xi32>
      %add3A_899 = arith.addi %get3A_896, %add3A_898 : vector<16xi32>
      %swap3A_900 = arith.constant 16 : index
      %swap3A_901 = tpu.vector_load %arg11[%swap3A_900] {strides = array<i32>} : memref<128xi32, #tpu.memory_space<vmem>>, vector<16xi32>,
      %swap3A_902 = vector.shape_cast %swap3A_901 : vector<16xi32> to vector<16xi32>
      %swap3A_903 = vector.shape_cast %add3A_899 : vector<16xi32> to vector<16xi32>
      tpu.vector_store %arg11[%swap3A_900], %swap3A_903 {strides = array<i32>} : memref<128xi32, #tpu.memory_space<vmem>>, vector<16xi32>,
      %get3A_904 = arith.constant 32 : index
      %get3A_905 = tpu.vector_load %arg10[%get3A_904] {strides = array<i32>} : memref<128xi32, #tpu.memory_space<vmem>>, vector<16xi32>,
      %get3A_906 = vector.shape_cast %get3A_905 : vector<16xi32> to vector<16xi32>
      %add3A_907 = arith.constant 20480 : i32
      %add3A_908 = vector.broadcast %add3A_907 : i32 to vector<16xi32>
      %add3A_909 = arith.addi %get3A_906, %add3A_908 : vector<16xi32>
      %swap3A_910 = arith.constant 32 : index
      %swap3A_911 = tpu.vector_load %arg11[%swap3A_910] {strides = array<i32>} : memref<128xi32, #tpu.memory_space<vmem>>, vector<16xi32>,
      %swap3A_912 = vector.shape_cast %swap3A_911 : vector<16xi32> to vector<16xi32>
      %swap3A_913 = vector.shape_cast %add3A_909 : vector<16xi32> to vector<16xi32>
      tpu.vector_store %arg11[%swap3A_910], %swap3A_913 {strides = array<i32>} : memref<128xi32, #tpu.memory_space<vmem>>, vector<16xi32>,
      %get3A_914 = arith.constant 48 : index
      %get3A_915 = tpu.vector_load %arg10[%get3A_914] {strides = array<i32>} : memref<128xi32, #tpu.memory_space<vmem>>, vector<16xi32>,
      %get3A_916 = vector.shape_cast %get3A_915 : vector<16xi32> to vector<16xi32>
      %add3A_917 = arith.constant 20480 : i32
      %add3A_918 = vector.broadcast %add3A_917 : i32 to vector<16xi32>
      %add3A_919 = arith.addi %get3A_916, %add3A_918 : vector<16xi32>
      %swap3A_920 = arith.constant 48 : index
      %swap3A_921 = tpu.vector_load %arg11[%swap3A_920] {strides = array<i32>} : memref<128xi32, #tpu.memory_space<vmem>>, vector<16xi32>,
      %swap3A_922 = vector.shape_cast %swap3A_921 : vector<16xi32> to vector<16xi32>
      %swap3A_923 = vector.shape_cast %add3A_919 : vector<16xi32> to vector<16xi32>
      tpu.vector_store %arg11[%swap3A_920], %swap3A_923 {strides = array<i32>} : memref<128xi32, #tpu.memory_space<vmem>>, vector<16xi32>,
      %get3A_924 = arith.constant 64 : index
      %get3A_925 = tpu.vector_load %arg10[%get3A_924] {strides = array<i32>} : memref<128xi32, #tpu.memory_space<vmem>>, vector<16xi32>,
      %get3A_926 = vector.shape_cast %get3A_925 : vector<16xi32> to vector<16xi32>
      %add3A_927 = arith.constant 20480 : i32
      %add3A_928 = vector.broadcast %add3A_927 : i32 to vector<16xi32>
      %add3A_929 = arith.addi %get3A_926, %add3A_928 : vector<16xi32>
      %swap3A_930 = arith.constant 64 : index
      %swap3A_931 = tpu.vector_load %arg11[%swap3A_930] {strides = array<i32>} : memref<128xi32, #tpu.memory_space<vmem>>, vector<16xi32>,
      %swap3A_932 = vector.shape_cast %swap3A_931 : vector<16xi32> to vector<16xi32>
      %swap3A_933 = vector.shape_cast %add3A_929 : vector<16xi32> to vector<16xi32>
      tpu.vector_store %arg11[%swap3A_930], %swap3A_933 {strides = array<i32>} : memref<128xi32, #tpu.memory_space<vmem>>, vector<16xi32>,
      %get3A_934 = arith.constant 80 : index
      %get3A_935 = tpu.vector_load %arg10[%get3A_934] {strides = array<i32>} : memref<128xi32, #tpu.memory_space<vmem>>, vector<16xi32>,
      %get3A_936 = vector.shape_cast %get3A_935 : vector<16xi32> to vector<16xi32>
      %add3A_937 = arith.constant 20480 : i32
      %add3A_938 = vector.broadcast %add3A_937 : i32 to vector<16xi32>
      %add3A_939 = arith.addi %get3A_936, %add3A_938 : vector<16xi32>
      %swap3A_940 = arith.constant 80 : index
      %swap3A_941 = tpu.vector_load %arg11[%swap3A_940] {strides = array<i32>} : memref<128xi32, #tpu.memory_space<vmem>>, vector<16xi32>,
      %swap3A_942 = vector.shape_cast %swap3A_941 : vector<16xi32> to vector<16xi32>
      %swap3A_943 = vector.shape_cast %add3A_939 : vector<16xi32> to vector<16xi32>
      tpu.vector_store %arg11[%swap3A_940], %swap3A_943 {strides = array<i32>} : memref<128xi32, #tpu.memory_space<vmem>>, vector<16xi32>,
      %get3A_944 = arith.constant 96 : index
      %get3A_945 = tpu.vector_load %arg10[%get3A_944] {strides = array<i32>} : memref<128xi32, #tpu.memory_space<vmem>>, vector<16xi32>,
      %get3A_946 = vector.shape_cast %get3A_945 : vector<16xi32> to vector<16xi32>
      %add3A_947 = arith.constant 20480 : i32
      %add3A_948 = vector.broadcast %add3A_947 : i32 to vector<16xi32>
      %add3A_949 = arith.addi %get3A_946, %add3A_948 : vector<16xi32>
      %swap3A_950 = arith.constant 96 : index
      %swap3A_951 = tpu.vector_load %arg11[%swap3A_950] {strides = array<i32>} : memref<128xi32, #tpu.memory_space<vmem>>, vector<16xi32>,
      %swap3A_952 = vector.shape_cast %swap3A_951 : vector<16xi32> to vector<16xi32>
      %swap3A_953 = vector.shape_cast %add3A_949 : vector<16xi32> to vector<16xi32>
      tpu.vector_store %arg11[%swap3A_950], %swap3A_953 {strides = array<i32>} : memref<128xi32, #tpu.memory_space<vmem>>, vector<16xi32>,
      %get3A_954 = arith.constant 112 : index
      %get3A_955 = tpu.vector_load %arg10[%get3A_954] {strides = array<i32>} : memref<128xi32, #tpu.memory_space<vmem>>, vector<16xi32>,
      %get3A_956 = vector.shape_cast %get3A_955 : vector<16xi32> to vector<16xi32>
      %add3A_957 = arith.constant 20480 : i32
      %add3A_958 = vector.broadcast %add3A_957 : i32 to vector<16xi32>
      %add3A_959 = arith.addi %get3A_956, %add3A_958 : vector<16xi32>
      %swap3A_960 = arith.constant 112 : index
      %swap3A_961 = tpu.vector_load %arg11[%swap3A_960] {strides = array<i32>} : memref<128xi32, #tpu.memory_space<vmem>>, vector<16xi32>,
      %swap3A_962 = vector.shape_cast %swap3A_961 : vector<16xi32> to vector<16xi32>
      %swap3A_963 = vector.shape_cast %add3A_959 : vector<16xi32> to vector<16xi32>
      tpu.vector_store %arg11[%swap3A_960], %swap3A_963 {strides = array<i32>} : memref<128xi32, #tpu.memory_space<vmem>>, vector<16xi32>,
      "tpu.region"() ({
        %run_scoped3A = tpu.sem_alloc : memref<!tpu.dma_semaphore, #tpu.memory_space<semaphore_mem>>
        %dma_start3A_1052 = arith.constant 256 : i32
        %dma_start3A_1053 = tpu.memref_slice %arg13[%dma_start3A_1052] : memref<1024xf32, #tpu.memory_space<vmem>> -> memref<128xf32, #tpu.memory_space<vmem>>
        %dma_start3A_1054 = arith.constant 0 : i32
        %dma_start3A_1055 = tpu.memref_slice %arg16[%dma_start3A_1054] : memref<40960xf32, #tpu.memory_space<vmem_shared>> -> memref<40960xf32, #tpu.memory_space<vmem_shared>>
        tpu.enqueue_indirect_dma source(%dma_start3A_1053 : memref<128xf32, #tpu.memory_space<vmem>>) target(%dma_start3A_1055 : memref<40960xf32, #tpu.memory_space<vmem_shared>>) offsets(%arg11 : memref<128xi32, #tpu.memory_space<vmem>>) semaphore(%run_scoped3A : memref<!tpu.dma_semaphore, #tpu.memory_space<semaphore_mem>>) {add = true}
        %dma_wait3A_1056 = arith.constant 256 : i32
        %dma_wait3A_1057 = tpu.memref_slice %arg13[%dma_wait3A_1056] : memref<1024xf32, #tpu.memory_space<vmem>> -> memref<128xf32, #tpu.memory_space<vmem>>
        %dma_wait3A_1058 = arith.constant 0 : i32
        %dma_wait3A_1059 = tpu.memref_slice %arg16[%dma_wait3A_1058] : memref<40960xf32, #tpu.memory_space<vmem_shared>> -> memref<40960xf32, #tpu.memory_space<vmem_shared>>
        tpu.wait_indirect_dma semaphore(%run_scoped3A : memref<!tpu.dma_semaphore, #tpu.memory_space<semaphore_mem>>) src(%dma_wait3A_1057 : memref<128xf32, #tpu.memory_space<vmem>>) dst(%dma_wait3A_1059 : memref<40960xf32, #tpu.memory_space<vmem_shared>>)
        tpu.yield
      }) : () -> ()
      %get3A_964 = arith.constant 0 : index
      %get3A_965 = tpu.vector_load %arg10[%get3A_964] {strides = array<i32>} : memref<128xi32, #tpu.memory_space<vmem>>, vector<16xi32>,
      %get3A_966 = vector.shape_cast %get3A_965 : vector<16xi32> to vector<16xi32>
      %add3A_967 = arith.constant 30720 : i32
      %add3A_968 = vector.broadcast %add3A_967 : i32 to vector<16xi32>
      %add3A_969 = arith.addi %get3A_966, %add3A_968 : vector<16xi32>
      %swap3A_970 = arith.constant 0 : index
      %swap3A_971 = tpu.vector_load %arg11[%swap3A_970] {strides = array<i32>} : memref<128xi32, #tpu.memory_space<vmem>>, vector<16xi32>,
      %swap3A_972 = vector.shape_cast %swap3A_971 : vector<16xi32> to vector<16xi32>
      %swap3A_973 = vector.shape_cast %add3A_969 : vector<16xi32> to vector<16xi32>
      tpu.vector_store %arg11[%swap3A_970], %swap3A_973 {strides = array<i32>} : memref<128xi32, #tpu.memory_space<vmem>>, vector<16xi32>,
      %get3A_974 = arith.constant 16 : index
      %get3A_975 = tpu.vector_load %arg10[%get3A_974] {strides = array<i32>} : memref<128xi32, #tpu.memory_space<vmem>>, vector<16xi32>,
      %get3A_976 = vector.shape_cast %get3A_975 : vector<16xi32> to vector<16xi32>
      %add3A_977 = arith.constant 30720 : i32
      %add3A_978 = vector.broadcast %add3A_977 : i32 to vector<16xi32>
      %add3A_979 = arith.addi %get3A_976, %add3A_978 : vector<16xi32>
      %swap3A_980 = arith.constant 16 : index
      %swap3A_981 = tpu.vector_load %arg11[%swap3A_980] {strides = array<i32>} : memref<128xi32, #tpu.memory_space<vmem>>, vector<16xi32>,
      %swap3A_982 = vector.shape_cast %swap3A_981 : vector<16xi32> to vector<16xi32>
      %swap3A_983 = vector.shape_cast %add3A_979 : vector<16xi32> to vector<16xi32>
      tpu.vector_store %arg11[%swap3A_980], %swap3A_983 {strides = array<i32>} : memref<128xi32, #tpu.memory_space<vmem>>, vector<16xi32>,
      %get3A_984 = arith.constant 32 : index
      %get3A_985 = tpu.vector_load %arg10[%get3A_984] {strides = array<i32>} : memref<128xi32, #tpu.memory_space<vmem>>, vector<16xi32>,
      %get3A_986 = vector.shape_cast %get3A_985 : vector<16xi32> to vector<16xi32>
      %add3A_987 = arith.constant 30720 : i32
      %add3A_988 = vector.broadcast %add3A_987 : i32 to vector<16xi32>
      %add3A_989 = arith.addi %get3A_986, %add3A_988 : vector<16xi32>
      %swap3A_990 = arith.constant 32 : index
      %swap3A_991 = tpu.vector_load %arg11[%swap3A_990] {strides = array<i32>} : memref<128xi32, #tpu.memory_space<vmem>>, vector<16xi32>,
      %swap3A_992 = vector.shape_cast %swap3A_991 : vector<16xi32> to vector<16xi32>
      %swap3A_993 = vector.shape_cast %add3A_989 : vector<16xi32> to vector<16xi32>
      tpu.vector_store %arg11[%swap3A_990], %swap3A_993 {strides = array<i32>} : memref<128xi32, #tpu.memory_space<vmem>>, vector<16xi32>,
      %get3A_994 = arith.constant 48 : index
      %get3A_995 = tpu.vector_load %arg10[%get3A_994] {strides = array<i32>} : memref<128xi32, #tpu.memory_space<vmem>>, vector<16xi32>,
      %get3A_996 = vector.shape_cast %get3A_995 : vector<16xi32> to vector<16xi32>
      %add3A_997 = arith.constant 30720 : i32
      %add3A_998 = vector.broadcast %add3A_997 : i32 to vector<16xi32>
      %add3A_999 = arith.addi %get3A_996, %add3A_998 : vector<16xi32>
      %swap3A_1000 = arith.constant 48 : index
      %swap3A_1001 = tpu.vector_load %arg11[%swap3A_1000] {strides = array<i32>} : memref<128xi32, #tpu.memory_space<vmem>>, vector<16xi32>,
      %swap3A_1002 = vector.shape_cast %swap3A_1001 : vector<16xi32> to vector<16xi32>
      %swap3A_1003 = vector.shape_cast %add3A_999 : vector<16xi32> to vector<16xi32>
      tpu.vector_store %arg11[%swap3A_1000], %swap3A_1003 {strides = array<i32>} : memref<128xi32, #tpu.memory_space<vmem>>, vector<16xi32>,
      %get3A_1004 = arith.constant 64 : index
      %get3A_1005 = tpu.vector_load %arg10[%get3A_1004] {strides = array<i32>} : memref<128xi32, #tpu.memory_space<vmem>>, vector<16xi32>,
      %get3A_1006 = vector.shape_cast %get3A_1005 : vector<16xi32> to vector<16xi32>
      %add3A_1007 = arith.constant 30720 : i32
      %add3A_1008 = vector.broadcast %add3A_1007 : i32 to vector<16xi32>
      %add3A_1009 = arith.addi %get3A_1006, %add3A_1008 : vector<16xi32>
      %swap3A_1010 = arith.constant 64 : index
      %swap3A_1011 = tpu.vector_load %arg11[%swap3A_1010] {strides = array<i32>} : memref<128xi32, #tpu.memory_space<vmem>>, vector<16xi32>,
      %swap3A_1012 = vector.shape_cast %swap3A_1011 : vector<16xi32> to vector<16xi32>
      %swap3A_1013 = vector.shape_cast %add3A_1009 : vector<16xi32> to vector<16xi32>
      tpu.vector_store %arg11[%swap3A_1010], %swap3A_1013 {strides = array<i32>} : memref<128xi32, #tpu.memory_space<vmem>>, vector<16xi32>,
      %get3A_1014 = arith.constant 80 : index
      %get3A_1015 = tpu.vector_load %arg10[%get3A_1014] {strides = array<i32>} : memref<128xi32, #tpu.memory_space<vmem>>, vector<16xi32>,
      %get3A_1016 = vector.shape_cast %get3A_1015 : vector<16xi32> to vector<16xi32>
      %add3A_1017 = arith.constant 30720 : i32
      %add3A_1018 = vector.broadcast %add3A_1017 : i32 to vector<16xi32>
      %add3A_1019 = arith.addi %get3A_1016, %add3A_1018 : vector<16xi32>
      %swap3A_1020 = arith.constant 80 : index
      %swap3A_1021 = tpu.vector_load %arg11[%swap3A_1020] {strides = array<i32>} : memref<128xi32, #tpu.memory_space<vmem>>, vector<16xi32>,
      %swap3A_1022 = vector.shape_cast %swap3A_1021 : vector<16xi32> to vector<16xi32>
      %swap3A_1023 = vector.shape_cast %add3A_1019 : vector<16xi32> to vector<16xi32>
      tpu.vector_store %arg11[%swap3A_1020], %swap3A_1023 {strides = array<i32>} : memref<128xi32, #tpu.memory_space<vmem>>, vector<16xi32>,
      %get3A_1024 = arith.constant 96 : index
      %get3A_1025 = tpu.vector_load %arg10[%get3A_1024] {strides = array<i32>} : memref<128xi32, #tpu.memory_space<vmem>>, vector<16xi32>,
      %get3A_1026 = vector.shape_cast %get3A_1025 : vector<16xi32> to vector<16xi32>
      %add3A_1027 = arith.constant 30720 : i32
      %add3A_1028 = vector.broadcast %add3A_1027 : i32 to vector<16xi32>
      %add3A_1029 = arith.addi %get3A_1026, %add3A_1028 : vector<16xi32>
      %swap3A_1030 = arith.constant 96 : index
      %swap3A_1031 = tpu.vector_load %arg11[%swap3A_1030] {strides = array<i32>} : memref<128xi32, #tpu.memory_space<vmem>>, vector<16xi32>,
      %swap3A_1032 = vector.shape_cast %swap3A_1031 : vector<16xi32> to vector<16xi32>
      %swap3A_1033 = vector.shape_cast %add3A_1029 : vector<16xi32> to vector<16xi32>
      tpu.vector_store %arg11[%swap3A_1030], %swap3A_1033 {strides = array<i32>} : memref<128xi32, #tpu.memory_space<vmem>>, vector<16xi32>,
      %get3A_1034 = arith.constant 112 : index
      %get3A_1035 = tpu.vector_load %arg10[%get3A_1034] {strides = array<i32>} : memref<128xi32, #tpu.memory_space<vmem>>, vector<16xi32>,
      %get3A_1036 = vector.shape_cast %get3A_1035 : vector<16xi32> to vector<16xi32>
      %add3A_1037 = arith.constant 30720 : i32
      %add3A_1038 = vector.broadcast %add3A_1037 : i32 to vector<16xi32>
      %add3A_1039 = arith.addi %get3A_1036, %add3A_1038 : vector<16xi32>
      %swap3A_1040 = arith.constant 112 : index
      %swap3A_1041 = tpu.vector_load %arg11[%swap3A_1040] {strides = array<i32>} : memref<128xi32, #tpu.memory_space<vmem>>, vector<16xi32>,
      %swap3A_1042 = vector.shape_cast %swap3A_1041 : vector<16xi32> to vector<16xi32>
      %swap3A_1043 = vector.shape_cast %add3A_1039 : vector<16xi32> to vector<16xi32>
      tpu.vector_store %arg11[%swap3A_1040], %swap3A_1043 {strides = array<i32>} : memref<128xi32, #tpu.memory_space<vmem>>, vector<16xi32>,
      "tpu.region"() ({
        %run_scoped3A = tpu.sem_alloc : memref<!tpu.dma_semaphore, #tpu.memory_space<semaphore_mem>>
        %dma_start3A_1052 = arith.constant 384 : i32
        %dma_start3A_1053 = tpu.memref_slice %arg13[%dma_start3A_1052] : memref<1024xf32, #tpu.memory_space<vmem>> -> memref<128xf32, #tpu.memory_space<vmem>>
        %dma_start3A_1054 = arith.constant 0 : i32
        %dma_start3A_1055 = tpu.memref_slice %arg16[%dma_start3A_1054] : memref<40960xf32, #tpu.memory_space<vmem_shared>> -> memref<40960xf32, #tpu.memory_space<vmem_shared>>
        tpu.enqueue_indirect_dma source(%dma_start3A_1053 : memref<128xf32, #tpu.memory_space<vmem>>) target(%dma_start3A_1055 : memref<40960xf32, #tpu.memory_space<vmem_shared>>) offsets(%arg11 : memref<128xi32, #tpu.memory_space<vmem>>) semaphore(%run_scoped3A : memref<!tpu.dma_semaphore, #tpu.memory_space<semaphore_mem>>) {add = true}
        %dma_wait3A_1056 = arith.constant 384 : i32
        %dma_wait3A_1057 = tpu.memref_slice %arg13[%dma_wait3A_1056] : memref<1024xf32, #tpu.memory_space<vmem>> -> memref<128xf32, #tpu.memory_space<vmem>>
        %dma_wait3A_1058 = arith.constant 0 : i32
        %dma_wait3A_1059 = tpu.memref_slice %arg16[%dma_wait3A_1058] : memref<40960xf32, #tpu.memory_space<vmem_shared>> -> memref<40960xf32, #tpu.memory_space<vmem_shared>>
        tpu.wait_indirect_dma semaphore(%run_scoped3A : memref<!tpu.dma_semaphore, #tpu.memory_space<semaphore_mem>>) src(%dma_wait3A_1057 : memref<128xf32, #tpu.memory_space<vmem>>) dst(%dma_wait3A_1059 : memref<40960xf32, #tpu.memory_space<vmem_shared>>)
        tpu.yield
      }) : () -> ()
      %dma_wait3A = arith.constant 0 : i32
      %dma_wait3A_1044 = arith.constant 0 : i32
      %dma_wait3A_1045 = tpu.memref_slice %arg6[%dma_wait3A, %dma_wait3A_1044] : memref<10000x128xf32, #tpu.memory_space<hbm>> -> memref<10000x128xf32, #tpu.memory_space<hbm>>
      tpu.wait_indirect_dma semaphore(%arg18 : memref<!tpu.dma_semaphore, #tpu.memory_space<semaphore_mem>>) src(%dma_wait3A_1045 : memref<10000x128xf32, #tpu.memory_space<hbm>>) dst(%arg14 : memref<128x128xf32, #tpu.memory_space<vmem>>)
      %scan3A_1046 = arith.constant 0 : i32
      %scan3A_1047 = arith.constant 0 : i32
      %scan3A_1048 = arith.constant 128 : i32
      %scan3A_1049 = arith.addi %scan3A_1047, %scan3A_1048 : i32
      %scan3A_1050 = arith.constant 1 : i32
      scf.for %scan3A_1052 = %scan3A_1047 to %scan3A_1049 step %scan3A_1050  : i32 {
        %add3A_1053 = arith.constant 0 : i32
        %add3A_1054 = arith.addi %add3A_1053, %scan3A_1052 : i32
        %get3A_1055 = arith.index_cast %add3A_1054 : i32 to index
        %get3A_1056 = tpu.vector_load %arg13[%get3A_1055] {strides = array<i32>} : memref<1024xf32, #tpu.memory_space<vmem>>, vector<16xf32>,
        %get3A_1057 = vector.shape_cast %get3A_1056 : vector<16xf32> to vector<16xf32>
        %slice3A_1058 = vector.extract_strided_slice %get3A_1057 {offsets = [0], sizes = [1], strides = [1]} : vector<16xf32> to vector<1xf32>
        %squeeze3A_1059 = vector.extract %slice3A_1058[0] : f32 from vector<1xf32>
        %get3A_1060 = arith.index_cast %scan3A_1052 : i32 to index
        %get3A_1061 = arith.constant 0 : index
        %get3A_1062 = tpu.vector_load %arg14[%get3A_1060, %get3A_1061] {strides = array<i32>} : memref<128x128xf32, #tpu.memory_space<vmem>>, vector<1x16xf32>,
        %get3A_1063 = vector.shape_cast %get3A_1062 : vector<1x16xf32> to vector<16xf32>
        %mul3A_1064 = vector.broadcast %squeeze3A_1059 : f32 to vector<16xf32>
        %mul3A_1065 = arith.mulf %get3A_1063, %mul3A_1064 : vector<16xf32>
        %swap3A_1066 = arith.index_cast %scan3A_1052 : i32 to index
        %swap3A_1067 = arith.constant 0 : index
        %swap3A_1068 = tpu.vector_load %arg14[%swap3A_1066, %swap3A_1067] {strides = array<i32>} : memref<128x128xf32, #tpu.memory_space<vmem>>, vector<1x16xf32>,
        %swap3A_1069 = vector.shape_cast %swap3A_1068 : vector<1x16xf32> to vector<16xf32>
        %swap3A_1070 = vector.shape_cast %mul3A_1065 : vector<16xf32> to vector<1x16xf32>
        tpu.vector_store %arg14[%swap3A_1066, %swap3A_1067], %swap3A_1070 {strides = array<i32>} : memref<128x128xf32, #tpu.memory_space<vmem>>, vector<1x16xf32>,
        %get3A_1071 = arith.index_cast %scan3A_1052 : i32 to index
        %get3A_1072 = arith.constant 16 : index
        %get3A_1073 = tpu.vector_load %arg14[%get3A_1071, %get3A_1072] {strides = array<i32>} : memref<128x128xf32, #tpu.memory_space<vmem>>, vector<1x16xf32>,
        %get3A_1074 = vector.shape_cast %get3A_1073 : vector<1x16xf32> to vector<16xf32>
        %mul3A_1075 = vector.broadcast %squeeze3A_1059 : f32 to vector<16xf32>
        %mul3A_1076 = arith.mulf %get3A_1074, %mul3A_1075 : vector<16xf32>
        %swap3A_1077 = arith.index_cast %scan3A_1052 : i32 to index
        %swap3A_1078 = arith.constant 16 : index
        %swap3A_1079 = tpu.vector_load %arg14[%swap3A_1077, %swap3A_1078] {strides = array<i32>} : memref<128x128xf32, #tpu.memory_space<vmem>>, vector<1x16xf32>,
        %swap3A_1080 = vector.shape_cast %swap3A_1079 : vector<1x16xf32> to vector<16xf32>
        %swap3A_1081 = vector.shape_cast %mul3A_1076 : vector<16xf32> to vector<1x16xf32>
        tpu.vector_store %arg14[%swap3A_1077, %swap3A_1078], %swap3A_1081 {strides = array<i32>} : memref<128x128xf32, #tpu.memory_space<vmem>>, vector<1x16xf32>,
        %add3A_1082 = arith.constant 128 : i32
        %add3A_1083 = arith.addi %add3A_1082, %scan3A_1052 : i32
        %get3A_1084 = arith.index_cast %add3A_1083 : i32 to index
        %get3A_1085 = tpu.vector_load %arg13[%get3A_1084] {strides = array<i32>} : memref<1024xf32, #tpu.memory_space<vmem>>, vector<16xf32>,
        %get3A_1086 = vector.shape_cast %get3A_1085 : vector<16xf32> to vector<16xf32>
        %slice3A_1087 = vector.extract_strided_slice %get3A_1086 {offsets = [0], sizes = [1], strides = [1]} : vector<16xf32> to vector<1xf32>
        %squeeze3A_1088 = vector.extract %slice3A_1087[0] : f32 from vector<1xf32>
        %get3A_1089 = arith.index_cast %scan3A_1052 : i32 to index
        %get3A_1090 = arith.constant 32 : index
        %get3A_1091 = tpu.vector_load %arg14[%get3A_1089, %get3A_1090] {strides = array<i32>} : memref<128x128xf32, #tpu.memory_space<vmem>>, vector<1x16xf32>,
        %get3A_1092 = vector.shape_cast %get3A_1091 : vector<1x16xf32> to vector<16xf32>
        %mul3A_1093 = vector.broadcast %squeeze3A_1088 : f32 to vector<16xf32>
        %mul3A_1094 = arith.mulf %get3A_1092, %mul3A_1093 : vector<16xf32>
        %swap3A_1095 = arith.index_cast %scan3A_1052 : i32 to index
        %swap3A_1096 = arith.constant 32 : index
        %swap3A_1097 = tpu.vector_load %arg14[%swap3A_1095, %swap3A_1096] {strides = array<i32>} : memref<128x128xf32, #tpu.memory_space<vmem>>, vector<1x16xf32>,
        %swap3A_1098 = vector.shape_cast %swap3A_1097 : vector<1x16xf32> to vector<16xf32>
        %swap3A_1099 = vector.shape_cast %mul3A_1094 : vector<16xf32> to vector<1x16xf32>
        tpu.vector_store %arg14[%swap3A_1095, %swap3A_1096], %swap3A_1099 {strides = array<i32>} : memref<128x128xf32, #tpu.memory_space<vmem>>, vector<1x16xf32>,
        %get3A_1100 = arith.index_cast %scan3A_1052 : i32 to index
        %get3A_1101 = arith.constant 48 : index
        %get3A_1102 = tpu.vector_load %arg14[%get3A_1100, %get3A_1101] {strides = array<i32>} : memref<128x128xf32, #tpu.memory_space<vmem>>, vector<1x16xf32>,
        %get3A_1103 = vector.shape_cast %get3A_1102 : vector<1x16xf32> to vector<16xf32>
        %mul3A_1104 = vector.broadcast %squeeze3A_1088 : f32 to vector<16xf32>
        %mul3A_1105 = arith.mulf %get3A_1103, %mul3A_1104 : vector<16xf32>
        %swap3A_1106 = arith.index_cast %scan3A_1052 : i32 to index
        %swap3A_1107 = arith.constant 48 : index
        %swap3A_1108 = tpu.vector_load %arg14[%swap3A_1106, %swap3A_1107] {strides = array<i32>} : memref<128x128xf32, #tpu.memory_space<vmem>>, vector<1x16xf32>,
        %swap3A_1109 = vector.shape_cast %swap3A_1108 : vector<1x16xf32> to vector<16xf32>
        %swap3A_1110 = vector.shape_cast %mul3A_1105 : vector<16xf32> to vector<1x16xf32>
        tpu.vector_store %arg14[%swap3A_1106, %swap3A_1107], %swap3A_1110 {strides = array<i32>} : memref<128x128xf32, #tpu.memory_space<vmem>>, vector<1x16xf32>,
        %add3A_1111 = arith.constant 256 : i32
        %add3A_1112 = arith.addi %add3A_1111, %scan3A_1052 : i32
        %get3A_1113 = arith.index_cast %add3A_1112 : i32 to index
        %get3A_1114 = tpu.vector_load %arg13[%get3A_1113] {strides = array<i32>} : memref<1024xf32, #tpu.memory_space<vmem>>, vector<16xf32>,
        %get3A_1115 = vector.shape_cast %get3A_1114 : vector<16xf32> to vector<16xf32>
        %slice3A_1116 = vector.extract_strided_slice %get3A_1115 {offsets = [0], sizes = [1], strides = [1]} : vector<16xf32> to vector<1xf32>
        %squeeze3A_1117 = vector.extract %slice3A_1116[0] : f32 from vector<1xf32>
        %get3A_1118 = arith.index_cast %scan3A_1052 : i32 to index
        %get3A_1119 = arith.constant 64 : index
        %get3A_1120 = tpu.vector_load %arg14[%get3A_1118, %get3A_1119] {strides = array<i32>} : memref<128x128xf32, #tpu.memory_space<vmem>>, vector<1x16xf32>,
        %get3A_1121 = vector.shape_cast %get3A_1120 : vector<1x16xf32> to vector<16xf32>
        %mul3A_1122 = vector.broadcast %squeeze3A_1117 : f32 to vector<16xf32>
        %mul3A_1123 = arith.mulf %get3A_1121, %mul3A_1122 : vector<16xf32>
        %swap3A_1124 = arith.index_cast %scan3A_1052 : i32 to index
        %swap3A_1125 = arith.constant 64 : index
        %swap3A_1126 = tpu.vector_load %arg14[%swap3A_1124, %swap3A_1125] {strides = array<i32>} : memref<128x128xf32, #tpu.memory_space<vmem>>, vector<1x16xf32>,
        %swap3A_1127 = vector.shape_cast %swap3A_1126 : vector<1x16xf32> to vector<16xf32>
        %swap3A_1128 = vector.shape_cast %mul3A_1123 : vector<16xf32> to vector<1x16xf32>
        tpu.vector_store %arg14[%swap3A_1124, %swap3A_1125], %swap3A_1128 {strides = array<i32>} : memref<128x128xf32, #tpu.memory_space<vmem>>, vector<1x16xf32>,
        %get3A_1129 = arith.index_cast %scan3A_1052 : i32 to index
        %get3A_1130 = arith.constant 80 : index
        %get3A_1131 = tpu.vector_load %arg14[%get3A_1129, %get3A_1130] {strides = array<i32>} : memref<128x128xf32, #tpu.memory_space<vmem>>, vector<1x16xf32>,
        %get3A_1132 = vector.shape_cast %get3A_1131 : vector<1x16xf32> to vector<16xf32>
        %mul3A_1133 = vector.broadcast %squeeze3A_1117 : f32 to vector<16xf32>
        %mul3A_1134 = arith.mulf %get3A_1132, %mul3A_1133 : vector<16xf32>
        %swap3A_1135 = arith.index_cast %scan3A_1052 : i32 to index
        %swap3A_1136 = arith.constant 80 : index
        %swap3A_1137 = tpu.vector_load %arg14[%swap3A_1135, %swap3A_1136] {strides = array<i32>} : memref<128x128xf32, #tpu.memory_space<vmem>>, vector<1x16xf32>,
        %swap3A_1138 = vector.shape_cast %swap3A_1137 : vector<1x16xf32> to vector<16xf32>
        %swap3A_1139 = vector.shape_cast %mul3A_1134 : vector<16xf32> to vector<1x16xf32>
        tpu.vector_store %arg14[%swap3A_1135, %swap3A_1136], %swap3A_1139 {strides = array<i32>} : memref<128x128xf32, #tpu.memory_space<vmem>>, vector<1x16xf32>,
        %add3A_1140 = arith.constant 384 : i32
        %add3A_1141 = arith.addi %add3A_1140, %scan3A_1052 : i32
        %get3A_1142 = arith.index_cast %add3A_1141 : i32 to index
        %get3A_1143 = tpu.vector_load %arg13[%get3A_1142] {strides = array<i32>} : memref<1024xf32, #tpu.memory_space<vmem>>, vector<16xf32>,
        %get3A_1144 = vector.shape_cast %get3A_1143 : vector<16xf32> to vector<16xf32>
        %slice3A_1145 = vector.extract_strided_slice %get3A_1144 {offsets = [0], sizes = [1], strides = [1]} : vector<16xf32> to vector<1xf32>
        %squeeze3A_1146 = vector.extract %slice3A_1145[0] : f32 from vector<1xf32>
        %get3A_1147 = arith.index_cast %scan3A_1052 : i32 to index
        %get3A_1148 = arith.constant 96 : index
        %get3A_1149 = tpu.vector_load %arg14[%get3A_1147, %get3A_1148] {strides = array<i32>} : memref<128x128xf32, #tpu.memory_space<vmem>>, vector<1x16xf32>,
        %get3A_1150 = vector.shape_cast %get3A_1149 : vector<1x16xf32> to vector<16xf32>
        %mul3A_1151 = vector.broadcast %squeeze3A_1146 : f32 to vector<16xf32>
        %mul3A_1152 = arith.mulf %get3A_1150, %mul3A_1151 : vector<16xf32>
        %swap3A_1153 = arith.index_cast %scan3A_1052 : i32 to index
        %swap3A_1154 = arith.constant 96 : index
        %swap3A_1155 = tpu.vector_load %arg14[%swap3A_1153, %swap3A_1154] {strides = array<i32>} : memref<128x128xf32, #tpu.memory_space<vmem>>, vector<1x16xf32>,
        %swap3A_1156 = vector.shape_cast %swap3A_1155 : vector<1x16xf32> to vector<16xf32>
        %swap3A_1157 = vector.shape_cast %mul3A_1152 : vector<16xf32> to vector<1x16xf32>
        tpu.vector_store %arg14[%swap3A_1153, %swap3A_1154], %swap3A_1157 {strides = array<i32>} : memref<128x128xf32, #tpu.memory_space<vmem>>, vector<1x16xf32>,
        %get3A_1158 = arith.index_cast %scan3A_1052 : i32 to index
        %get3A_1159 = arith.constant 112 : index
        %get3A_1160 = tpu.vector_load %arg14[%get3A_1158, %get3A_1159] {strides = array<i32>} : memref<128x128xf32, #tpu.memory_space<vmem>>, vector<1x16xf32>,
        %get3A_1161 = vector.shape_cast %get3A_1160 : vector<1x16xf32> to vector<16xf32>
        %mul3A_1162 = vector.broadcast %squeeze3A_1146 : f32 to vector<16xf32>
        %mul3A_1163 = arith.mulf %get3A_1161, %mul3A_1162 : vector<16xf32>
        %swap3A_1164 = arith.index_cast %scan3A_1052 : i32 to index
        %swap3A_1165 = arith.constant 112 : index
        %swap3A_1166 = tpu.vector_load %arg14[%swap3A_1164, %swap3A_1165] {strides = array<i32>} : memref<128x128xf32, #tpu.memory_space<vmem>>, vector<1x16xf32>,
        %swap3A_1167 = vector.shape_cast %swap3A_1166 : vector<1x16xf32> to vector<16xf32>
        %swap3A_1168 = vector.shape_cast %mul3A_1163 : vector<16xf32> to vector<1x16xf32>
        tpu.vector_store %arg14[%swap3A_1164, %swap3A_1165], %swap3A_1168 {strides = array<i32>} : memref<128x128xf32, #tpu.memory_space<vmem>>, vector<1x16xf32>,
      }
      %scan3A_1051 = arith.constant 128 : i32
      "tpu.region"() ({
        %run_scoped3A = tpu.sem_alloc : memref<!tpu.dma_semaphore, #tpu.memory_space<semaphore_mem>>
        %dma_start3A_1052 = arith.constant 0 : i32
        %dma_start3A_1053 = arith.constant 0 : i32
        %dma_start3A_1054 = tpu.memref_slice %arg17[%dma_start3A_1052, %dma_start3A_1053] : memref<10240x128xf32, #tpu.memory_space<vmem_shared>> -> memref<10240x128xf32, #tpu.memory_space<vmem_shared>>
        tpu.enqueue_indirect_dma source(%arg14 : memref<128x128xf32, #tpu.memory_space<vmem>>) target(%dma_start3A_1054 : memref<10240x128xf32, #tpu.memory_space<vmem_shared>>) offsets(%arg10 : memref<128xi32, #tpu.memory_space<vmem>>) semaphore(%run_scoped3A : memref<!tpu.dma_semaphore, #tpu.memory_space<semaphore_mem>>) {add = true}
        %dma_wait3A_1055 = arith.constant 0 : i32
        %dma_wait3A_1056 = arith.constant 0 : i32
        %dma_wait3A_1057 = tpu.memref_slice %arg17[%dma_wait3A_1055, %dma_wait3A_1056] : memref<10240x128xf32, #tpu.memory_space<vmem_shared>> -> memref<10240x128xf32, #tpu.memory_space<vmem_shared>>
        tpu.wait_indirect_dma semaphore(%run_scoped3A : memref<!tpu.dma_semaphore, #tpu.memory_space<semaphore_mem>>) src(%arg14 : memref<128x128xf32, #tpu.memory_space<vmem>>) dst(%dma_wait3A_1057 : memref<10240x128xf32, #tpu.memory_space<vmem_shared>>)
        tpu.yield
      }) : () -> ()
    }
    %scan3A_287 = arith.constant 78 : i32
    %lt3A = arith.constant 4 : i32
    %lt3A_288 = arith.cmpi slt, %add3A, %lt3A : i32
    %convert_element_type3A = arith.extui %lt3A_288 : i1 to i32
    %cond3A = arith.constant 0 : i32
    %cond3A_289 = arith.cmpi ne, %convert_element_type3A, %cond3A : i32
    scf.if %cond3A_289 {
      %add3A_309 = arith.constant 2496 : i32
      %add3A_310 = arith.addi %add3A_309, %add3A : i32
      %mul3A_311 = arith.constant 128 : i32
      %mul3A_312 = arith.muli %add3A_310, %mul3A_311 : i32
      "tpu.region"() ({
        %run_scoped3A = tpu.sem_alloc : memref<!tpu.dma_semaphore, #tpu.memory_space<semaphore_mem>>
        %dma_start3A_1050 = tpu.memref_slice %arg2[%mul3A_312] : memref<320000xi32, #tpu.memory_space<hbm>> -> memref<128xi32, #tpu.memory_space<hbm>>
        %dma_start3A_1051 = tpu.memref_slice %arg2[%mul3A_312] : memref<320000xi32, #tpu.memory_space<hbm>> -> memref<128xi32, #tpu.memory_space<hbm>>
        tpu.enqueue_dma source(%dma_start3A_1051 : memref<128xi32, #tpu.memory_space<hbm>>) target(%arg9 : memref<128xi32, #tpu.memory_space<vmem>>) target_semaphore(%run_scoped3A : memref<!tpu.dma_semaphore, #tpu.memory_space<semaphore_mem>>)
        %dma_wait3A_1052 = tpu.memref_slice %arg2[%mul3A_312] : memref<320000xi32, #tpu.memory_space<hbm>> -> memref<128xi32, #tpu.memory_space<hbm>>
        %dma_wait3A_1053 = tpu.memref_slice %arg2[%mul3A_312] : memref<320000xi32, #tpu.memory_space<hbm>> -> memref<128xi32, #tpu.memory_space<hbm>>
        tpu.wait_dma2 semaphore(%run_scoped3A : memref<!tpu.dma_semaphore, #tpu.memory_space<semaphore_mem>>) src(%dma_wait3A_1053 : memref<128xi32, #tpu.memory_space<hbm>>) dst(%arg9 : memref<128xi32, #tpu.memory_space<vmem>>)
        tpu.yield
      }) : () -> ()
      "tpu.region"() ({
        %run_scoped3A = tpu.sem_alloc : memref<!tpu.dma_semaphore, #tpu.memory_space<semaphore_mem>>
        %dma_start3A_1050 = tpu.memref_slice %arg3[%mul3A_312] : memref<320000xi32, #tpu.memory_space<hbm>> -> memref<128xi32, #tpu.memory_space<hbm>>
        %dma_start3A_1051 = tpu.memref_slice %arg3[%mul3A_312] : memref<320000xi32, #tpu.memory_space<hbm>> -> memref<128xi32, #tpu.memory_space<hbm>>
        tpu.enqueue_dma source(%dma_start3A_1051 : memref<128xi32, #tpu.memory_space<hbm>>) target(%arg10 : memref<128xi32, #tpu.memory_space<vmem>>) target_semaphore(%run_scoped3A : memref<!tpu.dma_semaphore, #tpu.memory_space<semaphore_mem>>)
        %dma_wait3A_1052 = tpu.memref_slice %arg3[%mul3A_312] : memref<320000xi32, #tpu.memory_space<hbm>> -> memref<128xi32, #tpu.memory_space<hbm>>
        %dma_wait3A_1053 = tpu.memref_slice %arg3[%mul3A_312] : memref<320000xi32, #tpu.memory_space<hbm>> -> memref<128xi32, #tpu.memory_space<hbm>>
        tpu.wait_dma2 semaphore(%run_scoped3A : memref<!tpu.dma_semaphore, #tpu.memory_space<semaphore_mem>>) src(%dma_wait3A_1053 : memref<128xi32, #tpu.memory_space<hbm>>) dst(%arg10 : memref<128xi32, #tpu.memory_space<vmem>>)
        tpu.yield
      }) : () -> ()
      %dma_start3A = arith.constant 0 : i32
      %dma_start3A_313 = arith.constant 0 : i32
      %dma_start3A_314 = tpu.memref_slice %arg6[%dma_start3A, %dma_start3A_313] : memref<10000x128xf32, #tpu.memory_space<hbm>> -> memref<10000x128xf32, #tpu.memory_space<hbm>>
      tpu.enqueue_indirect_dma source(%dma_start3A_314 : memref<10000x128xf32, #tpu.memory_space<hbm>>) target(%arg14 : memref<128x128xf32, #tpu.memory_space<vmem>>) offsets(%arg9 : memref<128xi32, #tpu.memory_space<vmem>>) semaphore(%arg18 : memref<!tpu.dma_semaphore, #tpu.memory_space<semaphore_mem>>)
      "tpu.region"() ({
        %run_scoped3A = tpu.sem_alloc : memref<!tpu.dma_semaphore, #tpu.memory_space<semaphore_mem>>
        %dma_start3A_1050 = arith.constant 0 : i32
        %dma_start3A_1051 = tpu.memref_slice %arg4[%dma_start3A_1050, %mul3A_312] : memref<8x320000xf32, #tpu.memory_space<hbm>> -> memref<8x128xf32, #tpu.memory_space<hbm>>
        %dma_start3A_1052 = arith.constant 0 : i32
        %dma_start3A_1053 = tpu.memref_slice %arg4[%dma_start3A_1052, %mul3A_312] : memref<8x320000xf32, #tpu.memory_space<hbm>> -> memref<8x128xf32, #tpu.memory_space<hbm>>
        tpu.enqueue_dma source(%dma_start3A_1053 : memref<8x128xf32, #tpu.memory_space<hbm>>) target(%arg12 : memref<8x128xf32, #tpu.memory_space<vmem>>) target_semaphore(%run_scoped3A : memref<!tpu.dma_semaphore, #tpu.memory_space<semaphore_mem>>)
        %dma_wait3A_1054 = arith.constant 0 : i32
        %dma_wait3A_1055 = tpu.memref_slice %arg4[%dma_wait3A_1054, %mul3A_312] : memref<8x320000xf32, #tpu.memory_space<hbm>> -> memref<8x128xf32, #tpu.memory_space<hbm>>
        %dma_wait3A_1056 = arith.constant 0 : i32
        %dma_wait3A_1057 = tpu.memref_slice %arg4[%dma_wait3A_1056, %mul3A_312] : memref<8x320000xf32, #tpu.memory_space<hbm>> -> memref<8x128xf32, #tpu.memory_space<hbm>>
        tpu.wait_dma2 semaphore(%run_scoped3A : memref<!tpu.dma_semaphore, #tpu.memory_space<semaphore_mem>>) src(%dma_wait3A_1057 : memref<8x128xf32, #tpu.memory_space<hbm>>) dst(%arg12 : memref<8x128xf32, #tpu.memory_space<vmem>>)
        tpu.yield
      }) : () -> ()
      %get3A = arith.constant 0 : i32
      %get3A_315 = arith.index_cast %get3A : i32 to index
      %get3A_316 = arith.constant 0 : index
      %get3A_317 = tpu.vector_load %arg15[%get3A_315, %get3A_316] {strides = array<i32>} : memref<8x128xf32, #tpu.memory_space<vmem>>, vector<1x16xf32>,
      %get3A_318 = vector.shape_cast %get3A_317 : vector<1x16xf32> to vector<16xf32>
      %slice3A = vector.extract_strided_slice %get3A_318 {offsets = [0], sizes = [1], strides = [1]} : vector<16xf32> to vector<1xf32>
      %squeeze3A = vector.extract %slice3A[0] : f32 from vector<1xf32>
      %get3A_319 = arith.constant 0 : i32
      %get3A_320 = arith.index_cast %get3A_319 : i32 to index
      %get3A_321 = arith.constant 0 : index
      %get3A_322 = tpu.vector_load %arg12[%get3A_320, %get3A_321] {strides = array<i32>} : memref<8x128xf32, #tpu.memory_space<vmem>>, vector<1x16xf32>,
      %get3A_323 = vector.shape_cast %get3A_322 : vector<1x16xf32> to vector<16xf32>
      %sub3A = vector.broadcast %squeeze3A : f32 to vector<16xf32>
      %sub3A_324 = arith.subf %get3A_323, %sub3A : vector<16xf32>
      %exp3A = math.exp %sub3A_324 : vector<16xf32>
      %swap3A_325 = arith.constant 0 : index
      %swap3A_326 = tpu.vector_load %arg13[%swap3A_325] {strides = array<i32>} : memref<1024xf32, #tpu.memory_space<vmem>>, vector<16xf32>,
      %swap3A_327 = vector.shape_cast %swap3A_326 : vector<16xf32> to vector<16xf32>
      %swap3A_328 = vector.shape_cast %exp3A : vector<16xf32> to vector<16xf32>
      tpu.vector_store %arg13[%swap3A_325], %swap3A_328 {strides = array<i32>} : memref<1024xf32, #tpu.memory_space<vmem>>, vector<16xf32>,
      %get3A_329 = arith.constant 0 : i32
      %get3A_330 = arith.index_cast %get3A_329 : i32 to index
      %get3A_331 = arith.constant 16 : index
      %get3A_332 = tpu.vector_load %arg12[%get3A_330, %get3A_331] {strides = array<i32>} : memref<8x128xf32, #tpu.memory_space<vmem>>, vector<1x16xf32>,
      %get3A_333 = vector.shape_cast %get3A_332 : vector<1x16xf32> to vector<16xf32>
      %sub3A_334 = vector.broadcast %squeeze3A : f32 to vector<16xf32>
      %sub3A_335 = arith.subf %get3A_333, %sub3A_334 : vector<16xf32>
      %exp3A_336 = math.exp %sub3A_335 : vector<16xf32>
      %swap3A_337 = arith.constant 16 : index
      %swap3A_338 = tpu.vector_load %arg13[%swap3A_337] {strides = array<i32>} : memref<1024xf32, #tpu.memory_space<vmem>>, vector<16xf32>,
      %swap3A_339 = vector.shape_cast %swap3A_338 : vector<16xf32> to vector<16xf32>
      %swap3A_340 = vector.shape_cast %exp3A_336 : vector<16xf32> to vector<16xf32>
      tpu.vector_store %arg13[%swap3A_337], %swap3A_340 {strides = array<i32>} : memref<1024xf32, #tpu.memory_space<vmem>>, vector<16xf32>,
      %get3A_341 = arith.constant 0 : i32
      %get3A_342 = arith.index_cast %get3A_341 : i32 to index
      %get3A_343 = arith.constant 32 : index
      %get3A_344 = tpu.vector_load %arg12[%get3A_342, %get3A_343] {strides = array<i32>} : memref<8x128xf32, #tpu.memory_space<vmem>>, vector<1x16xf32>,
      %get3A_345 = vector.shape_cast %get3A_344 : vector<1x16xf32> to vector<16xf32>
      %sub3A_346 = vector.broadcast %squeeze3A : f32 to vector<16xf32>
      %sub3A_347 = arith.subf %get3A_345, %sub3A_346 : vector<16xf32>
      %exp3A_348 = math.exp %sub3A_347 : vector<16xf32>
      %swap3A_349 = arith.constant 32 : index
      %swap3A_350 = tpu.vector_load %arg13[%swap3A_349] {strides = array<i32>} : memref<1024xf32, #tpu.memory_space<vmem>>, vector<16xf32>,
      %swap3A_351 = vector.shape_cast %swap3A_350 : vector<16xf32> to vector<16xf32>
      %swap3A_352 = vector.shape_cast %exp3A_348 : vector<16xf32> to vector<16xf32>
      tpu.vector_store %arg13[%swap3A_349], %swap3A_352 {strides = array<i32>} : memref<1024xf32, #tpu.memory_space<vmem>>, vector<16xf32>,
      %get3A_353 = arith.constant 0 : i32
      %get3A_354 = arith.index_cast %get3A_353 : i32 to index
      %get3A_355 = arith.constant 48 : index
      %get3A_356 = tpu.vector_load %arg12[%get3A_354, %get3A_355] {strides = array<i32>} : memref<8x128xf32, #tpu.memory_space<vmem>>, vector<1x16xf32>,
      %get3A_357 = vector.shape_cast %get3A_356 : vector<1x16xf32> to vector<16xf32>
      %sub3A_358 = vector.broadcast %squeeze3A : f32 to vector<16xf32>
      %sub3A_359 = arith.subf %get3A_357, %sub3A_358 : vector<16xf32>
      %exp3A_360 = math.exp %sub3A_359 : vector<16xf32>
      %swap3A_361 = arith.constant 48 : index
      %swap3A_362 = tpu.vector_load %arg13[%swap3A_361] {strides = array<i32>} : memref<1024xf32, #tpu.memory_space<vmem>>, vector<16xf32>,
      %swap3A_363 = vector.shape_cast %swap3A_362 : vector<16xf32> to vector<16xf32>
      %swap3A_364 = vector.shape_cast %exp3A_360 : vector<16xf32> to vector<16xf32>
      tpu.vector_store %arg13[%swap3A_361], %swap3A_364 {strides = array<i32>} : memref<1024xf32, #tpu.memory_space<vmem>>, vector<16xf32>,
      %get3A_365 = arith.constant 0 : i32
      %get3A_366 = arith.index_cast %get3A_365 : i32 to index
      %get3A_367 = arith.constant 64 : index
      %get3A_368 = tpu.vector_load %arg12[%get3A_366, %get3A_367] {strides = array<i32>} : memref<8x128xf32, #tpu.memory_space<vmem>>, vector<1x16xf32>,
      %get3A_369 = vector.shape_cast %get3A_368 : vector<1x16xf32> to vector<16xf32>
      %sub3A_370 = vector.broadcast %squeeze3A : f32 to vector<16xf32>
      %sub3A_371 = arith.subf %get3A_369, %sub3A_370 : vector<16xf32>
      %exp3A_372 = math.exp %sub3A_371 : vector<16xf32>
      %swap3A_373 = arith.constant 64 : index
      %swap3A_374 = tpu.vector_load %arg13[%swap3A_373] {strides = array<i32>} : memref<1024xf32, #tpu.memory_space<vmem>>, vector<16xf32>,
      %swap3A_375 = vector.shape_cast %swap3A_374 : vector<16xf32> to vector<16xf32>
      %swap3A_376 = vector.shape_cast %exp3A_372 : vector<16xf32> to vector<16xf32>
      tpu.vector_store %arg13[%swap3A_373], %swap3A_376 {strides = array<i32>} : memref<1024xf32, #tpu.memory_space<vmem>>, vector<16xf32>,
      %get3A_377 = arith.constant 0 : i32
      %get3A_378 = arith.index_cast %get3A_377 : i32 to index
      %get3A_379 = arith.constant 80 : index
      %get3A_380 = tpu.vector_load %arg12[%get3A_378, %get3A_379] {strides = array<i32>} : memref<8x128xf32, #tpu.memory_space<vmem>>, vector<1x16xf32>,
      %get3A_381 = vector.shape_cast %get3A_380 : vector<1x16xf32> to vector<16xf32>
      %sub3A_382 = vector.broadcast %squeeze3A : f32 to vector<16xf32>
      %sub3A_383 = arith.subf %get3A_381, %sub3A_382 : vector<16xf32>
      %exp3A_384 = math.exp %sub3A_383 : vector<16xf32>
      %swap3A_385 = arith.constant 80 : index
      %swap3A_386 = tpu.vector_load %arg13[%swap3A_385] {strides = array<i32>} : memref<1024xf32, #tpu.memory_space<vmem>>, vector<16xf32>,
      %swap3A_387 = vector.shape_cast %swap3A_386 : vector<16xf32> to vector<16xf32>
      %swap3A_388 = vector.shape_cast %exp3A_384 : vector<16xf32> to vector<16xf32>
      tpu.vector_store %arg13[%swap3A_385], %swap3A_388 {strides = array<i32>} : memref<1024xf32, #tpu.memory_space<vmem>>, vector<16xf32>,
      %get3A_389 = arith.constant 0 : i32
      %get3A_390 = arith.index_cast %get3A_389 : i32 to index
      %get3A_391 = arith.constant 96 : index
      %get3A_392 = tpu.vector_load %arg12[%get3A_390, %get3A_391] {strides = array<i32>} : memref<8x128xf32, #tpu.memory_space<vmem>>, vector<1x16xf32>,
      %get3A_393 = vector.shape_cast %get3A_392 : vector<1x16xf32> to vector<16xf32>
      %sub3A_394 = vector.broadcast %squeeze3A : f32 to vector<16xf32>
      %sub3A_395 = arith.subf %get3A_393, %sub3A_394 : vector<16xf32>
      %exp3A_396 = math.exp %sub3A_395 : vector<16xf32>
      %swap3A_397 = arith.constant 96 : index
      %swap3A_398 = tpu.vector_load %arg13[%swap3A_397] {strides = array<i32>} : memref<1024xf32, #tpu.memory_space<vmem>>, vector<16xf32>,
      %swap3A_399 = vector.shape_cast %swap3A_398 : vector<16xf32> to vector<16xf32>
      %swap3A_400 = vector.shape_cast %exp3A_396 : vector<16xf32> to vector<16xf32>
      tpu.vector_store %arg13[%swap3A_397], %swap3A_400 {strides = array<i32>} : memref<1024xf32, #tpu.memory_space<vmem>>, vector<16xf32>,
      %get3A_401 = arith.constant 0 : i32
      %get3A_402 = arith.index_cast %get3A_401 : i32 to index
      %get3A_403 = arith.constant 112 : index
      %get3A_404 = tpu.vector_load %arg12[%get3A_402, %get3A_403] {strides = array<i32>} : memref<8x128xf32, #tpu.memory_space<vmem>>, vector<1x16xf32>,
      %get3A_405 = vector.shape_cast %get3A_404 : vector<1x16xf32> to vector<16xf32>
      %sub3A_406 = vector.broadcast %squeeze3A : f32 to vector<16xf32>
      %sub3A_407 = arith.subf %get3A_405, %sub3A_406 : vector<16xf32>
      %exp3A_408 = math.exp %sub3A_407 : vector<16xf32>
      %swap3A_409 = arith.constant 112 : index
      %swap3A_410 = tpu.vector_load %arg13[%swap3A_409] {strides = array<i32>} : memref<1024xf32, #tpu.memory_space<vmem>>, vector<16xf32>,
      %swap3A_411 = vector.shape_cast %swap3A_410 : vector<16xf32> to vector<16xf32>
      %swap3A_412 = vector.shape_cast %exp3A_408 : vector<16xf32> to vector<16xf32>
      tpu.vector_store %arg13[%swap3A_409], %swap3A_412 {strides = array<i32>} : memref<1024xf32, #tpu.memory_space<vmem>>, vector<16xf32>,
      %get3A_413 = arith.constant 1 : i32
      %get3A_414 = arith.index_cast %get3A_413 : i32 to index
      %get3A_415 = arith.constant 0 : index
      %get3A_416 = tpu.vector_load %arg15[%get3A_414, %get3A_415] {strides = array<i32>} : memref<8x128xf32, #tpu.memory_space<vmem>>, vector<1x16xf32>,
      %get3A_417 = vector.shape_cast %get3A_416 : vector<1x16xf32> to vector<16xf32>
      %slice3A_418 = vector.extract_strided_slice %get3A_417 {offsets = [0], sizes = [1], strides = [1]} : vector<16xf32> to vector<1xf32>
      %squeeze3A_419 = vector.extract %slice3A_418[0] : f32 from vector<1xf32>
      %get3A_420 = arith.constant 1 : i32
      %get3A_421 = arith.index_cast %get3A_420 : i32 to index
      %get3A_422 = arith.constant 0 : index
      %get3A_423 = tpu.vector_load %arg12[%get3A_421, %get3A_422] {strides = array<i32>} : memref<8x128xf32, #tpu.memory_space<vmem>>, vector<1x16xf32>,
      %get3A_424 = vector.shape_cast %get3A_423 : vector<1x16xf32> to vector<16xf32>
      %sub3A_425 = vector.broadcast %squeeze3A_419 : f32 to vector<16xf32>
      %sub3A_426 = arith.subf %get3A_424, %sub3A_425 : vector<16xf32>
      %exp3A_427 = math.exp %sub3A_426 : vector<16xf32>
      %swap3A_428 = arith.constant 128 : index
      %swap3A_429 = tpu.vector_load %arg13[%swap3A_428] {strides = array<i32>} : memref<1024xf32, #tpu.memory_space<vmem>>, vector<16xf32>,
      %swap3A_430 = vector.shape_cast %swap3A_429 : vector<16xf32> to vector<16xf32>
      %swap3A_431 = vector.shape_cast %exp3A_427 : vector<16xf32> to vector<16xf32>
      tpu.vector_store %arg13[%swap3A_428], %swap3A_431 {strides = array<i32>} : memref<1024xf32, #tpu.memory_space<vmem>>, vector<16xf32>,
      %get3A_432 = arith.constant 1 : i32
      %get3A_433 = arith.index_cast %get3A_432 : i32 to index
      %get3A_434 = arith.constant 16 : index
      %get3A_435 = tpu.vector_load %arg12[%get3A_433, %get3A_434] {strides = array<i32>} : memref<8x128xf32, #tpu.memory_space<vmem>>, vector<1x16xf32>,
      %get3A_436 = vector.shape_cast %get3A_435 : vector<1x16xf32> to vector<16xf32>
      %sub3A_437 = vector.broadcast %squeeze3A_419 : f32 to vector<16xf32>
      %sub3A_438 = arith.subf %get3A_436, %sub3A_437 : vector<16xf32>
      %exp3A_439 = math.exp %sub3A_438 : vector<16xf32>
      %swap3A_440 = arith.constant 144 : index
      %swap3A_441 = tpu.vector_load %arg13[%swap3A_440] {strides = array<i32>} : memref<1024xf32, #tpu.memory_space<vmem>>, vector<16xf32>,
      %swap3A_442 = vector.shape_cast %swap3A_441 : vector<16xf32> to vector<16xf32>
      %swap3A_443 = vector.shape_cast %exp3A_439 : vector<16xf32> to vector<16xf32>
      tpu.vector_store %arg13[%swap3A_440], %swap3A_443 {strides = array<i32>} : memref<1024xf32, #tpu.memory_space<vmem>>, vector<16xf32>,
      %get3A_444 = arith.constant 1 : i32
      %get3A_445 = arith.index_cast %get3A_444 : i32 to index
      %get3A_446 = arith.constant 32 : index
      %get3A_447 = tpu.vector_load %arg12[%get3A_445, %get3A_446] {strides = array<i32>} : memref<8x128xf32, #tpu.memory_space<vmem>>, vector<1x16xf32>,
      %get3A_448 = vector.shape_cast %get3A_447 : vector<1x16xf32> to vector<16xf32>
      %sub3A_449 = vector.broadcast %squeeze3A_419 : f32 to vector<16xf32>
      %sub3A_450 = arith.subf %get3A_448, %sub3A_449 : vector<16xf32>
      %exp3A_451 = math.exp %sub3A_450 : vector<16xf32>
      %swap3A_452 = arith.constant 160 : index
      %swap3A_453 = tpu.vector_load %arg13[%swap3A_452] {strides = array<i32>} : memref<1024xf32, #tpu.memory_space<vmem>>, vector<16xf32>,
      %swap3A_454 = vector.shape_cast %swap3A_453 : vector<16xf32> to vector<16xf32>
      %swap3A_455 = vector.shape_cast %exp3A_451 : vector<16xf32> to vector<16xf32>
      tpu.vector_store %arg13[%swap3A_452], %swap3A_455 {strides = array<i32>} : memref<1024xf32, #tpu.memory_space<vmem>>, vector<16xf32>,
      %get3A_456 = arith.constant 1 : i32
      %get3A_457 = arith.index_cast %get3A_456 : i32 to index
      %get3A_458 = arith.constant 48 : index
      %get3A_459 = tpu.vector_load %arg12[%get3A_457, %get3A_458] {strides = array<i32>} : memref<8x128xf32, #tpu.memory_space<vmem>>, vector<1x16xf32>,
      %get3A_460 = vector.shape_cast %get3A_459 : vector<1x16xf32> to vector<16xf32>
      %sub3A_461 = vector.broadcast %squeeze3A_419 : f32 to vector<16xf32>
      %sub3A_462 = arith.subf %get3A_460, %sub3A_461 : vector<16xf32>
      %exp3A_463 = math.exp %sub3A_462 : vector<16xf32>
      %swap3A_464 = arith.constant 176 : index
      %swap3A_465 = tpu.vector_load %arg13[%swap3A_464] {strides = array<i32>} : memref<1024xf32, #tpu.memory_space<vmem>>, vector<16xf32>,
      %swap3A_466 = vector.shape_cast %swap3A_465 : vector<16xf32> to vector<16xf32>
      %swap3A_467 = vector.shape_cast %exp3A_463 : vector<16xf32> to vector<16xf32>
      tpu.vector_store %arg13[%swap3A_464], %swap3A_467 {strides = array<i32>} : memref<1024xf32, #tpu.memory_space<vmem>>, vector<16xf32>,
      %get3A_468 = arith.constant 1 : i32
      %get3A_469 = arith.index_cast %get3A_468 : i32 to index
      %get3A_470 = arith.constant 64 : index
      %get3A_471 = tpu.vector_load %arg12[%get3A_469, %get3A_470] {strides = array<i32>} : memref<8x128xf32, #tpu.memory_space<vmem>>, vector<1x16xf32>,
      %get3A_472 = vector.shape_cast %get3A_471 : vector<1x16xf32> to vector<16xf32>
      %sub3A_473 = vector.broadcast %squeeze3A_419 : f32 to vector<16xf32>
      %sub3A_474 = arith.subf %get3A_472, %sub3A_473 : vector<16xf32>
      %exp3A_475 = math.exp %sub3A_474 : vector<16xf32>
      %swap3A_476 = arith.constant 192 : index
      %swap3A_477 = tpu.vector_load %arg13[%swap3A_476] {strides = array<i32>} : memref<1024xf32, #tpu.memory_space<vmem>>, vector<16xf32>,
      %swap3A_478 = vector.shape_cast %swap3A_477 : vector<16xf32> to vector<16xf32>
      %swap3A_479 = vector.shape_cast %exp3A_475 : vector<16xf32> to vector<16xf32>
      tpu.vector_store %arg13[%swap3A_476], %swap3A_479 {strides = array<i32>} : memref<1024xf32, #tpu.memory_space<vmem>>, vector<16xf32>,
      %get3A_480 = arith.constant 1 : i32
      %get3A_481 = arith.index_cast %get3A_480 : i32 to index
      %get3A_482 = arith.constant 80 : index
      %get3A_483 = tpu.vector_load %arg12[%get3A_481, %get3A_482] {strides = array<i32>} : memref<8x128xf32, #tpu.memory_space<vmem>>, vector<1x16xf32>,
      %get3A_484 = vector.shape_cast %get3A_483 : vector<1x16xf32> to vector<16xf32>
      %sub3A_485 = vector.broadcast %squeeze3A_419 : f32 to vector<16xf32>
      %sub3A_486 = arith.subf %get3A_484, %sub3A_485 : vector<16xf32>
      %exp3A_487 = math.exp %sub3A_486 : vector<16xf32>
      %swap3A_488 = arith.constant 208 : index
      %swap3A_489 = tpu.vector_load %arg13[%swap3A_488] {strides = array<i32>} : memref<1024xf32, #tpu.memory_space<vmem>>, vector<16xf32>,
      %swap3A_490 = vector.shape_cast %swap3A_489 : vector<16xf32> to vector<16xf32>
      %swap3A_491 = vector.shape_cast %exp3A_487 : vector<16xf32> to vector<16xf32>
      tpu.vector_store %arg13[%swap3A_488], %swap3A_491 {strides = array<i32>} : memref<1024xf32, #tpu.memory_space<vmem>>, vector<16xf32>,
      %get3A_492 = arith.constant 1 : i32
      %get3A_493 = arith.index_cast %get3A_492 : i32 to index
      %get3A_494 = arith.constant 96 : index
      %get3A_495 = tpu.vector_load %arg12[%get3A_493, %get3A_494] {strides = array<i32>} : memref<8x128xf32, #tpu.memory_space<vmem>>, vector<1x16xf32>,
      %get3A_496 = vector.shape_cast %get3A_495 : vector<1x16xf32> to vector<16xf32>
      %sub3A_497 = vector.broadcast %squeeze3A_419 : f32 to vector<16xf32>
      %sub3A_498 = arith.subf %get3A_496, %sub3A_497 : vector<16xf32>
      %exp3A_499 = math.exp %sub3A_498 : vector<16xf32>
      %swap3A_500 = arith.constant 224 : index
      %swap3A_501 = tpu.vector_load %arg13[%swap3A_500] {strides = array<i32>} : memref<1024xf32, #tpu.memory_space<vmem>>, vector<16xf32>,
      %swap3A_502 = vector.shape_cast %swap3A_501 : vector<16xf32> to vector<16xf32>
      %swap3A_503 = vector.shape_cast %exp3A_499 : vector<16xf32> to vector<16xf32>
      tpu.vector_store %arg13[%swap3A_500], %swap3A_503 {strides = array<i32>} : memref<1024xf32, #tpu.memory_space<vmem>>, vector<16xf32>,
      %get3A_504 = arith.constant 1 : i32
      %get3A_505 = arith.index_cast %get3A_504 : i32 to index
      %get3A_506 = arith.constant 112 : index
      %get3A_507 = tpu.vector_load %arg12[%get3A_505, %get3A_506] {strides = array<i32>} : memref<8x128xf32, #tpu.memory_space<vmem>>, vector<1x16xf32>,
      %get3A_508 = vector.shape_cast %get3A_507 : vector<1x16xf32> to vector<16xf32>
      %sub3A_509 = vector.broadcast %squeeze3A_419 : f32 to vector<16xf32>
      %sub3A_510 = arith.subf %get3A_508, %sub3A_509 : vector<16xf32>
      %exp3A_511 = math.exp %sub3A_510 : vector<16xf32>
      %swap3A_512 = arith.constant 240 : index
      %swap3A_513 = tpu.vector_load %arg13[%swap3A_512] {strides = array<i32>} : memref<1024xf32, #tpu.memory_space<vmem>>, vector<16xf32>,
      %swap3A_514 = vector.shape_cast %swap3A_513 : vector<16xf32> to vector<16xf32>
      %swap3A_515 = vector.shape_cast %exp3A_511 : vector<16xf32> to vector<16xf32>
      tpu.vector_store %arg13[%swap3A_512], %swap3A_515 {strides = array<i32>} : memref<1024xf32, #tpu.memory_space<vmem>>, vector<16xf32>,
      %get3A_516 = arith.constant 2 : i32
      %get3A_517 = arith.index_cast %get3A_516 : i32 to index
      %get3A_518 = arith.constant 0 : index
      %get3A_519 = tpu.vector_load %arg15[%get3A_517, %get3A_518] {strides = array<i32>} : memref<8x128xf32, #tpu.memory_space<vmem>>, vector<1x16xf32>,
      %get3A_520 = vector.shape_cast %get3A_519 : vector<1x16xf32> to vector<16xf32>
      %slice3A_521 = vector.extract_strided_slice %get3A_520 {offsets = [0], sizes = [1], strides = [1]} : vector<16xf32> to vector<1xf32>
      %squeeze3A_522 = vector.extract %slice3A_521[0] : f32 from vector<1xf32>
      %get3A_523 = arith.constant 2 : i32
      %get3A_524 = arith.index_cast %get3A_523 : i32 to index
      %get3A_525 = arith.constant 0 : index
      %get3A_526 = tpu.vector_load %arg12[%get3A_524, %get3A_525] {strides = array<i32>} : memref<8x128xf32, #tpu.memory_space<vmem>>, vector<1x16xf32>,
      %get3A_527 = vector.shape_cast %get3A_526 : vector<1x16xf32> to vector<16xf32>
      %sub3A_528 = vector.broadcast %squeeze3A_522 : f32 to vector<16xf32>
      %sub3A_529 = arith.subf %get3A_527, %sub3A_528 : vector<16xf32>
      %exp3A_530 = math.exp %sub3A_529 : vector<16xf32>
      %swap3A_531 = arith.constant 256 : index
      %swap3A_532 = tpu.vector_load %arg13[%swap3A_531] {strides = array<i32>} : memref<1024xf32, #tpu.memory_space<vmem>>, vector<16xf32>,
      %swap3A_533 = vector.shape_cast %swap3A_532 : vector<16xf32> to vector<16xf32>
      %swap3A_534 = vector.shape_cast %exp3A_530 : vector<16xf32> to vector<16xf32>
      tpu.vector_store %arg13[%swap3A_531], %swap3A_534 {strides = array<i32>} : memref<1024xf32, #tpu.memory_space<vmem>>, vector<16xf32>,
      %get3A_535 = arith.constant 2 : i32
      %get3A_536 = arith.index_cast %get3A_535 : i32 to index
      %get3A_537 = arith.constant 16 : index
      %get3A_538 = tpu.vector_load %arg12[%get3A_536, %get3A_537] {strides = array<i32>} : memref<8x128xf32, #tpu.memory_space<vmem>>, vector<1x16xf32>,
      %get3A_539 = vector.shape_cast %get3A_538 : vector<1x16xf32> to vector<16xf32>
      %sub3A_540 = vector.broadcast %squeeze3A_522 : f32 to vector<16xf32>
      %sub3A_541 = arith.subf %get3A_539, %sub3A_540 : vector<16xf32>
      %exp3A_542 = math.exp %sub3A_541 : vector<16xf32>
      %swap3A_543 = arith.constant 272 : index
      %swap3A_544 = tpu.vector_load %arg13[%swap3A_543] {strides = array<i32>} : memref<1024xf32, #tpu.memory_space<vmem>>, vector<16xf32>,
      %swap3A_545 = vector.shape_cast %swap3A_544 : vector<16xf32> to vector<16xf32>
      %swap3A_546 = vector.shape_cast %exp3A_542 : vector<16xf32> to vector<16xf32>
      tpu.vector_store %arg13[%swap3A_543], %swap3A_546 {strides = array<i32>} : memref<1024xf32, #tpu.memory_space<vmem>>, vector<16xf32>,
      %get3A_547 = arith.constant 2 : i32
      %get3A_548 = arith.index_cast %get3A_547 : i32 to index
      %get3A_549 = arith.constant 32 : index
      %get3A_550 = tpu.vector_load %arg12[%get3A_548, %get3A_549] {strides = array<i32>} : memref<8x128xf32, #tpu.memory_space<vmem>>, vector<1x16xf32>,
      %get3A_551 = vector.shape_cast %get3A_550 : vector<1x16xf32> to vector<16xf32>
      %sub3A_552 = vector.broadcast %squeeze3A_522 : f32 to vector<16xf32>
      %sub3A_553 = arith.subf %get3A_551, %sub3A_552 : vector<16xf32>
      %exp3A_554 = math.exp %sub3A_553 : vector<16xf32>
      %swap3A_555 = arith.constant 288 : index
      %swap3A_556 = tpu.vector_load %arg13[%swap3A_555] {strides = array<i32>} : memref<1024xf32, #tpu.memory_space<vmem>>, vector<16xf32>,
      %swap3A_557 = vector.shape_cast %swap3A_556 : vector<16xf32> to vector<16xf32>
      %swap3A_558 = vector.shape_cast %exp3A_554 : vector<16xf32> to vector<16xf32>
      tpu.vector_store %arg13[%swap3A_555], %swap3A_558 {strides = array<i32>} : memref<1024xf32, #tpu.memory_space<vmem>>, vector<16xf32>,
      %get3A_559 = arith.constant 2 : i32
      %get3A_560 = arith.index_cast %get3A_559 : i32 to index
      %get3A_561 = arith.constant 48 : index
      %get3A_562 = tpu.vector_load %arg12[%get3A_560, %get3A_561] {strides = array<i32>} : memref<8x128xf32, #tpu.memory_space<vmem>>, vector<1x16xf32>,
      %get3A_563 = vector.shape_cast %get3A_562 : vector<1x16xf32> to vector<16xf32>
      %sub3A_564 = vector.broadcast %squeeze3A_522 : f32 to vector<16xf32>
      %sub3A_565 = arith.subf %get3A_563, %sub3A_564 : vector<16xf32>
      %exp3A_566 = math.exp %sub3A_565 : vector<16xf32>
      %swap3A_567 = arith.constant 304 : index
      %swap3A_568 = tpu.vector_load %arg13[%swap3A_567] {strides = array<i32>} : memref<1024xf32, #tpu.memory_space<vmem>>, vector<16xf32>,
      %swap3A_569 = vector.shape_cast %swap3A_568 : vector<16xf32> to vector<16xf32>
      %swap3A_570 = vector.shape_cast %exp3A_566 : vector<16xf32> to vector<16xf32>
      tpu.vector_store %arg13[%swap3A_567], %swap3A_570 {strides = array<i32>} : memref<1024xf32, #tpu.memory_space<vmem>>, vector<16xf32>,
      %get3A_571 = arith.constant 2 : i32
      %get3A_572 = arith.index_cast %get3A_571 : i32 to index
      %get3A_573 = arith.constant 64 : index
      %get3A_574 = tpu.vector_load %arg12[%get3A_572, %get3A_573] {strides = array<i32>} : memref<8x128xf32, #tpu.memory_space<vmem>>, vector<1x16xf32>,
      %get3A_575 = vector.shape_cast %get3A_574 : vector<1x16xf32> to vector<16xf32>
      %sub3A_576 = vector.broadcast %squeeze3A_522 : f32 to vector<16xf32>
      %sub3A_577 = arith.subf %get3A_575, %sub3A_576 : vector<16xf32>
      %exp3A_578 = math.exp %sub3A_577 : vector<16xf32>
      %swap3A_579 = arith.constant 320 : index
      %swap3A_580 = tpu.vector_load %arg13[%swap3A_579] {strides = array<i32>} : memref<1024xf32, #tpu.memory_space<vmem>>, vector<16xf32>,
      %swap3A_581 = vector.shape_cast %swap3A_580 : vector<16xf32> to vector<16xf32>
      %swap3A_582 = vector.shape_cast %exp3A_578 : vector<16xf32> to vector<16xf32>
      tpu.vector_store %arg13[%swap3A_579], %swap3A_582 {strides = array<i32>} : memref<1024xf32, #tpu.memory_space<vmem>>, vector<16xf32>,
      %get3A_583 = arith.constant 2 : i32
      %get3A_584 = arith.index_cast %get3A_583 : i32 to index
      %get3A_585 = arith.constant 80 : index
      %get3A_586 = tpu.vector_load %arg12[%get3A_584, %get3A_585] {strides = array<i32>} : memref<8x128xf32, #tpu.memory_space<vmem>>, vector<1x16xf32>,
      %get3A_587 = vector.shape_cast %get3A_586 : vector<1x16xf32> to vector<16xf32>
      %sub3A_588 = vector.broadcast %squeeze3A_522 : f32 to vector<16xf32>
      %sub3A_589 = arith.subf %get3A_587, %sub3A_588 : vector<16xf32>
      %exp3A_590 = math.exp %sub3A_589 : vector<16xf32>
      %swap3A_591 = arith.constant 336 : index
      %swap3A_592 = tpu.vector_load %arg13[%swap3A_591] {strides = array<i32>} : memref<1024xf32, #tpu.memory_space<vmem>>, vector<16xf32>,
      %swap3A_593 = vector.shape_cast %swap3A_592 : vector<16xf32> to vector<16xf32>
      %swap3A_594 = vector.shape_cast %exp3A_590 : vector<16xf32> to vector<16xf32>
      tpu.vector_store %arg13[%swap3A_591], %swap3A_594 {strides = array<i32>} : memref<1024xf32, #tpu.memory_space<vmem>>, vector<16xf32>,
      %get3A_595 = arith.constant 2 : i32
      %get3A_596 = arith.index_cast %get3A_595 : i32 to index
      %get3A_597 = arith.constant 96 : index
      %get3A_598 = tpu.vector_load %arg12[%get3A_596, %get3A_597] {strides = array<i32>} : memref<8x128xf32, #tpu.memory_space<vmem>>, vector<1x16xf32>,
      %get3A_599 = vector.shape_cast %get3A_598 : vector<1x16xf32> to vector<16xf32>
      %sub3A_600 = vector.broadcast %squeeze3A_522 : f32 to vector<16xf32>
      %sub3A_601 = arith.subf %get3A_599, %sub3A_600 : vector<16xf32>
      %exp3A_602 = math.exp %sub3A_601 : vector<16xf32>
      %swap3A_603 = arith.constant 352 : index
      %swap3A_604 = tpu.vector_load %arg13[%swap3A_603] {strides = array<i32>} : memref<1024xf32, #tpu.memory_space<vmem>>, vector<16xf32>,
      %swap3A_605 = vector.shape_cast %swap3A_604 : vector<16xf32> to vector<16xf32>
      %swap3A_606 = vector.shape_cast %exp3A_602 : vector<16xf32> to vector<16xf32>
      tpu.vector_store %arg13[%swap3A_603], %swap3A_606 {strides = array<i32>} : memref<1024xf32, #tpu.memory_space<vmem>>, vector<16xf32>,
      %get3A_607 = arith.constant 2 : i32
      %get3A_608 = arith.index_cast %get3A_607 : i32 to index
      %get3A_609 = arith.constant 112 : index
      %get3A_610 = tpu.vector_load %arg12[%get3A_608, %get3A_609] {strides = array<i32>} : memref<8x128xf32, #tpu.memory_space<vmem>>, vector<1x16xf32>,
      %get3A_611 = vector.shape_cast %get3A_610 : vector<1x16xf32> to vector<16xf32>
      %sub3A_612 = vector.broadcast %squeeze3A_522 : f32 to vector<16xf32>
      %sub3A_613 = arith.subf %get3A_611, %sub3A_612 : vector<16xf32>
      %exp3A_614 = math.exp %sub3A_613 : vector<16xf32>
      %swap3A_615 = arith.constant 368 : index
      %swap3A_616 = tpu.vector_load %arg13[%swap3A_615] {strides = array<i32>} : memref<1024xf32, #tpu.memory_space<vmem>>, vector<16xf32>,
      %swap3A_617 = vector.shape_cast %swap3A_616 : vector<16xf32> to vector<16xf32>
      %swap3A_618 = vector.shape_cast %exp3A_614 : vector<16xf32> to vector<16xf32>
      tpu.vector_store %arg13[%swap3A_615], %swap3A_618 {strides = array<i32>} : memref<1024xf32, #tpu.memory_space<vmem>>, vector<16xf32>,
      %get3A_619 = arith.constant 3 : i32
      %get3A_620 = arith.index_cast %get3A_619 : i32 to index
      %get3A_621 = arith.constant 0 : index
      %get3A_622 = tpu.vector_load %arg15[%get3A_620, %get3A_621] {strides = array<i32>} : memref<8x128xf32, #tpu.memory_space<vmem>>, vector<1x16xf32>,
      %get3A_623 = vector.shape_cast %get3A_622 : vector<1x16xf32> to vector<16xf32>
      %slice3A_624 = vector.extract_strided_slice %get3A_623 {offsets = [0], sizes = [1], strides = [1]} : vector<16xf32> to vector<1xf32>
      %squeeze3A_625 = vector.extract %slice3A_624[0] : f32 from vector<1xf32>
      %get3A_626 = arith.constant 3 : i32
      %get3A_627 = arith.index_cast %get3A_626 : i32 to index
      %get3A_628 = arith.constant 0 : index
      %get3A_629 = tpu.vector_load %arg12[%get3A_627, %get3A_628] {strides = array<i32>} : memref<8x128xf32, #tpu.memory_space<vmem>>, vector<1x16xf32>,
      %get3A_630 = vector.shape_cast %get3A_629 : vector<1x16xf32> to vector<16xf32>
      %sub3A_631 = vector.broadcast %squeeze3A_625 : f32 to vector<16xf32>
      %sub3A_632 = arith.subf %get3A_630, %sub3A_631 : vector<16xf32>
      %exp3A_633 = math.exp %sub3A_632 : vector<16xf32>
      %swap3A_634 = arith.constant 384 : index
      %swap3A_635 = tpu.vector_load %arg13[%swap3A_634] {strides = array<i32>} : memref<1024xf32, #tpu.memory_space<vmem>>, vector<16xf32>,
      %swap3A_636 = vector.shape_cast %swap3A_635 : vector<16xf32> to vector<16xf32>
      %swap3A_637 = vector.shape_cast %exp3A_633 : vector<16xf32> to vector<16xf32>
      tpu.vector_store %arg13[%swap3A_634], %swap3A_637 {strides = array<i32>} : memref<1024xf32, #tpu.memory_space<vmem>>, vector<16xf32>,
      %get3A_638 = arith.constant 3 : i32
      %get3A_639 = arith.index_cast %get3A_638 : i32 to index
      %get3A_640 = arith.constant 16 : index
      %get3A_641 = tpu.vector_load %arg12[%get3A_639, %get3A_640] {strides = array<i32>} : memref<8x128xf32, #tpu.memory_space<vmem>>, vector<1x16xf32>,
      %get3A_642 = vector.shape_cast %get3A_641 : vector<1x16xf32> to vector<16xf32>
      %sub3A_643 = vector.broadcast %squeeze3A_625 : f32 to vector<16xf32>
      %sub3A_644 = arith.subf %get3A_642, %sub3A_643 : vector<16xf32>
      %exp3A_645 = math.exp %sub3A_644 : vector<16xf32>
      %swap3A_646 = arith.constant 400 : index
      %swap3A_647 = tpu.vector_load %arg13[%swap3A_646] {strides = array<i32>} : memref<1024xf32, #tpu.memory_space<vmem>>, vector<16xf32>,
      %swap3A_648 = vector.shape_cast %swap3A_647 : vector<16xf32> to vector<16xf32>
      %swap3A_649 = vector.shape_cast %exp3A_645 : vector<16xf32> to vector<16xf32>
      tpu.vector_store %arg13[%swap3A_646], %swap3A_649 {strides = array<i32>} : memref<1024xf32, #tpu.memory_space<vmem>>, vector<16xf32>,
      %get3A_650 = arith.constant 3 : i32
      %get3A_651 = arith.index_cast %get3A_650 : i32 to index
      %get3A_652 = arith.constant 32 : index
      %get3A_653 = tpu.vector_load %arg12[%get3A_651, %get3A_652] {strides = array<i32>} : memref<8x128xf32, #tpu.memory_space<vmem>>, vector<1x16xf32>,
      %get3A_654 = vector.shape_cast %get3A_653 : vector<1x16xf32> to vector<16xf32>
      %sub3A_655 = vector.broadcast %squeeze3A_625 : f32 to vector<16xf32>
      %sub3A_656 = arith.subf %get3A_654, %sub3A_655 : vector<16xf32>
      %exp3A_657 = math.exp %sub3A_656 : vector<16xf32>
      %swap3A_658 = arith.constant 416 : index
      %swap3A_659 = tpu.vector_load %arg13[%swap3A_658] {strides = array<i32>} : memref<1024xf32, #tpu.memory_space<vmem>>, vector<16xf32>,
      %swap3A_660 = vector.shape_cast %swap3A_659 : vector<16xf32> to vector<16xf32>
      %swap3A_661 = vector.shape_cast %exp3A_657 : vector<16xf32> to vector<16xf32>
      tpu.vector_store %arg13[%swap3A_658], %swap3A_661 {strides = array<i32>} : memref<1024xf32, #tpu.memory_space<vmem>>, vector<16xf32>,
      %get3A_662 = arith.constant 3 : i32
      %get3A_663 = arith.index_cast %get3A_662 : i32 to index
      %get3A_664 = arith.constant 48 : index
      %get3A_665 = tpu.vector_load %arg12[%get3A_663, %get3A_664] {strides = array<i32>} : memref<8x128xf32, #tpu.memory_space<vmem>>, vector<1x16xf32>,
      %get3A_666 = vector.shape_cast %get3A_665 : vector<1x16xf32> to vector<16xf32>
      %sub3A_667 = vector.broadcast %squeeze3A_625 : f32 to vector<16xf32>
      %sub3A_668 = arith.subf %get3A_666, %sub3A_667 : vector<16xf32>
      %exp3A_669 = math.exp %sub3A_668 : vector<16xf32>
      %swap3A_670 = arith.constant 432 : index
      %swap3A_671 = tpu.vector_load %arg13[%swap3A_670] {strides = array<i32>} : memref<1024xf32, #tpu.memory_space<vmem>>, vector<16xf32>,
      %swap3A_672 = vector.shape_cast %swap3A_671 : vector<16xf32> to vector<16xf32>
      %swap3A_673 = vector.shape_cast %exp3A_669 : vector<16xf32> to vector<16xf32>
      tpu.vector_store %arg13[%swap3A_670], %swap3A_673 {strides = array<i32>} : memref<1024xf32, #tpu.memory_space<vmem>>, vector<16xf32>,
      %get3A_674 = arith.constant 3 : i32
      %get3A_675 = arith.index_cast %get3A_674 : i32 to index
      %get3A_676 = arith.constant 64 : index
      %get3A_677 = tpu.vector_load %arg12[%get3A_675, %get3A_676] {strides = array<i32>} : memref<8x128xf32, #tpu.memory_space<vmem>>, vector<1x16xf32>,
      %get3A_678 = vector.shape_cast %get3A_677 : vector<1x16xf32> to vector<16xf32>
      %sub3A_679 = vector.broadcast %squeeze3A_625 : f32 to vector<16xf32>
      %sub3A_680 = arith.subf %get3A_678, %sub3A_679 : vector<16xf32>
      %exp3A_681 = math.exp %sub3A_680 : vector<16xf32>
      %swap3A_682 = arith.constant 448 : index
      %swap3A_683 = tpu.vector_load %arg13[%swap3A_682] {strides = array<i32>} : memref<1024xf32, #tpu.memory_space<vmem>>, vector<16xf32>,
      %swap3A_684 = vector.shape_cast %swap3A_683 : vector<16xf32> to vector<16xf32>
      %swap3A_685 = vector.shape_cast %exp3A_681 : vector<16xf32> to vector<16xf32>
      tpu.vector_store %arg13[%swap3A_682], %swap3A_685 {strides = array<i32>} : memref<1024xf32, #tpu.memory_space<vmem>>, vector<16xf32>,
      %get3A_686 = arith.constant 3 : i32
      %get3A_687 = arith.index_cast %get3A_686 : i32 to index
      %get3A_688 = arith.constant 80 : index
      %get3A_689 = tpu.vector_load %arg12[%get3A_687, %get3A_688] {strides = array<i32>} : memref<8x128xf32, #tpu.memory_space<vmem>>, vector<1x16xf32>,
      %get3A_690 = vector.shape_cast %get3A_689 : vector<1x16xf32> to vector<16xf32>
      %sub3A_691 = vector.broadcast %squeeze3A_625 : f32 to vector<16xf32>
      %sub3A_692 = arith.subf %get3A_690, %sub3A_691 : vector<16xf32>
      %exp3A_693 = math.exp %sub3A_692 : vector<16xf32>
      %swap3A_694 = arith.constant 464 : index
      %swap3A_695 = tpu.vector_load %arg13[%swap3A_694] {strides = array<i32>} : memref<1024xf32, #tpu.memory_space<vmem>>, vector<16xf32>,
      %swap3A_696 = vector.shape_cast %swap3A_695 : vector<16xf32> to vector<16xf32>
      %swap3A_697 = vector.shape_cast %exp3A_693 : vector<16xf32> to vector<16xf32>
      tpu.vector_store %arg13[%swap3A_694], %swap3A_697 {strides = array<i32>} : memref<1024xf32, #tpu.memory_space<vmem>>, vector<16xf32>,
      %get3A_698 = arith.constant 3 : i32
      %get3A_699 = arith.index_cast %get3A_698 : i32 to index
      %get3A_700 = arith.constant 96 : index
      %get3A_701 = tpu.vector_load %arg12[%get3A_699, %get3A_700] {strides = array<i32>} : memref<8x128xf32, #tpu.memory_space<vmem>>, vector<1x16xf32>,
      %get3A_702 = vector.shape_cast %get3A_701 : vector<1x16xf32> to vector<16xf32>
      %sub3A_703 = vector.broadcast %squeeze3A_625 : f32 to vector<16xf32>
      %sub3A_704 = arith.subf %get3A_702, %sub3A_703 : vector<16xf32>
      %exp3A_705 = math.exp %sub3A_704 : vector<16xf32>
      %swap3A_706 = arith.constant 480 : index
      %swap3A_707 = tpu.vector_load %arg13[%swap3A_706] {strides = array<i32>} : memref<1024xf32, #tpu.memory_space<vmem>>, vector<16xf32>,
      %swap3A_708 = vector.shape_cast %swap3A_707 : vector<16xf32> to vector<16xf32>
      %swap3A_709 = vector.shape_cast %exp3A_705 : vector<16xf32> to vector<16xf32>
      tpu.vector_store %arg13[%swap3A_706], %swap3A_709 {strides = array<i32>} : memref<1024xf32, #tpu.memory_space<vmem>>, vector<16xf32>,
      %get3A_710 = arith.constant 3 : i32
      %get3A_711 = arith.index_cast %get3A_710 : i32 to index
      %get3A_712 = arith.constant 112 : index
      %get3A_713 = tpu.vector_load %arg12[%get3A_711, %get3A_712] {strides = array<i32>} : memref<8x128xf32, #tpu.memory_space<vmem>>, vector<1x16xf32>,
      %get3A_714 = vector.shape_cast %get3A_713 : vector<1x16xf32> to vector<16xf32>
      %sub3A_715 = vector.broadcast %squeeze3A_625 : f32 to vector<16xf32>
      %sub3A_716 = arith.subf %get3A_714, %sub3A_715 : vector<16xf32>
      %exp3A_717 = math.exp %sub3A_716 : vector<16xf32>
      %swap3A_718 = arith.constant 496 : index
      %swap3A_719 = tpu.vector_load %arg13[%swap3A_718] {strides = array<i32>} : memref<1024xf32, #tpu.memory_space<vmem>>, vector<16xf32>,
      %swap3A_720 = vector.shape_cast %swap3A_719 : vector<16xf32> to vector<16xf32>
      %swap3A_721 = vector.shape_cast %exp3A_717 : vector<16xf32> to vector<16xf32>
      tpu.vector_store %arg13[%swap3A_718], %swap3A_721 {strides = array<i32>} : memref<1024xf32, #tpu.memory_space<vmem>>, vector<16xf32>,
      %get3A_722 = arith.constant 0 : index
      %get3A_723 = tpu.vector_load %arg10[%get3A_722] {strides = array<i32>} : memref<128xi32, #tpu.memory_space<vmem>>, vector<16xi32>,
      %get3A_724 = vector.shape_cast %get3A_723 : vector<16xi32> to vector<16xi32>
      %add3A_725 = arith.constant 0 : i32
      %add3A_726 = vector.broadcast %add3A_725 : i32 to vector<16xi32>
      %add3A_727 = arith.addi %get3A_724, %add3A_726 : vector<16xi32>
      %swap3A_728 = arith.constant 0 : index
      %swap3A_729 = tpu.vector_load %arg11[%swap3A_728] {strides = array<i32>} : memref<128xi32, #tpu.memory_space<vmem>>, vector<16xi32>,
      %swap3A_730 = vector.shape_cast %swap3A_729 : vector<16xi32> to vector<16xi32>
      %swap3A_731 = vector.shape_cast %add3A_727 : vector<16xi32> to vector<16xi32>
      tpu.vector_store %arg11[%swap3A_728], %swap3A_731 {strides = array<i32>} : memref<128xi32, #tpu.memory_space<vmem>>, vector<16xi32>,
      %get3A_732 = arith.constant 16 : index
      %get3A_733 = tpu.vector_load %arg10[%get3A_732] {strides = array<i32>} : memref<128xi32, #tpu.memory_space<vmem>>, vector<16xi32>,
      %get3A_734 = vector.shape_cast %get3A_733 : vector<16xi32> to vector<16xi32>
      %add3A_735 = arith.constant 0 : i32
      %add3A_736 = vector.broadcast %add3A_735 : i32 to vector<16xi32>
      %add3A_737 = arith.addi %get3A_734, %add3A_736 : vector<16xi32>
      %swap3A_738 = arith.constant 16 : index
      %swap3A_739 = tpu.vector_load %arg11[%swap3A_738] {strides = array<i32>} : memref<128xi32, #tpu.memory_space<vmem>>, vector<16xi32>,
      %swap3A_740 = vector.shape_cast %swap3A_739 : vector<16xi32> to vector<16xi32>
      %swap3A_741 = vector.shape_cast %add3A_737 : vector<16xi32> to vector<16xi32>
      tpu.vector_store %arg11[%swap3A_738], %swap3A_741 {strides = array<i32>} : memref<128xi32, #tpu.memory_space<vmem>>, vector<16xi32>,
      %get3A_742 = arith.constant 32 : index
      %get3A_743 = tpu.vector_load %arg10[%get3A_742] {strides = array<i32>} : memref<128xi32, #tpu.memory_space<vmem>>, vector<16xi32>,
      %get3A_744 = vector.shape_cast %get3A_743 : vector<16xi32> to vector<16xi32>
      %add3A_745 = arith.constant 0 : i32
      %add3A_746 = vector.broadcast %add3A_745 : i32 to vector<16xi32>
      %add3A_747 = arith.addi %get3A_744, %add3A_746 : vector<16xi32>
      %swap3A_748 = arith.constant 32 : index
      %swap3A_749 = tpu.vector_load %arg11[%swap3A_748] {strides = array<i32>} : memref<128xi32, #tpu.memory_space<vmem>>, vector<16xi32>,
      %swap3A_750 = vector.shape_cast %swap3A_749 : vector<16xi32> to vector<16xi32>
      %swap3A_751 = vector.shape_cast %add3A_747 : vector<16xi32> to vector<16xi32>
      tpu.vector_store %arg11[%swap3A_748], %swap3A_751 {strides = array<i32>} : memref<128xi32, #tpu.memory_space<vmem>>, vector<16xi32>,
      %get3A_752 = arith.constant 48 : index
      %get3A_753 = tpu.vector_load %arg10[%get3A_752] {strides = array<i32>} : memref<128xi32, #tpu.memory_space<vmem>>, vector<16xi32>,
      %get3A_754 = vector.shape_cast %get3A_753 : vector<16xi32> to vector<16xi32>
      %add3A_755 = arith.constant 0 : i32
      %add3A_756 = vector.broadcast %add3A_755 : i32 to vector<16xi32>
      %add3A_757 = arith.addi %get3A_754, %add3A_756 : vector<16xi32>
      %swap3A_758 = arith.constant 48 : index
      %swap3A_759 = tpu.vector_load %arg11[%swap3A_758] {strides = array<i32>} : memref<128xi32, #tpu.memory_space<vmem>>, vector<16xi32>,
      %swap3A_760 = vector.shape_cast %swap3A_759 : vector<16xi32> to vector<16xi32>
      %swap3A_761 = vector.shape_cast %add3A_757 : vector<16xi32> to vector<16xi32>
      tpu.vector_store %arg11[%swap3A_758], %swap3A_761 {strides = array<i32>} : memref<128xi32, #tpu.memory_space<vmem>>, vector<16xi32>,
      %get3A_762 = arith.constant 64 : index
      %get3A_763 = tpu.vector_load %arg10[%get3A_762] {strides = array<i32>} : memref<128xi32, #tpu.memory_space<vmem>>, vector<16xi32>,
      %get3A_764 = vector.shape_cast %get3A_763 : vector<16xi32> to vector<16xi32>
      %add3A_765 = arith.constant 0 : i32
      %add3A_766 = vector.broadcast %add3A_765 : i32 to vector<16xi32>
      %add3A_767 = arith.addi %get3A_764, %add3A_766 : vector<16xi32>
      %swap3A_768 = arith.constant 64 : index
      %swap3A_769 = tpu.vector_load %arg11[%swap3A_768] {strides = array<i32>} : memref<128xi32, #tpu.memory_space<vmem>>, vector<16xi32>,
      %swap3A_770 = vector.shape_cast %swap3A_769 : vector<16xi32> to vector<16xi32>
      %swap3A_771 = vector.shape_cast %add3A_767 : vector<16xi32> to vector<16xi32>
      tpu.vector_store %arg11[%swap3A_768], %swap3A_771 {strides = array<i32>} : memref<128xi32, #tpu.memory_space<vmem>>, vector<16xi32>,
      %get3A_772 = arith.constant 80 : index
      %get3A_773 = tpu.vector_load %arg10[%get3A_772] {strides = array<i32>} : memref<128xi32, #tpu.memory_space<vmem>>, vector<16xi32>,
      %get3A_774 = vector.shape_cast %get3A_773 : vector<16xi32> to vector<16xi32>
      %add3A_775 = arith.constant 0 : i32
      %add3A_776 = vector.broadcast %add3A_775 : i32 to vector<16xi32>
      %add3A_777 = arith.addi %get3A_774, %add3A_776 : vector<16xi32>
      %swap3A_778 = arith.constant 80 : index
      %swap3A_779 = tpu.vector_load %arg11[%swap3A_778] {strides = array<i32>} : memref<128xi32, #tpu.memory_space<vmem>>, vector<16xi32>,
      %swap3A_780 = vector.shape_cast %swap3A_779 : vector<16xi32> to vector<16xi32>
      %swap3A_781 = vector.shape_cast %add3A_777 : vector<16xi32> to vector<16xi32>
      tpu.vector_store %arg11[%swap3A_778], %swap3A_781 {strides = array<i32>} : memref<128xi32, #tpu.memory_space<vmem>>, vector<16xi32>,
      %get3A_782 = arith.constant 96 : index
      %get3A_783 = tpu.vector_load %arg10[%get3A_782] {strides = array<i32>} : memref<128xi32, #tpu.memory_space<vmem>>, vector<16xi32>,
      %get3A_784 = vector.shape_cast %get3A_783 : vector<16xi32> to vector<16xi32>
      %add3A_785 = arith.constant 0 : i32
      %add3A_786 = vector.broadcast %add3A_785 : i32 to vector<16xi32>
      %add3A_787 = arith.addi %get3A_784, %add3A_786 : vector<16xi32>
      %swap3A_788 = arith.constant 96 : index
      %swap3A_789 = tpu.vector_load %arg11[%swap3A_788] {strides = array<i32>} : memref<128xi32, #tpu.memory_space<vmem>>, vector<16xi32>,
      %swap3A_790 = vector.shape_cast %swap3A_789 : vector<16xi32> to vector<16xi32>
      %swap3A_791 = vector.shape_cast %add3A_787 : vector<16xi32> to vector<16xi32>
      tpu.vector_store %arg11[%swap3A_788], %swap3A_791 {strides = array<i32>} : memref<128xi32, #tpu.memory_space<vmem>>, vector<16xi32>,
      %get3A_792 = arith.constant 112 : index
      %get3A_793 = tpu.vector_load %arg10[%get3A_792] {strides = array<i32>} : memref<128xi32, #tpu.memory_space<vmem>>, vector<16xi32>,
      %get3A_794 = vector.shape_cast %get3A_793 : vector<16xi32> to vector<16xi32>
      %add3A_795 = arith.constant 0 : i32
      %add3A_796 = vector.broadcast %add3A_795 : i32 to vector<16xi32>
      %add3A_797 = arith.addi %get3A_794, %add3A_796 : vector<16xi32>
      %swap3A_798 = arith.constant 112 : index
      %swap3A_799 = tpu.vector_load %arg11[%swap3A_798] {strides = array<i32>} : memref<128xi32, #tpu.memory_space<vmem>>, vector<16xi32>,
      %swap3A_800 = vector.shape_cast %swap3A_799 : vector<16xi32> to vector<16xi32>
      %swap3A_801 = vector.shape_cast %add3A_797 : vector<16xi32> to vector<16xi32>
      tpu.vector_store %arg11[%swap3A_798], %swap3A_801 {strides = array<i32>} : memref<128xi32, #tpu.memory_space<vmem>>, vector<16xi32>,
      "tpu.region"() ({
        %run_scoped3A = tpu.sem_alloc : memref<!tpu.dma_semaphore, #tpu.memory_space<semaphore_mem>>
        %dma_start3A_1050 = arith.constant 0 : i32
        %dma_start3A_1051 = tpu.memref_slice %arg13[%dma_start3A_1050] : memref<1024xf32, #tpu.memory_space<vmem>> -> memref<128xf32, #tpu.memory_space<vmem>>
        %dma_start3A_1052 = arith.constant 0 : i32
        %dma_start3A_1053 = tpu.memref_slice %arg16[%dma_start3A_1052] : memref<40960xf32, #tpu.memory_space<vmem_shared>> -> memref<40960xf32, #tpu.memory_space<vmem_shared>>
        tpu.enqueue_indirect_dma source(%dma_start3A_1051 : memref<128xf32, #tpu.memory_space<vmem>>) target(%dma_start3A_1053 : memref<40960xf32, #tpu.memory_space<vmem_shared>>) offsets(%arg11 : memref<128xi32, #tpu.memory_space<vmem>>) semaphore(%run_scoped3A : memref<!tpu.dma_semaphore, #tpu.memory_space<semaphore_mem>>) {add = true}
        %dma_wait3A_1054 = arith.constant 0 : i32
        %dma_wait3A_1055 = tpu.memref_slice %arg13[%dma_wait3A_1054] : memref<1024xf32, #tpu.memory_space<vmem>> -> memref<128xf32, #tpu.memory_space<vmem>>
        %dma_wait3A_1056 = arith.constant 0 : i32
        %dma_wait3A_1057 = tpu.memref_slice %arg16[%dma_wait3A_1056] : memref<40960xf32, #tpu.memory_space<vmem_shared>> -> memref<40960xf32, #tpu.memory_space<vmem_shared>>
        tpu.wait_indirect_dma semaphore(%run_scoped3A : memref<!tpu.dma_semaphore, #tpu.memory_space<semaphore_mem>>) src(%dma_wait3A_1055 : memref<128xf32, #tpu.memory_space<vmem>>) dst(%dma_wait3A_1057 : memref<40960xf32, #tpu.memory_space<vmem_shared>>)
        tpu.yield
      }) : () -> ()
      %get3A_802 = arith.constant 0 : index
      %get3A_803 = tpu.vector_load %arg10[%get3A_802] {strides = array<i32>} : memref<128xi32, #tpu.memory_space<vmem>>, vector<16xi32>,
      %get3A_804 = vector.shape_cast %get3A_803 : vector<16xi32> to vector<16xi32>
      %add3A_805 = arith.constant 10240 : i32
      %add3A_806 = vector.broadcast %add3A_805 : i32 to vector<16xi32>
      %add3A_807 = arith.addi %get3A_804, %add3A_806 : vector<16xi32>
      %swap3A_808 = arith.constant 0 : index
      %swap3A_809 = tpu.vector_load %arg11[%swap3A_808] {strides = array<i32>} : memref<128xi32, #tpu.memory_space<vmem>>, vector<16xi32>,
      %swap3A_810 = vector.shape_cast %swap3A_809 : vector<16xi32> to vector<16xi32>
      %swap3A_811 = vector.shape_cast %add3A_807 : vector<16xi32> to vector<16xi32>
      tpu.vector_store %arg11[%swap3A_808], %swap3A_811 {strides = array<i32>} : memref<128xi32, #tpu.memory_space<vmem>>, vector<16xi32>,
      %get3A_812 = arith.constant 16 : index
      %get3A_813 = tpu.vector_load %arg10[%get3A_812] {strides = array<i32>} : memref<128xi32, #tpu.memory_space<vmem>>, vector<16xi32>,
      %get3A_814 = vector.shape_cast %get3A_813 : vector<16xi32> to vector<16xi32>
      %add3A_815 = arith.constant 10240 : i32
      %add3A_816 = vector.broadcast %add3A_815 : i32 to vector<16xi32>
      %add3A_817 = arith.addi %get3A_814, %add3A_816 : vector<16xi32>
      %swap3A_818 = arith.constant 16 : index
      %swap3A_819 = tpu.vector_load %arg11[%swap3A_818] {strides = array<i32>} : memref<128xi32, #tpu.memory_space<vmem>>, vector<16xi32>,
      %swap3A_820 = vector.shape_cast %swap3A_819 : vector<16xi32> to vector<16xi32>
      %swap3A_821 = vector.shape_cast %add3A_817 : vector<16xi32> to vector<16xi32>
      tpu.vector_store %arg11[%swap3A_818], %swap3A_821 {strides = array<i32>} : memref<128xi32, #tpu.memory_space<vmem>>, vector<16xi32>,
      %get3A_822 = arith.constant 32 : index
      %get3A_823 = tpu.vector_load %arg10[%get3A_822] {strides = array<i32>} : memref<128xi32, #tpu.memory_space<vmem>>, vector<16xi32>,
      %get3A_824 = vector.shape_cast %get3A_823 : vector<16xi32> to vector<16xi32>
      %add3A_825 = arith.constant 10240 : i32
      %add3A_826 = vector.broadcast %add3A_825 : i32 to vector<16xi32>
      %add3A_827 = arith.addi %get3A_824, %add3A_826 : vector<16xi32>
      %swap3A_828 = arith.constant 32 : index
      %swap3A_829 = tpu.vector_load %arg11[%swap3A_828] {strides = array<i32>} : memref<128xi32, #tpu.memory_space<vmem>>, vector<16xi32>,
      %swap3A_830 = vector.shape_cast %swap3A_829 : vector<16xi32> to vector<16xi32>
      %swap3A_831 = vector.shape_cast %add3A_827 : vector<16xi32> to vector<16xi32>
      tpu.vector_store %arg11[%swap3A_828], %swap3A_831 {strides = array<i32>} : memref<128xi32, #tpu.memory_space<vmem>>, vector<16xi32>,
      %get3A_832 = arith.constant 48 : index
      %get3A_833 = tpu.vector_load %arg10[%get3A_832] {strides = array<i32>} : memref<128xi32, #tpu.memory_space<vmem>>, vector<16xi32>,
      %get3A_834 = vector.shape_cast %get3A_833 : vector<16xi32> to vector<16xi32>
      %add3A_835 = arith.constant 10240 : i32
      %add3A_836 = vector.broadcast %add3A_835 : i32 to vector<16xi32>
      %add3A_837 = arith.addi %get3A_834, %add3A_836 : vector<16xi32>
      %swap3A_838 = arith.constant 48 : index
      %swap3A_839 = tpu.vector_load %arg11[%swap3A_838] {strides = array<i32>} : memref<128xi32, #tpu.memory_space<vmem>>, vector<16xi32>,
      %swap3A_840 = vector.shape_cast %swap3A_839 : vector<16xi32> to vector<16xi32>
      %swap3A_841 = vector.shape_cast %add3A_837 : vector<16xi32> to vector<16xi32>
      tpu.vector_store %arg11[%swap3A_838], %swap3A_841 {strides = array<i32>} : memref<128xi32, #tpu.memory_space<vmem>>, vector<16xi32>,
      %get3A_842 = arith.constant 64 : index
      %get3A_843 = tpu.vector_load %arg10[%get3A_842] {strides = array<i32>} : memref<128xi32, #tpu.memory_space<vmem>>, vector<16xi32>,
      %get3A_844 = vector.shape_cast %get3A_843 : vector<16xi32> to vector<16xi32>
      %add3A_845 = arith.constant 10240 : i32
      %add3A_846 = vector.broadcast %add3A_845 : i32 to vector<16xi32>
      %add3A_847 = arith.addi %get3A_844, %add3A_846 : vector<16xi32>
      %swap3A_848 = arith.constant 64 : index
      %swap3A_849 = tpu.vector_load %arg11[%swap3A_848] {strides = array<i32>} : memref<128xi32, #tpu.memory_space<vmem>>, vector<16xi32>,
      %swap3A_850 = vector.shape_cast %swap3A_849 : vector<16xi32> to vector<16xi32>
      %swap3A_851 = vector.shape_cast %add3A_847 : vector<16xi32> to vector<16xi32>
      tpu.vector_store %arg11[%swap3A_848], %swap3A_851 {strides = array<i32>} : memref<128xi32, #tpu.memory_space<vmem>>, vector<16xi32>,
      %get3A_852 = arith.constant 80 : index
      %get3A_853 = tpu.vector_load %arg10[%get3A_852] {strides = array<i32>} : memref<128xi32, #tpu.memory_space<vmem>>, vector<16xi32>,
      %get3A_854 = vector.shape_cast %get3A_853 : vector<16xi32> to vector<16xi32>
      %add3A_855 = arith.constant 10240 : i32
      %add3A_856 = vector.broadcast %add3A_855 : i32 to vector<16xi32>
      %add3A_857 = arith.addi %get3A_854, %add3A_856 : vector<16xi32>
      %swap3A_858 = arith.constant 80 : index
      %swap3A_859 = tpu.vector_load %arg11[%swap3A_858] {strides = array<i32>} : memref<128xi32, #tpu.memory_space<vmem>>, vector<16xi32>,
      %swap3A_860 = vector.shape_cast %swap3A_859 : vector<16xi32> to vector<16xi32>
      %swap3A_861 = vector.shape_cast %add3A_857 : vector<16xi32> to vector<16xi32>
      tpu.vector_store %arg11[%swap3A_858], %swap3A_861 {strides = array<i32>} : memref<128xi32, #tpu.memory_space<vmem>>, vector<16xi32>,
      %get3A_862 = arith.constant 96 : index
      %get3A_863 = tpu.vector_load %arg10[%get3A_862] {strides = array<i32>} : memref<128xi32, #tpu.memory_space<vmem>>, vector<16xi32>,
      %get3A_864 = vector.shape_cast %get3A_863 : vector<16xi32> to vector<16xi32>
      %add3A_865 = arith.constant 10240 : i32
      %add3A_866 = vector.broadcast %add3A_865 : i32 to vector<16xi32>
      %add3A_867 = arith.addi %get3A_864, %add3A_866 : vector<16xi32>
      %swap3A_868 = arith.constant 96 : index
      %swap3A_869 = tpu.vector_load %arg11[%swap3A_868] {strides = array<i32>} : memref<128xi32, #tpu.memory_space<vmem>>, vector<16xi32>,
      %swap3A_870 = vector.shape_cast %swap3A_869 : vector<16xi32> to vector<16xi32>
      %swap3A_871 = vector.shape_cast %add3A_867 : vector<16xi32> to vector<16xi32>
      tpu.vector_store %arg11[%swap3A_868], %swap3A_871 {strides = array<i32>} : memref<128xi32, #tpu.memory_space<vmem>>, vector<16xi32>,
      %get3A_872 = arith.constant 112 : index
      %get3A_873 = tpu.vector_load %arg10[%get3A_872] {strides = array<i32>} : memref<128xi32, #tpu.memory_space<vmem>>, vector<16xi32>,
      %get3A_874 = vector.shape_cast %get3A_873 : vector<16xi32> to vector<16xi32>
      %add3A_875 = arith.constant 10240 : i32
      %add3A_876 = vector.broadcast %add3A_875 : i32 to vector<16xi32>
      %add3A_877 = arith.addi %get3A_874, %add3A_876 : vector<16xi32>
      %swap3A_878 = arith.constant 112 : index
      %swap3A_879 = tpu.vector_load %arg11[%swap3A_878] {strides = array<i32>} : memref<128xi32, #tpu.memory_space<vmem>>, vector<16xi32>,
      %swap3A_880 = vector.shape_cast %swap3A_879 : vector<16xi32> to vector<16xi32>
      %swap3A_881 = vector.shape_cast %add3A_877 : vector<16xi32> to vector<16xi32>
      tpu.vector_store %arg11[%swap3A_878], %swap3A_881 {strides = array<i32>} : memref<128xi32, #tpu.memory_space<vmem>>, vector<16xi32>,
      "tpu.region"() ({
        %run_scoped3A = tpu.sem_alloc : memref<!tpu.dma_semaphore, #tpu.memory_space<semaphore_mem>>
        %dma_start3A_1050 = arith.constant 128 : i32
        %dma_start3A_1051 = tpu.memref_slice %arg13[%dma_start3A_1050] : memref<1024xf32, #tpu.memory_space<vmem>> -> memref<128xf32, #tpu.memory_space<vmem>>
        %dma_start3A_1052 = arith.constant 0 : i32
        %dma_start3A_1053 = tpu.memref_slice %arg16[%dma_start3A_1052] : memref<40960xf32, #tpu.memory_space<vmem_shared>> -> memref<40960xf32, #tpu.memory_space<vmem_shared>>
        tpu.enqueue_indirect_dma source(%dma_start3A_1051 : memref<128xf32, #tpu.memory_space<vmem>>) target(%dma_start3A_1053 : memref<40960xf32, #tpu.memory_space<vmem_shared>>) offsets(%arg11 : memref<128xi32, #tpu.memory_space<vmem>>) semaphore(%run_scoped3A : memref<!tpu.dma_semaphore, #tpu.memory_space<semaphore_mem>>) {add = true}
        %dma_wait3A_1054 = arith.constant 128 : i32
        %dma_wait3A_1055 = tpu.memref_slice %arg13[%dma_wait3A_1054] : memref<1024xf32, #tpu.memory_space<vmem>> -> memref<128xf32, #tpu.memory_space<vmem>>
        %dma_wait3A_1056 = arith.constant 0 : i32
        %dma_wait3A_1057 = tpu.memref_slice %arg16[%dma_wait3A_1056] : memref<40960xf32, #tpu.memory_space<vmem_shared>> -> memref<40960xf32, #tpu.memory_space<vmem_shared>>
        tpu.wait_indirect_dma semaphore(%run_scoped3A : memref<!tpu.dma_semaphore, #tpu.memory_space<semaphore_mem>>) src(%dma_wait3A_1055 : memref<128xf32, #tpu.memory_space<vmem>>) dst(%dma_wait3A_1057 : memref<40960xf32, #tpu.memory_space<vmem_shared>>)
        tpu.yield
      }) : () -> ()
      %get3A_882 = arith.constant 0 : index
      %get3A_883 = tpu.vector_load %arg10[%get3A_882] {strides = array<i32>} : memref<128xi32, #tpu.memory_space<vmem>>, vector<16xi32>,
      %get3A_884 = vector.shape_cast %get3A_883 : vector<16xi32> to vector<16xi32>
      %add3A_885 = arith.constant 20480 : i32
      %add3A_886 = vector.broadcast %add3A_885 : i32 to vector<16xi32>
      %add3A_887 = arith.addi %get3A_884, %add3A_886 : vector<16xi32>
      %swap3A_888 = arith.constant 0 : index
      %swap3A_889 = tpu.vector_load %arg11[%swap3A_888] {strides = array<i32>} : memref<128xi32, #tpu.memory_space<vmem>>, vector<16xi32>,
      %swap3A_890 = vector.shape_cast %swap3A_889 : vector<16xi32> to vector<16xi32>
      %swap3A_891 = vector.shape_cast %add3A_887 : vector<16xi32> to vector<16xi32>
      tpu.vector_store %arg11[%swap3A_888], %swap3A_891 {strides = array<i32>} : memref<128xi32, #tpu.memory_space<vmem>>, vector<16xi32>,
      %get3A_892 = arith.constant 16 : index
      %get3A_893 = tpu.vector_load %arg10[%get3A_892] {strides = array<i32>} : memref<128xi32, #tpu.memory_space<vmem>>, vector<16xi32>,
      %get3A_894 = vector.shape_cast %get3A_893 : vector<16xi32> to vector<16xi32>
      %add3A_895 = arith.constant 20480 : i32
      %add3A_896 = vector.broadcast %add3A_895 : i32 to vector<16xi32>
      %add3A_897 = arith.addi %get3A_894, %add3A_896 : vector<16xi32>
      %swap3A_898 = arith.constant 16 : index
      %swap3A_899 = tpu.vector_load %arg11[%swap3A_898] {strides = array<i32>} : memref<128xi32, #tpu.memory_space<vmem>>, vector<16xi32>,
      %swap3A_900 = vector.shape_cast %swap3A_899 : vector<16xi32> to vector<16xi32>
      %swap3A_901 = vector.shape_cast %add3A_897 : vector<16xi32> to vector<16xi32>
      tpu.vector_store %arg11[%swap3A_898], %swap3A_901 {strides = array<i32>} : memref<128xi32, #tpu.memory_space<vmem>>, vector<16xi32>,
      %get3A_902 = arith.constant 32 : index
      %get3A_903 = tpu.vector_load %arg10[%get3A_902] {strides = array<i32>} : memref<128xi32, #tpu.memory_space<vmem>>, vector<16xi32>,
      %get3A_904 = vector.shape_cast %get3A_903 : vector<16xi32> to vector<16xi32>
      %add3A_905 = arith.constant 20480 : i32
      %add3A_906 = vector.broadcast %add3A_905 : i32 to vector<16xi32>
      %add3A_907 = arith.addi %get3A_904, %add3A_906 : vector<16xi32>
      %swap3A_908 = arith.constant 32 : index
      %swap3A_909 = tpu.vector_load %arg11[%swap3A_908] {strides = array<i32>} : memref<128xi32, #tpu.memory_space<vmem>>, vector<16xi32>,
      %swap3A_910 = vector.shape_cast %swap3A_909 : vector<16xi32> to vector<16xi32>
      %swap3A_911 = vector.shape_cast %add3A_907 : vector<16xi32> to vector<16xi32>
      tpu.vector_store %arg11[%swap3A_908], %swap3A_911 {strides = array<i32>} : memref<128xi32, #tpu.memory_space<vmem>>, vector<16xi32>,
      %get3A_912 = arith.constant 48 : index
      %get3A_913 = tpu.vector_load %arg10[%get3A_912] {strides = array<i32>} : memref<128xi32, #tpu.memory_space<vmem>>, vector<16xi32>,
      %get3A_914 = vector.shape_cast %get3A_913 : vector<16xi32> to vector<16xi32>
      %add3A_915 = arith.constant 20480 : i32
      %add3A_916 = vector.broadcast %add3A_915 : i32 to vector<16xi32>
      %add3A_917 = arith.addi %get3A_914, %add3A_916 : vector<16xi32>
      %swap3A_918 = arith.constant 48 : index
      %swap3A_919 = tpu.vector_load %arg11[%swap3A_918] {strides = array<i32>} : memref<128xi32, #tpu.memory_space<vmem>>, vector<16xi32>,
      %swap3A_920 = vector.shape_cast %swap3A_919 : vector<16xi32> to vector<16xi32>
      %swap3A_921 = vector.shape_cast %add3A_917 : vector<16xi32> to vector<16xi32>
      tpu.vector_store %arg11[%swap3A_918], %swap3A_921 {strides = array<i32>} : memref<128xi32, #tpu.memory_space<vmem>>, vector<16xi32>,
      %get3A_922 = arith.constant 64 : index
      %get3A_923 = tpu.vector_load %arg10[%get3A_922] {strides = array<i32>} : memref<128xi32, #tpu.memory_space<vmem>>, vector<16xi32>,
      %get3A_924 = vector.shape_cast %get3A_923 : vector<16xi32> to vector<16xi32>
      %add3A_925 = arith.constant 20480 : i32
      %add3A_926 = vector.broadcast %add3A_925 : i32 to vector<16xi32>
      %add3A_927 = arith.addi %get3A_924, %add3A_926 : vector<16xi32>
      %swap3A_928 = arith.constant 64 : index
      %swap3A_929 = tpu.vector_load %arg11[%swap3A_928] {strides = array<i32>} : memref<128xi32, #tpu.memory_space<vmem>>, vector<16xi32>,
      %swap3A_930 = vector.shape_cast %swap3A_929 : vector<16xi32> to vector<16xi32>
      %swap3A_931 = vector.shape_cast %add3A_927 : vector<16xi32> to vector<16xi32>
      tpu.vector_store %arg11[%swap3A_928], %swap3A_931 {strides = array<i32>} : memref<128xi32, #tpu.memory_space<vmem>>, vector<16xi32>,
      %get3A_932 = arith.constant 80 : index
      %get3A_933 = tpu.vector_load %arg10[%get3A_932] {strides = array<i32>} : memref<128xi32, #tpu.memory_space<vmem>>, vector<16xi32>,
      %get3A_934 = vector.shape_cast %get3A_933 : vector<16xi32> to vector<16xi32>
      %add3A_935 = arith.constant 20480 : i32
      %add3A_936 = vector.broadcast %add3A_935 : i32 to vector<16xi32>
      %add3A_937 = arith.addi %get3A_934, %add3A_936 : vector<16xi32>
      %swap3A_938 = arith.constant 80 : index
      %swap3A_939 = tpu.vector_load %arg11[%swap3A_938] {strides = array<i32>} : memref<128xi32, #tpu.memory_space<vmem>>, vector<16xi32>,
      %swap3A_940 = vector.shape_cast %swap3A_939 : vector<16xi32> to vector<16xi32>
      %swap3A_941 = vector.shape_cast %add3A_937 : vector<16xi32> to vector<16xi32>
      tpu.vector_store %arg11[%swap3A_938], %swap3A_941 {strides = array<i32>} : memref<128xi32, #tpu.memory_space<vmem>>, vector<16xi32>,
      %get3A_942 = arith.constant 96 : index
      %get3A_943 = tpu.vector_load %arg10[%get3A_942] {strides = array<i32>} : memref<128xi32, #tpu.memory_space<vmem>>, vector<16xi32>,
      %get3A_944 = vector.shape_cast %get3A_943 : vector<16xi32> to vector<16xi32>
      %add3A_945 = arith.constant 20480 : i32
      %add3A_946 = vector.broadcast %add3A_945 : i32 to vector<16xi32>
      %add3A_947 = arith.addi %get3A_944, %add3A_946 : vector<16xi32>
      %swap3A_948 = arith.constant 96 : index
      %swap3A_949 = tpu.vector_load %arg11[%swap3A_948] {strides = array<i32>} : memref<128xi32, #tpu.memory_space<vmem>>, vector<16xi32>,
      %swap3A_950 = vector.shape_cast %swap3A_949 : vector<16xi32> to vector<16xi32>
      %swap3A_951 = vector.shape_cast %add3A_947 : vector<16xi32> to vector<16xi32>
      tpu.vector_store %arg11[%swap3A_948], %swap3A_951 {strides = array<i32>} : memref<128xi32, #tpu.memory_space<vmem>>, vector<16xi32>,
      %get3A_952 = arith.constant 112 : index
      %get3A_953 = tpu.vector_load %arg10[%get3A_952] {strides = array<i32>} : memref<128xi32, #tpu.memory_space<vmem>>, vector<16xi32>,
      %get3A_954 = vector.shape_cast %get3A_953 : vector<16xi32> to vector<16xi32>
      %add3A_955 = arith.constant 20480 : i32
      %add3A_956 = vector.broadcast %add3A_955 : i32 to vector<16xi32>
      %add3A_957 = arith.addi %get3A_954, %add3A_956 : vector<16xi32>
      %swap3A_958 = arith.constant 112 : index
      %swap3A_959 = tpu.vector_load %arg11[%swap3A_958] {strides = array<i32>} : memref<128xi32, #tpu.memory_space<vmem>>, vector<16xi32>,
      %swap3A_960 = vector.shape_cast %swap3A_959 : vector<16xi32> to vector<16xi32>
      %swap3A_961 = vector.shape_cast %add3A_957 : vector<16xi32> to vector<16xi32>
      tpu.vector_store %arg11[%swap3A_958], %swap3A_961 {strides = array<i32>} : memref<128xi32, #tpu.memory_space<vmem>>, vector<16xi32>,
      "tpu.region"() ({
        %run_scoped3A = tpu.sem_alloc : memref<!tpu.dma_semaphore, #tpu.memory_space<semaphore_mem>>
        %dma_start3A_1050 = arith.constant 256 : i32
        %dma_start3A_1051 = tpu.memref_slice %arg13[%dma_start3A_1050] : memref<1024xf32, #tpu.memory_space<vmem>> -> memref<128xf32, #tpu.memory_space<vmem>>
        %dma_start3A_1052 = arith.constant 0 : i32
        %dma_start3A_1053 = tpu.memref_slice %arg16[%dma_start3A_1052] : memref<40960xf32, #tpu.memory_space<vmem_shared>> -> memref<40960xf32, #tpu.memory_space<vmem_shared>>
        tpu.enqueue_indirect_dma source(%dma_start3A_1051 : memref<128xf32, #tpu.memory_space<vmem>>) target(%dma_start3A_1053 : memref<40960xf32, #tpu.memory_space<vmem_shared>>) offsets(%arg11 : memref<128xi32, #tpu.memory_space<vmem>>) semaphore(%run_scoped3A : memref<!tpu.dma_semaphore, #tpu.memory_space<semaphore_mem>>) {add = true}
        %dma_wait3A_1054 = arith.constant 256 : i32
        %dma_wait3A_1055 = tpu.memref_slice %arg13[%dma_wait3A_1054] : memref<1024xf32, #tpu.memory_space<vmem>> -> memref<128xf32, #tpu.memory_space<vmem>>
        %dma_wait3A_1056 = arith.constant 0 : i32
        %dma_wait3A_1057 = tpu.memref_slice %arg16[%dma_wait3A_1056] : memref<40960xf32, #tpu.memory_space<vmem_shared>> -> memref<40960xf32, #tpu.memory_space<vmem_shared>>
        tpu.wait_indirect_dma semaphore(%run_scoped3A : memref<!tpu.dma_semaphore, #tpu.memory_space<semaphore_mem>>) src(%dma_wait3A_1055 : memref<128xf32, #tpu.memory_space<vmem>>) dst(%dma_wait3A_1057 : memref<40960xf32, #tpu.memory_space<vmem_shared>>)
        tpu.yield
      }) : () -> ()
      %get3A_962 = arith.constant 0 : index
      %get3A_963 = tpu.vector_load %arg10[%get3A_962] {strides = array<i32>} : memref<128xi32, #tpu.memory_space<vmem>>, vector<16xi32>,
      %get3A_964 = vector.shape_cast %get3A_963 : vector<16xi32> to vector<16xi32>
      %add3A_965 = arith.constant 30720 : i32
      %add3A_966 = vector.broadcast %add3A_965 : i32 to vector<16xi32>
      %add3A_967 = arith.addi %get3A_964, %add3A_966 : vector<16xi32>
      %swap3A_968 = arith.constant 0 : index
      %swap3A_969 = tpu.vector_load %arg11[%swap3A_968] {strides = array<i32>} : memref<128xi32, #tpu.memory_space<vmem>>, vector<16xi32>,
      %swap3A_970 = vector.shape_cast %swap3A_969 : vector<16xi32> to vector<16xi32>
      %swap3A_971 = vector.shape_cast %add3A_967 : vector<16xi32> to vector<16xi32>
      tpu.vector_store %arg11[%swap3A_968], %swap3A_971 {strides = array<i32>} : memref<128xi32, #tpu.memory_space<vmem>>, vector<16xi32>,
      %get3A_972 = arith.constant 16 : index
      %get3A_973 = tpu.vector_load %arg10[%get3A_972] {strides = array<i32>} : memref<128xi32, #tpu.memory_space<vmem>>, vector<16xi32>,
      %get3A_974 = vector.shape_cast %get3A_973 : vector<16xi32> to vector<16xi32>
      %add3A_975 = arith.constant 30720 : i32
      %add3A_976 = vector.broadcast %add3A_975 : i32 to vector<16xi32>
      %add3A_977 = arith.addi %get3A_974, %add3A_976 : vector<16xi32>
      %swap3A_978 = arith.constant 16 : index
      %swap3A_979 = tpu.vector_load %arg11[%swap3A_978] {strides = array<i32>} : memref<128xi32, #tpu.memory_space<vmem>>, vector<16xi32>,
      %swap3A_980 = vector.shape_cast %swap3A_979 : vector<16xi32> to vector<16xi32>
      %swap3A_981 = vector.shape_cast %add3A_977 : vector<16xi32> to vector<16xi32>
      tpu.vector_store %arg11[%swap3A_978], %swap3A_981 {strides = array<i32>} : memref<128xi32, #tpu.memory_space<vmem>>, vector<16xi32>,
      %get3A_982 = arith.constant 32 : index
      %get3A_983 = tpu.vector_load %arg10[%get3A_982] {strides = array<i32>} : memref<128xi32, #tpu.memory_space<vmem>>, vector<16xi32>,
      %get3A_984 = vector.shape_cast %get3A_983 : vector<16xi32> to vector<16xi32>
      %add3A_985 = arith.constant 30720 : i32
      %add3A_986 = vector.broadcast %add3A_985 : i32 to vector<16xi32>
      %add3A_987 = arith.addi %get3A_984, %add3A_986 : vector<16xi32>
      %swap3A_988 = arith.constant 32 : index
      %swap3A_989 = tpu.vector_load %arg11[%swap3A_988] {strides = array<i32>} : memref<128xi32, #tpu.memory_space<vmem>>, vector<16xi32>,
      %swap3A_990 = vector.shape_cast %swap3A_989 : vector<16xi32> to vector<16xi32>
      %swap3A_991 = vector.shape_cast %add3A_987 : vector<16xi32> to vector<16xi32>
      tpu.vector_store %arg11[%swap3A_988], %swap3A_991 {strides = array<i32>} : memref<128xi32, #tpu.memory_space<vmem>>, vector<16xi32>,
      %get3A_992 = arith.constant 48 : index
      %get3A_993 = tpu.vector_load %arg10[%get3A_992] {strides = array<i32>} : memref<128xi32, #tpu.memory_space<vmem>>, vector<16xi32>,
      %get3A_994 = vector.shape_cast %get3A_993 : vector<16xi32> to vector<16xi32>
      %add3A_995 = arith.constant 30720 : i32
      %add3A_996 = vector.broadcast %add3A_995 : i32 to vector<16xi32>
      %add3A_997 = arith.addi %get3A_994, %add3A_996 : vector<16xi32>
      %swap3A_998 = arith.constant 48 : index
      %swap3A_999 = tpu.vector_load %arg11[%swap3A_998] {strides = array<i32>} : memref<128xi32, #tpu.memory_space<vmem>>, vector<16xi32>,
      %swap3A_1000 = vector.shape_cast %swap3A_999 : vector<16xi32> to vector<16xi32>
      %swap3A_1001 = vector.shape_cast %add3A_997 : vector<16xi32> to vector<16xi32>
      tpu.vector_store %arg11[%swap3A_998], %swap3A_1001 {strides = array<i32>} : memref<128xi32, #tpu.memory_space<vmem>>, vector<16xi32>,
      %get3A_1002 = arith.constant 64 : index
      %get3A_1003 = tpu.vector_load %arg10[%get3A_1002] {strides = array<i32>} : memref<128xi32, #tpu.memory_space<vmem>>, vector<16xi32>,
      %get3A_1004 = vector.shape_cast %get3A_1003 : vector<16xi32> to vector<16xi32>
      %add3A_1005 = arith.constant 30720 : i32
      %add3A_1006 = vector.broadcast %add3A_1005 : i32 to vector<16xi32>
      %add3A_1007 = arith.addi %get3A_1004, %add3A_1006 : vector<16xi32>
      %swap3A_1008 = arith.constant 64 : index
      %swap3A_1009 = tpu.vector_load %arg11[%swap3A_1008] {strides = array<i32>} : memref<128xi32, #tpu.memory_space<vmem>>, vector<16xi32>,
      %swap3A_1010 = vector.shape_cast %swap3A_1009 : vector<16xi32> to vector<16xi32>
      %swap3A_1011 = vector.shape_cast %add3A_1007 : vector<16xi32> to vector<16xi32>
      tpu.vector_store %arg11[%swap3A_1008], %swap3A_1011 {strides = array<i32>} : memref<128xi32, #tpu.memory_space<vmem>>, vector<16xi32>,
      %get3A_1012 = arith.constant 80 : index
      %get3A_1013 = tpu.vector_load %arg10[%get3A_1012] {strides = array<i32>} : memref<128xi32, #tpu.memory_space<vmem>>, vector<16xi32>,
      %get3A_1014 = vector.shape_cast %get3A_1013 : vector<16xi32> to vector<16xi32>
      %add3A_1015 = arith.constant 30720 : i32
      %add3A_1016 = vector.broadcast %add3A_1015 : i32 to vector<16xi32>
      %add3A_1017 = arith.addi %get3A_1014, %add3A_1016 : vector<16xi32>
      %swap3A_1018 = arith.constant 80 : index
      %swap3A_1019 = tpu.vector_load %arg11[%swap3A_1018] {strides = array<i32>} : memref<128xi32, #tpu.memory_space<vmem>>, vector<16xi32>,
      %swap3A_1020 = vector.shape_cast %swap3A_1019 : vector<16xi32> to vector<16xi32>
      %swap3A_1021 = vector.shape_cast %add3A_1017 : vector<16xi32> to vector<16xi32>
      tpu.vector_store %arg11[%swap3A_1018], %swap3A_1021 {strides = array<i32>} : memref<128xi32, #tpu.memory_space<vmem>>, vector<16xi32>,
      %get3A_1022 = arith.constant 96 : index
      %get3A_1023 = tpu.vector_load %arg10[%get3A_1022] {strides = array<i32>} : memref<128xi32, #tpu.memory_space<vmem>>, vector<16xi32>,
      %get3A_1024 = vector.shape_cast %get3A_1023 : vector<16xi32> to vector<16xi32>
      %add3A_1025 = arith.constant 30720 : i32
      %add3A_1026 = vector.broadcast %add3A_1025 : i32 to vector<16xi32>
      %add3A_1027 = arith.addi %get3A_1024, %add3A_1026 : vector<16xi32>
      %swap3A_1028 = arith.constant 96 : index
      %swap3A_1029 = tpu.vector_load %arg11[%swap3A_1028] {strides = array<i32>} : memref<128xi32, #tpu.memory_space<vmem>>, vector<16xi32>,
      %swap3A_1030 = vector.shape_cast %swap3A_1029 : vector<16xi32> to vector<16xi32>
      %swap3A_1031 = vector.shape_cast %add3A_1027 : vector<16xi32> to vector<16xi32>
      tpu.vector_store %arg11[%swap3A_1028], %swap3A_1031 {strides = array<i32>} : memref<128xi32, #tpu.memory_space<vmem>>, vector<16xi32>,
      %get3A_1032 = arith.constant 112 : index
      %get3A_1033 = tpu.vector_load %arg10[%get3A_1032] {strides = array<i32>} : memref<128xi32, #tpu.memory_space<vmem>>, vector<16xi32>,
      %get3A_1034 = vector.shape_cast %get3A_1033 : vector<16xi32> to vector<16xi32>
      %add3A_1035 = arith.constant 30720 : i32
      %add3A_1036 = vector.broadcast %add3A_1035 : i32 to vector<16xi32>
      %add3A_1037 = arith.addi %get3A_1034, %add3A_1036 : vector<16xi32>
      %swap3A_1038 = arith.constant 112 : index
      %swap3A_1039 = tpu.vector_load %arg11[%swap3A_1038] {strides = array<i32>} : memref<128xi32, #tpu.memory_space<vmem>>, vector<16xi32>,
      %swap3A_1040 = vector.shape_cast %swap3A_1039 : vector<16xi32> to vector<16xi32>
      %swap3A_1041 = vector.shape_cast %add3A_1037 : vector<16xi32> to vector<16xi32>
      tpu.vector_store %arg11[%swap3A_1038], %swap3A_1041 {strides = array<i32>} : memref<128xi32, #tpu.memory_space<vmem>>, vector<16xi32>,
      "tpu.region"() ({
        %run_scoped3A = tpu.sem_alloc : memref<!tpu.dma_semaphore, #tpu.memory_space<semaphore_mem>>
        %dma_start3A_1050 = arith.constant 384 : i32
        %dma_start3A_1051 = tpu.memref_slice %arg13[%dma_start3A_1050] : memref<1024xf32, #tpu.memory_space<vmem>> -> memref<128xf32, #tpu.memory_space<vmem>>
        %dma_start3A_1052 = arith.constant 0 : i32
        %dma_start3A_1053 = tpu.memref_slice %arg16[%dma_start3A_1052] : memref<40960xf32, #tpu.memory_space<vmem_shared>> -> memref<40960xf32, #tpu.memory_space<vmem_shared>>
        tpu.enqueue_indirect_dma source(%dma_start3A_1051 : memref<128xf32, #tpu.memory_space<vmem>>) target(%dma_start3A_1053 : memref<40960xf32, #tpu.memory_space<vmem_shared>>) offsets(%arg11 : memref<128xi32, #tpu.memory_space<vmem>>) semaphore(%run_scoped3A : memref<!tpu.dma_semaphore, #tpu.memory_space<semaphore_mem>>) {add = true}
        %dma_wait3A_1054 = arith.constant 384 : i32
        %dma_wait3A_1055 = tpu.memref_slice %arg13[%dma_wait3A_1054] : memref<1024xf32, #tpu.memory_space<vmem>> -> memref<128xf32, #tpu.memory_space<vmem>>
        %dma_wait3A_1056 = arith.constant 0 : i32
        %dma_wait3A_1057 = tpu.memref_slice %arg16[%dma_wait3A_1056] : memref<40960xf32, #tpu.memory_space<vmem_shared>> -> memref<40960xf32, #tpu.memory_space<vmem_shared>>
        tpu.wait_indirect_dma semaphore(%run_scoped3A : memref<!tpu.dma_semaphore, #tpu.memory_space<semaphore_mem>>) src(%dma_wait3A_1055 : memref<128xf32, #tpu.memory_space<vmem>>) dst(%dma_wait3A_1057 : memref<40960xf32, #tpu.memory_space<vmem_shared>>)
        tpu.yield
      }) : () -> ()
      %dma_wait3A = arith.constant 0 : i32
      %dma_wait3A_1042 = arith.constant 0 : i32
      %dma_wait3A_1043 = tpu.memref_slice %arg6[%dma_wait3A, %dma_wait3A_1042] : memref<10000x128xf32, #tpu.memory_space<hbm>> -> memref<10000x128xf32, #tpu.memory_space<hbm>>
      tpu.wait_indirect_dma semaphore(%arg18 : memref<!tpu.dma_semaphore, #tpu.memory_space<semaphore_mem>>) src(%dma_wait3A_1043 : memref<10000x128xf32, #tpu.memory_space<hbm>>) dst(%arg14 : memref<128x128xf32, #tpu.memory_space<vmem>>)
      %scan3A_1044 = arith.constant 0 : i32
      %scan3A_1045 = arith.constant 0 : i32
      %scan3A_1046 = arith.constant 128 : i32
      %scan3A_1047 = arith.addi %scan3A_1045, %scan3A_1046 : i32
      %scan3A_1048 = arith.constant 1 : i32
      scf.for %scan3A_1050 = %scan3A_1045 to %scan3A_1047 step %scan3A_1048  : i32 {
        %add3A_1051 = arith.constant 0 : i32
        %add3A_1052 = arith.addi %add3A_1051, %scan3A_1050 : i32
        %get3A_1053 = arith.index_cast %add3A_1052 : i32 to index
        %get3A_1054 = tpu.vector_load %arg13[%get3A_1053] {strides = array<i32>} : memref<1024xf32, #tpu.memory_space<vmem>>, vector<16xf32>,
        %get3A_1055 = vector.shape_cast %get3A_1054 : vector<16xf32> to vector<16xf32>
        %slice3A_1056 = vector.extract_strided_slice %get3A_1055 {offsets = [0], sizes = [1], strides = [1]} : vector<16xf32> to vector<1xf32>
        %squeeze3A_1057 = vector.extract %slice3A_1056[0] : f32 from vector<1xf32>
        %get3A_1058 = arith.index_cast %scan3A_1050 : i32 to index
        %get3A_1059 = arith.constant 0 : index
        %get3A_1060 = tpu.vector_load %arg14[%get3A_1058, %get3A_1059] {strides = array<i32>} : memref<128x128xf32, #tpu.memory_space<vmem>>, vector<1x16xf32>,
        %get3A_1061 = vector.shape_cast %get3A_1060 : vector<1x16xf32> to vector<16xf32>
        %mul3A_1062 = vector.broadcast %squeeze3A_1057 : f32 to vector<16xf32>
        %mul3A_1063 = arith.mulf %get3A_1061, %mul3A_1062 : vector<16xf32>
        %swap3A_1064 = arith.index_cast %scan3A_1050 : i32 to index
        %swap3A_1065 = arith.constant 0 : index
        %swap3A_1066 = tpu.vector_load %arg14[%swap3A_1064, %swap3A_1065] {strides = array<i32>} : memref<128x128xf32, #tpu.memory_space<vmem>>, vector<1x16xf32>,
        %swap3A_1067 = vector.shape_cast %swap3A_1066 : vector<1x16xf32> to vector<16xf32>
        %swap3A_1068 = vector.shape_cast %mul3A_1063 : vector<16xf32> to vector<1x16xf32>
        tpu.vector_store %arg14[%swap3A_1064, %swap3A_1065], %swap3A_1068 {strides = array<i32>} : memref<128x128xf32, #tpu.memory_space<vmem>>, vector<1x16xf32>,
        %get3A_1069 = arith.index_cast %scan3A_1050 : i32 to index
        %get3A_1070 = arith.constant 16 : index
        %get3A_1071 = tpu.vector_load %arg14[%get3A_1069, %get3A_1070] {strides = array<i32>} : memref<128x128xf32, #tpu.memory_space<vmem>>, vector<1x16xf32>,
        %get3A_1072 = vector.shape_cast %get3A_1071 : vector<1x16xf32> to vector<16xf32>
        %mul3A_1073 = vector.broadcast %squeeze3A_1057 : f32 to vector<16xf32>
        %mul3A_1074 = arith.mulf %get3A_1072, %mul3A_1073 : vector<16xf32>
        %swap3A_1075 = arith.index_cast %scan3A_1050 : i32 to index
        %swap3A_1076 = arith.constant 16 : index
        %swap3A_1077 = tpu.vector_load %arg14[%swap3A_1075, %swap3A_1076] {strides = array<i32>} : memref<128x128xf32, #tpu.memory_space<vmem>>, vector<1x16xf32>,
        %swap3A_1078 = vector.shape_cast %swap3A_1077 : vector<1x16xf32> to vector<16xf32>
        %swap3A_1079 = vector.shape_cast %mul3A_1074 : vector<16xf32> to vector<1x16xf32>
        tpu.vector_store %arg14[%swap3A_1075, %swap3A_1076], %swap3A_1079 {strides = array<i32>} : memref<128x128xf32, #tpu.memory_space<vmem>>, vector<1x16xf32>,
        %add3A_1080 = arith.constant 128 : i32
        %add3A_1081 = arith.addi %add3A_1080, %scan3A_1050 : i32
        %get3A_1082 = arith.index_cast %add3A_1081 : i32 to index
        %get3A_1083 = tpu.vector_load %arg13[%get3A_1082] {strides = array<i32>} : memref<1024xf32, #tpu.memory_space<vmem>>, vector<16xf32>,
        %get3A_1084 = vector.shape_cast %get3A_1083 : vector<16xf32> to vector<16xf32>
        %slice3A_1085 = vector.extract_strided_slice %get3A_1084 {offsets = [0], sizes = [1], strides = [1]} : vector<16xf32> to vector<1xf32>
        %squeeze3A_1086 = vector.extract %slice3A_1085[0] : f32 from vector<1xf32>
        %get3A_1087 = arith.index_cast %scan3A_1050 : i32 to index
        %get3A_1088 = arith.constant 32 : index
        %get3A_1089 = tpu.vector_load %arg14[%get3A_1087, %get3A_1088] {strides = array<i32>} : memref<128x128xf32, #tpu.memory_space<vmem>>, vector<1x16xf32>,
        %get3A_1090 = vector.shape_cast %get3A_1089 : vector<1x16xf32> to vector<16xf32>
        %mul3A_1091 = vector.broadcast %squeeze3A_1086 : f32 to vector<16xf32>
        %mul3A_1092 = arith.mulf %get3A_1090, %mul3A_1091 : vector<16xf32>
        %swap3A_1093 = arith.index_cast %scan3A_1050 : i32 to index
        %swap3A_1094 = arith.constant 32 : index
        %swap3A_1095 = tpu.vector_load %arg14[%swap3A_1093, %swap3A_1094] {strides = array<i32>} : memref<128x128xf32, #tpu.memory_space<vmem>>, vector<1x16xf32>,
        %swap3A_1096 = vector.shape_cast %swap3A_1095 : vector<1x16xf32> to vector<16xf32>
        %swap3A_1097 = vector.shape_cast %mul3A_1092 : vector<16xf32> to vector<1x16xf32>
        tpu.vector_store %arg14[%swap3A_1093, %swap3A_1094], %swap3A_1097 {strides = array<i32>} : memref<128x128xf32, #tpu.memory_space<vmem>>, vector<1x16xf32>,
        %get3A_1098 = arith.index_cast %scan3A_1050 : i32 to index
        %get3A_1099 = arith.constant 48 : index
        %get3A_1100 = tpu.vector_load %arg14[%get3A_1098, %get3A_1099] {strides = array<i32>} : memref<128x128xf32, #tpu.memory_space<vmem>>, vector<1x16xf32>,
        %get3A_1101 = vector.shape_cast %get3A_1100 : vector<1x16xf32> to vector<16xf32>
        %mul3A_1102 = vector.broadcast %squeeze3A_1086 : f32 to vector<16xf32>
        %mul3A_1103 = arith.mulf %get3A_1101, %mul3A_1102 : vector<16xf32>
        %swap3A_1104 = arith.index_cast %scan3A_1050 : i32 to index
        %swap3A_1105 = arith.constant 48 : index
        %swap3A_1106 = tpu.vector_load %arg14[%swap3A_1104, %swap3A_1105] {strides = array<i32>} : memref<128x128xf32, #tpu.memory_space<vmem>>, vector<1x16xf32>,
        %swap3A_1107 = vector.shape_cast %swap3A_1106 : vector<1x16xf32> to vector<16xf32>
        %swap3A_1108 = vector.shape_cast %mul3A_1103 : vector<16xf32> to vector<1x16xf32>
        tpu.vector_store %arg14[%swap3A_1104, %swap3A_1105], %swap3A_1108 {strides = array<i32>} : memref<128x128xf32, #tpu.memory_space<vmem>>, vector<1x16xf32>,
        %add3A_1109 = arith.constant 256 : i32
        %add3A_1110 = arith.addi %add3A_1109, %scan3A_1050 : i32
        %get3A_1111 = arith.index_cast %add3A_1110 : i32 to index
        %get3A_1112 = tpu.vector_load %arg13[%get3A_1111] {strides = array<i32>} : memref<1024xf32, #tpu.memory_space<vmem>>, vector<16xf32>,
        %get3A_1113 = vector.shape_cast %get3A_1112 : vector<16xf32> to vector<16xf32>
        %slice3A_1114 = vector.extract_strided_slice %get3A_1113 {offsets = [0], sizes = [1], strides = [1]} : vector<16xf32> to vector<1xf32>
        %squeeze3A_1115 = vector.extract %slice3A_1114[0] : f32 from vector<1xf32>
        %get3A_1116 = arith.index_cast %scan3A_1050 : i32 to index
        %get3A_1117 = arith.constant 64 : index
        %get3A_1118 = tpu.vector_load %arg14[%get3A_1116, %get3A_1117] {strides = array<i32>} : memref<128x128xf32, #tpu.memory_space<vmem>>, vector<1x16xf32>,
        %get3A_1119 = vector.shape_cast %get3A_1118 : vector<1x16xf32> to vector<16xf32>
        %mul3A_1120 = vector.broadcast %squeeze3A_1115 : f32 to vector<16xf32>
        %mul3A_1121 = arith.mulf %get3A_1119, %mul3A_1120 : vector<16xf32>
        %swap3A_1122 = arith.index_cast %scan3A_1050 : i32 to index
        %swap3A_1123 = arith.constant 64 : index
        %swap3A_1124 = tpu.vector_load %arg14[%swap3A_1122, %swap3A_1123] {strides = array<i32>} : memref<128x128xf32, #tpu.memory_space<vmem>>, vector<1x16xf32>,
        %swap3A_1125 = vector.shape_cast %swap3A_1124 : vector<1x16xf32> to vector<16xf32>
        %swap3A_1126 = vector.shape_cast %mul3A_1121 : vector<16xf32> to vector<1x16xf32>
        tpu.vector_store %arg14[%swap3A_1122, %swap3A_1123], %swap3A_1126 {strides = array<i32>} : memref<128x128xf32, #tpu.memory_space<vmem>>, vector<1x16xf32>,
        %get3A_1127 = arith.index_cast %scan3A_1050 : i32 to index
        %get3A_1128 = arith.constant 80 : index
        %get3A_1129 = tpu.vector_load %arg14[%get3A_1127, %get3A_1128] {strides = array<i32>} : memref<128x128xf32, #tpu.memory_space<vmem>>, vector<1x16xf32>,
        %get3A_1130 = vector.shape_cast %get3A_1129 : vector<1x16xf32> to vector<16xf32>
        %mul3A_1131 = vector.broadcast %squeeze3A_1115 : f32 to vector<16xf32>
        %mul3A_1132 = arith.mulf %get3A_1130, %mul3A_1131 : vector<16xf32>
        %swap3A_1133 = arith.index_cast %scan3A_1050 : i32 to index
        %swap3A_1134 = arith.constant 80 : index
        %swap3A_1135 = tpu.vector_load %arg14[%swap3A_1133, %swap3A_1134] {strides = array<i32>} : memref<128x128xf32, #tpu.memory_space<vmem>>, vector<1x16xf32>,
        %swap3A_1136 = vector.shape_cast %swap3A_1135 : vector<1x16xf32> to vector<16xf32>
        %swap3A_1137 = vector.shape_cast %mul3A_1132 : vector<16xf32> to vector<1x16xf32>
        tpu.vector_store %arg14[%swap3A_1133, %swap3A_1134], %swap3A_1137 {strides = array<i32>} : memref<128x128xf32, #tpu.memory_space<vmem>>, vector<1x16xf32>,
        %add3A_1138 = arith.constant 384 : i32
        %add3A_1139 = arith.addi %add3A_1138, %scan3A_1050 : i32
        %get3A_1140 = arith.index_cast %add3A_1139 : i32 to index
        %get3A_1141 = tpu.vector_load %arg13[%get3A_1140] {strides = array<i32>} : memref<1024xf32, #tpu.memory_space<vmem>>, vector<16xf32>,
        %get3A_1142 = vector.shape_cast %get3A_1141 : vector<16xf32> to vector<16xf32>
        %slice3A_1143 = vector.extract_strided_slice %get3A_1142 {offsets = [0], sizes = [1], strides = [1]} : vector<16xf32> to vector<1xf32>
        %squeeze3A_1144 = vector.extract %slice3A_1143[0] : f32 from vector<1xf32>
        %get3A_1145 = arith.index_cast %scan3A_1050 : i32 to index
        %get3A_1146 = arith.constant 96 : index
        %get3A_1147 = tpu.vector_load %arg14[%get3A_1145, %get3A_1146] {strides = array<i32>} : memref<128x128xf32, #tpu.memory_space<vmem>>, vector<1x16xf32>,
        %get3A_1148 = vector.shape_cast %get3A_1147 : vector<1x16xf32> to vector<16xf32>
        %mul3A_1149 = vector.broadcast %squeeze3A_1144 : f32 to vector<16xf32>
        %mul3A_1150 = arith.mulf %get3A_1148, %mul3A_1149 : vector<16xf32>
        %swap3A_1151 = arith.index_cast %scan3A_1050 : i32 to index
        %swap3A_1152 = arith.constant 96 : index
        %swap3A_1153 = tpu.vector_load %arg14[%swap3A_1151, %swap3A_1152] {strides = array<i32>} : memref<128x128xf32, #tpu.memory_space<vmem>>, vector<1x16xf32>,
        %swap3A_1154 = vector.shape_cast %swap3A_1153 : vector<1x16xf32> to vector<16xf32>
        %swap3A_1155 = vector.shape_cast %mul3A_1150 : vector<16xf32> to vector<1x16xf32>
        tpu.vector_store %arg14[%swap3A_1151, %swap3A_1152], %swap3A_1155 {strides = array<i32>} : memref<128x128xf32, #tpu.memory_space<vmem>>, vector<1x16xf32>,
        %get3A_1156 = arith.index_cast %scan3A_1050 : i32 to index
        %get3A_1157 = arith.constant 112 : index
        %get3A_1158 = tpu.vector_load %arg14[%get3A_1156, %get3A_1157] {strides = array<i32>} : memref<128x128xf32, #tpu.memory_space<vmem>>, vector<1x16xf32>,
        %get3A_1159 = vector.shape_cast %get3A_1158 : vector<1x16xf32> to vector<16xf32>
        %mul3A_1160 = vector.broadcast %squeeze3A_1144 : f32 to vector<16xf32>
        %mul3A_1161 = arith.mulf %get3A_1159, %mul3A_1160 : vector<16xf32>
        %swap3A_1162 = arith.index_cast %scan3A_1050 : i32 to index
        %swap3A_1163 = arith.constant 112 : index
        %swap3A_1164 = tpu.vector_load %arg14[%swap3A_1162, %swap3A_1163] {strides = array<i32>} : memref<128x128xf32, #tpu.memory_space<vmem>>, vector<1x16xf32>,
        %swap3A_1165 = vector.shape_cast %swap3A_1164 : vector<1x16xf32> to vector<16xf32>
        %swap3A_1166 = vector.shape_cast %mul3A_1161 : vector<16xf32> to vector<1x16xf32>
        tpu.vector_store %arg14[%swap3A_1162, %swap3A_1163], %swap3A_1166 {strides = array<i32>} : memref<128x128xf32, #tpu.memory_space<vmem>>, vector<1x16xf32>,
      }
      %scan3A_1049 = arith.constant 128 : i32
      "tpu.region"() ({
        %run_scoped3A = tpu.sem_alloc : memref<!tpu.dma_semaphore, #tpu.memory_space<semaphore_mem>>
        %dma_start3A_1050 = arith.constant 0 : i32
        %dma_start3A_1051 = arith.constant 0 : i32
        %dma_start3A_1052 = tpu.memref_slice %arg17[%dma_start3A_1050, %dma_start3A_1051] : memref<10240x128xf32, #tpu.memory_space<vmem_shared>> -> memref<10240x128xf32, #tpu.memory_space<vmem_shared>>
        tpu.enqueue_indirect_dma source(%arg14 : memref<128x128xf32, #tpu.memory_space<vmem>>) target(%dma_start3A_1052 : memref<10240x128xf32, #tpu.memory_space<vmem_shared>>) offsets(%arg10 : memref<128xi32, #tpu.memory_space<vmem>>) semaphore(%run_scoped3A : memref<!tpu.dma_semaphore, #tpu.memory_space<semaphore_mem>>) {add = true}
        %dma_wait3A_1053 = arith.constant 0 : i32
        %dma_wait3A_1054 = arith.constant 0 : i32
        %dma_wait3A_1055 = tpu.memref_slice %arg17[%dma_wait3A_1053, %dma_wait3A_1054] : memref<10240x128xf32, #tpu.memory_space<vmem_shared>> -> memref<10240x128xf32, #tpu.memory_space<vmem_shared>>
        tpu.wait_indirect_dma semaphore(%run_scoped3A : memref<!tpu.dma_semaphore, #tpu.memory_space<semaphore_mem>>) src(%arg14 : memref<128x128xf32, #tpu.memory_space<vmem>>) dst(%dma_wait3A_1055 : memref<10240x128xf32, #tpu.memory_space<vmem_shared>>)
        tpu.yield
      }) : () -> ()
    } else {
    }
    %barrier3A_290 = arith.constant 0 : index
    tpu.barrier barrier_id(%barrier3A_290)
    %add3A_291 = arith.constant 0 : i32
    %add3A_292 = arith.addi %add3A_291, %mul3A_2 : i32
    "tpu.region"() ({
      %run_scoped3A = tpu.sem_alloc : memref<!tpu.dma_semaphore, #tpu.memory_space<semaphore_mem>>
      %dma_start3A = tpu.memref_slice %arg7[%arg0, %add3A_292] : memref<2x40960xf32, #tpu.memory_space<hbm>> -> memref<1x640xf32, #tpu.memory_space<hbm>>
      %dma_start3A_309 = tpu.memref_squeeze %dma_start3A : memref<1x640xf32, #tpu.memory_space<hbm>> -> memref<640xf32, #tpu.memory_space<hbm>>
      %dma_start3A_310 = tpu.memref_slice %arg16[%add3A_292] : memref<40960xf32, #tpu.memory_space<vmem_shared>> -> memref<640xf32, #tpu.memory_space<vmem_shared>>
      tpu.enqueue_dma source(%dma_start3A_310 : memref<640xf32, #tpu.memory_space<vmem_shared>>) target(%dma_start3A_309 : memref<640xf32, #tpu.memory_space<hbm>>) target_semaphore(%run_scoped3A : memref<!tpu.dma_semaphore, #tpu.memory_space<semaphore_mem>>)
      %dma_wait3A = tpu.memref_slice %arg7[%arg0, %add3A_292] : memref<2x40960xf32, #tpu.memory_space<hbm>> -> memref<1x640xf32, #tpu.memory_space<hbm>>
      %dma_wait3A_311 = tpu.memref_squeeze %dma_wait3A : memref<1x640xf32, #tpu.memory_space<hbm>> -> memref<640xf32, #tpu.memory_space<hbm>>
      %dma_wait3A_312 = tpu.memref_slice %arg16[%add3A_292] : memref<40960xf32, #tpu.memory_space<vmem_shared>> -> memref<640xf32, #tpu.memory_space<vmem_shared>>
      tpu.wait_dma2 semaphore(%run_scoped3A : memref<!tpu.dma_semaphore, #tpu.memory_space<semaphore_mem>>) src(%dma_wait3A_312 : memref<640xf32, #tpu.memory_space<vmem_shared>>) dst(%dma_wait3A_311 : memref<640xf32, #tpu.memory_space<hbm>>)
      tpu.yield
    }) : () -> ()
    %add3A_293 = arith.constant 10240 : i32
    %add3A_294 = arith.addi %add3A_293, %mul3A_2 : i32
    "tpu.region"() ({
      %run_scoped3A = tpu.sem_alloc : memref<!tpu.dma_semaphore, #tpu.memory_space<semaphore_mem>>
      %dma_start3A = tpu.memref_slice %arg7[%arg0, %add3A_294] : memref<2x40960xf32, #tpu.memory_space<hbm>> -> memref<1x640xf32, #tpu.memory_space<hbm>>
      %dma_start3A_309 = tpu.memref_squeeze %dma_start3A : memref<1x640xf32, #tpu.memory_space<hbm>> -> memref<640xf32, #tpu.memory_space<hbm>>
      %dma_start3A_310 = tpu.memref_slice %arg16[%add3A_294] : memref<40960xf32, #tpu.memory_space<vmem_shared>> -> memref<640xf32, #tpu.memory_space<vmem_shared>>
      tpu.enqueue_dma source(%dma_start3A_310 : memref<640xf32, #tpu.memory_space<vmem_shared>>) target(%dma_start3A_309 : memref<640xf32, #tpu.memory_space<hbm>>) target_semaphore(%run_scoped3A : memref<!tpu.dma_semaphore, #tpu.memory_space<semaphore_mem>>)
      %dma_wait3A = tpu.memref_slice %arg7[%arg0, %add3A_294] : memref<2x40960xf32, #tpu.memory_space<hbm>> -> memref<1x640xf32, #tpu.memory_space<hbm>>
      %dma_wait3A_311 = tpu.memref_squeeze %dma_wait3A : memref<1x640xf32, #tpu.memory_space<hbm>> -> memref<640xf32, #tpu.memory_space<hbm>>
      %dma_wait3A_312 = tpu.memref_slice %arg16[%add3A_294] : memref<40960xf32, #tpu.memory_space<vmem_shared>> -> memref<640xf32, #tpu.memory_space<vmem_shared>>
      tpu.wait_dma2 semaphore(%run_scoped3A : memref<!tpu.dma_semaphore, #tpu.memory_space<semaphore_mem>>) src(%dma_wait3A_312 : memref<640xf32, #tpu.memory_space<vmem_shared>>) dst(%dma_wait3A_311 : memref<640xf32, #tpu.memory_space<hbm>>)
      tpu.yield
    }) : () -> ()
    %add3A_295 = arith.constant 20480 : i32
    %add3A_296 = arith.addi %add3A_295, %mul3A_2 : i32
    "tpu.region"() ({
      %run_scoped3A = tpu.sem_alloc : memref<!tpu.dma_semaphore, #tpu.memory_space<semaphore_mem>>
      %dma_start3A = tpu.memref_slice %arg7[%arg0, %add3A_296] : memref<2x40960xf32, #tpu.memory_space<hbm>> -> memref<1x640xf32, #tpu.memory_space<hbm>>
      %dma_start3A_309 = tpu.memref_squeeze %dma_start3A : memref<1x640xf32, #tpu.memory_space<hbm>> -> memref<640xf32, #tpu.memory_space<hbm>>
      %dma_start3A_310 = tpu.memref_slice %arg16[%add3A_296] : memref<40960xf32, #tpu.memory_space<vmem_shared>> -> memref<640xf32, #tpu.memory_space<vmem_shared>>
      tpu.enqueue_dma source(%dma_start3A_310 : memref<640xf32, #tpu.memory_space<vmem_shared>>) target(%dma_start3A_309 : memref<640xf32, #tpu.memory_space<hbm>>) target_semaphore(%run_scoped3A : memref<!tpu.dma_semaphore, #tpu.memory_space<semaphore_mem>>)
      %dma_wait3A = tpu.memref_slice %arg7[%arg0, %add3A_296] : memref<2x40960xf32, #tpu.memory_space<hbm>> -> memref<1x640xf32, #tpu.memory_space<hbm>>
      %dma_wait3A_311 = tpu.memref_squeeze %dma_wait3A : memref<1x640xf32, #tpu.memory_space<hbm>> -> memref<640xf32, #tpu.memory_space<hbm>>
      %dma_wait3A_312 = tpu.memref_slice %arg16[%add3A_296] : memref<40960xf32, #tpu.memory_space<vmem_shared>> -> memref<640xf32, #tpu.memory_space<vmem_shared>>
      tpu.wait_dma2 semaphore(%run_scoped3A : memref<!tpu.dma_semaphore, #tpu.memory_space<semaphore_mem>>) src(%dma_wait3A_312 : memref<640xf32, #tpu.memory_space<vmem_shared>>) dst(%dma_wait3A_311 : memref<640xf32, #tpu.memory_space<hbm>>)
      tpu.yield
    }) : () -> ()
    %add3A_297 = arith.constant 30720 : i32
    %add3A_298 = arith.addi %add3A_297, %mul3A_2 : i32
    "tpu.region"() ({
      %run_scoped3A = tpu.sem_alloc : memref<!tpu.dma_semaphore, #tpu.memory_space<semaphore_mem>>
      %dma_start3A = tpu.memref_slice %arg7[%arg0, %add3A_298] : memref<2x40960xf32, #tpu.memory_space<hbm>> -> memref<1x640xf32, #tpu.memory_space<hbm>>
      %dma_start3A_309 = tpu.memref_squeeze %dma_start3A : memref<1x640xf32, #tpu.memory_space<hbm>> -> memref<640xf32, #tpu.memory_space<hbm>>
      %dma_start3A_310 = tpu.memref_slice %arg16[%add3A_298] : memref<40960xf32, #tpu.memory_space<vmem_shared>> -> memref<640xf32, #tpu.memory_space<vmem_shared>>
      tpu.enqueue_dma source(%dma_start3A_310 : memref<640xf32, #tpu.memory_space<vmem_shared>>) target(%dma_start3A_309 : memref<640xf32, #tpu.memory_space<hbm>>) target_semaphore(%run_scoped3A : memref<!tpu.dma_semaphore, #tpu.memory_space<semaphore_mem>>)
      %dma_wait3A = tpu.memref_slice %arg7[%arg0, %add3A_298] : memref<2x40960xf32, #tpu.memory_space<hbm>> -> memref<1x640xf32, #tpu.memory_space<hbm>>
      %dma_wait3A_311 = tpu.memref_squeeze %dma_wait3A : memref<1x640xf32, #tpu.memory_space<hbm>> -> memref<640xf32, #tpu.memory_space<hbm>>
      %dma_wait3A_312 = tpu.memref_slice %arg16[%add3A_298] : memref<40960xf32, #tpu.memory_space<vmem_shared>> -> memref<640xf32, #tpu.memory_space<vmem_shared>>
      tpu.wait_dma2 semaphore(%run_scoped3A : memref<!tpu.dma_semaphore, #tpu.memory_space<semaphore_mem>>) src(%dma_wait3A_312 : memref<640xf32, #tpu.memory_space<vmem_shared>>) dst(%dma_wait3A_311 : memref<640xf32, #tpu.memory_space<hbm>>)
      tpu.yield
    }) : () -> ()
    %add3A_299 = arith.constant 0 : i32
    %add3A_300 = arith.addi %mul3A_2, %add3A_299 : i32
    "tpu.region"() ({
      %run_scoped3A = tpu.sem_alloc : memref<!tpu.dma_semaphore, #tpu.memory_space<semaphore_mem>>
      %dma_start3A = arith.constant 0 : i32
      %dma_start3A_309 = tpu.memref_slice %arg8[%arg0, %add3A_300, %dma_start3A] : memref<2x10240x128xf32, #tpu.memory_space<hbm>> -> memref<1x128x128xf32, #tpu.memory_space<hbm>>
      %dma_start3A_310 = tpu.memref_squeeze %dma_start3A_309 : memref<1x128x128xf32, #tpu.memory_space<hbm>> -> memref<128x128xf32, #tpu.memory_space<hbm>>
      %dma_start3A_311 = arith.constant 0 : i32
      %dma_start3A_312 = tpu.memref_slice %arg17[%add3A_300, %dma_start3A_311] : memref<10240x128xf32, #tpu.memory_space<vmem_shared>> -> memref<128x128xf32, #tpu.memory_space<vmem_shared>>
      tpu.enqueue_dma source(%dma_start3A_312 : memref<128x128xf32, #tpu.memory_space<vmem_shared>>) target(%dma_start3A_310 : memref<128x128xf32, #tpu.memory_space<hbm>>) target_semaphore(%run_scoped3A : memref<!tpu.dma_semaphore, #tpu.memory_space<semaphore_mem>>)
      %dma_wait3A = arith.constant 0 : i32
      %dma_wait3A_313 = tpu.memref_slice %arg8[%arg0, %add3A_300, %dma_wait3A] : memref<2x10240x128xf32, #tpu.memory_space<hbm>> -> memref<1x128x128xf32, #tpu.memory_space<hbm>>
      %dma_wait3A_314 = tpu.memref_squeeze %dma_wait3A_313 : memref<1x128x128xf32, #tpu.memory_space<hbm>> -> memref<128x128xf32, #tpu.memory_space<hbm>>
      %dma_wait3A_315 = arith.constant 0 : i32
      %dma_wait3A_316 = tpu.memref_slice %arg17[%add3A_300, %dma_wait3A_315] : memref<10240x128xf32, #tpu.memory_space<vmem_shared>> -> memref<128x128xf32, #tpu.memory_space<vmem_shared>>
      tpu.wait_dma2 semaphore(%run_scoped3A : memref<!tpu.dma_semaphore, #tpu.memory_space<semaphore_mem>>) src(%dma_wait3A_316 : memref<128x128xf32, #tpu.memory_space<vmem_shared>>) dst(%dma_wait3A_314 : memref<128x128xf32, #tpu.memory_space<hbm>>)
      tpu.yield
    }) : () -> ()
    %add3A_301 = arith.constant 128 : i32
    %add3A_302 = arith.addi %mul3A_2, %add3A_301 : i32
    "tpu.region"() ({
      %run_scoped3A = tpu.sem_alloc : memref<!tpu.dma_semaphore, #tpu.memory_space<semaphore_mem>>
      %dma_start3A = arith.constant 0 : i32
      %dma_start3A_309 = tpu.memref_slice %arg8[%arg0, %add3A_302, %dma_start3A] : memref<2x10240x128xf32, #tpu.memory_space<hbm>> -> memref<1x128x128xf32, #tpu.memory_space<hbm>>
      %dma_start3A_310 = tpu.memref_squeeze %dma_start3A_309 : memref<1x128x128xf32, #tpu.memory_space<hbm>> -> memref<128x128xf32, #tpu.memory_space<hbm>>
      %dma_start3A_311 = arith.constant 0 : i32
      %dma_start3A_312 = tpu.memref_slice %arg17[%add3A_302, %dma_start3A_311] : memref<10240x128xf32, #tpu.memory_space<vmem_shared>> -> memref<128x128xf32, #tpu.memory_space<vmem_shared>>
      tpu.enqueue_dma source(%dma_start3A_312 : memref<128x128xf32, #tpu.memory_space<vmem_shared>>) target(%dma_start3A_310 : memref<128x128xf32, #tpu.memory_space<hbm>>) target_semaphore(%run_scoped3A : memref<!tpu.dma_semaphore, #tpu.memory_space<semaphore_mem>>)
      %dma_wait3A = arith.constant 0 : i32
      %dma_wait3A_313 = tpu.memref_slice %arg8[%arg0, %add3A_302, %dma_wait3A] : memref<2x10240x128xf32, #tpu.memory_space<hbm>> -> memref<1x128x128xf32, #tpu.memory_space<hbm>>
      %dma_wait3A_314 = tpu.memref_squeeze %dma_wait3A_313 : memref<1x128x128xf32, #tpu.memory_space<hbm>> -> memref<128x128xf32, #tpu.memory_space<hbm>>
      %dma_wait3A_315 = arith.constant 0 : i32
      %dma_wait3A_316 = tpu.memref_slice %arg17[%add3A_302, %dma_wait3A_315] : memref<10240x128xf32, #tpu.memory_space<vmem_shared>> -> memref<128x128xf32, #tpu.memory_space<vmem_shared>>
      tpu.wait_dma2 semaphore(%run_scoped3A : memref<!tpu.dma_semaphore, #tpu.memory_space<semaphore_mem>>) src(%dma_wait3A_316 : memref<128x128xf32, #tpu.memory_space<vmem_shared>>) dst(%dma_wait3A_314 : memref<128x128xf32, #tpu.memory_space<hbm>>)
      tpu.yield
    }) : () -> ()
    %add3A_303 = arith.constant 256 : i32
    %add3A_304 = arith.addi %mul3A_2, %add3A_303 : i32
    "tpu.region"() ({
      %run_scoped3A = tpu.sem_alloc : memref<!tpu.dma_semaphore, #tpu.memory_space<semaphore_mem>>
      %dma_start3A = arith.constant 0 : i32
      %dma_start3A_309 = tpu.memref_slice %arg8[%arg0, %add3A_304, %dma_start3A] : memref<2x10240x128xf32, #tpu.memory_space<hbm>> -> memref<1x128x128xf32, #tpu.memory_space<hbm>>
      %dma_start3A_310 = tpu.memref_squeeze %dma_start3A_309 : memref<1x128x128xf32, #tpu.memory_space<hbm>> -> memref<128x128xf32, #tpu.memory_space<hbm>>
      %dma_start3A_311 = arith.constant 0 : i32
      %dma_start3A_312 = tpu.memref_slice %arg17[%add3A_304, %dma_start3A_311] : memref<10240x128xf32, #tpu.memory_space<vmem_shared>> -> memref<128x128xf32, #tpu.memory_space<vmem_shared>>
      tpu.enqueue_dma source(%dma_start3A_312 : memref<128x128xf32, #tpu.memory_space<vmem_shared>>) target(%dma_start3A_310 : memref<128x128xf32, #tpu.memory_space<hbm>>) target_semaphore(%run_scoped3A : memref<!tpu.dma_semaphore, #tpu.memory_space<semaphore_mem>>)
      %dma_wait3A = arith.constant 0 : i32
      %dma_wait3A_313 = tpu.memref_slice %arg8[%arg0, %add3A_304, %dma_wait3A] : memref<2x10240x128xf32, #tpu.memory_space<hbm>> -> memref<1x128x128xf32, #tpu.memory_space<hbm>>
      %dma_wait3A_314 = tpu.memref_squeeze %dma_wait3A_313 : memref<1x128x128xf32, #tpu.memory_space<hbm>> -> memref<128x128xf32, #tpu.memory_space<hbm>>
      %dma_wait3A_315 = arith.constant 0 : i32
      %dma_wait3A_316 = tpu.memref_slice %arg17[%add3A_304, %dma_wait3A_315] : memref<10240x128xf32, #tpu.memory_space<vmem_shared>> -> memref<128x128xf32, #tpu.memory_space<vmem_shared>>
      tpu.wait_dma2 semaphore(%run_scoped3A : memref<!tpu.dma_semaphore, #tpu.memory_space<semaphore_mem>>) src(%dma_wait3A_316 : memref<128x128xf32, #tpu.memory_space<vmem_shared>>) dst(%dma_wait3A_314 : memref<128x128xf32, #tpu.memory_space<hbm>>)
      tpu.yield
    }) : () -> ()
    %add3A_305 = arith.constant 384 : i32
    %add3A_306 = arith.addi %mul3A_2, %add3A_305 : i32
    "tpu.region"() ({
      %run_scoped3A = tpu.sem_alloc : memref<!tpu.dma_semaphore, #tpu.memory_space<semaphore_mem>>
      %dma_start3A = arith.constant 0 : i32
      %dma_start3A_309 = tpu.memref_slice %arg8[%arg0, %add3A_306, %dma_start3A] : memref<2x10240x128xf32, #tpu.memory_space<hbm>> -> memref<1x128x128xf32, #tpu.memory_space<hbm>>
      %dma_start3A_310 = tpu.memref_squeeze %dma_start3A_309 : memref<1x128x128xf32, #tpu.memory_space<hbm>> -> memref<128x128xf32, #tpu.memory_space<hbm>>
      %dma_start3A_311 = arith.constant 0 : i32
      %dma_start3A_312 = tpu.memref_slice %arg17[%add3A_306, %dma_start3A_311] : memref<10240x128xf32, #tpu.memory_space<vmem_shared>> -> memref<128x128xf32, #tpu.memory_space<vmem_shared>>
      tpu.enqueue_dma source(%dma_start3A_312 : memref<128x128xf32, #tpu.memory_space<vmem_shared>>) target(%dma_start3A_310 : memref<128x128xf32, #tpu.memory_space<hbm>>) target_semaphore(%run_scoped3A : memref<!tpu.dma_semaphore, #tpu.memory_space<semaphore_mem>>)
      %dma_wait3A = arith.constant 0 : i32
      %dma_wait3A_313 = tpu.memref_slice %arg8[%arg0, %add3A_306, %dma_wait3A] : memref<2x10240x128xf32, #tpu.memory_space<hbm>> -> memref<1x128x128xf32, #tpu.memory_space<hbm>>
      %dma_wait3A_314 = tpu.memref_squeeze %dma_wait3A_313 : memref<1x128x128xf32, #tpu.memory_space<hbm>> -> memref<128x128xf32, #tpu.memory_space<hbm>>
      %dma_wait3A_315 = arith.constant 0 : i32
      %dma_wait3A_316 = tpu.memref_slice %arg17[%add3A_306, %dma_wait3A_315] : memref<10240x128xf32, #tpu.memory_space<vmem_shared>> -> memref<128x128xf32, #tpu.memory_space<vmem_shared>>
      tpu.wait_dma2 semaphore(%run_scoped3A : memref<!tpu.dma_semaphore, #tpu.memory_space<semaphore_mem>>) src(%dma_wait3A_316 : memref<128x128xf32, #tpu.memory_space<vmem_shared>>) dst(%dma_wait3A_314 : memref<128x128xf32, #tpu.memory_space<hbm>>)
      tpu.yield
    }) : () -> ()
    %add3A_307 = arith.constant 512 : i32
    %add3A_308 = arith.addi %mul3A_2, %add3A_307 : i32
    "tpu.region"() ({
      %run_scoped3A = tpu.sem_alloc : memref<!tpu.dma_semaphore, #tpu.memory_space<semaphore_mem>>
      %dma_start3A = arith.constant 0 : i32
      %dma_start3A_309 = tpu.memref_slice %arg8[%arg0, %add3A_308, %dma_start3A] : memref<2x10240x128xf32, #tpu.memory_space<hbm>> -> memref<1x128x128xf32, #tpu.memory_space<hbm>>
      %dma_start3A_310 = tpu.memref_squeeze %dma_start3A_309 : memref<1x128x128xf32, #tpu.memory_space<hbm>> -> memref<128x128xf32, #tpu.memory_space<hbm>>
      %dma_start3A_311 = arith.constant 0 : i32
      %dma_start3A_312 = tpu.memref_slice %arg17[%add3A_308, %dma_start3A_311] : memref<10240x128xf32, #tpu.memory_space<vmem_shared>> -> memref<128x128xf32, #tpu.memory_space<vmem_shared>>
      tpu.enqueue_dma source(%dma_start3A_312 : memref<128x128xf32, #tpu.memory_space<vmem_shared>>) target(%dma_start3A_310 : memref<128x128xf32, #tpu.memory_space<hbm>>) target_semaphore(%run_scoped3A : memref<!tpu.dma_semaphore, #tpu.memory_space<semaphore_mem>>)
      %dma_wait3A = arith.constant 0 : i32
      %dma_wait3A_313 = tpu.memref_slice %arg8[%arg0, %add3A_308, %dma_wait3A] : memref<2x10240x128xf32, #tpu.memory_space<hbm>> -> memref<1x128x128xf32, #tpu.memory_space<hbm>>
      %dma_wait3A_314 = tpu.memref_squeeze %dma_wait3A_313 : memref<1x128x128xf32, #tpu.memory_space<hbm>> -> memref<128x128xf32, #tpu.memory_space<hbm>>
      %dma_wait3A_315 = arith.constant 0 : i32
      %dma_wait3A_316 = tpu.memref_slice %arg17[%add3A_308, %dma_wait3A_315] : memref<10240x128xf32, #tpu.memory_space<vmem_shared>> -> memref<128x128xf32, #tpu.memory_space<vmem_shared>>
      tpu.wait_dma2 semaphore(%run_scoped3A : memref<!tpu.dma_semaphore, #tpu.memory_space<semaphore_mem>>) src(%dma_wait3A_316 : memref<128x128xf32, #tpu.memory_space<vmem_shared>>) dst(%dma_wait3A_314 : memref<128x128xf32, #tpu.memory_space<hbm>>)
      tpu.yield
    }) : () -> ()
    return
  }
}

module attributes {stable_mosaic.version = 14 : i64} {
  func.func @_proj_body(%arg0: i32, %arg1: memref<1000x128xf32, #tpu.memory_space<vmem>>, %arg2: memref<384x128xf32, #tpu.memory_space<vmem>>, %arg3: memref<1000x128xf32, #tpu.memory_space<vmem>>, %arg4: memref<1000x128xf32, #tpu.memory_space<vmem>>, %arg5: memref<1000x128xf32, #tpu.memory_space<vmem>>) attributes {dimension_semantics = [#tpu.dimension_semantics<arbitrary>], iteration_bounds = array<i64: 10>, scalar_prefetch = 0 : i64, scratch_operands = 0 : i64, tpu.core_type = #tpu.core_type<tc>, window_params = [{transform_indices = @transform_0, window_bounds = array<i64: 1000, 128>}, {pipeline_mode = #tpu.pipeline_mode<synchronous>, transform_indices = @transform_1, window_bounds = array<i64: 384, 128>}, {transform_indices = @transform_2, window_bounds = array<i64: 1000, 128>}, {transform_indices = @transform_3, window_bounds = array<i64: 1000, 128>}, {transform_indices = @transform_4, window_bounds = array<i64: 1000, 128>}]} {
    %get3A = arith.constant 0 : index
    %get3A_0 = arith.constant 0 : index
    %get3A_1 = vector.load %arg1[%get3A, %get3A_0] : memref<1000x128xf32, #tpu.memory_space<vmem>>, vector<1000x128xf32>
    %get3A_2 = arith.constant 0 : index
    %get3A_3 = arith.constant 0 : index
    %get3A_4 = vector.load %arg2[%get3A_2, %get3A_3] : memref<384x128xf32, #tpu.memory_space<vmem>>, vector<384x128xf32>
    %dot_general3A = arith.constant dense<0.000000e+00> : vector<1000x384xf32>
    %dot_general3A_5 = tpu.matmul %get3A_1, %get3A_4, %dot_general3A {dimension_numbers = #tpu.dot_dimension_numbers<[1], [1], [0], [0], [0, 0, 1, 0], [], []>, precision = #tpu.contract_precision<fp32>, transpose_lhs_hint = false} : vector<1000x128xf32>, vector<384x128xf32>, vector<1000x384xf32> -> vector<1000x384xf32>
    %slice3A = vector.extract_strided_slice %dot_general3A_5 {offsets = [0, 0], sizes = [1000, 128], strides = [1, 1]} : vector<1000x384xf32> to vector<1000x128xf32>
    %swap3A = arith.constant 0 : index
    %swap3A_6 = arith.constant 0 : index
    %swap3A_7 = vector.load %arg3[%swap3A, %swap3A_6] : memref<1000x128xf32, #tpu.memory_space<vmem>>, vector<1000x128xf32>
    tpu.vector_store %arg3[%swap3A, %swap3A_6], %slice3A {strides = array<i32>} : memref<1000x128xf32, #tpu.memory_space<vmem>>, vector<1000x128xf32>,
    %slice3A_8 = vector.extract_strided_slice %dot_general3A_5 {offsets = [0, 128], sizes = [1000, 128], strides = [1, 1]} : vector<1000x384xf32> to vector<1000x128xf32>
    %swap3A_9 = arith.constant 0 : index
    %swap3A_10 = arith.constant 0 : index
    %swap3A_11 = vector.load %arg4[%swap3A_9, %swap3A_10] : memref<1000x128xf32, #tpu.memory_space<vmem>>, vector<1000x128xf32>
    tpu.vector_store %arg4[%swap3A_9, %swap3A_10], %slice3A_8 {strides = array<i32>} : memref<1000x128xf32, #tpu.memory_space<vmem>>, vector<1000x128xf32>,
    %slice3A_12 = vector.extract_strided_slice %dot_general3A_5 {offsets = [0, 256], sizes = [1000, 128], strides = [1, 1]} : vector<1000x384xf32> to vector<1000x128xf32>
    %swap3A_13 = arith.constant 0 : index
    %swap3A_14 = arith.constant 0 : index
    %swap3A_15 = vector.load %arg5[%swap3A_13, %swap3A_14] : memref<1000x128xf32, #tpu.memory_space<vmem>>, vector<1000x128xf32>
    tpu.vector_store %arg5[%swap3A_13, %swap3A_14], %slice3A_12 {strides = array<i32>} : memref<1000x128xf32, #tpu.memory_space<vmem>>, vector<1000x128xf32>,
    return
  }
  func.func @transform_0(%arg0: i32) -> (i32, i32) {
    %c0_i32 = arith.constant 0 : i32
    %c0_i32_0 = arith.constant 0 : i32
    return %arg0, %c0_i32 : i32, i32
  }
  func.func @transform_1(%arg0: i32) -> (i32, i32) {
    %c0_i32 = arith.constant 0 : i32
    %c0_i32_0 = arith.constant 0 : i32
    %c0_i32_1 = arith.constant 0 : i32
    return %c0_i32, %c0_i32_0 : i32, i32
  }
  func.func @transform_2(%arg0: i32) -> (i32, i32) {
    %c0_i32 = arith.constant 0 : i32
    %c0_i32_0 = arith.constant 0 : i32
    return %arg0, %c0_i32 : i32, i32
  }
  func.func @transform_3(%arg0: i32) -> (i32, i32) {
    %c0_i32 = arith.constant 0 : i32
    %c0_i32_0 = arith.constant 0 : i32
    return %arg0, %c0_i32 : i32, i32
  }
  func.func @transform_4(%arg0: i32) -> (i32, i32) {
    %c0_i32 = arith.constant 0 : i32
    %c0_i32_0 = arith.constant 0 : i32
    return %arg0, %c0_i32 : i32, i32
  }
}

module attributes {stable_mosaic.version = 14 : i64} {
  func.func @_logits_body(%arg0: i32, %arg1: memref<640x128xf32, #tpu.memory_space<vmem>>, %arg2: memref<128x8xf32, #tpu.memory_space<vmem>>, %arg3: memref<8x640xf32, #tpu.memory_space<vmem>>, %arg4: memref<8x128xf32, #tpu.memory_space<vmem>>) attributes {dimension_semantics = [#tpu.dimension_semantics<arbitrary>], iteration_bounds = array<i64: 500>, scalar_prefetch = 0 : i64, scratch_operands = 0 : i64, tpu.core_type = #tpu.core_type<tc>, window_params = [{transform_indices = @transform_0, window_bounds = array<i64: 640, 128>}, {pipeline_mode = #tpu.pipeline_mode<synchronous>, transform_indices = @transform_1, window_bounds = array<i64: 128, 8>}, {transform_indices = @transform_2, window_bounds = array<i64: 8, 640>}, {pipeline_mode = #tpu.pipeline_mode<synchronous>, transform_indices = @transform_3, window_bounds = array<i64: 8, 128>}]} {
    %get3A = arith.constant 0 : index
    %get3A_0 = arith.constant 0 : index
    %get3A_1 = vector.load %arg1[%get3A, %get3A_0] : memref<640x128xf32, #tpu.memory_space<vmem>>, vector<640x128xf32>
    %ge3A = arith.constant 0.000000e+00 : f32
    %ge3A_2 = vector.broadcast %ge3A : f32 to vector<640x128xf32>
    %ge3A_3 = arith.cmpf oge, %get3A_1, %ge3A_2 : vector<640x128xf32>
    %mul3A = arith.constant 2.000000e-01 : f32
    %mul3A_4 = vector.broadcast %mul3A : f32 to vector<640x128xf32>
    %mul3A_5 = arith.mulf %mul3A_4, %get3A_1 : vector<640x128xf32>
    %select_n3A = arith.select %ge3A_3, %get3A_1, %mul3A_5 : vector<640x128xi1>, vector<640x128xf32>
    %get3A_6 = arith.constant 0 : index
    %get3A_7 = arith.constant 0 : index
    %get3A_8 = vector.load %arg2[%get3A_6, %get3A_7] : memref<128x8xf32, #tpu.memory_space<vmem>>, vector<128x8xf32>
    %dot_general3A = arith.constant dense<0.000000e+00> : vector<8x640xf32>
    %dot_general3A_9 = tpu.matmul %get3A_8, %select_n3A, %dot_general3A {dimension_numbers = #tpu.dot_dimension_numbers<[0], [1], [1], [0], [0, 1, 1, 0], [], []>, precision = #tpu.contract_precision<fp32>, transpose_lhs_hint = false} : vector<128x8xf32>, vector<640x128xf32>, vector<8x640xf32> -> vector<8x640xf32>
    %swap3A = arith.constant 0 : index
    %swap3A_10 = arith.constant 0 : index
    %swap3A_11 = vector.load %arg3[%swap3A, %swap3A_10] : memref<8x640xf32, #tpu.memory_space<vmem>>, vector<8x640xf32>
    tpu.vector_store %arg3[%swap3A, %swap3A_10], %dot_general3A_9 {strides = array<i32>} : memref<8x640xf32, #tpu.memory_space<vmem>>, vector<8x640xf32>,
    %reduce_max3A = arith.constant dense<0xFF800000> : vector<8xf32>
    %reduce_max3A_12 = vector.multi_reduction <maximumf>, %dot_general3A_9, %reduce_max3A [1] : vector<8x640xf32> to vector<8xf32>
    %broadcast_in_dim3A = vector.shape_cast %reduce_max3A_12 : vector<8xf32> to vector<8x1xf32>
    %broadcast_in_dim3A_13 = vector.shape_cast %broadcast_in_dim3A : vector<8x1xf32> to vector<8x1xf32>
    %broadcast_in_dim3A_14 = vector.broadcast %broadcast_in_dim3A_13 : vector<8x1xf32> to vector<8x128xf32>
    %eq3A = arith.constant 0 : i32
    %eq3A_15 = arith.cmpi eq, %arg0, %eq3A : i32
    %convert_element_type3A = arith.extui %eq3A_15 : i1 to i32
    %cond3A = arith.constant 0 : i32
    %cond3A_16 = arith.cmpi ne, %convert_element_type3A, %cond3A : i32
    scf.if %cond3A_16 {
      %swap3A_21 = arith.constant 0 : index
      %swap3A_22 = arith.constant 0 : index
      %swap3A_23 = vector.load %arg4[%swap3A_21, %swap3A_22] : memref<8x128xf32, #tpu.memory_space<vmem>>, vector<8x128xf32>
      tpu.vector_store %arg4[%swap3A_21, %swap3A_22], %broadcast_in_dim3A_14 {strides = array<i32>} : memref<8x128xf32, #tpu.memory_space<vmem>>, vector<8x128xf32>,
    } else {
    }
    %gt3A = arith.constant 0 : i32
    %gt3A_17 = arith.cmpi sgt, %arg0, %gt3A : i32
    %convert_element_type3A_18 = arith.extui %gt3A_17 : i1 to i32
    %cond3A_19 = arith.constant 0 : i32
    %cond3A_20 = arith.cmpi ne, %convert_element_type3A_18, %cond3A_19 : i32
    scf.if %cond3A_20 {
      %get3A_21 = arith.constant 0 : index
      %get3A_22 = arith.constant 0 : index
      %get3A_23 = vector.load %arg4[%get3A_21, %get3A_22] : memref<8x128xf32, #tpu.memory_space<vmem>>, vector<8x128xf32>
      %max3A = arith.maximumf %get3A_23, %broadcast_in_dim3A_14 : vector<8x128xf32>
      %swap3A_24 = arith.constant 0 : index
      %swap3A_25 = arith.constant 0 : index
      %swap3A_26 = vector.load %arg4[%swap3A_24, %swap3A_25] : memref<8x128xf32, #tpu.memory_space<vmem>>, vector<8x128xf32>
      tpu.vector_store %arg4[%swap3A_24, %swap3A_25], %max3A {strides = array<i32>} : memref<8x128xf32, #tpu.memory_space<vmem>>, vector<8x128xf32>,
    } else {
    }
    return
  }
  func.func @transform_0(%arg0: i32) -> (i32, i32) {
    %c0_i32 = arith.constant 0 : i32
    %c0_i32_0 = arith.constant 0 : i32
    return %arg0, %c0_i32 : i32, i32
  }
  func.func @transform_1(%arg0: i32) -> (i32, i32) {
    %c0_i32 = arith.constant 0 : i32
    %c0_i32_0 = arith.constant 0 : i32
    %c0_i32_1 = arith.constant 0 : i32
    return %c0_i32, %c0_i32_0 : i32, i32
  }
  func.func @transform_2(%arg0: i32) -> (i32, i32) {
    %c0_i32 = arith.constant 0 : i32
    %c0_i32_0 = arith.constant 0 : i32
    return %c0_i32, %arg0 : i32, i32
  }
  func.func @transform_3(%arg0: i32) -> (i32, i32) {
    %c0_i32 = arith.constant 0 : i32
    %c0_i32_0 = arith.constant 0 : i32
    %c0_i32_1 = arith.constant 0 : i32
    return %c0_i32, %c0_i32_0 : i32, i32
  }
}

module attributes {stable_mosaic.version = 14 : i64} {
  func.func @_final_body(%arg0: i32, %arg1: memref<2x4x640xf32, #tpu.memory_space<vmem>>, %arg2: memref<2x640x128xf32, #tpu.memory_space<vmem>>, %arg3: memref<4x128xf32, #tpu.memory_space<vmem>>, %arg4: memref<1x128xf32, #tpu.memory_space<vmem>>, %arg5: memref<640x128xf32, #tpu.memory_space<vmem>>) attributes {dimension_semantics = [#tpu.dimension_semantics<arbitrary>], iteration_bounds = array<i64: 16>, scalar_prefetch = 0 : i64, scratch_operands = 0 : i64, tpu.core_type = #tpu.core_type<tc>, window_params = [{transform_indices = @transform_0, window_bounds = array<i64: 2, 4, 640>}, {transform_indices = @transform_1, window_bounds = array<i64: 2, 640, 128>}, {pipeline_mode = #tpu.pipeline_mode<synchronous>, transform_indices = @transform_2, window_bounds = array<i64: 4, 128>}, {pipeline_mode = #tpu.pipeline_mode<synchronous>, transform_indices = @transform_3, window_bounds = array<i64: 1, 128>}, {transform_indices = @transform_4, window_bounds = array<i64: 640, 128>}]} {
    %get3A = arith.constant 0 : index
    %get3A_0 = arith.constant 0 : index
    %get3A_1 = arith.constant 0 : index
    %get3A_2 = vector.load %arg1[%get3A, %get3A_0, %get3A_1] : memref<2x4x640xf32, #tpu.memory_space<vmem>>, vector<1x4x640xf32>
    %get3A_3 = vector.shape_cast %get3A_2 : vector<1x4x640xf32> to vector<4x640xf32>
    %get3A_4 = arith.constant 1 : index
    %get3A_5 = arith.constant 0 : index
    %get3A_6 = arith.constant 0 : index
    %get3A_7 = vector.load %arg1[%get3A_4, %get3A_5, %get3A_6] : memref<2x4x640xf32, #tpu.memory_space<vmem>>, vector<1x4x640xf32>
    %get3A_8 = vector.shape_cast %get3A_7 : vector<1x4x640xf32> to vector<4x640xf32>
    %add3A = arith.addf %get3A_3, %get3A_8 : vector<4x640xf32>
    %get3A_9 = arith.constant 0 : index
    %get3A_10 = arith.constant 0 : index
    %get3A_11 = arith.constant 0 : index
    %get3A_12 = vector.load %arg2[%get3A_9, %get3A_10, %get3A_11] : memref<2x640x128xf32, #tpu.memory_space<vmem>>, vector<1x640x128xf32>
    %get3A_13 = vector.shape_cast %get3A_12 : vector<1x640x128xf32> to vector<640x128xf32>
    %get3A_14 = arith.constant 1 : index
    %get3A_15 = arith.constant 0 : index
    %get3A_16 = arith.constant 0 : index
    %get3A_17 = vector.load %arg2[%get3A_14, %get3A_15, %get3A_16] : memref<2x640x128xf32, #tpu.memory_space<vmem>>, vector<1x640x128xf32>
    %get3A_18 = vector.shape_cast %get3A_17 : vector<1x640x128xf32> to vector<640x128xf32>
    %add3A_19 = arith.addf %get3A_13, %get3A_18 : vector<640x128xf32>
    %eq3A = arith.constant 0.000000e+00 : f32
    %eq3A_20 = vector.broadcast %eq3A : f32 to vector<4x640xf32>
    %eq3A_21 = arith.cmpf oeq, %add3A, %eq3A_20 : vector<4x640xf32>
    %jit3A = arith.constant 1.000000e+00 : f32
    %broadcast_in_dim3A = vector.broadcast %jit3A : f32 to vector<4x640xf32>
    %select_n3A = arith.select %eq3A_21, %broadcast_in_dim3A, %add3A : vector<4x640xi1>, vector<4x640xf32>
    %div3A = arith.constant 1.000000e+00 : f32
    %div3A_22 = vector.broadcast %div3A : f32 to vector<4x640xf32>
    %div3A_23 = arith.divf %div3A_22, %select_n3A : vector<4x640xf32>
    %get3A_24 = arith.constant 0 : index
    %get3A_25 = arith.constant 0 : index
    %get3A_26 = vector.load %arg3[%get3A_24, %get3A_25] : memref<4x128xf32, #tpu.memory_space<vmem>>, vector<4x128xf32>
    %dot_general3A = arith.constant dense<0.000000e+00> : vector<640x128xf32>
    %dot_general3A_27 = tpu.matmul %div3A_23, %get3A_26, %dot_general3A {dimension_numbers = #tpu.dot_dimension_numbers<[0], [0], [1], [1], [0, 1, 1, 1], [], []>, precision = #tpu.contract_precision<fp32>, transpose_lhs_hint = false} : vector<4x640xf32>, vector<4x128xf32>, vector<640x128xf32> -> vector<640x128xf32>
    %mul3A = arith.mulf %add3A_19, %dot_general3A_27 : vector<640x128xf32>
    %get3A_28 = arith.constant 0 : index
    %get3A_29 = arith.constant 0 : index
    %get3A_30 = vector.load %arg4[%get3A_28, %get3A_29] : memref<1x128xf32, #tpu.memory_space<vmem>>, vector<1x128xf32>
    %add3A_31 = vector.broadcast %get3A_30 : vector<1x128xf32> to vector<640x128xf32>
    %add3A_32 = arith.addf %mul3A, %add3A_31 : vector<640x128xf32>
    %swap3A = arith.constant 0 : index
    %swap3A_33 = arith.constant 0 : index
    %swap3A_34 = vector.load %arg5[%swap3A, %swap3A_33] : memref<640x128xf32, #tpu.memory_space<vmem>>, vector<640x128xf32>
    tpu.vector_store %arg5[%swap3A, %swap3A_33], %add3A_32 {strides = array<i32>} : memref<640x128xf32, #tpu.memory_space<vmem>>, vector<640x128xf32>,
    return
  }
  func.func @transform_0(%arg0: i32) -> (i32, i32, i32) {
    %c0_i32 = arith.constant 0 : i32
    %c0_i32_0 = arith.constant 0 : i32
    %c0_i32_1 = arith.constant 0 : i32
    return %c0_i32, %c0_i32_0, %arg0 : i32, i32, i32
  }
  func.func @transform_1(%arg0: i32) -> (i32, i32, i32) {
    %c0_i32 = arith.constant 0 : i32
    %c0_i32_0 = arith.constant 0 : i32
    %c0_i32_1 = arith.constant 0 : i32
    return %c0_i32, %arg0, %c0_i32_0 : i32, i32, i32
  }
  func.func @transform_2(%arg0: i32) -> (i32, i32) {
    %c0_i32 = arith.constant 0 : i32
    %c0_i32_0 = arith.constant 0 : i32
    %c0_i32_1 = arith.constant 0 : i32
    return %c0_i32, %c0_i32_0 : i32, i32
  }
  func.func @transform_3(%arg0: i32) -> (i32, i32) {
    %c0_i32 = arith.constant 0 : i32
    %c0_i32_0 = arith.constant 0 : i32
    %c0_i32_1 = arith.constant 0 : i32
    return %c0_i32, %c0_i32_0 : i32, i32
  }
  func.func @transform_4(%arg0: i32) -> (i32, i32) {
    %c0_i32 = arith.constant 0 : i32
    %c0_i32_0 = arith.constant 0 : i32
    return %arg0, %c0_i32 : i32, i32
  }
}

</mosaic_0001>

<sc_bundles>
// kernel: kernel.10.cloned.1.call-start
scs
__scs_entry_jumppad:
0x0: {  	(pc) =	sbr.rel $0x88, $3  }
0x1: {  	(tag) =	ssettag $0x0;
	lr =	simm.s32 $0x1  }
0x2: {  	[smem:$0x3F9A] =	sst lr;
	_ =	strace $0xD0000000  }
0x3: {  	_ = 	snop  }
0x4: {  	_ = 	snop  }
0x5: {  	_ = 	snop  }
0x6: {  	_ = 	snop  }
0x7: {  	_ = 	snop  }
__scs_overlays_trampoline_lowered:
0x8: {  	[smem:$0x3FA9] =	sst s0  }
0x9: {  	[smem:$0x3FAA] =	sst s1  }
0xa: {  	[smem:$0x3FAB] =	sst s2  }
0xb: {  	[smem:$0x3FAC] =	sst s3  }
0xc: {  	[smem:$0x3FAD] =	sst s4  }
0xd: {  	[smem:$0x3FAE] =	sst s5  }
0xe: {  	[smem:$0x3FAF] =	sst s6  }
0xf: {  	[smem:$0x3FB0] =	sst s7  }
0x10: {  	[smem:$0x3FB1] =	sst s8  }
0x11: {  	[smem:$0x3FB2] =	sst s9;
	s0 =	simm.s32 @!p0 $0x0  }
0x12: {  	s1 =	sld [smem:$0x3F98];
	s0 =	simm.s32 @p0 $0x1  }
0x13: {  	[smem:$0x3FB3] =	sst s0;
	s0 =	simm.s32 @!p1 $0x0  }
0x14: {  	s2 =	sld [smem:$0x3F97];
	s0 =	simm.s32 @p1 $0x1  }
0x15: {  	[smem:$0x3FB4] =	sst s0;
	s0 =	simm.s32 @!p2 $0x0  }
0x16: {  	s3 =	sld [smem:$0x3FDB];
	s0 =	simm.s32 @p2 $0x1  }
0x17: {  	s4 =	simm.s32 $0x1BF5;
	[smem:$0x3FB6] =	sst s0  }
0x18: {  	s0 =	sld [smem:$0x3F99];
	_ =	swait.ge [sflag:s4], $0x0  }
0x19: {  	s7 =	sld [smem:$0x3F9A]  }
0x1a: {  	s8 =	sadd.s32 $0xFFFFE003, lr  }
0x1b: {  	s9 =	sadd.s32 $0xFFFFFEF7, lr;
	s5 =	simm.s32 $0xFFFFFFFF;
	p2 =	slt.u32 s8, $0xFFFFF086  }
0x1c: {  	p1 =	slt.u32 s9, $0xF7A;
	s5 =	simm.s32 @!p2 $0x0  }
0x1d: {  	s5 =	simm.s32 @p1 $0x1;
	p0 =	seq.s32 s7, s2  }
0x1e: {  	s7 =	smul.u32 @!p0 $0xF7A, s2;
	p2 =	seq.s32 @!p0 s5, $0x0  }
0x1f: {  	s9 =	smul.u32 $0xF7A, s1;
	s8 =	simm.s32 @!p0 $0x1BF5;
	p2 =	por !p2, p0  }
0x20: {  	[sflag:s8] =	ssyncset.s32 @!p0 $0xFFFFF086;
	s6 =	sadd.s32 @!p0 s3, s7;
	s7 =	simm.s32 @!p0 $0x108  }
0x21: {  	s3 =	sadd.s32 s3, s9;
	s6 =	sadd.s32 @!p0 $0x88, s6;
	s7 =	simm.s32 @p2 $0x1082  }
0x22: {  	[simem:s7], [sflag:s8] =	dma.local @!p0 [hbm:s6], $0xF7A  }
0x23: {  	s9 =	sor.u32 $0xD0000000, s2;
	s6 =	simm.s32 $0x108;
	_ =	swait.ge @!p0 [sflag:s8], $0x0  }
0x24: {  	s3 =	sadd.s32 $0x88, s3;
	s6 =	simm.s32 @!p1 $0x1082;
	[sflag:s4] =	ssyncset.s32 $0xFFFFF086  }
0x25: {  	[simem:s6], [sflag:s4] =	dma.local [hbm:s3], $0xF7A  }
0x26: {  	[smem:$0x3F9A] =	sst s1;
	(tag) =	ssettag s2;
	_ =	strace s9  }
0x27: {  	s1 =	sld [smem:$0x3FAA]  }
0x28: {  	s2 =	sld [smem:$0x3FAB]  }
0x29: {  	s4 =	sld [smem:$0x3FAD]  }
0x2a: {  	p0 =	seq.s32 s5, $0x0;
	s5 =	sld [smem:$0x3FAE]  }
0x2b: {  	s6 =	sld [smem:$0x3FAF]  }
0x2c: {  	s7 =	sld [smem:$0x3FB0]  }
0x2d: {  	s3 =	simm.s32 $0x108;
	s8 =	sld [smem:$0x3FB1]  }
0x2e: {  	s3 =	simm.s32 @!p0 $0x1082;
	s9 =	sld [smem:$0x3FB2]  }
0x2f: {  	lr =	sadd.s32 s0, s3;
	s0 =	sld [smem:$0x3FA9]  }
0x30: {  	s3 =	sld [smem:$0x3FAC]  }
0x31: {  	[smem:$0x3FB5] =	sst s10  }
0x32: {  	s10 =	sld [smem:$0x3FB3];
	_ =	sdelay $0x3  }
0x33: {  	p0 =	seq.s32 s10, $0x1;
	s10 =	sld [smem:$0x3FB5];
	_ =	sdelay $0x3  }
0x34: {  	[smem:$0x3FB5] =	sst s10  }
0x35: {  	s10 =	sld [smem:$0x3FB4];
	_ =	sdelay $0x3  }
0x36: {  	p1 =	seq.s32 s10, $0x1;
	s10 =	sld [smem:$0x3FB5];
	_ =	sdelay $0x3  }
0x37: {  	[smem:$0x3FB5] =	sst s10  }
0x38: {  	s10 =	sld [smem:$0x3FB6]  }
0x39: {  	_ = 	snop;
	(pc) =	sbr.ind lr, $3  }
0x3a: {  	_ = 	snop  }
0x3b: {  	_ = 	snop  }
0x3c: {  	p2 =	seq.s32 s10, $0x1;
	s10 =	sld [smem:$0x3FB5]  }
0x3d: {  	_ =	shalt  }
0x3e: {  	_ =	shalt  }
0x3f: {  	_ =	shalt  }
0x40: {  	_ =	shalt  }
0x41: {  	_ =	shalt  }
0x42: {  	_ =	shalt  }
0x43: {  	_ =	shalt  }
0x44: {  	_ =	shalt  }
0x45: {  	_ =	shalt  }
0x46: {  	_ =	shalt  }
0x47: {  	_ =	shalt  }
0x48: {  	_ =	shalt  }
0x49: {  	_ =	shalt  }
0x4a: {  	_ =	shalt  }
0x4b: {  	_ =	shalt  }
0x4c: {  	_ =	shalt  }
0x4d: {  	_ =	shalt  }
0x4e: {  	_ =	shalt  }
0x4f: {  	_ =	shalt  }
0x50: {  	_ =	shalt  }
0x51: {  	_ =	shalt  }
0x52: {  	_ =	shalt  }
0x53: {  	_ =	shalt  }
0x54: {  	_ =	shalt  }
0x55: {  	_ =	shalt  }
0x56: {  	_ =	shalt  }
0x57: {  	_ =	shalt  }
0x58: {  	_ =	shalt  }
0x59: {  	_ =	shalt  }
0x5a: {  	_ =	shalt  }
0x5b: {  	_ =	shalt  }
0x5c: {  	_ =	shalt  }
0x5d: {  	_ =	shalt  }
0x5e: {  	_ =	shalt  }
0x5f: {  	_ =	shalt  }
0x60: {  	_ =	shalt  }
0x61: {  	_ =	shalt  }
0x62: {  	_ =	shalt  }
0x63: {  	_ =	shalt  }
0x64: {  	_ =	shalt  }
0x65: {  	_ =	shalt  }
0x66: {  	_ =	shalt  }
0x67: {  	_ =	shalt  }
0x68: {  	_ =	shalt  }
0x69: {  	_ =	shalt  }
0x6a: {  	_ =	shalt  }
0x6b: {  	_ =	shalt  }
0x6c: {  	_ =	shalt  }
0x6d: {  	_ =	shalt  }
0x6e: {  	_ =	shalt  }
0x6f: {  	_ =	shalt  }
0x70: {  	_ =	shalt  }
0x71: {  	_ =	shalt  }
0x72: {  	_ =	shalt  }
0x73: {  	_ =	shalt  }
0x74: {  	_ =	shalt  }
0x75: {  	_ =	shalt  }
0x76: {  	_ =	shalt  }
0x77: {  	_ =	shalt  }
0x78: {  	_ =	shalt  }
0x79: {  	_ =	shalt  }
0x7a: {  	_ =	shalt  }
0x7b: {  	_ =	shalt  }
0x7c: {  	_ =	shalt  }
0x7d: {  	_ =	shalt  }
0x7e: {  	_ =	shalt  }
0x7f: {  	_ =	shalt  }
0x80: {  	_ =	shalt  }
0x81: {  	_ =	shalt  }
0x82: {  	_ =	shalt  }
0x83: {  	_ =	shalt  }
0x84: {  	_ =	shalt  }
0x85: {  	_ =	shalt  }
0x86: {  	_ =	shalt  }
0x87: {  	_ =	shalt  }
.Lfunc_end0:
.L_simem_size_0:
called_computation.1_lowered:
.L_overlay_start_0:
0x88: {  	s2 =	sld [smem:$0x3FD9]  }
0x89: {  	s3 =	sld [smem:$0x3FFE];
	_ =	sdelay $0x1  }
0x8a: {  	s1 =	srdreg.scid  }
0x8b: {  	s0 =	sand.u32 $0x1, s1  }
0x8c: {  	s17 =	sshll.u32 s0, $0xA;
	s2 =	sadd.s32 s3, s2  }
0x8d: {  	s2 =	sadd.s32 s2, s17  }
0x8e: {  	[smem:$0x3FC1] =	sst s2  }
0x8f: {  	_ = 	snop  }
0x90: {  	s2 =	sld [smem:$0x3FD0];
	(tm) =	ssettm $0x1  }
0x91: {  	s18 =	sld [smem:$0x3FFB];
	_ =	sdelay $0x3  }
0x92: {  	_ =	strace s18  }
0x93: {  	s3 =	sld [smem:$0x3FFC];
	_ =	sdelay $0x3  }
0x94: {  	_ =	strace s3  }
0x95: {  	s3 =	sld [smem:$0x3FFD];
	_ =	sdelay $0x3  }
0x96: {  	_ =	strace s3  }
0x97: {  	_ =	strace $0x8FFFFFFF  }
0x98: {  	s19 =	sld [smem:$0x3FDB];
	_ =	sdelay $0x1  }
0x99: {  	s4 =	simm.s32 $_scs_section_size  }
0x9a: {  	s5 =	simm.s32 $_size__tile_overlayer_lowered;
	s6 =	simm.s32 $_tile_overlayer_lowered  }
0x9b: {  	s22 =	simm.s32 $0x1BFF;
	s21 =	sshll.u32 s6, $0x1;
	s3 =	sadd.s32 s4, s19  }
0x9c: {  	s7 =	simm.s32 $0x0;
	s20 =	sshll.u32 s5, $0x1;
	s5 =	sadd.s32 s21, s3  }
0x9d: {  	[timem:s7], [sflag:s22] =	dma.local [hbm:s5], s20  }
0x9e: {  	_ =	swait.ge [sflag:s22], s20  }
0x9f: {  	s4 =	ssub.s32 $0x0, s20;
	[sflag:s22] =	ssyncset.done $0x0  }
0xa0: {  	[sflag:s22] =	ssyncadd.s32 s4;
	_ =	sdelay $0x1  }
0xa1: {  	s23 =	simm.s32 $0x1B8B  }
0xa2: {  	_ =	swait.ge [sflag:s23], $0x1  }
0xa3: {  	[sflag:s23] =	ssyncset.done $0x0  }
0xa4: {  	s25 =	simm.s32 $0x1B8E;
	s24 =	sld [smem:$0x3FFE];
	[sflag:s23] =	ssyncadd.s32 $0xFFFFFFFF  }
0xa5: {  	s26 =	simm.s32 $execute0_lowered;
	[smem:$0x3FD2] =	sst s25  }
0xa6: {  	s5 =	sshll.u32 s26, $0x1;
	_ =	strace $0x80000049;
	[dreg:$0x1] =	wrdreg $0xFFFFFFFF  }
0xa7: {  	s28 =	simm.s32 $_size_execute0_lowered;
	s3 =	sadd.s32 s3, s5;
	[dreg:$0x0] =	wrdreg $0x0  }
0xa8: {  	s5 =	sshll.u32 s28, $0x1;
	[dreg:$0x2] =	wrdreg s3  }
0xa9: {  	[dreg:$0x3] =	wrdreg s5  }
0xaa: {  	[dreg:$0x4] =	wrdreg $0xC0  }
0xab: {  	_ =	task [dreg:s7], $0x5FFFF  }
0xac: {  	[dreg:$0x1] =	wrdreg $0xFFFFFFFF  }
0xad: {  	[dreg:$0x0] =	wrdreg $0x60  }
0xae: {  	[dreg:$0x2] =	wrdreg s24  }
0xaf: {  	[dreg:$0x3] =	wrdreg s2  }
0xb0: {  	[dreg:$0x4] =	wrdreg $0x57800  }
0xb1: {  	[dreg:$0x5] =	wrdreg $0x4D800  }
0xb2: {  	[dreg:$0x6] =	wrdreg $0x9  }
0xb3: {  	_ =	task.clear_ibuf [dreg:s7], $0x7FFFF;
	_ =	strace $0x90000049  }
0xb4: {  	s29 =	simm.s32 $0x9;
	_ =	strace $0x8000004B  }
0xb5: {  	_ =	swait.ge [sflag:s29], $0x1  }
0xb6: {  	[sflag:s29] =	ssyncadd.s32 $0xFFFFFFFF  }
0xb7: {  	_ =	strace $0x9000004B  }
0xb8: {  	_ =	sfence  }
0xb9: {  	s30 =	sld [smem:$0x0];
	_ =	sdelay $0x2  }
0xba: {  	s31 =	sshll.u32 s1, $0xD;
	s1 =	sshrl.u32 s1, $0x2  }
0xbb: {  	s3 =	sand.u32 $0x4000, s31;
	s1 =	sadd.s32 s1, s30  }
0xbc: {  	s0 =	sor.u32 s3, s0;
	s1 =	sshll.u32 s1, $0x11  }
0xbd: {  	s0 =	sor.u32 s1, s0  }
0xbe: {  	s0 =	sadd.s32 $0x8F2B, s0  }
0xbf: {  	[sflag:s0] =	ssyncadd.remote.s32 $0x1  }
0xc0: {  	_ =	sfence.sel $0xFFFF  }
0xc1: {  	[dreg:$0x0] =	wrdreg $0xFFFFFFFF;
	(pc) =	sbr.abs _section_cstart, $3  }
0xc2: {  	[dreg:$0x1] =	wrdreg $0xFFFFFFFF  }
0xc3: {  	_ =	task.clear_ibuf [dreg:s7], $0x2FFFF;
	_ =	strace $0x9FFFFFFF  }
0xc4: {  	(tm) =	ssettm $0x7FFFFFFF  }
0xc5: {  	_ =	shalt  }
tec
execute0_lowered:
.L_overlay_start_1:
0x0: {  	(tag) =	ssettag $0x1  }
0x1: {  	s3 =	rddreg [dreg:$0x0]  }
0x2: {  	s6 =	rddreg [dreg:$0x1]  }
0x3: {  	s1 =	rddreg [dreg:$0x2]  }
0x4: {  	s2 =	rddreg [dreg:$0x3];
	s0 =	srdreg.scid;
	s4 =	simm.s32 $0x0  }
0x5: {  	s30 =	stileid.u32;
	s31 =	simm.s32 $0x580;
	s7 =	sand.u32 $0x1, s0  }
0x6: {  	[smem:$0x7FF] =	sst s4;
	s8 =	smul.u32 $0x280, s30;
	s9 =	sadd.s32 $0xB2600, s3  }
0x7: {  	s16 =	sshll.u32 s30, $0x1;
	s11 =	smul.u32 $0x500, s30;
	p0 =	sgt.u32 s30, $0x1  }
0x8: {  	s0 =	ssub.s32 $0x2, s7;
	_ =	strace $0x8000004A;
	s14 =	sshll.u32 s7, $0x7  }
0x9: {  	s5 =	sshrl.u32 s0, $0x1;
	s10 =	sadd.s32 $0x2800, s8;
	s12 =	sadd.s32 $0x5000, s8  }
0xa: {  	s13 =	sshll.u32 s8, $0x7;
	s18 =	sadd.s32 $0x7800, s8;
	s11 =	sor.u32 s14, s11  }
0xb: {  	s0 =	ssub.s32 s0, s5;
	s5 =	sor.u32 s7, s16;
	s20 =	sadd.s32 $0x4000, s13  }
0xc: {  	s21 =	sadd.s32 $0x8000, s13;
	s22 =	sadd.s32 $0xC000, s13;
	s11 =	sshrl.u32 s11, $0x3  }
0xd: {  	s13 =	sadd.s32 $0x10000, s13;
	s17 =	sshll.u32 s10, $0x1;
	s7 =	smul.u32 $0x140000, s7  }
0xe: {  	s15 =	sshll.u32 s12, $0x1;
	s16 =	smul.u32 $0x14000, s30;
	s23 =	sshll.u32 s18, $0x1  }
0xf: {  	s11 =	sadd.s32 s6, s11;
	s15 =	sor.u32 s14, s15;
	s24 =	sor.u32 s14, s23  }
0x10: {  	s28 =	sadd.s32 s22, s1;
	s29 =	sadd.s32 s13, s1;
	s0 =	smax.u32 s0, $0x1  }
0x11: {  	[dreg:$0x5] =	wrdreg s11;
	s11 =	sor.u32 s14, s17;
	s19 =	sshrl.u32 s15, $0x3  }
0x12: {  	s25 =	sadd.s32 s16, s7;
	s26 =	sadd.s32 s7, s20;
	s23 =	sadd.s32 s7, s22  }
0x13: {  	s15 =	sadd.s32 $0xC200, s3;
	[dreg:$0x15] =	wrdreg s0;
	s0 =	simm.s32 $0x2  }
0x14: {  	s11 =	sshrl.u32 s11, $0x3;
	s14 =	sshrl.u32 s25, $0x3;
	s17 =	sshrl.u32 s26, $0x3  }
0x15: {  	s26 =	sadd.s32 $0x16000, s3;
	s11 =	sadd.s32 s6, s11;
	s16 =	sadd.s32 s9, s14  }
0x16: {  	[dreg:$0xe] =	wrdreg s26;
	s14 =	sadd.s32 s12, s2;
	s26 =	sadd.s32 s21, s1  }
0x17: {  	s12 =	simm.s32 $0x1;
	[dreg:$0x6] =	wrdreg s11;
	s11 =	sadd.s32 s6, s19  }
0x18: {  	[dreg:$0x9] =	wrdreg s16;
	s19 =	sadd.s32 s7, s21;
	s7 =	sadd.s32 s7, s13  }
0x19: {  	s16 =	sadd.s32 $0x2400, s3;
	[dreg:$0x11] =	wrdreg s14;
	s13 =	simm.s32 $0x20  }
0x1a: {  	s14 =	simm.s32 $0x10;
	[dreg:$0x7] =	wrdreg s11;
	s11 =	sshrl.u32 s24, $0x3  }
0x1b: {  	s25 =	sshrl.u32 s7, $0x3;
	s7 =	smul.u32 $0x50000, s30;
	s6 =	sadd.s32 s6, s11  }
0x1c: {  	s11 =	sshrl.u32 s23, $0x3;
	s23 =	sadd.s32 s18, s2;
	[dreg:$0x8] =	wrdreg s6  }
0x1d: {  	s6 =	sadd.s32 s9, s17;
	s24 =	sadd.s32 s9, s11;
	s17 =	sadd.s32 $0x64400, s3  }
0x1e: {  	s11 =	sadd.s32 s10, s2;
	s18 =	sshrl.u32 s7, $0x2;
	[dreg:$0xa] =	wrdreg s6  }
0x1f: {  	s7 =	simm.s32 $0x180;
	s10 =	simm.s32 $0x680;
	[dreg:$0xc] =	wrdreg s24  }
0x20: {  	s6 =	sshrl.u32 s19, $0x3;
	s19 =	sadd.s32 $0x3D200, s3;
	[dreg:$0x10] =	wrdreg s11  }
0x21: {  	s24 =	sadd.s32 s18, s1;
	s11 =	simm.s32 $0x700;
	s6 =	sadd.s32 s9, s6  }
0x22: {  	s18 =	simm.s32 $0x0;
	[dreg:$0xb] =	wrdreg s6;
	s6 =	sadd.s32 s9, s25  }
0x23: {  	s9 =	sadd.s32 s8, s2;
	s25 =	sadd.s32 s20, s1;
	s20 =	sor.u32 $0x9C0, s5  }
.Ltmp0:
0x24: {  	[dreg:$0xd] =	wrdreg s6;
	s21 =	sshll.u32 s20, $0x4;
	(pc) =	sbr.rel .LBB2_1-.Ltmp0, $4  }
0x25: {  	s8 =	simm.s32 $0x100;
	[dreg:$0xf] =	wrdreg s9;
	s22 =	sadd.s32 s15, s21  }
0x26: {  	s3 =	sshll.u32 s20, $0x7;
	s6 =	sadd.s32 s16, s21;
	[dreg:$0x12] =	wrdreg s22  }
0x27: {  	s9 =	simm.s32 $0x600;
	s3 =	sadd.s32 s17, s3;
	[dreg:$0x13] =	wrdreg s6  }
0x28: {  	v0 =	vimm.f32 $0.0e+00;
	[dreg:$0x14] =	wrdreg s3;
	s3 =	simm.s32 $0x980;
	s6 =	simm.s32 $0x80  }
.LBB2_11:
0x29: {  	s20 =	stileid.u32;
	[bflag:$0x0] =	sbarrier.arrive $0xFFFF  }
0x2a: {  	s20 =	sshll.u32 s20, $0x6;
	s21 =	rddreg [dreg:$0xf]  }
0x2b: {  	s22 =	rddreg [dreg:$0x5];
	s20 =	sor.u32 $0x1C02, s20;
	s21 =	sshrl.u32 s21, $0x3  }
0x2c: {  	[hbm:s22@s13], [sflag:s20] =	dma.strided [spmem:s21@s14], $0x50, s12, $0x10   }
0x2d: {  	_ =	swait.ge [sflag:s0], $0x50  }
0x2e: {  	[sflag:s0] =	ssyncset.done $0x0;
	s22 =	rddreg [dreg:$0x10]  }
0x2f: {  	s30 =	rddreg [dreg:$0x6];
	[sflag:s0] =	ssyncadd.s32 $0xFFFFFFB0;
	s21 =	sshrl.u32 s22, $0x3  }
0x30: {  	[hbm:s30@s13], [sflag:s20] =	dma.strided [spmem:s21@s14], $0x50, s12, $0x10   }
0x31: {  	_ =	swait.ge [sflag:s0], $0x50  }
0x32: {  	[sflag:s0] =	ssyncset.done $0x0;
	s22 =	rddreg [dreg:$0x11]  }
0x33: {  	s30 =	rddreg [dreg:$0x7];
	[sflag:s0] =	ssyncadd.s32 $0xFFFFFFB0;
	s21 =	sshrl.u32 s22, $0x3  }
0x34: {  	[hbm:s30@s13], [sflag:s20] =	dma.strided [spmem:s21@s14], $0x50, s12, $0x10   }
0x35: {  	_ =	swait.ge [sflag:s0], $0x50  }
0x36: {  	[sflag:s0] =	ssyncset.done $0x0  }
0x37: {  	s22 =	sshrl.u32 s23, $0x3;
	s30 =	rddreg [dreg:$0x8];
	[sflag:s0] =	ssyncadd.s32 $0xFFFFFFB0  }
0x38: {  	[hbm:s30@s13], [sflag:s20] =	dma.strided [spmem:s22@s14], $0x50, s12, $0x10   }
0x39: {  	_ =	swait.ge [sflag:s0], $0x50  }
0x3a: {  	[sflag:s0] =	ssyncset.done $0x0  }
0x3b: {  	s22 =	sshrl.u32 s24, $0x3;
	s30 =	rddreg [dreg:$0x9];
	[sflag:s0] =	ssyncadd.s32 $0xFFFFFFB0  }
0x3c: {  	[hbm:s30], [sflag:s20] =	dma.local [spmem:s22], $0x800  }
0x3d: {  	_ =	swait.ge [sflag:s0], $0x800  }
0x3e: {  	[sflag:s0] =	ssyncset.done $0x0  }
0x3f: {  	s22 =	sshrl.u32 s25, $0x3;
	s30 =	rddreg [dreg:$0xa];
	[sflag:s0] =	ssyncadd.s32 $0xFFFFF800  }
0x40: {  	[hbm:s30], [sflag:s20] =	dma.local [spmem:s22], $0x800  }
0x41: {  	_ =	swait.ge [sflag:s0], $0x800  }
0x42: {  	[sflag:s0] =	ssyncset.done $0x0  }
0x43: {  	s22 =	sshrl.u32 s26, $0x3;
	s30 =	rddreg [dreg:$0xb];
	[sflag:s0] =	ssyncadd.s32 $0xFFFFF800  }
0x44: {  	[hbm:s30], [sflag:s20] =	dma.local [spmem:s22], $0x800  }
0x45: {  	_ =	swait.ge [sflag:s0], $0x800  }
0x46: {  	[sflag:s0] =	ssyncset.done $0x0  }
0x47: {  	s22 =	sshrl.u32 s28, $0x3;
	s30 =	rddreg [dreg:$0xc];
	[sflag:s0] =	ssyncadd.s32 $0xFFFFF800  }
0x48: {  	[hbm:s30], [sflag:s20] =	dma.local [spmem:s22], $0x800  }
0x49: {  	_ =	swait.ge [sflag:s0], $0x800  }
0x4a: {  	[sflag:s0] =	ssyncset.done $0x0  }
0x4b: {  	s22 =	sshrl.u32 s29, $0x3;
	s30 =	rddreg [dreg:$0xd];
	[sflag:s0] =	ssyncadd.s32 $0xFFFFF800  }
0x4c: {  	[hbm:s30], [sflag:s20] =	dma.local [spmem:s22], $0x800  }
0x4d: {  	_ =	swait.ge [sflag:s0], $0x800  }
0x4e: {  	s18 =	sadd.s32 $0x1, s18;
	s30 =	rddreg [dreg:$0x15]  }
0x4f: {  	p1 =	sne.s32 s18, s30  }
.Ltmp1:
0x50: {  	_ = 	snop;
	(pc) =	sbr.rel @!p1 .LBB2_12-.Ltmp1, $3  }
0x51: {  	_ =	sdelay $0x1  }
0x52: {  	[sflag:s0] =	ssyncset.done $0x0  }
0x53: {  	[sflag:s0] =	ssyncadd.s32 $0xFFFFF800  }
.LBB2_1:
0x54: {  	s20 =	simm.s32 $0x0;
	s21 =	simm.s32 $0x200  }
.LBB2_2:
0x55: {  	p1 =	sne.s32 s21, $0xFE00;
	[tilespmem:s20+$0x9F0] =	vst v0  }
0x56: {  	[tilespmem:s20+$0x980] =	vst v0  }
0x57: {  	[tilespmem:s20+$0x990] =	vst v0  }
.Ltmp2:
0x58: {  	[tilespmem:s20+$0x9A0] =	vst v0;
	(pc) =	sbr.rel @p1 .LBB2_2-.Ltmp2, $4  }
0x59: {  	[tilespmem:s20+$0x9B0] =	vst v0  }
0x5a: {  	[tilespmem:s20+$0x9C0] =	vst v0  }
0x5b: {  	[tilespmem:s20+$0x9D0] =	vst v0  }
0x5c: {  	[tilespmem:s20+$0x9E0] =	vst v0;
	s20 =	sshra.s32 s21, $0x2;
	s21 =	sadd.s32 $0x200, s21  }
0x5d: {  	[tilespmem:s20+$0x9F0] =	vst v0  }
0x5e: {  	[tilespmem:s20+$0x980] =	vst v0  }
0x5f: {  	[tilespmem:s20+$0x990] =	vst v0  }
0x60: {  	[tilespmem:s20+$0x9A0] =	vst v0  }
0x61: {  	[tilespmem:s20+$0x9B0] =	vst v0  }
0x62: {  	[tilespmem:s20+$0x9C0] =	vst v0  }
0x63: {  	[tilespmem:s20+$0x9D0] =	vst v0  }
0x64: {  	[tilespmem:s20+$0x9E0] =	vst v0  }
0x65: {  	[tilespmem:$0x580] =	vst v0  }
0x66: {  	[tilespmem:$0x590] =	vst v0  }
0x67: {  	[tilespmem:$0x5A0] =	vst v0  }
0x68: {  	[tilespmem:$0x5B0] =	vst v0  }
0x69: {  	[tilespmem:$0x5C0] =	vst v0  }
0x6a: {  	[tilespmem:$0x5D0] =	vst v0  }
0x6b: {  	[tilespmem:$0x5E0] =	vst v0  }
0x6c: {  	[tilespmem:$0x5F0] =	vst v0  }
0x6d: {  	[tilespmem:$0x600] =	vst v0  }
0x6e: {  	[tilespmem:$0x610] =	vst v0  }
0x6f: {  	[tilespmem:$0x620] =	vst v0  }
0x70: {  	[tilespmem:$0x630] =	vst v0  }
0x71: {  	[tilespmem:$0x640] =	vst v0  }
0x72: {  	[tilespmem:$0x650] =	vst v0  }
0x73: {  	[tilespmem:$0x660] =	vst v0  }
0x74: {  	[tilespmem:$0x670] =	vst v0  }
0x75: {  	[tilespmem:$0x680] =	vst v0  }
0x76: {  	[tilespmem:$0x690] =	vst v0  }
0x77: {  	[tilespmem:$0x6A0] =	vst v0  }
0x78: {  	[tilespmem:$0x6B0] =	vst v0  }
0x79: {  	[tilespmem:$0x6C0] =	vst v0  }
0x7a: {  	[tilespmem:$0x6D0] =	vst v0  }
0x7b: {  	[tilespmem:$0x6E0] =	vst v0  }
0x7c: {  	[tilespmem:$0x6F0] =	vst v0  }
0x7d: {  	[tilespmem:$0x700] =	vst v0  }
0x7e: {  	[tilespmem:$0x710] =	vst v0  }
0x7f: {  	[tilespmem:$0x720] =	vst v0  }
0x80: {  	[tilespmem:$0x730] =	vst v0  }
0x81: {  	[tilespmem:$0x740] =	vst v0  }
0x82: {  	[tilespmem:$0x750] =	vst v0  }
0x83: {  	[tilespmem:$0x760] =	vst v0  }
0x84: {  	[tilespmem:$0x770] =	vst v0  }
0x85: {  	[tilespmem:$0x780] =	vst v0  }
0x86: {  	[tilespmem:$0x790] =	vst v0  }
0x87: {  	[tilespmem:$0x7A0] =	vst v0  }
0x88: {  	[tilespmem:$0x7B0] =	vst v0  }
0x89: {  	[tilespmem:$0x7C0] =	vst v0  }
0x8a: {  	[tilespmem:$0x7D0] =	vst v0  }
0x8b: {  	[tilespmem:$0x7E0] =	vst v0  }
0x8c: {  	[tilespmem:$0x7F0] =	vst v0  }
0x8d: {  	[tilespmem:$0x800] =	vst v0  }
0x8e: {  	[tilespmem:$0x810] =	vst v0  }
0x8f: {  	[tilespmem:$0x820] =	vst v0  }
0x90: {  	[tilespmem:$0x830] =	vst v0  }
0x91: {  	[tilespmem:$0x840] =	vst v0  }
0x92: {  	[tilespmem:$0x850] =	vst v0  }
0x93: {  	[tilespmem:$0x860] =	vst v0  }
0x94: {  	[tilespmem:$0x870] =	vst v0  }
0x95: {  	[tilespmem:$0x880] =	vst v0  }
0x96: {  	[tilespmem:$0x890] =	vst v0  }
0x97: {  	[tilespmem:$0x8A0] =	vst v0  }
0x98: {  	[tilespmem:$0x8B0] =	vst v0  }
0x99: {  	[tilespmem:$0x8C0] =	vst v0  }
0x9a: {  	[tilespmem:$0x8D0] =	vst v0  }
0x9b: {  	[tilespmem:$0x8E0] =	vst v0  }
0x9c: {  	[tilespmem:$0x8F0] =	vst v0  }
0x9d: {  	[tilespmem:$0x900] =	vst v0  }
0x9e: {  	[tilespmem:$0x910] =	vst v0  }
0x9f: {  	[tilespmem:$0x920] =	vst v0  }
0xa0: {  	[tilespmem:$0x930] =	vst v0  }
0xa1: {  	[tilespmem:$0x940] =	vst v0  }
0xa2: {  	[tilespmem:$0x950] =	vst v0  }
0xa3: {  	[tilespmem:$0x960] =	vst v0  }
0xa4: {  	s21 =	rddreg [dreg:$0xf];
	[tilespmem:$0x970] =	vst v0  }
0xa5: {  	[spmem:s21] =	stream.linear.scatter [tilespmem:s31], [sflag:$0x2], $0x280, $0x38;
	[tilespmem:$0x19780] =	vst v63  }
0xa6: {  	_ =	swait.ge [sflag:s0], $0x280  }
0xa7: {  	[sflag:s0] =	ssyncset.done $0x0  }
0xa8: {  	s22 =	rddreg [dreg:$0x10];
	[sflag:s0] =	ssyncadd.s32 $0xFFFFFD80  }
0xa9: {  	[spmem:s22] =	stream.linear.scatter [tilespmem:s31], [sflag:$0x2], $0x280, $0x38;
	[tilespmem:$0x19780] =	vst v63  }
0xaa: {  	_ =	swait.ge [sflag:s0], $0x280  }
0xab: {  	[sflag:s0] =	ssyncset.done $0x0  }
0xac: {  	s21 =	rddreg [dreg:$0x11];
	[sflag:s0] =	ssyncadd.s32 $0xFFFFFD80  }
0xad: {  	[spmem:s21] =	stream.linear.scatter [tilespmem:s31], [sflag:$0x2], $0x280, $0x38;
	[tilespmem:$0x19780] =	vst v63  }
0xae: {  	_ =	swait.ge [sflag:s0], $0x280  }
0xaf: {  	[sflag:s0] =	ssyncset.done $0x0  }
0xb0: {  	[sflag:s0] =	ssyncadd.s32 $0xFFFFFD80  }
0xb1: {  	[spmem:s23] =	stream.linear.scatter [tilespmem:s31], [sflag:$0x2], $0x280, $0x38;
	[tilespmem:$0x19780] =	vst v63  }
0xb2: {  	_ =	swait.ge [sflag:s0], $0x280  }
0xb3: {  	[sflag:s0] =	ssyncset.done $0x0  }
0xb4: {  	[sflag:s0] =	ssyncadd.s32 $0xFFFFFD80  }
0xb5: {  	[spmem:s24] =	stream.linear.scatter [tilespmem:s3], [sflag:$0x2], $0x4000, $0x38;
	[tilespmem:$0x19780] =	vst v63  }
0xb6: {  	_ =	swait.ge [sflag:s0], $0x4000  }
0xb7: {  	[sflag:s0] =	ssyncset.done $0x0  }
0xb8: {  	[sflag:s0] =	ssyncadd.s32 $0xFFFFC000  }
0xb9: {  	[spmem:s25] =	stream.linear.scatter [tilespmem:s3], [sflag:$0x2], $0x4000, $0x38;
	[tilespmem:$0x19780] =	vst v63  }
0xba: {  	_ =	swait.ge [sflag:s0], $0x4000  }
0xbb: {  	[sflag:s0] =	ssyncset.done $0x0  }
0xbc: {  	[sflag:s0] =	ssyncadd.s32 $0xFFFFC000  }
0xbd: {  	[spmem:s26] =	stream.linear.scatter [tilespmem:s3], [sflag:$0x2], $0x4000, $0x38;
	[tilespmem:$0x19780] =	vst v63  }
0xbe: {  	_ =	swait.ge [sflag:s0], $0x4000  }
0xbf: {  	[sflag:s0] =	ssyncset.done $0x0  }
0xc0: {  	[sflag:s0] =	ssyncadd.s32 $0xFFFFC000  }
0xc1: {  	[spmem:s28] =	stream.linear.scatter [tilespmem:s3], [sflag:$0x2], $0x4000, $0x38;
	[tilespmem:$0x19780] =	vst v63  }
0xc2: {  	_ =	swait.ge [sflag:s0], $0x4000  }
0xc3: {  	[sflag:s0] =	ssyncset.done $0x0  }
0xc4: {  	[sflag:s0] =	ssyncadd.s32 $0xFFFFC000  }
0xc5: {  	[spmem:s29] =	stream.linear.scatter [tilespmem:s3], [sflag:$0x2], $0x4000, $0x38;
	[tilespmem:$0x19780] =	vst v63  }
0xc6: {  	_ =	swait.ge [sflag:s0], $0x4000  }
0xc7: {  	[sflag:s0] =	ssyncset.done $0x0  }
0xc8: {  	[sflag:s0] =	ssyncadd.s32 $0xFFFFC000  }
0xc9: {  	[bflag:$0x0] =	sbarrier.arrive $0xFFFF  }
0xca: {  	s30 =	simm.s32 $0x0;
	s21 =	simm.s32 $0x4980;
	s22 =	rddreg [dreg:$0xe]  }
0xcb: {  	[tilespmem:s21], [sflag:$0x2] =	stream.linear.gather [hbm4b:s22+s30], $0x400, $0x38;
	[tilespmem:$0x19780] =	vst v63  }
0xcc: {  	_ =	swait.ge [sflag:s0], $0x400  }
0xcd: {  	[sflag:s0] =	ssyncset.done $0x0  }
0xce: {  	[sflag:s0] =	ssyncadd.s32 $0xFFFFFC00  }
.LBB2_4:
0xcf: {  	s20 =	sshll.u32 s30, $0x5  }
0xd0: {  	s20 =	sor.u32 s5, s20  }
0xd1: {  	s21 =	sshll.u32 s20, $0x4  }
0xd2: {  	s22 =	sadd.s32 s15, s21  }
0xd3: {  	[tilespmem:s4], [sflag:$0x2] =	stream.linear.gather [hbm4b:s22+s4], $0x80, $0x38;
	[tilespmem:$0x19780] =	vst v63  }
0xd4: {  	_ =	swait.ge [sflag:s0], $0x80  }
0xd5: {  	[sflag:s0] =	ssyncset.done $0x0  }
0xd6: {  	s21 =	sadd.s32 s16, s21;
	[sflag:s0] =	ssyncadd.s32 $0xFFFFFF80  }
0xd7: {  	[tilespmem:s6], [sflag:$0x2] =	stream.linear.gather [hbm4b:s21+s4], $0x80, $0x38;
	[tilespmem:$0x19780] =	vst v63  }
0xd8: {  	_ =	swait.ge [sflag:s0], $0x80  }
0xd9: {  	[sflag:s0] =	ssyncset.done $0x0  }
0xda: {  	s20 =	sshll.u32 s20, $0x7;
	[sflag:s0] =	ssyncadd.s32 $0xFFFFFF80  }
0xdb: {  	[tilespmem:s3], [sflag:$0x1] =	stream.indirect.gather [hbm4b:s19+s6], $0x80, s4, s6, $0xb8;
	[tilespmem:$0x19780] =	vst v63  }
0xdc: {  	s20 =	sadd.s32 s17, s20  }
0xdd: {  	[tilespmem:s7], [sflag:$0x2] =	stream.linear.gather [hbm4b:s20+s4], $0x400, $0x38;
	[tilespmem:$0x19780] =	vst v63  }
0xde: {  	_ =	swait.ge [sflag:s0], $0x400  }
0xdf: {  	[sflag:s0] =	ssyncset.done $0x0  }
0xe0: {  	[sflag:s0] =	ssyncadd.s32 $0xFFFFFC00  }
0xe1: {  	v1 =	vld [tilespmem:$0x180]  }
0xe2: {  	v2 =	vld.msk [tilespmem:$0x4980 ss:$0x0], $0xffff  }
0xe3: {  	v3 =	vld [tilespmem:$0x190]  }
0xe4: {  	v4 =	vld [tilespmem:$0x1A0]  }
0xe5: {  	v5 =	vld [tilespmem:$0x1B0]  }
0xe6: {  	v6 =	vld [tilespmem:$0x1C0]  }
0xe7: {  	v7 =	vld [tilespmem:$0x1D0];
	v1 =	vsub.f32 v1, v2  }
0xe8: {  	v8 =	vld [tilespmem:$0x1E0];
	v3 =	vsub.f32 v3, v2  }
0xe9: {  	v9 =	vld [tilespmem:$0x1F0];
	v4 =	vsub.f32 v4, v2;
	v1 =	vmul.f32 $1.442695020e+00, v1  }
0xea: {  	v5 =	vsub.f32 v5, v2;
	v3 =	vmul.f32 $1.442695020e+00, v3  }
0xeb: {  	v21 =	vsub.f32 v6, v2;
	(erf) = vpow2.f32 v1;
	v1 =	vmul.f32 $1.442695020e+00, v4  }
0xec: {  	v22 =	vsub.f32 v7, v2;
	(erf) = vpow2.f32 v3;
	v3 =	vmul.f32 $1.442695020e+00, v5  }
0xed: {  	v23 =	vsub.f32 v8, v2;
	(erf) = vpow2.f32 v1;
	v1 =	vmul.f32 $1.442695020e+00, v21  }
0xee: {  	v2 =	vsub.f32 v9, v2;
	(erf) = vpow2.f32 v3;
	v3 =	vmul.f32 $1.442695020e+00, v22  }
0xef: {  	(erf) = vpow2.f32 v1;
	v1 =	vmul.f32 $1.442695020e+00, v23  }
0xf0: {  	v2 =	vmul.f32 $1.442695020e+00, v2;
	(erf) = vpow2.f32 v3  }
0xf1: {  	(erf) = vpow2.f32 v1  }
0xf2: {  	(erf) = vpow2.f32 v2;
	_ =	sdelay $0x1  }
0xf3: {  	v1 =	vpop (erf)  }
0xf4: {  	[tilespmem:$0x580] =	vst v1;
	v1 =	vpop (erf)  }
0xf5: {  	[tilespmem:$0x590] =	vst v1;
	v1 =	vpop (erf)  }
0xf6: {  	[tilespmem:$0x5A0] =	vst v1;
	v1 =	vpop (erf)  }
0xf7: {  	[tilespmem:$0x5B0] =	vst v1;
	v1 =	vpop (erf)  }
0xf8: {  	[tilespmem:$0x5C0] =	vst v1;
	v1 =	vpop (erf)  }
0xf9: {  	[tilespmem:$0x5D0] =	vst v1;
	v1 =	vpop (erf)  }
0xfa: {  	[tilespmem:$0x5E0] =	vst v1;
	v1 =	vpop (erf)  }
0xfb: {  	[tilespmem:$0x5F0] =	vst v1;
	v1 =	vld [tilespmem:$0x200]  }
0xfc: {  	v2 =	vld.msk [tilespmem:$0x4A00 ss:$0x0], $0xffff  }
0xfd: {  	v3 =	vld [tilespmem:$0x210]  }
0xfe: {  	v24 =	vld [tilespmem:$0x220]  }
0xff: {  	v25 =	vld [tilespmem:$0x230]  }
0x100: {  	v26 =	vld [tilespmem:$0x240]  }
0x101: {  	v27 =	vld [tilespmem:$0x250];
	v1 =	vsub.f32 v1, v2  }
0x102: {  	v28 =	vld [tilespmem:$0x260];
	v3 =	vsub.f32 v3, v2  }
0x103: {  	v29 =	vld [tilespmem:$0x270];
	v4 =	vsub.f32 v24, v2;
	v1 =	vmul.f32 $1.442695020e+00, v1  }
0x104: {  	v5 =	vsub.f32 v25, v2;
	v3 =	vmul.f32 $1.442695020e+00, v3  }
0x105: {  	v30 =	vsub.f32 v26, v2;
	(erf) = vpow2.f32 v1;
	v1 =	vmul.f32 $1.442695020e+00, v4  }
0x106: {  	v31 =	vsub.f32 v27, v2;
	(erf) = vpow2.f32 v3;
	v3 =	vmul.f32 $1.442695020e+00, v5  }
0x107: {  	v32 =	vsub.f32 v28, v2;
	(erf) = vpow2.f32 v1;
	v1 =	vmul.f32 $1.442695020e+00, v30  }
0x108: {  	v2 =	vsub.f32 v29, v2;
	(erf) = vpow2.f32 v3;
	v3 =	vmul.f32 $1.442695020e+00, v31  }
0x109: {  	(erf) = vpow2.f32 v1;
	v1 =	vmul.f32 $1.442695020e+00, v32  }
0x10a: {  	v2 =	vmul.f32 $1.442695020e+00, v2;
	(erf) = vpow2.f32 v3  }
0x10b: {  	(erf) = vpow2.f32 v1  }
0x10c: {  	(erf) = vpow2.f32 v2;
	_ =	sdelay $0x1  }
0x10d: {  	v1 =	vpop (erf)  }
0x10e: {  	[tilespmem:$0x600] =	vst v1;
	v1 =	vpop (erf)  }
0x10f: {  	[tilespmem:$0x610] =	vst v1;
	v1 =	vpop (erf)  }
0x110: {  	[tilespmem:$0x620] =	vst v1;
	v1 =	vpop (erf)  }
0x111: {  	[tilespmem:$0x630] =	vst v1;
	v1 =	vpop (erf)  }
0x112: {  	[tilespmem:$0x640] =	vst v1;
	v1 =	vpop (erf)  }
0x113: {  	[tilespmem:$0x650] =	vst v1;
	v1 =	vpop (erf)  }
0x114: {  	[tilespmem:$0x660] =	vst v1;
	v1 =	vpop (erf)  }
0x115: {  	[tilespmem:$0x670] =	vst v1;
	v1 =	vld [tilespmem:$0x280]  }
0x116: {  	v2 =	vld.msk [tilespmem:$0x4A80 ss:$0x0], $0xffff  }
0x117: {  	v3 =	vld [tilespmem:$0x290]  }
0x118: {  	v33 =	vld [tilespmem:$0x2A0]  }
0x119: {  	v34 =	vld [tilespmem:$0x2B0]  }
0x11a: {  	v35 =	vld [tilespmem:$0x2C0]  }
0x11b: {  	v36 =	vld [tilespmem:$0x2D0];
	v1 =	vsub.f32 v1, v2  }
0x11c: {  	v37 =	vld [tilespmem:$0x2E0];
	v3 =	vsub.f32 v3, v2  }
0x11d: {  	v38 =	vld [tilespmem:$0x2F0];
	v4 =	vsub.f32 v33, v2;
	v1 =	vmul.f32 $1.442695020e+00, v1  }
0x11e: {  	v5 =	vsub.f32 v34, v2;
	v3 =	vmul.f32 $1.442695020e+00, v3  }
0x11f: {  	v39 =	vsub.f32 v35, v2;
	(erf) = vpow2.f32 v1;
	v1 =	vmul.f32 $1.442695020e+00, v4  }
0x120: {  	v40 =	vsub.f32 v36, v2;
	(erf) = vpow2.f32 v3;
	v3 =	vmul.f32 $1.442695020e+00, v5  }
0x121: {  	v41 =	vsub.f32 v37, v2;
	(erf) = vpow2.f32 v1;
	v1 =	vmul.f32 $1.442695020e+00, v39  }
0x122: {  	v2 =	vsub.f32 v38, v2;
	(erf) = vpow2.f32 v3;
	v3 =	vmul.f32 $1.442695020e+00, v40  }
0x123: {  	(erf) = vpow2.f32 v1;
	v1 =	vmul.f32 $1.442695020e+00, v41  }
0x124: {  	v2 =	vmul.f32 $1.442695020e+00, v2;
	(erf) = vpow2.f32 v3  }
0x125: {  	(erf) = vpow2.f32 v1  }
0x126: {  	(erf) = vpow2.f32 v2;
	_ =	sdelay $0x1  }
0x127: {  	v1 =	vpop (erf)  }
0x128: {  	[tilespmem:$0x680] =	vst v1;
	v1 =	vpop (erf)  }
0x129: {  	[tilespmem:$0x690] =	vst v1;
	v1 =	vpop (erf)  }
0x12a: {  	[tilespmem:$0x6A0] =	vst v1;
	v1 =	vpop (erf)  }
0x12b: {  	[tilespmem:$0x6B0] =	vst v1;
	v1 =	vpop (erf)  }
0x12c: {  	[tilespmem:$0x6C0] =	vst v1;
	v1 =	vpop (erf)  }
0x12d: {  	[tilespmem:$0x6D0] =	vst v1;
	v1 =	vpop (erf)  }
0x12e: {  	[tilespmem:$0x6E0] =	vst v1;
	v1 =	vpop (erf)  }
0x12f: {  	[tilespmem:$0x6F0] =	vst v1;
	v1 =	vld [tilespmem:$0x300]  }
0x130: {  	v2 =	vld.msk [tilespmem:$0x4B00 ss:$0x0], $0xffff  }
0x131: {  	v3 =	vld [tilespmem:$0x310]  }
0x132: {  	v42 =	vld [tilespmem:$0x320]  }
0x133: {  	v43 =	vld [tilespmem:$0x330]  }
0x134: {  	v44 =	vld [tilespmem:$0x340]  }
0x135: {  	v45 =	vld [tilespmem:$0x350];
	v1 =	vsub.f32 v1, v2  }
0x136: {  	v3 =	vsub.f32 v3, v2  }
0x137: {  	v46 =	vld [tilespmem:$0x360];
	v4 =	vsub.f32 v42, v2;
	v1 =	vmul.f32 $1.442695020e+00, v1  }
0x138: {  	v47 =	vld [tilespmem:$0x370];
	v5 =	vsub.f32 v43, v2;
	v3 =	vmul.f32 $1.442695020e+00, v3  }
0x139: {  	v48 =	vsub.f32 v44, v2;
	(erf) = vpow2.f32 v1;
	v1 =	vmul.f32 $1.442695020e+00, v4  }
0x13a: {  	v49 =	vsub.f32 v45, v2;
	(erf) = vpow2.f32 v3;
	v3 =	vmul.f32 $1.442695020e+00, v5  }
0x13b: {  	(erf) = vpow2.f32 v1;
	v1 =	vmul.f32 $1.442695020e+00, v48  }
0x13c: {  	v50 =	vsub.f32 v46, v2;
	(erf) = vpow2.f32 v3;
	v3 =	vmul.f32 $1.442695020e+00, v49  }
0x13d: {  	v2 =	vsub.f32 v47, v2;
	(erf) = vpow2.f32 v1  }
0x13e: {  	v1 =	vmul.f32 $1.442695020e+00, v50;
	(erf) = vpow2.f32 v3  }
0x13f: {  	v2 =	vmul.f32 $1.442695020e+00, v2;
	_ =	sdelay $0x2  }
0x140: {  	(erf) = vpow2.f32 v1;
	v1 =	vpop (erf)  }
0x141: {  	(erf) = vpow2.f32 v2;
	v2 =	vpop (erf);
	[tilespmem:$0x700] =	vst v1  }
0x142: {  	v53 =	vld [tilespmem:$0xB0];
	v1 =	vpop (erf);
	[tilespmem:$0x710] =	vst v2  }
0x143: {  	v54 =	vld [tilespmem:$0xC0];
	v2 =	vpop (erf);
	[tilespmem:$0x720] =	vst v1  }
0x144: {  	v1 =	vpop (erf);
	[tilespmem:$0x730] =	vst v2;
	v2 =	vld [tilespmem:$0x80]  }
0x145: {  	v3 =	vpop (erf);
	[tilespmem:$0x740] =	vst v1;
	v1 =	vld [tilespmem:$0x90]  }
0x146: {  	[tilespmem:$0x750] =	vst v3;
	v3 =	vld [tilespmem:$0xA0]  }
0x147: {  	[tilespmem:$0x130] =	vst v53  }
0x148: {  	[tilespmem:$0x140] =	vst v54  }
0x149: {  	[tilespmem:$0x100] =	vst v2;
	v2 =	vld [tilespmem:$0xD0]  }
0x14a: {  	[tilespmem:$0x110] =	vst v1;
	v1 =	vld [tilespmem:$0xE0]  }
0x14b: {  	v51 =	vpop (erf);
	[tilespmem:$0x120] =	vst v3;
	v3 =	vld [tilespmem:$0xF0]  }
0x14c: {  	[tilespmem:$0x760] =	vst v51;
	v52 =	vpop (erf)  }
0x14d: {  	[tilespmem:$0x770] =	vst v52  }
0x14e: {  	[tilespmem:$0x150] =	vst v2  }
0x14f: {  	[tilespmem:$0x160] =	vst v1  }
0x150: {  	[tilespmem:$0x170] =	vst v3  }
0x151: {  	[spmem:s2] =	stream.indirect.scatter.add.f32 [tilespmem:s31], [sflag:$0x2], $0x1, s8, s6, $0xb8;
	[tilespmem:$0x19780] =	vst v63  }
0x152: {  	_ =	swait.ge [sflag:s0], $0x80  }
0x153: {  	[sflag:s0] =	ssyncset.done $0x0  }
0x154: {  	[sflag:s0] =	ssyncadd.s32 $0xFFFFFF80  }
0x155: {  	v1 =	vld [tilespmem:$0x80]  }
0x156: {  	v2 =	vld [tilespmem:$0x90]  }
0x157: {  	v3 =	vld [tilespmem:$0xA0]  }
0x158: {  	v55 =	vld [tilespmem:$0xB0]  }
0x159: {  	v56 =	vld [tilespmem:$0xC0]  }
0x15a: {  	v57 =	vld [tilespmem:$0xD0];
	v1 =	vadd.s32 $0x2800, v1  }
0x15b: {  	[tilespmem:$0x100] =	vst v1;
	v1 =	vadd.s32 $0x2800, v2;
	v2 =	vld [tilespmem:$0xE0]  }
0x15c: {  	[tilespmem:$0x110] =	vst v1;
	v1 =	vadd.s32 $0x2800, v3;
	v3 =	vld [tilespmem:$0xF0]  }
0x15d: {  	[tilespmem:$0x120] =	vst v1;
	v1 =	vadd.s32 $0x2800, v55  }
0x15e: {  	[tilespmem:$0x130] =	vst v1;
	v1 =	vadd.s32 $0x2800, v56  }
0x15f: {  	[tilespmem:$0x140] =	vst v1;
	v1 =	vadd.s32 $0x2800, v57  }
0x160: {  	[tilespmem:$0x150] =	vst v1;
	v1 =	vadd.s32 $0x2800, v2  }
0x161: {  	[tilespmem:$0x160] =	vst v1;
	v1 =	vadd.s32 $0x2800, v3  }
0x162: {  	[tilespmem:$0x170] =	vst v1  }
0x163: {  	[spmem:s2] =	stream.indirect.scatter.add.f32 [tilespmem:s9], [sflag:$0x2], $0x1, s8, s6, $0xb8;
	[tilespmem:$0x19780] =	vst v63  }
0x164: {  	_ =	swait.ge [sflag:s0], $0x80  }
0x165: {  	[sflag:s0] =	ssyncset.done $0x0  }
0x166: {  	[sflag:s0] =	ssyncadd.s32 $0xFFFFFF80  }
0x167: {  	v1 =	vld [tilespmem:$0x80]  }
0x168: {  	v2 =	vld [tilespmem:$0x90]  }
0x169: {  	v3 =	vld [tilespmem:$0xA0]  }
0x16a: {  	v58 =	vld [tilespmem:$0xB0]  }
0x16b: {  	v59 =	vld [tilespmem:$0xC0]  }
0x16c: {  	v60 =	vld [tilespmem:$0xD0];
	v1 =	vadd.s32 $0x5000, v1  }
0x16d: {  	[tilespmem:$0x100] =	vst v1;
	v1 =	vadd.s32 $0x5000, v2;
	v2 =	vld [tilespmem:$0xE0]  }
0x16e: {  	[tilespmem:$0x110] =	vst v1;
	v1 =	vadd.s32 $0x5000, v3;
	v3 =	vld [tilespmem:$0xF0]  }
0x16f: {  	[tilespmem:$0x120] =	vst v1;
	v1 =	vadd.s32 $0x5000, v58  }
0x170: {  	[tilespmem:$0x130] =	vst v1;
	v1 =	vadd.s32 $0x5000, v59  }
0x171: {  	[tilespmem:$0x140] =	vst v1;
	v1 =	vadd.s32 $0x5000, v60  }
0x172: {  	[tilespmem:$0x150] =	vst v1;
	v1 =	vadd.s32 $0x5000, v2  }
0x173: {  	[tilespmem:$0x160] =	vst v1;
	v1 =	vadd.s32 $0x5000, v3  }
0x174: {  	[tilespmem:$0x170] =	vst v1  }
0x175: {  	[spmem:s2] =	stream.indirect.scatter.add.f32 [tilespmem:s10], [sflag:$0x2], $0x1, s8, s6, $0xb8;
	[tilespmem:$0x19780] =	vst v63  }
0x176: {  	_ =	swait.ge [sflag:s0], $0x80  }
0x177: {  	[sflag:s0] =	ssyncset.done $0x0  }
0x178: {  	[sflag:s0] =	ssyncadd.s32 $0xFFFFFF80  }
0x179: {  	v1 =	vld [tilespmem:$0x80]  }
0x17a: {  	v2 =	vld [tilespmem:$0x90]  }
0x17b: {  	v3 =	vld [tilespmem:$0xA0]  }
0x17c: {  	v61 =	vld [tilespmem:$0xB0]  }
0x17d: {  	v62 =	vld [tilespmem:$0xC0]  }
0x17e: {  	v63 =	vld [tilespmem:$0xD0];
	v1 =	vadd.s32 $0x7800, v1  }
0x17f: {  	[tilespmem:$0x100] =	vst v1;
	v1 =	vadd.s32 $0x7800, v2;
	v2 =	vld [tilespmem:$0xE0]  }
0x180: {  	[tilespmem:$0x110] =	vst v1;
	v1 =	vadd.s32 $0x7800, v3;
	v3 =	vld [tilespmem:$0xF0]  }
0x181: {  	[tilespmem:$0x120] =	vst v1;
	v1 =	vadd.s32 $0x7800, v61  }
0x182: {  	[tilespmem:$0x130] =	vst v1;
	v1 =	vadd.s32 $0x7800, v62  }
0x183: {  	[tilespmem:$0x140] =	vst v1;
	v1 =	vadd.s32 $0x7800, v63  }
0x184: {  	[tilespmem:$0x150] =	vst v1;
	v1 =	vadd.s32 $0x7800, v2  }
0x185: {  	[tilespmem:$0x160] =	vst v1;
	v1 =	vadd.s32 $0x7800, v3  }
0x186: {  	[tilespmem:$0x170] =	vst v1  }
0x187: {  	[spmem:s2] =	stream.indirect.scatter.add.f32 [tilespmem:s11], [sflag:$0x2], $0x1, s8, s6, $0xb8;
	[tilespmem:$0x19780] =	vst v63  }
0x188: {  	_ =	swait.ge [sflag:s0], $0x80  }
0x189: {  	[sflag:s0] =	ssyncset.done $0x0  }
0x18a: {  	[sflag:s0] =	ssyncadd.s32 $0xFFFFFF80  }
0x18b: {  	_ =	swait.ge [sflag:s12], $0x4000  }
0x18c: {  	[sflag:s12] =	ssyncset.done $0x0  }
0x18d: {  	s21 =	simm.s32 $0xFFFFFF80;
	[sflag:s12] =	ssyncadd.s32 $0xFFFFC000  }
0x18e: {  	s20 =	simm.s32 $0x9C0;
	v1 =	vld.msk [tilespmem:s21+$0x600 ss:$0x0], $0xffff  }
0x18f: {  	s22 =	simm.s32 $0xFFFFFE04;
	v2 =	vld [tilespmem:s20+$0xFFFFFFC0]  }
.LBB2_5:
0x190: {  	p1 =	sne.s32 s22, $0xFFFFFFFC;
	v3 =	vld [tilespmem:s20+$0xFFFFFFD0];
	_ =	sdelay $0x3  }
0x191: {  	v2 =	vmul.f32 v1, v2  }
0x192: {  	v1 =	vmul.f32 v3, v1  }
0x193: {  	[tilespmem:s20+$0xFFFFFFC0] =	vst v2  }
0x194: {  	[tilespmem:s20+$0xFFFFFFD0] =	vst v1  }
0x195: {  	v1 =	vld.msk [tilespmem:s21+$0x680 ss:$0x0], $0xffff  }
0x196: {  	v2 =	vld [tilespmem:s20+$0xFFFFFFE0]  }
0x197: {  	v3 =	vld [tilespmem:s20+$0xFFFFFFF0];
	_ =	sdelay $0x3  }
0x198: {  	v2 =	vmul.f32 v1, v2  }
0x199: {  	v1 =	vmul.f32 v3, v1  }
0x19a: {  	[tilespmem:s20+$0xFFFFFFE0] =	vst v2  }
0x19b: {  	[tilespmem:s20+$0xFFFFFFF0] =	vst v1;
	v1 =	vld [tilespmem:s20+$0x0]  }
0x19c: {  	v2 =	vld.msk [tilespmem:s21+$0x700 ss:$0x0], $0xffff  }
0x19d: {  	v3 =	vld [tilespmem:s20+$0x10];
	_ =	sdelay $0x4  }
0x19e: {  	v1 =	vmul.f32 v2, v1;
	v2 =	vmul.f32 v3, v2;
	_ =	sdelay $0x1  }
0x19f: {  	[tilespmem:s20+$0x10] =	vst v2  }
0x1a0: {  	[tilespmem:s20+$0x0] =	vst v1;
	v1 =	vld [tilespmem:s20+$0x30]  }
0x1a1: {  	v2 =	vld.msk [tilespmem:s21+$0x780 ss:$0x0], $0xffff  }
0x1a2: {  	v3 =	vld [tilespmem:s20+$0x20];
	_ =	sdelay $0x4  }
0x1a3: {  	v1 =	vmul.f32 v1, v2;
	v3 =	vmul.f32 v2, v3  }
.Ltmp3:
0x1a4: {  	(pc) =	sbr.rel @p1 .LBB2_5-.Ltmp3, $4  }
0x1a5: {  	[tilespmem:s20+$0x20] =	vst v3  }
0x1a6: {  	s21 =	sshra.s32 s22, $0x2;
	[tilespmem:s20+$0x30] =	vst v1  }
0x1a7: {  	s20 =	sadd.s32 $0x80, s20;
	v1 =	vld.msk [tilespmem:s21+$0x600 ss:$0x0], $0xffff  }
0x1a8: {  	s22 =	sadd.s32 $0x4, s22;
	v2 =	vld [tilespmem:s20+$0xFFFFFFC0]  }
0x1a9: {  	v3 =	vld [tilespmem:s20+$0xFFFFFFD0];
	_ =	sdelay $0x3  }
0x1aa: {  	v2 =	vmul.f32 v1, v2  }
0x1ab: {  	v1 =	vmul.f32 v3, v1  }
0x1ac: {  	[tilespmem:s20+$0xFFFFFFC0] =	vst v2  }
0x1ad: {  	v2 =	vld [tilespmem:s20+$0xFFFFFFE0];
	[tilespmem:s20+$0xFFFFFFD0] =	vst v1  }
0x1ae: {  	v1 =	vld.msk [tilespmem:s21+$0x680 ss:$0x0], $0xffff  }
0x1af: {  	v3 =	vld [tilespmem:s20+$0xFFFFFFF0];
	_ =	sdelay $0x3  }
0x1b0: {  	v2 =	vmul.f32 v1, v2  }
0x1b1: {  	v1 =	vmul.f32 v3, v1  }
0x1b2: {  	[tilespmem:s20+$0xFFFFFFE0] =	vst v2  }
0x1b3: {  	[tilespmem:s20+$0xFFFFFFF0] =	vst v1;
	v2 =	vld [tilespmem:s20+$0x10]  }
0x1b4: {  	v1 =	vld.msk [tilespmem:s21+$0x700 ss:$0x0], $0xffff  }
0x1b5: {  	v3 =	vld [tilespmem:s20+$0x0];
	_ =	sdelay $0x3  }
0x1b6: {  	v2 =	vmul.f32 v2, v1  }
0x1b7: {  	v1 =	vmul.f32 v1, v3  }
0x1b8: {  	[tilespmem:s20+$0x10] =	vst v2  }
0x1b9: {  	[tilespmem:s20+$0x0] =	vst v1;
	v2 =	vld [tilespmem:s20+$0x20]  }
0x1ba: {  	v1 =	vld.msk [tilespmem:s21+$0x780 ss:$0x0], $0xffff  }
0x1bb: {  	v3 =	vld [tilespmem:s20+$0x30];
	_ =	sdelay $0x3  }
0x1bc: {  	v2 =	vmul.f32 v1, v2  }
0x1bd: {  	s30 =	sadd.s32 $0x1, s30;
	v1 =	vmul.f32 v3, v1  }
0x1be: {  	p1 =	sne.s32 s30, $0x4E;
	[tilespmem:s20+$0x20] =	vst v2  }
.Ltmp4:
0x1bf: {  	[tilespmem:s20+$0x30] =	vst v1;
	(pc) =	sbr.rel @p1 .LBB2_4-.Ltmp4, $4  }
0x1c0: {  	[spmem:s1] =	stream.indirect.scatter.add.f32 [tilespmem:s3], [sflag:$0x2], $0x80, s6, s6, $0xb8;
	[tilespmem:$0x19780] =	vst v63  }
0x1c1: {  	_ =	swait.ge [sflag:s0], $0x4000  }
0x1c2: {  	[sflag:s0] =	ssyncset.done $0x0  }
0x1c3: {  	[sflag:s0] =	ssyncadd.s32 $0xFFFFC000  }
.Ltmp5:
0x1c4: {  	(pc) =	sbr.rel @p0 .LBB2_11-.Ltmp5, $1  }
0x1c5: {  	_ =	sdelay $0x3  }
0x1c6: {  	s20 =	rddreg [dreg:$0x12]  }
0x1c7: {  	[tilespmem:s4], [sflag:$0x2] =	stream.linear.gather [hbm4b:s20+s4], $0x80, $0x38;
	[tilespmem:$0x19780] =	vst v63  }
0x1c8: {  	_ =	swait.ge [sflag:s0], $0x80  }
0x1c9: {  	[sflag:s0] =	ssyncset.done $0x0  }
0x1ca: {  	s22 =	rddreg [dreg:$0x13];
	[sflag:s0] =	ssyncadd.s32 $0xFFFFFF80  }
0x1cb: {  	[tilespmem:s6], [sflag:$0x2] =	stream.linear.gather [hbm4b:s22+s4], $0x80, $0x38;
	[tilespmem:$0x19780] =	vst v63  }
0x1cc: {  	_ =	swait.ge [sflag:s0], $0x80  }
0x1cd: {  	[sflag:s0] =	ssyncset.done $0x0  }
0x1ce: {  	[sflag:s0] =	ssyncadd.s32 $0xFFFFFF80  }
0x1cf: {  	[tilespmem:s3], [sflag:$0x1] =	stream.indirect.gather [hbm4b:s19+s6], $0x80, s4, s6, $0xb8;
	[tilespmem:$0x19780] =	vst v63  }
0x1d0: {  	s30 =	rddreg [dreg:$0x14]  }
0x1d1: {  	[tilespmem:s7], [sflag:$0x2] =	stream.linear.gather [hbm4b:s30+s4], $0x400, $0x38;
	[tilespmem:$0x19780] =	vst v63  }
0x1d2: {  	_ =	swait.ge [sflag:s0], $0x400  }
0x1d3: {  	[sflag:s0] =	ssyncset.done $0x0  }
0x1d4: {  	[sflag:s0] =	ssyncadd.s32 $0xFFFFFC00  }
0x1d5: {  	v1 =	vld [tilespmem:$0x180]  }
0x1d6: {  	v2 =	vld.msk [tilespmem:$0x4980 ss:$0x0], $0xffff  }
0x1d7: {  	v3 =	vld [tilespmem:$0x190]  }
0x1d8: {  	v4 =	vld [tilespmem:$0x1A0]  }
0x1d9: {  	v5 =	vld [tilespmem:$0x1B0]  }
0x1da: {  	v6 =	vld [tilespmem:$0x1C0]  }
0x1db: {  	v7 =	vld [tilespmem:$0x1D0];
	v1 =	vsub.f32 v1, v2  }
0x1dc: {  	v8 =	vld [tilespmem:$0x1E0];
	v3 =	vsub.f32 v3, v2  }
0x1dd: {  	v9 =	vld [tilespmem:$0x1F0];
	v4 =	vsub.f32 v4, v2;
	v1 =	vmul.f32 $1.442695020e+00, v1  }
0x1de: {  	v5 =	vsub.f32 v5, v2;
	v3 =	vmul.f32 $1.442695020e+00, v3  }
0x1df: {  	v21 =	vsub.f32 v6, v2;
	(erf) = vpow2.f32 v1;
	v1 =	vmul.f32 $1.442695020e+00, v4  }
0x1e0: {  	v22 =	vsub.f32 v7, v2;
	(erf) = vpow2.f32 v3;
	v3 =	vmul.f32 $1.442695020e+00, v5  }
0x1e1: {  	v23 =	vsub.f32 v8, v2;
	(erf) = vpow2.f32 v1;
	v1 =	vmul.f32 $1.442695020e+00, v21  }
0x1e2: {  	v2 =	vsub.f32 v9, v2;
	(erf) = vpow2.f32 v3;
	v3 =	vmul.f32 $1.442695020e+00, v22  }
0x1e3: {  	(erf) = vpow2.f32 v1;
	v1 =	vmul.f32 $1.442695020e+00, v23  }
0x1e4: {  	v2 =	vmul.f32 $1.442695020e+00, v2;
	(erf) = vpow2.f32 v3  }
0x1e5: {  	(erf) = vpow2.f32 v1  }
0x1e6: {  	(erf) = vpow2.f32 v2;
	_ =	sdelay $0x1  }
0x1e7: {  	v1 =	vpop (erf)  }
0x1e8: {  	[tilespmem:$0x580] =	vst v1;
	v1 =	vpop (erf)  }
0x1e9: {  	[tilespmem:$0x590] =	vst v1;
	v1 =	vpop (erf)  }
0x1ea: {  	[tilespmem:$0x5A0] =	vst v1;
	v1 =	vpop (erf)  }
0x1eb: {  	[tilespmem:$0x5B0] =	vst v1;
	v1 =	vpop (erf)  }
0x1ec: {  	[tilespmem:$0x5C0] =	vst v1;
	v1 =	vpop (erf)  }
0x1ed: {  	[tilespmem:$0x5D0] =	vst v1;
	v1 =	vpop (erf)  }
0x1ee: {  	[tilespmem:$0x5E0] =	vst v1;
	v1 =	vpop (erf)  }
0x1ef: {  	[tilespmem:$0x5F0] =	vst v1;
	v1 =	vld [tilespmem:$0x200]  }
0x1f0: {  	v2 =	vld.msk [tilespmem:$0x4A00 ss:$0x0], $0xffff  }
0x1f1: {  	v3 =	vld [tilespmem:$0x210]  }
0x1f2: {  	v24 =	vld [tilespmem:$0x220]  }
0x1f3: {  	v25 =	vld [tilespmem:$0x230]  }
0x1f4: {  	v26 =	vld [tilespmem:$0x240]  }
0x1f5: {  	v27 =	vld [tilespmem:$0x250];
	v1 =	vsub.f32 v1, v2  }
0x1f6: {  	v28 =	vld [tilespmem:$0x260];
	v3 =	vsub.f32 v3, v2  }
0x1f7: {  	v29 =	vld [tilespmem:$0x270];
	v4 =	vsub.f32 v24, v2;
	v1 =	vmul.f32 $1.442695020e+00, v1  }
0x1f8: {  	v5 =	vsub.f32 v25, v2;
	v3 =	vmul.f32 $1.442695020e+00, v3  }
0x1f9: {  	v30 =	vsub.f32 v26, v2;
	(erf) = vpow2.f32 v1;
	v1 =	vmul.f32 $1.442695020e+00, v4  }
0x1fa: {  	v31 =	vsub.f32 v27, v2;
	(erf) = vpow2.f32 v3;
	v3 =	vmul.f32 $1.442695020e+00, v5  }
0x1fb: {  	v32 =	vsub.f32 v28, v2;
	(erf) = vpow2.f32 v1;
	v1 =	vmul.f32 $1.442695020e+00, v30  }
0x1fc: {  	v2 =	vsub.f32 v29, v2;
	(erf) = vpow2.f32 v3;
	v3 =	vmul.f32 $1.442695020e+00, v31  }
0x1fd: {  	(erf) = vpow2.f32 v1;
	v1 =	vmul.f32 $1.442695020e+00, v32  }
0x1fe: {  	v2 =	vmul.f32 $1.442695020e+00, v2;
	(erf) = vpow2.f32 v3  }
0x1ff: {  	(erf) = vpow2.f32 v1  }
0x200: {  	(erf) = vpow2.f32 v2;
	_ =	sdelay $0x1  }
0x201: {  	v1 =	vpop (erf)  }
0x202: {  	[tilespmem:$0x600] =	vst v1;
	v1 =	vpop (erf)  }
0x203: {  	[tilespmem:$0x610] =	vst v1;
	v1 =	vpop (erf)  }
0x204: {  	[tilespmem:$0x620] =	vst v1;
	v1 =	vpop (erf)  }
0x205: {  	[tilespmem:$0x630] =	vst v1;
	v1 =	vpop (erf)  }
0x206: {  	[tilespmem:$0x640] =	vst v1;
	v1 =	vpop (erf)  }
0x207: {  	[tilespmem:$0x650] =	vst v1;
	v1 =	vpop (erf)  }
0x208: {  	[tilespmem:$0x660] =	vst v1;
	v1 =	vpop (erf)  }
0x209: {  	[tilespmem:$0x670] =	vst v1;
	v1 =	vld [tilespmem:$0x280]  }
0x20a: {  	v2 =	vld.msk [tilespmem:$0x4A80 ss:$0x0], $0xffff  }
0x20b: {  	v3 =	vld [tilespmem:$0x290]  }
0x20c: {  	v33 =	vld [tilespmem:$0x2A0]  }
0x20d: {  	v34 =	vld [tilespmem:$0x2B0]  }
0x20e: {  	v35 =	vld [tilespmem:$0x2C0]  }
0x20f: {  	v36 =	vld [tilespmem:$0x2D0];
	v1 =	vsub.f32 v1, v2  }
0x210: {  	v37 =	vld [tilespmem:$0x2E0];
	v3 =	vsub.f32 v3, v2  }
0x211: {  	v38 =	vld [tilespmem:$0x2F0];
	v4 =	vsub.f32 v33, v2;
	v1 =	vmul.f32 $1.442695020e+00, v1  }
0x212: {  	v5 =	vsub.f32 v34, v2;
	v3 =	vmul.f32 $1.442695020e+00, v3  }
0x213: {  	v39 =	vsub.f32 v35, v2;
	(erf) = vpow2.f32 v1;
	v1 =	vmul.f32 $1.442695020e+00, v4  }
0x214: {  	v40 =	vsub.f32 v36, v2;
	(erf) = vpow2.f32 v3;
	v3 =	vmul.f32 $1.442695020e+00, v5  }
0x215: {  	v41 =	vsub.f32 v37, v2;
	(erf) = vpow2.f32 v1;
	v1 =	vmul.f32 $1.442695020e+00, v39  }
0x216: {  	v2 =	vsub.f32 v38, v2;
	(erf) = vpow2.f32 v3;
	v3 =	vmul.f32 $1.442695020e+00, v40  }
0x217: {  	(erf) = vpow2.f32 v1;
	v1 =	vmul.f32 $1.442695020e+00, v41  }
0x218: {  	v2 =	vmul.f32 $1.442695020e+00, v2;
	(erf) = vpow2.f32 v3  }
0x219: {  	(erf) = vpow2.f32 v1  }
0x21a: {  	(erf) = vpow2.f32 v2;
	_ =	sdelay $0x1  }
0x21b: {  	v1 =	vpop (erf)  }
0x21c: {  	[tilespmem:$0x680] =	vst v1;
	v1 =	vpop (erf)  }
0x21d: {  	[tilespmem:$0x690] =	vst v1;
	v1 =	vpop (erf)  }
0x21e: {  	[tilespmem:$0x6A0] =	vst v1;
	v1 =	vpop (erf)  }
0x21f: {  	[tilespmem:$0x6B0] =	vst v1;
	v1 =	vpop (erf)  }
0x220: {  	[tilespmem:$0x6C0] =	vst v1;
	v1 =	vpop (erf)  }
0x221: {  	[tilespmem:$0x6D0] =	vst v1;
	v1 =	vpop (erf)  }
0x222: {  	[tilespmem:$0x6E0] =	vst v1;
	v1 =	vpop (erf)  }
0x223: {  	[tilespmem:$0x6F0] =	vst v1;
	v1 =	vld [tilespmem:$0x300]  }
0x224: {  	v2 =	vld.msk [tilespmem:$0x4B00 ss:$0x0], $0xffff  }
0x225: {  	v3 =	vld [tilespmem:$0x310]  }
0x226: {  	v42 =	vld [tilespmem:$0x320]  }
0x227: {  	v43 =	vld [tilespmem:$0x330]  }
0x228: {  	v44 =	vld [tilespmem:$0x340]  }
0x229: {  	v45 =	vld [tilespmem:$0x350];
	v1 =	vsub.f32 v1, v2  }
0x22a: {  	v3 =	vsub.f32 v3, v2  }
0x22b: {  	v46 =	vld [tilespmem:$0x360];
	v4 =	vsub.f32 v42, v2;
	v1 =	vmul.f32 $1.442695020e+00, v1  }
0x22c: {  	v47 =	vld [tilespmem:$0x370];
	v5 =	vsub.f32 v43, v2;
	v3 =	vmul.f32 $1.442695020e+00, v3  }
0x22d: {  	v48 =	vsub.f32 v44, v2;
	(erf) = vpow2.f32 v1;
	v1 =	vmul.f32 $1.442695020e+00, v4  }
0x22e: {  	v49 =	vsub.f32 v45, v2;
	(erf) = vpow2.f32 v3;
	v3 =	vmul.f32 $1.442695020e+00, v5  }
0x22f: {  	(erf) = vpow2.f32 v1;
	v1 =	vmul.f32 $1.442695020e+00, v48  }
0x230: {  	v50 =	vsub.f32 v46, v2;
	(erf) = vpow2.f32 v3;
	v3 =	vmul.f32 $1.442695020e+00, v49  }
0x231: {  	v2 =	vsub.f32 v47, v2;
	(erf) = vpow2.f32 v1  }
0x232: {  	v1 =	vmul.f32 $1.442695020e+00, v50;
	(erf) = vpow2.f32 v3  }
0x233: {  	v2 =	vmul.f32 $1.442695020e+00, v2;
	_ =	sdelay $0x2  }
0x234: {  	(erf) = vpow2.f32 v1;
	v1 =	vpop (erf)  }
0x235: {  	(erf) = vpow2.f32 v2;
	v2 =	vpop (erf);
	[tilespmem:$0x700] =	vst v1  }
0x236: {  	v53 =	vld [tilespmem:$0xB0];
	v1 =	vpop (erf);
	[tilespmem:$0x710] =	vst v2  }
0x237: {  	v54 =	vld [tilespmem:$0xC0];
	v2 =	vpop (erf);
	[tilespmem:$0x720] =	vst v1  }
0x238: {  	v1 =	vpop (erf);
	[tilespmem:$0x730] =	vst v2;
	v2 =	vld [tilespmem:$0x80]  }
0x239: {  	v3 =	vpop (erf);
	[tilespmem:$0x740] =	vst v1;
	v1 =	vld [tilespmem:$0x90]  }
0x23a: {  	[tilespmem:$0x750] =	vst v3;
	v3 =	vld [tilespmem:$0xA0]  }
0x23b: {  	[tilespmem:$0x130] =	vst v53  }
0x23c: {  	[tilespmem:$0x140] =	vst v54  }
0x23d: {  	[tilespmem:$0x100] =	vst v2;
	v2 =	vld [tilespmem:$0xD0]  }
0x23e: {  	[tilespmem:$0x110] =	vst v1;
	v1 =	vld [tilespmem:$0xE0]  }
0x23f: {  	v51 =	vpop (erf);
	[tilespmem:$0x120] =	vst v3;
	v3 =	vld [tilespmem:$0xF0]  }
0x240: {  	[tilespmem:$0x760] =	vst v51;
	v52 =	vpop (erf)  }
0x241: {  	[tilespmem:$0x770] =	vst v52  }
0x242: {  	[tilespmem:$0x150] =	vst v2  }
0x243: {  	[tilespmem:$0x160] =	vst v1  }
0x244: {  	[tilespmem:$0x170] =	vst v3  }
0x245: {  	[spmem:s2] =	stream.indirect.scatter.add.f32 [tilespmem:s31], [sflag:$0x2], $0x1, s8, s6, $0xb8;
	[tilespmem:$0x19780] =	vst v63  }
0x246: {  	_ =	swait.ge [sflag:s0], $0x80  }
0x247: {  	[sflag:s0] =	ssyncset.done $0x0  }
0x248: {  	[sflag:s0] =	ssyncadd.s32 $0xFFFFFF80  }
0x249: {  	v1 =	vld [tilespmem:$0x80]  }
0x24a: {  	v2 =	vld [tilespmem:$0x90]  }
0x24b: {  	v3 =	vld [tilespmem:$0xA0]  }
0x24c: {  	v55 =	vld [tilespmem:$0xB0]  }
0x24d: {  	v56 =	vld [tilespmem:$0xC0]  }
0x24e: {  	v57 =	vld [tilespmem:$0xD0];
	v1 =	vadd.s32 $0x2800, v1  }
0x24f: {  	[tilespmem:$0x100] =	vst v1;
	v1 =	vadd.s32 $0x2800, v2;
	v2 =	vld [tilespmem:$0xE0]  }
0x250: {  	[tilespmem:$0x110] =	vst v1;
	v1 =	vadd.s32 $0x2800, v3;
	v3 =	vld [tilespmem:$0xF0]  }
0x251: {  	[tilespmem:$0x120] =	vst v1;
	v1 =	vadd.s32 $0x2800, v55  }
0x252: {  	[tilespmem:$0x130] =	vst v1;
	v1 =	vadd.s32 $0x2800, v56  }
0x253: {  	[tilespmem:$0x140] =	vst v1;
	v1 =	vadd.s32 $0x2800, v57  }
0x254: {  	[tilespmem:$0x150] =	vst v1;
	v1 =	vadd.s32 $0x2800, v2  }
0x255: {  	[tilespmem:$0x160] =	vst v1;
	v1 =	vadd.s32 $0x2800, v3  }
0x256: {  	[tilespmem:$0x170] =	vst v1  }
0x257: {  	[spmem:s2] =	stream.indirect.scatter.add.f32 [tilespmem:s9], [sflag:$0x2], $0x1, s8, s6, $0xb8;
	[tilespmem:$0x19780] =	vst v63  }
0x258: {  	_ =	swait.ge [sflag:s0], $0x80  }
0x259: {  	[sflag:s0] =	ssyncset.done $0x0  }
0x25a: {  	[sflag:s0] =	ssyncadd.s32 $0xFFFFFF80  }
0x25b: {  	v1 =	vld [tilespmem:$0x80]  }
0x25c: {  	v2 =	vld [tilespmem:$0x90]  }
0x25d: {  	v3 =	vld [tilespmem:$0xA0]  }
0x25e: {  	v58 =	vld [tilespmem:$0xB0]  }
0x25f: {  	v59 =	vld [tilespmem:$0xC0]  }
0x260: {  	v60 =	vld [tilespmem:$0xD0];
	v1 =	vadd.s32 $0x5000, v1  }
0x261: {  	[tilespmem:$0x100] =	vst v1;
	v1 =	vadd.s32 $0x5000, v2;
	v2 =	vld [tilespmem:$0xE0]  }
0x262: {  	[tilespmem:$0x110] =	vst v1;
	v1 =	vadd.s32 $0x5000, v3;
	v3 =	vld [tilespmem:$0xF0]  }
0x263: {  	[tilespmem:$0x120] =	vst v1;
	v1 =	vadd.s32 $0x5000, v58  }
0x264: {  	[tilespmem:$0x130] =	vst v1;
	v1 =	vadd.s32 $0x5000, v59  }
0x265: {  	[tilespmem:$0x140] =	vst v1;
	v1 =	vadd.s32 $0x5000, v60  }
0x266: {  	[tilespmem:$0x150] =	vst v1;
	v1 =	vadd.s32 $0x5000, v2  }
0x267: {  	[tilespmem:$0x160] =	vst v1;
	v1 =	vadd.s32 $0x5000, v3  }
0x268: {  	[tilespmem:$0x170] =	vst v1  }
0x269: {  	[spmem:s2] =	stream.indirect.scatter.add.f32 [tilespmem:s10], [sflag:$0x2], $0x1, s8, s6, $0xb8;
	[tilespmem:$0x19780] =	vst v63  }
0x26a: {  	_ =	swait.ge [sflag:s0], $0x80  }
0x26b: {  	[sflag:s0] =	ssyncset.done $0x0  }
0x26c: {  	[sflag:s0] =	ssyncadd.s32 $0xFFFFFF80  }
0x26d: {  	v1 =	vld [tilespmem:$0x80]  }
0x26e: {  	v2 =	vld [tilespmem:$0x90]  }
0x26f: {  	v3 =	vld [tilespmem:$0xA0]  }
0x270: {  	v61 =	vld [tilespmem:$0xB0]  }
0x271: {  	v62 =	vld [tilespmem:$0xC0]  }
0x272: {  	v63 =	vld [tilespmem:$0xD0];
	v1 =	vadd.s32 $0x7800, v1  }
0x273: {  	[tilespmem:$0x100] =	vst v1;
	v1 =	vadd.s32 $0x7800, v2;
	v2 =	vld [tilespmem:$0xE0]  }
0x274: {  	[tilespmem:$0x110] =	vst v1;
	v1 =	vadd.s32 $0x7800, v3;
	v3 =	vld [tilespmem:$0xF0]  }
0x275: {  	[tilespmem:$0x120] =	vst v1;
	v1 =	vadd.s32 $0x7800, v61  }
0x276: {  	[tilespmem:$0x130] =	vst v1;
	v1 =	vadd.s32 $0x7800, v62  }
0x277: {  	[tilespmem:$0x140] =	vst v1;
	v1 =	vadd.s32 $0x7800, v63  }
0x278: {  	[tilespmem:$0x150] =	vst v1;
	v1 =	vadd.s32 $0x7800, v2  }
0x279: {  	[tilespmem:$0x160] =	vst v1;
	v1 =	vadd.s32 $0x7800, v3  }
0x27a: {  	[tilespmem:$0x170] =	vst v1  }
0x27b: {  	[spmem:s2] =	stream.indirect.scatter.add.f32 [tilespmem:s11], [sflag:$0x2], $0x1, s8, s6, $0xb8;
	[tilespmem:$0x19780] =	vst v63  }
0x27c: {  	_ =	swait.ge [sflag:s0], $0x80  }
0x27d: {  	[sflag:s0] =	ssyncset.done $0x0  }
0x27e: {  	[sflag:s0] =	ssyncadd.s32 $0xFFFFFF80  }
0x27f: {  	_ =	swait.ge [sflag:s12], $0x4000  }
0x280: {  	[sflag:s12] =	ssyncset.done $0x0  }
0x281: {  	s21 =	simm.s32 $0xFFFFFF80;
	[sflag:s12] =	ssyncadd.s32 $0xFFFFC000  }
0x282: {  	s20 =	simm.s32 $0x9C0;
	v1 =	vld.msk [tilespmem:s21+$0x600 ss:$0x0], $0xffff  }
0x283: {  	s22 =	simm.s32 $0xFFFFFE04;
	v2 =	vld [tilespmem:s20+$0xFFFFFFC0]  }
.LBB2_9:
0x284: {  	p1 =	sne.s32 s22, $0xFFFFFFFC;
	v3 =	vld [tilespmem:s20+$0xFFFFFFD0];
	_ =	sdelay $0x3  }
0x285: {  	v2 =	vmul.f32 v1, v2  }
0x286: {  	v1 =	vmul.f32 v3, v1  }
0x287: {  	[tilespmem:s20+$0xFFFFFFC0] =	vst v2  }
0x288: {  	[tilespmem:s20+$0xFFFFFFD0] =	vst v1  }
0x289: {  	v1 =	vld.msk [tilespmem:s21+$0x680 ss:$0x0], $0xffff  }
0x28a: {  	v2 =	vld [tilespmem:s20+$0xFFFFFFE0]  }
0x28b: {  	v3 =	vld [tilespmem:s20+$0xFFFFFFF0];
	_ =	sdelay $0x3  }
0x28c: {  	v2 =	vmul.f32 v1, v2  }
0x28d: {  	v1 =	vmul.f32 v3, v1  }
0x28e: {  	[tilespmem:s20+$0xFFFFFFE0] =	vst v2  }
0x28f: {  	[tilespmem:s20+$0xFFFFFFF0] =	vst v1;
	v1 =	vld [tilespmem:s20+$0x0]  }
0x290: {  	v2 =	vld.msk [tilespmem:s21+$0x700 ss:$0x0], $0xffff  }
0x291: {  	v3 =	vld [tilespmem:s20+$0x10];
	_ =	sdelay $0x4  }
0x292: {  	v1 =	vmul.f32 v2, v1;
	v2 =	vmul.f32 v3, v2;
	_ =	sdelay $0x1  }
0x293: {  	[tilespmem:s20+$0x10] =	vst v2  }
0x294: {  	[tilespmem:s20+$0x0] =	vst v1;
	v1 =	vld [tilespmem:s20+$0x30]  }
0x295: {  	v2 =	vld.msk [tilespmem:s21+$0x780 ss:$0x0], $0xffff  }
0x296: {  	v3 =	vld [tilespmem:s20+$0x20];
	_ =	sdelay $0x4  }
0x297: {  	v1 =	vmul.f32 v1, v2;
	v3 =	vmul.f32 v2, v3  }
.Ltmp6:
0x298: {  	(pc) =	sbr.rel @p1 .LBB2_9-.Ltmp6, $4  }
0x299: {  	[tilespmem:s20+$0x20] =	vst v3  }
0x29a: {  	s21 =	sshra.s32 s22, $0x2;
	[tilespmem:s20+$0x30] =	vst v1  }
0x29b: {  	s20 =	sadd.s32 $0x80, s20;
	v1 =	vld.msk [tilespmem:s21+$0x600 ss:$0x0], $0xffff  }
0x29c: {  	s22 =	sadd.s32 $0x4, s22;
	v2 =	vld [tilespmem:s20+$0xFFFFFFC0]  }
0x29d: {  	v3 =	vld [tilespmem:s20+$0xFFFFFFD0];
	_ =	sdelay $0x3  }
0x29e: {  	v2 =	vmul.f32 v1, v2  }
0x29f: {  	v1 =	vmul.f32 v3, v1  }
0x2a0: {  	[tilespmem:s20+$0xFFFFFFC0] =	vst v2  }
0x2a1: {  	v2 =	vld [tilespmem:s20+$0xFFFFFFE0];
	[tilespmem:s20+$0xFFFFFFD0] =	vst v1  }
0x2a2: {  	v1 =	vld.msk [tilespmem:s21+$0x680 ss:$0x0], $0xffff  }
0x2a3: {  	v3 =	vld [tilespmem:s20+$0xFFFFFFF0];
	_ =	sdelay $0x3  }
0x2a4: {  	v2 =	vmul.f32 v1, v2  }
0x2a5: {  	v1 =	vmul.f32 v3, v1  }
0x2a6: {  	[tilespmem:s20+$0xFFFFFFE0] =	vst v2  }
0x2a7: {  	[tilespmem:s20+$0xFFFFFFF0] =	vst v1;
	v2 =	vld [tilespmem:s20+$0x10]  }
0x2a8: {  	v1 =	vld.msk [tilespmem:s21+$0x700 ss:$0x0], $0xffff  }
0x2a9: {  	v3 =	vld [tilespmem:s20+$0x0];
	_ =	sdelay $0x3  }
0x2aa: {  	v2 =	vmul.f32 v2, v1  }
0x2ab: {  	v1 =	vmul.f32 v1, v3  }
0x2ac: {  	[tilespmem:s20+$0x10] =	vst v2  }
0x2ad: {  	[tilespmem:s20+$0x0] =	vst v1;
	v2 =	vld [tilespmem:s20+$0x20]  }
0x2ae: {  	v1 =	vld.msk [tilespmem:s21+$0x780 ss:$0x0], $0xffff  }
0x2af: {  	v3 =	vld [tilespmem:s20+$0x30];
	_ =	sdelay $0x3  }
0x2b0: {  	v2 =	vmul.f32 v1, v2  }
0x2b1: {  	v1 =	vmul.f32 v3, v1  }
0x2b2: {  	[tilespmem:s20+$0x20] =	vst v2  }
.Ltmp7:
0x2b3: {  	[tilespmem:s20+$0x30] =	vst v1;
	(pc) =	sbr.rel .LBB2_11-.Ltmp7, $4  }
0x2b4: {  	[spmem:s1] =	stream.indirect.scatter.add.f32 [tilespmem:s3], [sflag:$0x2], $0x80, s6, s6, $0xb8;
	[tilespmem:$0x19780] =	vst v63  }
0x2b5: {  	_ =	swait.ge [sflag:s0], $0x4000  }
0x2b6: {  	[sflag:s0] =	ssyncset.done $0x0  }
0x2b7: {  	[sflag:s0] =	ssyncadd.s32 $0xFFFFC000  }
.LBB2_12:
0x2b8: {  	_ =	sfence.sel $0x180000  }
0x2b9: {  	[bflag:$0x0] =	sbarrier.arrive $0xFFFF  }
0x2ba: {  	_ =	strace $0x9000004A  }
0x2bb: {  	s0 =	stileid.u32;
	[bflag:$0x2] =	sbarrier.arrive $0xFFFF  }
0x2bc: {  	p0 =	sne.s32 s0, $0x0;
	s0 =	rddreg [dreg:$0x4]  }
0x2bd: {  	s0 =	sadd.s32 @!p0 $0x100000, s0  }
0x2be: {  	[sflag:s0] =	ssyncadd.tile.s32 @!p0 $0x1;
	_ =	shalt  }
.Lfunc_end2:
_tile_overlayer_lowered:
.L_overlay_start_2:
0x2bf: {  	(tag) =	ssettag $0x2  }
0x2c0: {  	s0 =	rddreg [dreg:$0x0];
	s2 =	stileid.u32  }
0x2c1: {  	s1 =	rddreg [dreg:$0x1];
	p0 =	sne.s32 s2, $0x0  }
0x2c2: {  	s3 =	rddreg [dreg:$0x2];
	[bflag:$0x3] =	sbarrier.arrive $0xFFFF;
	s2 =	simm.s32 @!p0 $0x1C02  }
0x2c3: {  	[timem:s3], [sflag:s2] =	dma.local @!p0 [hbm:s0], s1  }
0x2c4: {  	s0 =	simm.s32 @!p0 $0x2  }
0x2c5: {  	_ =	swait.ge @!p0 [sflag:s0], s1  }
0x2c6: {  	s1 =	ssub.s32 @!p0 $0x0, s1;
	[sflag:s0] =	ssyncset.done @!p0 $0x0  }
0x2c7: {  	[sflag:s0] =	ssyncadd.s32 @!p0 s1  }
0x2c8: {  	[bflag:$0x3] =	sbarrier.arrive $0xFFFF  }
0x2c9: {  	_ =	shalt  }

// kernel: kernel.7.cloned.1.call-start
scs
__scs_entry_jumppad:
0x0: {  	(pc) =	sbr.rel $0x88, $3  }
0x1: {  	(tag) =	ssettag $0x0;
	lr =	simm.s32 $0x1  }
0x2: {  	[smem:$0x3F9A] =	sst lr;
	_ =	strace $0xD0000000  }
0x3: {  	_ = 	snop  }
0x4: {  	_ = 	snop  }
0x5: {  	_ = 	snop  }
0x6: {  	_ = 	snop  }
0x7: {  	_ = 	snop  }
__scs_overlays_trampoline_lowered:
0x8: {  	[smem:$0x3FA9] =	sst s0  }
0x9: {  	[smem:$0x3FAA] =	sst s1  }
0xa: {  	[smem:$0x3FAB] =	sst s2  }
0xb: {  	[smem:$0x3FAC] =	sst s3  }
0xc: {  	[smem:$0x3FAD] =	sst s4  }
0xd: {  	[smem:$0x3FAE] =	sst s5  }
0xe: {  	[smem:$0x3FAF] =	sst s6  }
0xf: {  	[smem:$0x3FB0] =	sst s7  }
0x10: {  	[smem:$0x3FB1] =	sst s8  }
0x11: {  	[smem:$0x3FB2] =	sst s9;
	s0 =	simm.s32 @!p0 $0x0  }
0x12: {  	s1 =	sld [smem:$0x3F98];
	s0 =	simm.s32 @p0 $0x1  }
0x13: {  	[smem:$0x3FB3] =	sst s0;
	s0 =	simm.s32 @!p1 $0x0  }
0x14: {  	s2 =	sld [smem:$0x3F97];
	s0 =	simm.s32 @p1 $0x1  }
0x15: {  	[smem:$0x3FB4] =	sst s0;
	s0 =	simm.s32 @!p2 $0x0  }
0x16: {  	s3 =	sld [smem:$0x3FDB];
	s0 =	simm.s32 @p2 $0x1  }
0x17: {  	s4 =	simm.s32 $0x1BF5;
	[smem:$0x3FB6] =	sst s0  }
0x18: {  	s0 =	sld [smem:$0x3F99];
	_ =	swait.ge [sflag:s4], $0x0  }
0x19: {  	s7 =	sld [smem:$0x3F9A]  }
0x1a: {  	s8 =	sadd.s32 $0xFFFFE003, lr  }
0x1b: {  	s9 =	sadd.s32 $0xFFFFFEF7, lr;
	s5 =	simm.s32 $0xFFFFFFFF;
	p2 =	slt.u32 s8, $0xFFFFF086  }
0x1c: {  	p1 =	slt.u32 s9, $0xF7A;
	s5 =	simm.s32 @!p2 $0x0  }
0x1d: {  	s5 =	simm.s32 @p1 $0x1;
	p0 =	seq.s32 s7, s2  }
0x1e: {  	s7 =	smul.u32 @!p0 $0xF7A, s2;
	p2 =	seq.s32 @!p0 s5, $0x0  }
0x1f: {  	s9 =	smul.u32 $0xF7A, s1;
	s8 =	simm.s32 @!p0 $0x1BF5;
	p2 =	por !p2, p0  }
0x20: {  	[sflag:s8] =	ssyncset.s32 @!p0 $0xFFFFF086;
	s6 =	sadd.s32 @!p0 s3, s7;
	s7 =	simm.s32 @!p0 $0x108  }
0x21: {  	s3 =	sadd.s32 s3, s9;
	s6 =	sadd.s32 @!p0 $0x88, s6;
	s7 =	simm.s32 @p2 $0x1082  }
0x22: {  	[simem:s7], [sflag:s8] =	dma.local @!p0 [hbm:s6], $0xF7A  }
0x23: {  	s9 =	sor.u32 $0xD0000000, s2;
	s6 =	simm.s32 $0x108;
	_ =	swait.ge @!p0 [sflag:s8], $0x0  }
0x24: {  	s3 =	sadd.s32 $0x88, s3;
	s6 =	simm.s32 @!p1 $0x1082;
	[sflag:s4] =	ssyncset.s32 $0xFFFFF086  }
0x25: {  	[simem:s6], [sflag:s4] =	dma.local [hbm:s3], $0xF7A  }
0x26: {  	[smem:$0x3F9A] =	sst s1;
	(tag) =	ssettag s2;
	_ =	strace s9  }
0x27: {  	s1 =	sld [smem:$0x3FAA]  }
0x28: {  	s2 =	sld [smem:$0x3FAB]  }
0x29: {  	s4 =	sld [smem:$0x3FAD]  }
0x2a: {  	p0 =	seq.s32 s5, $0x0;
	s5 =	sld [smem:$0x3FAE]  }
0x2b: {  	s6 =	sld [smem:$0x3FAF]  }
0x2c: {  	s7 =	sld [smem:$0x3FB0]  }
0x2d: {  	s3 =	simm.s32 $0x108;
	s8 =	sld [smem:$0x3FB1]  }
0x2e: {  	s3 =	simm.s32 @!p0 $0x1082;
	s9 =	sld [smem:$0x3FB2]  }
0x2f: {  	lr =	sadd.s32 s0, s3;
	s0 =	sld [smem:$0x3FA9]  }
0x30: {  	s3 =	sld [smem:$0x3FAC]  }
0x31: {  	[smem:$0x3FB5] =	sst s10  }
0x32: {  	s10 =	sld [smem:$0x3FB3];
	_ =	sdelay $0x3  }
0x33: {  	p0 =	seq.s32 s10, $0x1;
	s10 =	sld [smem:$0x3FB5];
	_ =	sdelay $0x3  }
0x34: {  	[smem:$0x3FB5] =	sst s10  }
0x35: {  	s10 =	sld [smem:$0x3FB4];
	_ =	sdelay $0x3  }
0x36: {  	p1 =	seq.s32 s10, $0x1;
	s10 =	sld [smem:$0x3FB5];
	_ =	sdelay $0x3  }
0x37: {  	[smem:$0x3FB5] =	sst s10  }
0x38: {  	s10 =	sld [smem:$0x3FB6]  }
0x39: {  	_ = 	snop;
	(pc) =	sbr.ind lr, $3  }
0x3a: {  	_ = 	snop  }
0x3b: {  	_ = 	snop  }
0x3c: {  	p2 =	seq.s32 s10, $0x1;
	s10 =	sld [smem:$0x3FB5]  }
0x3d: {  	_ =	shalt  }
0x3e: {  	_ =	shalt  }
0x3f: {  	_ =	shalt  }
0x40: {  	_ =	shalt  }
0x41: {  	_ =	shalt  }
0x42: {  	_ =	shalt  }
0x43: {  	_ =	shalt  }
0x44: {  	_ =	shalt  }
0x45: {  	_ =	shalt  }
0x46: {  	_ =	shalt  }
0x47: {  	_ =	shalt  }
0x48: {  	_ =	shalt  }
0x49: {  	_ =	shalt  }
0x4a: {  	_ =	shalt  }
0x4b: {  	_ =	shalt  }
0x4c: {  	_ =	shalt  }
0x4d: {  	_ =	shalt  }
0x4e: {  	_ =	shalt  }
0x4f: {  	_ =	shalt  }
0x50: {  	_ =	shalt  }
0x51: {  	_ =	shalt  }
0x52: {  	_ =	shalt  }
0x53: {  	_ =	shalt  }
0x54: {  	_ =	shalt  }
0x55: {  	_ =	shalt  }
0x56: {  	_ =	shalt  }
0x57: {  	_ =	shalt  }
0x58: {  	_ =	shalt  }
0x59: {  	_ =	shalt  }
0x5a: {  	_ =	shalt  }
0x5b: {  	_ =	shalt  }
0x5c: {  	_ =	shalt  }
0x5d: {  	_ =	shalt  }
0x5e: {  	_ =	shalt  }
0x5f: {  	_ =	shalt  }
0x60: {  	_ =	shalt  }
0x61: {  	_ =	shalt  }
0x62: {  	_ =	shalt  }
0x63: {  	_ =	shalt  }
0x64: {  	_ =	shalt  }
0x65: {  	_ =	shalt  }
0x66: {  	_ =	shalt  }
0x67: {  	_ =	shalt  }
0x68: {  	_ =	shalt  }
0x69: {  	_ =	shalt  }
0x6a: {  	_ =	shalt  }
0x6b: {  	_ =	shalt  }
0x6c: {  	_ =	shalt  }
0x6d: {  	_ =	shalt  }
0x6e: {  	_ =	shalt  }
0x6f: {  	_ =	shalt  }
0x70: {  	_ =	shalt  }
0x71: {  	_ =	shalt  }
0x72: {  	_ =	shalt  }
0x73: {  	_ =	shalt  }
0x74: {  	_ =	shalt  }
0x75: {  	_ =	shalt  }
0x76: {  	_ =	shalt  }
0x77: {  	_ =	shalt  }
0x78: {  	_ =	shalt  }
0x79: {  	_ =	shalt  }
0x7a: {  	_ =	shalt  }
0x7b: {  	_ =	shalt  }
0x7c: {  	_ =	shalt  }
0x7d: {  	_ =	shalt  }
0x7e: {  	_ =	shalt  }
0x7f: {  	_ =	shalt  }
0x80: {  	_ =	shalt  }
0x81: {  	_ =	shalt  }
0x82: {  	_ =	shalt  }
0x83: {  	_ =	shalt  }
0x84: {  	_ =	shalt  }
0x85: {  	_ =	shalt  }
0x86: {  	_ =	shalt  }
0x87: {  	_ =	shalt  }
.Lfunc_end0:
.L_simem_size_0:
called_computation_lowered:
.L_overlay_start_0:
0x88: {  	s2 =	sld [smem:$0x3FD9]  }
0x89: {  	s3 =	sld [smem:$0x3FFE];
	_ =	sdelay $0x1  }
0x8a: {  	s1 =	srdreg.scid  }
0x8b: {  	s0 =	sand.u32 $0x1, s1  }
0x8c: {  	s17 =	sshll.u32 s0, $0xA;
	s2 =	sadd.s32 s3, s2  }
0x8d: {  	s2 =	sadd.s32 s2, s17  }
0x8e: {  	[smem:$0x3FC1] =	sst s2  }
0x8f: {  	_ = 	snop  }
0x90: {  	s2 =	sld [smem:$0x3FD0];
	(tm) =	ssettm $0x1  }
0x91: {  	s18 =	sld [smem:$0x3FFB];
	_ =	sdelay $0x3  }
0x92: {  	_ =	strace s18  }
0x93: {  	s3 =	sld [smem:$0x3FFC];
	_ =	sdelay $0x3  }
0x94: {  	_ =	strace s3  }
0x95: {  	s3 =	sld [smem:$0x3FFD];
	_ =	sdelay $0x3  }
0x96: {  	_ =	strace s3  }
0x97: {  	_ =	strace $0x8FFFFFFF  }
0x98: {  	s19 =	sld [smem:$0x3FDB];
	_ =	sdelay $0x1  }
0x99: {  	s4 =	simm.s32 $_scs_section_size  }
0x9a: {  	s5 =	simm.s32 $_size__tile_overlayer_lowered;
	s6 =	simm.s32 $_tile_overlayer_lowered  }
0x9b: {  	s22 =	simm.s32 $0x1BFF;
	s21 =	sshll.u32 s6, $0x1;
	s3 =	sadd.s32 s4, s19  }
0x9c: {  	s7 =	simm.s32 $0x0;
	s20 =	sshll.u32 s5, $0x1;
	s5 =	sadd.s32 s21, s3  }
0x9d: {  	[timem:s7], [sflag:s22] =	dma.local [hbm:s5], s20  }
0x9e: {  	_ =	swait.ge [sflag:s22], s20  }
0x9f: {  	s4 =	ssub.s32 $0x0, s20;
	[sflag:s22] =	ssyncset.done $0x0  }
0xa0: {  	[sflag:s22] =	ssyncadd.s32 s4;
	_ =	sdelay $0x1  }
0xa1: {  	s23 =	simm.s32 $0x1B8B  }
0xa2: {  	_ =	swait.ge [sflag:s23], $0x1  }
0xa3: {  	[sflag:s23] =	ssyncset.done $0x0  }
0xa4: {  	s25 =	simm.s32 $0x1B8E;
	s24 =	sld [smem:$0x3FFE];
	[sflag:s23] =	ssyncadd.s32 $0xFFFFFFFF  }
0xa5: {  	s26 =	simm.s32 $execute0_lowered;
	[smem:$0x3FD2] =	sst s25  }
0xa6: {  	s5 =	sshll.u32 s26, $0x1;
	_ =	strace $0x80000046;
	[dreg:$0x1] =	wrdreg $0xFFFFFFFF  }
0xa7: {  	s28 =	simm.s32 $_size_execute0_lowered;
	s3 =	sadd.s32 s3, s5;
	[dreg:$0x0] =	wrdreg $0x0  }
0xa8: {  	s5 =	sshll.u32 s28, $0x1;
	[dreg:$0x2] =	wrdreg s3  }
0xa9: {  	[dreg:$0x3] =	wrdreg s5  }
0xaa: {  	[dreg:$0x4] =	wrdreg $0xC0  }
0xab: {  	_ =	task [dreg:s7], $0x5FFFF  }
0xac: {  	[dreg:$0x1] =	wrdreg $0xFFFFFFFF  }
0xad: {  	[dreg:$0x0] =	wrdreg $0x60  }
0xae: {  	[dreg:$0x2] =	wrdreg s2  }
0xaf: {  	[dreg:$0x3] =	wrdreg s24  }
0xb0: {  	[dreg:$0x4] =	wrdreg $0x9  }
0xb1: {  	_ =	task.clear_ibuf [dreg:s7], $0x5FFFF;
	_ =	strace $0x90000046  }
0xb2: {  	s29 =	simm.s32 $0x9;
	_ =	strace $0x80000048  }
0xb3: {  	_ =	swait.ge [sflag:s29], $0x1  }
0xb4: {  	[sflag:s29] =	ssyncadd.s32 $0xFFFFFFFF  }
0xb5: {  	_ =	strace $0x90000048  }
0xb6: {  	_ =	sfence  }
0xb7: {  	s30 =	sld [smem:$0x0];
	_ =	sdelay $0x2  }
0xb8: {  	s31 =	sshll.u32 s1, $0xD;
	s1 =	sshrl.u32 s1, $0x2  }
0xb9: {  	s3 =	sand.u32 $0x4000, s31;
	s1 =	sadd.s32 s1, s30  }
0xba: {  	s0 =	sor.u32 s3, s0;
	s1 =	sshll.u32 s1, $0x11  }
0xbb: {  	s0 =	sor.u32 s1, s0  }
0xbc: {  	s0 =	sadd.s32 $0x8F2B, s0  }
0xbd: {  	[sflag:s0] =	ssyncadd.remote.s32 $0x1  }
0xbe: {  	_ =	sfence.sel $0xFFFF  }
0xbf: {  	[dreg:$0x0] =	wrdreg $0xFFFFFFFF;
	(pc) =	sbr.abs _section_cstart, $3  }
0xc0: {  	[dreg:$0x1] =	wrdreg $0xFFFFFFFF  }
0xc1: {  	_ =	task.clear_ibuf [dreg:s7], $0x2FFFF;
	_ =	strace $0x9FFFFFFF  }
0xc2: {  	(tm) =	ssettm $0x7FFFFFFF  }
0xc3: {  	_ =	shalt  }
tec
execute0_lowered:
.L_overlay_start_1:
0x0: {  	(tag) =	ssettag $0x1  }
0x1: {  	s1 =	rddreg [dreg:$0x0]  }
0x2: {  	s8 =	rddreg [dreg:$0x1]  }
0x3: {  	s0 =	rddreg [dreg:$0x2];
	s2 =	simm.s32 $0x0;
	s5 =	srdreg.scid  }
0x4: {  	s3 =	stileid.u32;
	s14 =	simm.s32 $0x80;
	s15 =	simm.s32 $0x100  }
0x5: {  	s16 =	simm.s32 $0x4100;
	s17 =	simm.s32 $0x1;
	s18 =	simm.s32 $0x2  }
0x6: {  	s19 =	simm.s32 $0x0;
	[smem:$0x7FF] =	sst s2;
	s4 =	sadd.s32 $0x16000, s8  }
0x7: {  	s7 =	sand.u32 $0x1, s5;
	s5 =	sadd.s32 $0xC200, s8;
	s9 =	sshll.u32 s3, $0x8  }
0x8: {  	s6 =	sadd.s32 $0x2400, s8;
	s8 =	sadd.s32 $0x64400, s8;
	s10 =	sshll.u32 s7, $0x7  }
.Ltmp0:
0x9: {  	s11 =	ssub.s32 $0x2, s7;
	s7 =	sor.u32 s10, s9;
	(pc) =	sbr.rel .LBB2_1-.Ltmp0, $4  }
0xa: {  	p0 =	sgt.u32 s3, $0x1;
	s30 =	sshrl.u32 s11, $0x1;
	s10 =	sor.u32 $0x4E000, s7  }
0xb: {  	_ =	strace $0x80000047;
	s12 =	ssub.s32 s11, s30;
	s31 =	sshrl.u32 s10, $0x3  }
0xc: {  	s13 =	sshll.u32 s10, $0x4;
	s12 =	smax.u32 s12, $0x1;
	s9 =	sadd.s32 s5, s31  }
0xd: {  	s10 =	sadd.s32 s6, s31;
	s11 =	sadd.s32 s8, s13;
	s13 =	simm.s32 $0x3  }
.LBB2_9:
0xe: {  	s19 =	sadd.s32 $0x1, s19  }
0xf: {  	p1 =	sne.s32 s19, s12  }
.Ltmp1:
0x10: {  	_ = 	snop;
	(pc) =	sbr.rel @!p1 .LBB2_10-.Ltmp1, $1  }
0x11: {  	_ =	sdelay $0x3  }
.LBB2_1:
0x12: {  	s20 =	simm.s32 $0x0  }
.LBB2_2:
0x13: {  	s21 =	sshll.u32 s20, $0xC  }
0x14: {  	s21 =	sor.u32 s7, s21  }
0x15: {  	s22 =	sshrl.u32 s21, $0x3  }
0x16: {  	s24 =	simm.s32 $0x0;
	s23 =	sadd.s32 s5, s22  }
0x17: {  	[tilespmem:s24], [sflag:$0x3] =	stream.linear.gather [hbm4b:s23+s24], $0x80, $0x38;
	[tilespmem:$0x8100] =	vst v63  }
0x18: {  	_ =	swait.ge [sflag:s13], $0x80  }
0x19: {  	[sflag:s13] =	ssyncset.done $0x0  }
0x1a: {  	s22 =	sadd.s32 s6, s22;
	[sflag:s13] =	ssyncadd.s32 $0xFFFFFF80  }
0x1b: {  	[tilespmem:s14], [sflag:$0x3] =	stream.linear.gather [hbm4b:s22+s24], $0x80, $0x38;
	[tilespmem:$0x8100] =	vst v63  }
0x1c: {  	_ =	swait.ge [sflag:s13], $0x80  }
0x1d: {  	[sflag:s13] =	ssyncset.done $0x0  }
0x1e: {  	[sflag:s13] =	ssyncadd.s32 $0xFFFFFF80  }
0x1f: {  	[tilespmem:s15], [sflag:$0x1] =	stream.indirect.gather [hbm4b:s1+s14], $0x80, s24, s14, $0xb8;
	[tilespmem:$0x8100] =	vst v63  }
0x20: {  	_ = 	snop  }
0x21: {  	[tilespmem:s16], [sflag:$0x2] =	stream.indirect.gather [hbm4b:s4+s14], $0x80, s14, s14, $0xb8;
	[tilespmem:$0x8100] =	vst v63  }
0x22: {  	_ =	swait.ge [sflag:s17], $0x4000  }
0x23: {  	[sflag:s17] =	ssyncset.done $0x0  }
0x24: {  	[sflag:s17] =	ssyncadd.s32 $0xFFFFC000  }
0x25: {  	_ =	swait.ge [sflag:s18], $0x4000  }
0x26: {  	[sflag:s18] =	ssyncset.done $0x0  }
0x27: {  	s22 =	simm.s32 $0x0;
	[sflag:s18] =	ssyncadd.s32 $0xFFFFC000  }
0x28: {  	v7 =	vld [tilespmem:s22+$0x4100]  }
0x29: {  	v11 =	vld [tilespmem:s22+$0x4110]  }
0x2a: {  	v5 =	vld [tilespmem:s22+$0x4120]  }
0x2b: {  	v4 =	vld [tilespmem:s22+$0x4130]  }
0x2c: {  	v3 =	vld [tilespmem:s22+$0x4140]  }
0x2d: {  	v2 =	vld [tilespmem:s22+$0x4150]  }
0x2e: {  	v1 =	vld [tilespmem:s22+$0x4160]  }
0x2f: {  	v0 =	vld [tilespmem:s22+$0x4170]  }
0x30: {  	v12 =	vld [tilespmem:s22+$0x100]  }
0x31: {  	v13 =	vld [tilespmem:s22+$0x110]  }
0x32: {  	v10 =	vld [tilespmem:s22+$0x120]  }
0x33: {  	v9 =	vld [tilespmem:s22+$0x130]  }
0x34: {  	v8 =	vld [tilespmem:s22+$0x140]  }
0x35: {  	v6 =	vld [tilespmem:s22+$0x150];
	v12 =	vadd.f32 v7, v12  }
0x36: {  	s23 =	simm.s32 $0x200;
	v11 =	vadd.f32 v11, v13;
	v7 =	vld [tilespmem:s22+$0x160]  }
.LBB2_3:
0x37: {  	s24 =	sshra.s32 s23, $0x2;
	p1 =	sne.s32 s23, $0xFE00;
	[tilespmem:s22+$0x100] =	vst v12;
	v5 =	vadd.f32 v5, v10;
	v10 =	vld [tilespmem:s22+$0x170]  }
0x38: {  	v12 =	vld [tilespmem:s24+$0x4100];
	[tilespmem:s22+$0x110] =	vst v11;
	v4 =	vadd.f32 v4, v9  }
0x39: {  	v11 =	vld [tilespmem:s24+$0x4110];
	[tilespmem:s22+$0x120] =	vst v5;
	v3 =	vadd.f32 v3, v8  }
0x3a: {  	v5 =	vld [tilespmem:s24+$0x4120];
	[tilespmem:s22+$0x130] =	vst v4;
	v2 =	vadd.f32 v2, v6  }
0x3b: {  	v4 =	vld [tilespmem:s24+$0x4130];
	[tilespmem:s22+$0x140] =	vst v3;
	v1 =	vadd.f32 v1, v7  }
0x3c: {  	v3 =	vld [tilespmem:s24+$0x4140];
	[tilespmem:s22+$0x150] =	vst v2;
	v0 =	vadd.f32 v0, v10  }
0x3d: {  	v2 =	vld [tilespmem:s24+$0x4150];
	[tilespmem:s22+$0x160] =	vst v1  }
0x3e: {  	v1 =	vld [tilespmem:s24+$0x4160];
	[tilespmem:s22+$0x170] =	vst v0;
	s22 =	smov.u32 s24  }
0x3f: {  	v0 =	vld [tilespmem:s22+$0x4170]  }
0x40: {  	v6 =	vld [tilespmem:s22+$0x100]  }
0x41: {  	v7 =	vld [tilespmem:s22+$0x110]  }
.Ltmp2:
0x42: {  	v10 =	vld [tilespmem:s22+$0x120];
	(pc) =	sbr.rel @p1 .LBB2_3-.Ltmp2, $4  }
0x43: {  	v9 =	vld [tilespmem:s22+$0x130]  }
0x44: {  	v8 =	vld [tilespmem:s22+$0x140]  }
0x45: {  	v12 =	vadd.f32 v12, v6;
	v6 =	vld [tilespmem:s22+$0x150]  }
0x46: {  	s23 =	sadd.s32 $0x200, s23;
	v11 =	vadd.f32 v11, v7;
	v7 =	vld [tilespmem:s22+$0x160]  }
0x47: {  	[tilespmem:s22+$0x100] =	vst v12;
	v5 =	vadd.f32 v5, v10;
	v63 =	vld [tilespmem:s22+$0x170]  }
0x48: {  	[tilespmem:s22+$0x110] =	vst v11;
	v4 =	vadd.f32 v4, v9  }
0x49: {  	[tilespmem:s22+$0x120] =	vst v5;
	v3 =	vadd.f32 v3, v8  }
0x4a: {  	[tilespmem:s22+$0x130] =	vst v4;
	v2 =	vadd.f32 v2, v6  }
0x4b: {  	[tilespmem:s22+$0x140] =	vst v3;
	v1 =	vadd.f32 v1, v7  }
0x4c: {  	s20 =	sadd.s32 $0x1, s20;
	[tilespmem:s22+$0x150] =	vst v2;
	v0 =	vadd.f32 v0, v63  }
0x4d: {  	s21 =	sshll.u32 s21, $0x4;
	p1 =	sne.s32 s20, $0x4E;
	[tilespmem:s22+$0x160] =	vst v1  }
.Ltmp3:
0x4e: {  	s21 =	sadd.s32 s8, s21;
	[tilespmem:s22+$0x170] =	vst v0;
	(pc) =	sbr.rel @p1 .LBB2_2-.Ltmp3, $4  }
0x4f: {  	[hbm4b:s21+s2] =	stream.linear.scatter [tilespmem:s15], [sflag:$0x3], $0x4000, $0x38;
	[tilespmem:$0x8100] =	vst v63  }
0x50: {  	_ =	swait.ge [sflag:s13], $0x4000  }
0x51: {  	[sflag:s13] =	ssyncset.done $0x0  }
0x52: {  	[sflag:s13] =	ssyncadd.s32 $0xFFFFC000  }
.Ltmp4:
0x53: {  	(pc) =	sbr.rel @p0 .LBB2_9-.Ltmp4, $1  }
0x54: {  	_ =	sdelay $0x3  }
0x55: {  	s20 =	simm.s32 $0x0  }
0x56: {  	[tilespmem:s20], [sflag:$0x3] =	stream.linear.gather [hbm4b:s9+s20], $0x80, $0x38;
	[tilespmem:$0x8100] =	vst v63  }
0x57: {  	_ =	swait.ge [sflag:s13], $0x80  }
0x58: {  	[sflag:s13] =	ssyncset.done $0x0  }
0x59: {  	[sflag:s13] =	ssyncadd.s32 $0xFFFFFF80  }
0x5a: {  	[tilespmem:s14], [sflag:$0x3] =	stream.linear.gather [hbm4b:s10+s20], $0x80, $0x38;
	[tilespmem:$0x8100] =	vst v63  }
0x5b: {  	_ =	swait.ge [sflag:s13], $0x80  }
0x5c: {  	[sflag:s13] =	ssyncset.done $0x0  }
0x5d: {  	[sflag:s13] =	ssyncadd.s32 $0xFFFFFF80  }
0x5e: {  	[tilespmem:s15], [sflag:$0x1] =	stream.indirect.gather [hbm4b:s1+s14], $0x80, s20, s14, $0xb8;
	[tilespmem:$0x8100] =	vst v63  }
0x5f: {  	_ = 	snop  }
0x60: {  	[tilespmem:s16], [sflag:$0x2] =	stream.indirect.gather [hbm4b:s4+s14], $0x80, s14, s14, $0xb8;
	[tilespmem:$0x8100] =	vst v63  }
0x61: {  	_ =	swait.ge [sflag:s17], $0x4000  }
0x62: {  	[sflag:s17] =	ssyncset.done $0x0  }
0x63: {  	[sflag:s17] =	ssyncadd.s32 $0xFFFFC000  }
0x64: {  	_ =	swait.ge [sflag:s18], $0x4000  }
0x65: {  	[sflag:s18] =	ssyncset.done $0x0  }
0x66: {  	s20 =	simm.s32 $0x0;
	[sflag:s18] =	ssyncadd.s32 $0xFFFFC000  }
0x67: {  	v7 =	vld [tilespmem:s20+$0x4100]  }
0x68: {  	v11 =	vld [tilespmem:s20+$0x4110]  }
0x69: {  	v5 =	vld [tilespmem:s20+$0x4120]  }
0x6a: {  	v4 =	vld [tilespmem:s20+$0x4130]  }
0x6b: {  	v3 =	vld [tilespmem:s20+$0x4140]  }
0x6c: {  	v2 =	vld [tilespmem:s20+$0x4150]  }
0x6d: {  	v1 =	vld [tilespmem:s20+$0x4160]  }
0x6e: {  	v0 =	vld [tilespmem:s20+$0x4170]  }
0x6f: {  	v12 =	vld [tilespmem:s20+$0x100]  }
0x70: {  	v13 =	vld [tilespmem:s20+$0x110]  }
0x71: {  	v10 =	vld [tilespmem:s20+$0x120]  }
0x72: {  	v9 =	vld [tilespmem:s20+$0x130]  }
0x73: {  	v8 =	vld [tilespmem:s20+$0x140]  }
0x74: {  	v6 =	vld [tilespmem:s20+$0x150];
	v12 =	vadd.f32 v7, v12  }
0x75: {  	s21 =	simm.s32 $0x200;
	v11 =	vadd.f32 v11, v13;
	v7 =	vld [tilespmem:s20+$0x160]  }
.LBB2_7:
0x76: {  	s22 =	sshra.s32 s21, $0x2;
	p1 =	sne.s32 s21, $0xFE00;
	[tilespmem:s20+$0x100] =	vst v12;
	v5 =	vadd.f32 v5, v10;
	v10 =	vld [tilespmem:s20+$0x170]  }
0x77: {  	v12 =	vld [tilespmem:s22+$0x4100];
	[tilespmem:s20+$0x110] =	vst v11;
	v4 =	vadd.f32 v4, v9  }
0x78: {  	v11 =	vld [tilespmem:s22+$0x4110];
	[tilespmem:s20+$0x120] =	vst v5;
	v3 =	vadd.f32 v3, v8  }
0x79: {  	v5 =	vld [tilespmem:s22+$0x4120];
	[tilespmem:s20+$0x130] =	vst v4;
	v2 =	vadd.f32 v2, v6  }
0x7a: {  	v4 =	vld [tilespmem:s22+$0x4130];
	[tilespmem:s20+$0x140] =	vst v3;
	v1 =	vadd.f32 v1, v7  }
0x7b: {  	v3 =	vld [tilespmem:s22+$0x4140];
	[tilespmem:s20+$0x150] =	vst v2;
	v0 =	vadd.f32 v0, v10  }
0x7c: {  	v2 =	vld [tilespmem:s22+$0x4150];
	[tilespmem:s20+$0x160] =	vst v1  }
0x7d: {  	v1 =	vld [tilespmem:s22+$0x4160];
	[tilespmem:s20+$0x170] =	vst v0;
	s20 =	smov.u32 s22  }
0x7e: {  	v0 =	vld [tilespmem:s20+$0x4170]  }
0x7f: {  	v6 =	vld [tilespmem:s20+$0x100]  }
0x80: {  	v7 =	vld [tilespmem:s20+$0x110]  }
.Ltmp5:
0x81: {  	v10 =	vld [tilespmem:s20+$0x120];
	(pc) =	sbr.rel @p1 .LBB2_7-.Ltmp5, $4  }
0x82: {  	v9 =	vld [tilespmem:s20+$0x130]  }
0x83: {  	v8 =	vld [tilespmem:s20+$0x140]  }
0x84: {  	v12 =	vadd.f32 v12, v6;
	v6 =	vld [tilespmem:s20+$0x150]  }
0x85: {  	s21 =	sadd.s32 $0x200, s21;
	v11 =	vadd.f32 v11, v7;
	v7 =	vld [tilespmem:s20+$0x160]  }
0x86: {  	[tilespmem:s20+$0x100] =	vst v12;
	v5 =	vadd.f32 v5, v10;
	v63 =	vld [tilespmem:s20+$0x170]  }
0x87: {  	[tilespmem:s20+$0x110] =	vst v11;
	v4 =	vadd.f32 v4, v9  }
0x88: {  	[tilespmem:s20+$0x120] =	vst v5;
	v3 =	vadd.f32 v3, v8  }
0x89: {  	[tilespmem:s20+$0x130] =	vst v4;
	v2 =	vadd.f32 v2, v6  }
0x8a: {  	[tilespmem:s20+$0x140] =	vst v3;
	v1 =	vadd.f32 v1, v7  }
0x8b: {  	[tilespmem:s20+$0x150] =	vst v2;
	v0 =	vadd.f32 v0, v63  }
0x8c: {  	[tilespmem:s20+$0x160] =	vst v1  }
.Ltmp6:
0x8d: {  	[tilespmem:s20+$0x170] =	vst v0;
	(pc) =	sbr.rel .LBB2_9-.Ltmp6, $4  }
0x8e: {  	[hbm4b:s11+s2] =	stream.linear.scatter [tilespmem:s15], [sflag:$0x3], $0x4000, $0x38;
	[tilespmem:$0x8100] =	vst v63  }
0x8f: {  	_ =	swait.ge [sflag:s13], $0x4000  }
0x90: {  	[sflag:s13] =	ssyncset.done $0x0  }
0x91: {  	[sflag:s13] =	ssyncadd.s32 $0xFFFFC000  }
.LBB2_10:
0x92: {  	_ =	sfence.sel $0x180000  }
0x93: {  	[bflag:$0x0] =	sbarrier.arrive $0xFFFF  }
0x94: {  	p0 =	sne.s32 s3, $0x0;
	_ =	strace $0x90000047  }
0x95: {  	s0 =	sadd.s32 @!p0 $0x100000, s0;
	[bflag:$0x2] =	sbarrier.arrive $0xFFFF  }
0x96: {  	[sflag:s0] =	ssyncadd.tile.s32 @!p0 $0x1;
	_ =	shalt  }
.Lfunc_end2:
_tile_overlayer_lowered:
.L_overlay_start_2:
0x97: {  	(tag) =	ssettag $0x2  }
0x98: {  	s0 =	rddreg [dreg:$0x0];
	s2 =	stileid.u32  }
0x99: {  	s1 =	rddreg [dreg:$0x1];
	p0 =	sne.s32 s2, $0x0  }
0x9a: {  	s3 =	rddreg [dreg:$0x2];
	[bflag:$0x3] =	sbarrier.arrive $0xFFFF;
	s2 =	simm.s32 @!p0 $0x1C03  }
0x9b: {  	[timem:s3], [sflag:s2] =	dma.local @!p0 [hbm:s0], s1  }
0x9c: {  	s0 =	simm.s32 @!p0 $0x3  }
0x9d: {  	_ =	swait.ge @!p0 [sflag:s0], s1  }
0x9e: {  	s1 =	ssub.s32 @!p0 $0x0, s1;
	[sflag:s0] =	ssyncset.done @!p0 $0x0  }
0x9f: {  	[sflag:s0] =	ssyncadd.s32 @!p0 s1  }
0xa0: {  	[bflag:$0x3] =	sbarrier.arrive $0xFFFF  }
0xa1: {  	_ =	shalt  }

</sc_bundles>
